<compile_context>
chip_gen: v7x
topology: tpu7x:2x2x1
jax: 0.10.2.dev20260603
libtpu: 0.0.44.dev20260713+nightly
codegen_flags: <defaults>
</compile_context>

<pallas_src>
import functools

import jax
import jax.numpy as jnp
from jax import lax
from jax.experimental import pallas as pl
from jax.experimental.pallas import tpu as pltpu
from jax.experimental.pallas import tpu_sc as plsc

_NC, _NS, _L = 2, 16, 16
_NW = _NC * _NS
_T = 16
_H = _T // 2


def _make_sc_call(M, C):
    R = M // _NW
    n_chunks = R // _T
    n_pairs = n_chunks // 2
    mesh = plsc.VectorSubcoreMesh(core_axis_name="c", subcore_axis_name="s")

    @functools.partial(
        pl.kernel,
        out_type=[
            jax.ShapeDtypeStruct((M, C), jnp.float32),
            jax.ShapeDtypeStruct((M, C), jnp.float32),
        ],
        mesh=mesh,
        scratch_types=[
            pltpu.VMEM((2, _T, C), jnp.float32),
            pltpu.VMEM((2, _T, C), jnp.float32),
            pltpu.VMEM((2, _H, C), jnp.float32),
            pltpu.VMEM((2, _H, C), jnp.float32),
            pltpu.VMEM((R,), jnp.float32),
            pltpu.VMEM((R,), jnp.float32),
            pltpu.VMEM((_L,), jnp.float32),
            pltpu.SemaphoreType.DMA,
            pltpu.SemaphoreType.DMA,
            pltpu.SemaphoreType.DMA,
            pltpu.SemaphoreType.DMA,
        ],
    )
    def sc_call(thr_hbm, m0_hbm, m1_hbm, x0_hbm, x1_hbm, o0_hbm, o1_hbm,
                x0c, x1c, o0c, o1c, m0all, m1all, thr_v,
                sem_in0, sem_in1, sem_out0, sem_out1):
        sem_in = (sem_in0, sem_in1)
        sem_out = (sem_out0, sem_out1)
        wid = lax.axis_index("s") * _NC + lax.axis_index("c")
        base_row = wid * R
        pltpu.sync_copy(thr_hbm, thr_v)
        pltpu.sync_copy(m0_hbm.at[pl.ds(base_row, R)], m0all)
        pltpu.sync_copy(m1_hbm.at[pl.ds(base_row, R)], m1all)
        thrv = thr_v[...]

        def start_in(c, i):
            row = base_row + c * _T
            s = sem_in[i]
            pltpu.make_async_copy(
                x0_hbm.at[pl.ds(row, _T)], x0c.at[i], s).start()
            pltpu.make_async_copy(
                x1_hbm.at[pl.ds(row, _T)], x1c.at[i], s).start()

        def wait_in(i):
            s = sem_in[i]
            pltpu.make_async_copy(
                x0_hbm.at[pl.ds(0, _T)], x0c.at[i], s).wait()
            pltpu.make_async_copy(
                x1_hbm.at[pl.ds(0, _T)], x1c.at[i], s).wait()

        def start_out(c, j):
            row = base_row + c * _T + j * _H
            s = sem_out[j]
            pltpu.make_async_copy(
                o0c.at[j], o0_hbm.at[pl.ds(row, _H)], s).start()
            pltpu.make_async_copy(
                o1c.at[j], o1_hbm.at[pl.ds(row, _H)], s).start()

        def wait_out(j):
            s = sem_out[j]
            pltpu.make_async_copy(
                o0c.at[j], o0_hbm.at[pl.ds(0, _H)], s).wait()
            pltpu.make_async_copy(
                o1c.at[j], o1_hbm.at[pl.ds(0, _H)], s).wait()

        def compute_half(mv0, mv1, i, j):
            xa = x0c.at[i]
            xb = x1c.at[i]
            oa = o0c.at[j]
            ob = o1c.at[j]
            for t in range(_H):
                lane = j * _H + t
                kv0 = jnp.broadcast_to(mv0[lane], (_L,)) >= thrv
                kv1 = jnp.broadcast_to(mv1[lane], (_L,)) >= thrv
                xat = xa.at[lane]
                xbt = xb.at[lane]
                oat = oa.at[t]
                obt = ob.at[t]

                @plsc.parallel_loop(0, C, step=_L, unroll=8)
                def jbody(off, kv0=kv0, kv1=kv1, xat=xat, xbt=xbt,
                          oat=oat, obt=obt):
                    sl = pl.ds(off, _L)
                    a = xat[sl]
                    b = xbt[sl]
                    oat[sl] = jnp.where(kv0, a, b)
                    obt[sl] = jnp.where(kv1, b, a)

        start_in(0, 0)

        def pair_body(k, carry):
            for i in range(2):
                c = 2 * k + i
                if i == 0:
                    start_in(c + 1, 1)
                else:
                    @pl.when(k < n_pairs - 1)
                    def _():
                        start_in(2 * k + 2, 0)
                wait_in(i)
                mv0 = m0all[pl.ds(c * _T, _L)]
                mv1 = m1all[pl.ds(c * _T, _L)]
                for j in range(2):
                    if i == 0:
                        @pl.when(k > 0)
                        def _(j=j):
                            wait_out(j)
                    else:
                        wait_out(j)
                    compute_half(mv0, mv1, i, j)
                    start_out(c, j)
            return carry

        lax.fori_loop(0, n_pairs, pair_body, 0)
        wait_out(0)
        wait_out(1)

    return sc_call


def kernel(x0, x1, mask0, mask1, mask_threshold):
    B, N, C = x0.shape
    M = B * N
    x0f = x0.reshape(M, C)
    x1f = x1.reshape(M, C)
    m0 = mask0.reshape(M)
    m1 = mask1.reshape(M)
    thr = jnp.full((_L,), mask_threshold, jnp.float32)
    o0, o1 = _make_sc_call(M, C)(thr, m0, m1, x0f, x1f)
    return o0.reshape(B, N, C), o1.reshape(B, N, C)

# --- scband reference (transcript-rebuilt; emitter-appended) ---
"""Pipeline reference for scband-token-exchange-27487790694708 (READ-ONLY COPY).

The authoritative reference and input builder live on the scoring server;
editing this copy changes nothing except your own understanding.
"""

import jax, jax.numpy as jnp
import numpy as np

B, N, C = 4, 8192, 1024

def setup_inputs(seed: int = 0) -> dict:
    key = jax.random.key(seed)
    k0, k1, k2, k3 = jax.random.split(key, 4)
    x0 = jax.random.normal(k0, (B, N, C), dtype=jnp.float32)
    x1 = jax.random.normal(k1, (B, N, C), dtype=jnp.float32)
    mask0 = jax.random.normal(k2, (B, N), dtype=jnp.float32)
    mask1 = jax.random.normal(k3, (B, N), dtype=jnp.float32)
    return {"x0": x0, "x1": x1, "mask0": mask0, "mask1": mask1, "mask_threshold": 0}

def reference(x0, x1, mask0, mask1, mask_threshold):
    # TokenExchange: tokens whose importance score is below mask_threshold
    # are replaced with the corresponding token from the other modality.
    # Equivalent to torch boolean-index overwrite semantics:
    #   out0[mask0 >= t] = x0[...]; out0[mask0 < t] = x1[...]
    keep0 = (mask0 >= mask_threshold)[..., None]  # [B, N, 1]
    keep1 = (mask1 >= mask_threshold)[..., None]
    out0 = jnp.where(keep0, x0, x1)
    out1 = jnp.where(keep1, x1, x0)
    return (out0, out1)

if __name__ == "__main__":
    import jax
    _d = setup_inputs()
    print(jax.jit(kernel)(*tuple(_d.values())))

</pallas_src>

<mosaic_0001>
#map = affine_map<(d0, d1) -> (0)>
#map1 = affine_map<(d0, d1) -> (0, 0)>
module attributes {stable_mosaic.version = 14 : i64} {
  func.func @sc_call(%arg0: i32, %arg1: i32, %arg2: memref<16xf32, #tpu.memory_space<hbm>>, %arg3: memref<32768xf32, #tpu.memory_space<hbm>>, %arg4: memref<32768xf32, #tpu.memory_space<hbm>>, %arg5: memref<32768x1024xf32, #tpu.memory_space<hbm>>, %arg6: memref<32768x1024xf32, #tpu.memory_space<hbm>>, %arg7: memref<32768x1024xf32, #tpu.memory_space<hbm>>, %arg8: memref<32768x1024xf32, #tpu.memory_space<hbm>>, %arg9: memref<2x16x1024xf32, #tpu.memory_space<vmem>>, %arg10: memref<2x16x1024xf32, #tpu.memory_space<vmem>>, %arg11: memref<2x8x1024xf32, #tpu.memory_space<vmem>>, %arg12: memref<2x8x1024xf32, #tpu.memory_space<vmem>>, %arg13: memref<1024xf32, #tpu.memory_space<vmem>>, %arg14: memref<1024xf32, #tpu.memory_space<vmem>>, %arg15: memref<16xf32, #tpu.memory_space<vmem>>, %arg16: memref<!tpu.dma_semaphore, #tpu.memory_space<semaphore_mem>>, %arg17: memref<!tpu.dma_semaphore, #tpu.memory_space<semaphore_mem>>, %arg18: memref<!tpu.dma_semaphore, #tpu.memory_space<semaphore_mem>>, %arg19: memref<!tpu.dma_semaphore, #tpu.memory_space<semaphore_mem>>) attributes {dimension_semantics = [#tpu.dimension_semantics<core_parallel>, #tpu.dimension_semantics<subcore_parallel>], iteration_bounds = array<i64: 2, 16>, scalar_prefetch = 0 : i64, scratch_operands = 11 : i64, tpu.core_type = #tpu.core_type<sc_vector_subcore>, window_params = [{transform_indices = #map}, {transform_indices = #map}, {transform_indices = #map}, {transform_indices = #map1}, {transform_indices = #map1}, {transform_indices = #map1}, {transform_indices = #map1}]} {
    %mul3A = arith.constant 2 : i32
    %mul3A_0 = arith.muli %arg1, %mul3A : i32
    %add3A = arith.addi %mul3A_0, %arg0 : i32
    %mul3A_1 = arith.constant 1024 : i32
    %mul3A_2 = arith.muli %add3A, %mul3A_1 : i32
    "tpu.region"() ({
      %run_scoped3A = tpu.sem_alloc : memref<!tpu.dma_semaphore, #tpu.memory_space<semaphore_mem>>
      tpu.enqueue_dma source(%arg2 : memref<16xf32, #tpu.memory_space<hbm>>) target(%arg15 : memref<16xf32, #tpu.memory_space<vmem>>) target_semaphore(%run_scoped3A : memref<!tpu.dma_semaphore, #tpu.memory_space<semaphore_mem>>)
      tpu.wait_dma2 semaphore(%run_scoped3A : memref<!tpu.dma_semaphore, #tpu.memory_space<semaphore_mem>>) src(%arg2 : memref<16xf32, #tpu.memory_space<hbm>>) dst(%arg15 : memref<16xf32, #tpu.memory_space<vmem>>)
      tpu.yield
    }) : () -> ()
    "tpu.region"() ({
      %run_scoped3A = tpu.sem_alloc : memref<!tpu.dma_semaphore, #tpu.memory_space<semaphore_mem>>
      %dma_start3A_96 = tpu.memref_slice %arg3[%mul3A_2] : memref<32768xf32, #tpu.memory_space<hbm>> -> memref<1024xf32, #tpu.memory_space<hbm>>
      %dma_start3A_97 = tpu.memref_slice %arg3[%mul3A_2] : memref<32768xf32, #tpu.memory_space<hbm>> -> memref<1024xf32, #tpu.memory_space<hbm>>
      tpu.enqueue_dma source(%dma_start3A_97 : memref<1024xf32, #tpu.memory_space<hbm>>) target(%arg13 : memref<1024xf32, #tpu.memory_space<vmem>>) target_semaphore(%run_scoped3A : memref<!tpu.dma_semaphore, #tpu.memory_space<semaphore_mem>>)
      %dma_wait3A_98 = tpu.memref_slice %arg3[%mul3A_2] : memref<32768xf32, #tpu.memory_space<hbm>> -> memref<1024xf32, #tpu.memory_space<hbm>>
      %dma_wait3A_99 = tpu.memref_slice %arg3[%mul3A_2] : memref<32768xf32, #tpu.memory_space<hbm>> -> memref<1024xf32, #tpu.memory_space<hbm>>
      tpu.wait_dma2 semaphore(%run_scoped3A : memref<!tpu.dma_semaphore, #tpu.memory_space<semaphore_mem>>) src(%dma_wait3A_99 : memref<1024xf32, #tpu.memory_space<hbm>>) dst(%arg13 : memref<1024xf32, #tpu.memory_space<vmem>>)
      tpu.yield
    }) : () -> ()
    "tpu.region"() ({
      %run_scoped3A = tpu.sem_alloc : memref<!tpu.dma_semaphore, #tpu.memory_space<semaphore_mem>>
      %dma_start3A_96 = tpu.memref_slice %arg4[%mul3A_2] : memref<32768xf32, #tpu.memory_space<hbm>> -> memref<1024xf32, #tpu.memory_space<hbm>>
      %dma_start3A_97 = tpu.memref_slice %arg4[%mul3A_2] : memref<32768xf32, #tpu.memory_space<hbm>> -> memref<1024xf32, #tpu.memory_space<hbm>>
      tpu.enqueue_dma source(%dma_start3A_97 : memref<1024xf32, #tpu.memory_space<hbm>>) target(%arg14 : memref<1024xf32, #tpu.memory_space<vmem>>) target_semaphore(%run_scoped3A : memref<!tpu.dma_semaphore, #tpu.memory_space<semaphore_mem>>)
      %dma_wait3A_98 = tpu.memref_slice %arg4[%mul3A_2] : memref<32768xf32, #tpu.memory_space<hbm>> -> memref<1024xf32, #tpu.memory_space<hbm>>
      %dma_wait3A_99 = tpu.memref_slice %arg4[%mul3A_2] : memref<32768xf32, #tpu.memory_space<hbm>> -> memref<1024xf32, #tpu.memory_space<hbm>>
      tpu.wait_dma2 semaphore(%run_scoped3A : memref<!tpu.dma_semaphore, #tpu.memory_space<semaphore_mem>>) src(%dma_wait3A_99 : memref<1024xf32, #tpu.memory_space<hbm>>) dst(%arg14 : memref<1024xf32, #tpu.memory_space<vmem>>)
      tpu.yield
    }) : () -> ()
    %get3A = arith.constant 0 : index
    %get3A_3 = tpu.vector_load %arg15[%get3A] {strides = array<i32>} : memref<16xf32, #tpu.memory_space<vmem>>, vector<16xf32>,
    %get3A_4 = vector.shape_cast %get3A_3 : vector<16xf32> to vector<16xf32>
    %add3A_5 = arith.constant 0 : i32
    %add3A_6 = arith.addi %mul3A_2, %add3A_5 : i32
    %dma_start3A = arith.constant 0 : i32
    %dma_start3A_7 = arith.constant 0 : i32
    %dma_start3A_8 = arith.constant 0 : i32
    %dma_start3A_9 = tpu.memref_slice %arg9[%dma_start3A, %dma_start3A_7, %dma_start3A_8] : memref<2x16x1024xf32, #tpu.memory_space<vmem>> -> memref<1x16x1024xf32, #tpu.memory_space<vmem>>
    %dma_start3A_10 = tpu.memref_squeeze %dma_start3A_9 : memref<1x16x1024xf32, #tpu.memory_space<vmem>> -> memref<16x1024xf32, #tpu.memory_space<vmem>>
    %dma_start3A_11 = arith.constant 0 : i32
    %dma_start3A_12 = tpu.memref_slice %arg5[%add3A_6, %dma_start3A_11] : memref<32768x1024xf32, #tpu.memory_space<hbm>> -> memref<16x1024xf32, #tpu.memory_space<hbm>>
    %dma_start3A_13 = arith.constant 0 : i32
    %dma_start3A_14 = arith.constant 0 : i32
    %dma_start3A_15 = tpu.memref_slice %arg9[%dma_start3A, %dma_start3A_13, %dma_start3A_14] : memref<2x16x1024xf32, #tpu.memory_space<vmem>> -> memref<1x16x1024xf32, #tpu.memory_space<vmem>>
    %dma_start3A_16 = tpu.memref_squeeze %dma_start3A_15 : memref<1x16x1024xf32, #tpu.memory_space<vmem>> -> memref<16x1024xf32, #tpu.memory_space<vmem>>
    %dma_start3A_17 = arith.constant 0 : i32
    %dma_start3A_18 = tpu.memref_slice %arg5[%add3A_6, %dma_start3A_17] : memref<32768x1024xf32, #tpu.memory_space<hbm>> -> memref<16x1024xf32, #tpu.memory_space<hbm>>
    tpu.enqueue_dma source(%dma_start3A_18 : memref<16x1024xf32, #tpu.memory_space<hbm>>) target(%dma_start3A_16 : memref<16x1024xf32, #tpu.memory_space<vmem>>) target_semaphore(%arg16 : memref<!tpu.dma_semaphore, #tpu.memory_space<semaphore_mem>>)
    %dma_start3A_19 = arith.constant 0 : i32
    %dma_start3A_20 = arith.constant 0 : i32
    %dma_start3A_21 = arith.constant 0 : i32
    %dma_start3A_22 = tpu.memref_slice %arg10[%dma_start3A_19, %dma_start3A_20, %dma_start3A_21] : memref<2x16x1024xf32, #tpu.memory_space<vmem>> -> memref<1x16x1024xf32, #tpu.memory_space<vmem>>
    %dma_start3A_23 = tpu.memref_squeeze %dma_start3A_22 : memref<1x16x1024xf32, #tpu.memory_space<vmem>> -> memref<16x1024xf32, #tpu.memory_space<vmem>>
    %dma_start3A_24 = arith.constant 0 : i32
    %dma_start3A_25 = tpu.memref_slice %arg6[%add3A_6, %dma_start3A_24] : memref<32768x1024xf32, #tpu.memory_space<hbm>> -> memref<16x1024xf32, #tpu.memory_space<hbm>>
    %dma_start3A_26 = arith.constant 0 : i32
    %dma_start3A_27 = arith.constant 0 : i32
    %dma_start3A_28 = tpu.memref_slice %arg10[%dma_start3A_19, %dma_start3A_26, %dma_start3A_27] : memref<2x16x1024xf32, #tpu.memory_space<vmem>> -> memref<1x16x1024xf32, #tpu.memory_space<vmem>>
    %dma_start3A_29 = tpu.memref_squeeze %dma_start3A_28 : memref<1x16x1024xf32, #tpu.memory_space<vmem>> -> memref<16x1024xf32, #tpu.memory_space<vmem>>
    %dma_start3A_30 = arith.constant 0 : i32
    %dma_start3A_31 = tpu.memref_slice %arg6[%add3A_6, %dma_start3A_30] : memref<32768x1024xf32, #tpu.memory_space<hbm>> -> memref<16x1024xf32, #tpu.memory_space<hbm>>
    tpu.enqueue_dma source(%dma_start3A_31 : memref<16x1024xf32, #tpu.memory_space<hbm>>) target(%dma_start3A_29 : memref<16x1024xf32, #tpu.memory_space<vmem>>) target_semaphore(%arg16 : memref<!tpu.dma_semaphore, #tpu.memory_space<semaphore_mem>>)
    %scan3A = arith.constant 0 : i32
    %scan3A_32 = arith.constant 0 : i32
    %scan3A_33 = arith.constant 32 : i32
    %scan3A_34 = arith.addi %scan3A_32, %scan3A_33 : i32
    %scan3A_35 = arith.constant 1 : i32
    scf.for %scan3A_96 = %scan3A_32 to %scan3A_34 step %scan3A_35  : i32 {
      %mul3A_97 = arith.constant 2 : i32
      %mul3A_98 = arith.muli %mul3A_97, %scan3A_96 : i32
      %add3A_99 = arith.constant 0 : i32
      %add3A_100 = arith.addi %mul3A_98, %add3A_99 : i32
      %add3A_101 = arith.constant 1 : i32
      %add3A_102 = arith.addi %add3A_100, %add3A_101 : i32
      %mul3A_103 = arith.constant 16 : i32
      %mul3A_104 = arith.muli %add3A_102, %mul3A_103 : i32
      %add3A_105 = arith.addi %mul3A_2, %mul3A_104 : i32
      %dma_start3A_106 = arith.constant 1 : i32
      %dma_start3A_107 = arith.constant 0 : i32
      %dma_start3A_108 = arith.constant 0 : i32
      %dma_start3A_109 = tpu.memref_slice %arg9[%dma_start3A_106, %dma_start3A_107, %dma_start3A_108] : memref<2x16x1024xf32, #tpu.memory_space<vmem>> -> memref<1x16x1024xf32, #tpu.memory_space<vmem>>
      %dma_start3A_110 = tpu.memref_squeeze %dma_start3A_109 : memref<1x16x1024xf32, #tpu.memory_space<vmem>> -> memref<16x1024xf32, #tpu.memory_space<vmem>>
      %dma_start3A_111 = arith.constant 0 : i32
      %dma_start3A_112 = tpu.memref_slice %arg5[%add3A_105, %dma_start3A_111] : memref<32768x1024xf32, #tpu.memory_space<hbm>> -> memref<16x1024xf32, #tpu.memory_space<hbm>>
      %dma_start3A_113 = arith.constant 0 : i32
      %dma_start3A_114 = arith.constant 0 : i32
      %dma_start3A_115 = tpu.memref_slice %arg9[%dma_start3A_106, %dma_start3A_113, %dma_start3A_114] : memref<2x16x1024xf32, #tpu.memory_space<vmem>> -> memref<1x16x1024xf32, #tpu.memory_space<vmem>>
      %dma_start3A_116 = tpu.memref_squeeze %dma_start3A_115 : memref<1x16x1024xf32, #tpu.memory_space<vmem>> -> memref<16x1024xf32, #tpu.memory_space<vmem>>
      %dma_start3A_117 = arith.constant 0 : i32
      %dma_start3A_118 = tpu.memref_slice %arg5[%add3A_105, %dma_start3A_117] : memref<32768x1024xf32, #tpu.memory_space<hbm>> -> memref<16x1024xf32, #tpu.memory_space<hbm>>
      tpu.enqueue_dma source(%dma_start3A_118 : memref<16x1024xf32, #tpu.memory_space<hbm>>) target(%dma_start3A_116 : memref<16x1024xf32, #tpu.memory_space<vmem>>) target_semaphore(%arg17 : memref<!tpu.dma_semaphore, #tpu.memory_space<semaphore_mem>>)
      %dma_start3A_119 = arith.constant 1 : i32
      %dma_start3A_120 = arith.constant 0 : i32
      %dma_start3A_121 = arith.constant 0 : i32
      %dma_start3A_122 = tpu.memref_slice %arg10[%dma_start3A_119, %dma_start3A_120, %dma_start3A_121] : memref<2x16x1024xf32, #tpu.memory_space<vmem>> -> memref<1x16x1024xf32, #tpu.memory_space<vmem>>
      %dma_start3A_123 = tpu.memref_squeeze %dma_start3A_122 : memref<1x16x1024xf32, #tpu.memory_space<vmem>> -> memref<16x1024xf32, #tpu.memory_space<vmem>>
      %dma_start3A_124 = arith.constant 0 : i32
      %dma_start3A_125 = tpu.memref_slice %arg6[%add3A_105, %dma_start3A_124] : memref<32768x1024xf32, #tpu.memory_space<hbm>> -> memref<16x1024xf32, #tpu.memory_space<hbm>>
      %dma_start3A_126 = arith.constant 0 : i32
      %dma_start3A_127 = arith.constant 0 : i32
      %dma_start3A_128 = tpu.memref_slice %arg10[%dma_start3A_119, %dma_start3A_126, %dma_start3A_127] : memref<2x16x1024xf32, #tpu.memory_space<vmem>> -> memref<1x16x1024xf32, #tpu.memory_space<vmem>>
      %dma_start3A_129 = tpu.memref_squeeze %dma_start3A_128 : memref<1x16x1024xf32, #tpu.memory_space<vmem>> -> memref<16x1024xf32, #tpu.memory_space<vmem>>
      %dma_start3A_130 = arith.constant 0 : i32
      %dma_start3A_131 = tpu.memref_slice %arg6[%add3A_105, %dma_start3A_130] : memref<32768x1024xf32, #tpu.memory_space<hbm>> -> memref<16x1024xf32, #tpu.memory_space<hbm>>
      tpu.enqueue_dma source(%dma_start3A_131 : memref<16x1024xf32, #tpu.memory_space<hbm>>) target(%dma_start3A_129 : memref<16x1024xf32, #tpu.memory_space<vmem>>) target_semaphore(%arg17 : memref<!tpu.dma_semaphore, #tpu.memory_space<semaphore_mem>>)
      %dma_wait3A_132 = arith.constant 0 : i32
      %dma_wait3A_133 = arith.constant 0 : i32
      %dma_wait3A_134 = arith.constant 0 : i32
      %dma_wait3A_135 = tpu.memref_slice %arg9[%dma_wait3A_132, %dma_wait3A_133, %dma_wait3A_134] : memref<2x16x1024xf32, #tpu.memory_space<vmem>> -> memref<1x16x1024xf32, #tpu.memory_space<vmem>>
      %dma_wait3A_136 = tpu.memref_squeeze %dma_wait3A_135 : memref<1x16x1024xf32, #tpu.memory_space<vmem>> -> memref<16x1024xf32, #tpu.memory_space<vmem>>
      %dma_wait3A_137 = arith.constant 0 : i32
      %dma_wait3A_138 = arith.constant 0 : i32
      %dma_wait3A_139 = tpu.memref_slice %arg5[%dma_wait3A_137, %dma_wait3A_138] : memref<32768x1024xf32, #tpu.memory_space<hbm>> -> memref<16x1024xf32, #tpu.memory_space<hbm>>
      %dma_wait3A_140 = arith.constant 0 : i32
      %dma_wait3A_141 = arith.constant 0 : i32
      %dma_wait3A_142 = tpu.memref_slice %arg9[%dma_wait3A_132, %dma_wait3A_140, %dma_wait3A_141] : memref<2x16x1024xf32, #tpu.memory_space<vmem>> -> memref<1x16x1024xf32, #tpu.memory_space<vmem>>
      %dma_wait3A_143 = tpu.memref_squeeze %dma_wait3A_142 : memref<1x16x1024xf32, #tpu.memory_space<vmem>> -> memref<16x1024xf32, #tpu.memory_space<vmem>>
      %dma_wait3A_144 = arith.constant 0 : i32
      %dma_wait3A_145 = arith.constant 0 : i32
      %dma_wait3A_146 = tpu.memref_slice %arg5[%dma_wait3A_144, %dma_wait3A_145] : memref<32768x1024xf32, #tpu.memory_space<hbm>> -> memref<16x1024xf32, #tpu.memory_space<hbm>>
      tpu.wait_dma2 semaphore(%arg16 : memref<!tpu.dma_semaphore, #tpu.memory_space<semaphore_mem>>) src(%dma_wait3A_146 : memref<16x1024xf32, #tpu.memory_space<hbm>>) dst(%dma_wait3A_143 : memref<16x1024xf32, #tpu.memory_space<vmem>>)
      %dma_wait3A_147 = arith.constant 0 : i32
      %dma_wait3A_148 = arith.constant 0 : i32
      %dma_wait3A_149 = arith.constant 0 : i32
      %dma_wait3A_150 = tpu.memref_slice %arg10[%dma_wait3A_147, %dma_wait3A_148, %dma_wait3A_149] : memref<2x16x1024xf32, #tpu.memory_space<vmem>> -> memref<1x16x1024xf32, #tpu.memory_space<vmem>>
      %dma_wait3A_151 = tpu.memref_squeeze %dma_wait3A_150 : memref<1x16x1024xf32, #tpu.memory_space<vmem>> -> memref<16x1024xf32, #tpu.memory_space<vmem>>
      %dma_wait3A_152 = arith.constant 0 : i32
      %dma_wait3A_153 = arith.constant 0 : i32
      %dma_wait3A_154 = tpu.memref_slice %arg6[%dma_wait3A_152, %dma_wait3A_153] : memref<32768x1024xf32, #tpu.memory_space<hbm>> -> memref<16x1024xf32, #tpu.memory_space<hbm>>
      %dma_wait3A_155 = arith.constant 0 : i32
      %dma_wait3A_156 = arith.constant 0 : i32
      %dma_wait3A_157 = tpu.memref_slice %arg10[%dma_wait3A_147, %dma_wait3A_155, %dma_wait3A_156] : memref<2x16x1024xf32, #tpu.memory_space<vmem>> -> memref<1x16x1024xf32, #tpu.memory_space<vmem>>
      %dma_wait3A_158 = tpu.memref_squeeze %dma_wait3A_157 : memref<1x16x1024xf32, #tpu.memory_space<vmem>> -> memref<16x1024xf32, #tpu.memory_space<vmem>>
      %dma_wait3A_159 = arith.constant 0 : i32
      %dma_wait3A_160 = arith.constant 0 : i32
      %dma_wait3A_161 = tpu.memref_slice %arg6[%dma_wait3A_159, %dma_wait3A_160] : memref<32768x1024xf32, #tpu.memory_space<hbm>> -> memref<16x1024xf32, #tpu.memory_space<hbm>>
      tpu.wait_dma2 semaphore(%arg16 : memref<!tpu.dma_semaphore, #tpu.memory_space<semaphore_mem>>) src(%dma_wait3A_161 : memref<16x1024xf32, #tpu.memory_space<hbm>>) dst(%dma_wait3A_158 : memref<16x1024xf32, #tpu.memory_space<vmem>>)
      %mul3A_162 = arith.constant 16 : i32
      %mul3A_163 = arith.muli %add3A_100, %mul3A_162 : i32
      %get3A_164 = arith.index_cast %mul3A_163 : i32 to index
      %get3A_165 = tpu.vector_load %arg13[%get3A_164] {strides = array<i32>} : memref<1024xf32, #tpu.memory_space<vmem>>, vector<16xf32>,
      %get3A_166 = vector.shape_cast %get3A_165 : vector<16xf32> to vector<16xf32>
      %mul3A_167 = arith.constant 16 : i32
      %mul3A_168 = arith.muli %add3A_100, %mul3A_167 : i32
      %get3A_169 = arith.index_cast %mul3A_168 : i32 to index
      %get3A_170 = tpu.vector_load %arg14[%get3A_169] {strides = array<i32>} : memref<1024xf32, #tpu.memory_space<vmem>>, vector<16xf32>,
      %get3A_171 = vector.shape_cast %get3A_170 : vector<16xf32> to vector<16xf32>
      %gt3A = arith.constant 0 : i32
      %gt3A_172 = arith.cmpi sgt, %scan3A_96, %gt3A : i32
      %convert_element_type3A = arith.extui %gt3A_172 : i1 to i32
      %cond3A = arith.constant 0 : i32
      %cond3A_173 = arith.cmpi ne, %convert_element_type3A, %cond3A : i32
      scf.if %cond3A_173 {
        %dma_wait3A_1014 = arith.constant 0 : i32
        %dma_wait3A_1015 = arith.constant 0 : i32
        %dma_wait3A_1016 = arith.constant 0 : i32
        %dma_wait3A_1017 = tpu.memref_slice %arg11[%dma_wait3A_1014, %dma_wait3A_1015, %dma_wait3A_1016] : memref<2x8x1024xf32, #tpu.memory_space<vmem>> -> memref<1x8x1024xf32, #tpu.memory_space<vmem>>
        %dma_wait3A_1018 = tpu.memref_squeeze %dma_wait3A_1017 : memref<1x8x1024xf32, #tpu.memory_space<vmem>> -> memref<8x1024xf32, #tpu.memory_space<vmem>>
        %dma_wait3A_1019 = arith.constant 0 : i32
        %dma_wait3A_1020 = arith.constant 0 : i32
        %dma_wait3A_1021 = tpu.memref_slice %arg7[%dma_wait3A_1019, %dma_wait3A_1020] : memref<32768x1024xf32, #tpu.memory_space<hbm>> -> memref<8x1024xf32, #tpu.memory_space<hbm>>
        %dma_wait3A_1022 = arith.constant 0 : i32
        %dma_wait3A_1023 = arith.constant 0 : i32
        %dma_wait3A_1024 = tpu.memref_slice %arg7[%dma_wait3A_1022, %dma_wait3A_1023] : memref<32768x1024xf32, #tpu.memory_space<hbm>> -> memref<8x1024xf32, #tpu.memory_space<hbm>>
        %dma_wait3A_1025 = arith.constant 0 : i32
        %dma_wait3A_1026 = arith.constant 0 : i32
        %dma_wait3A_1027 = tpu.memref_slice %arg11[%dma_wait3A_1014, %dma_wait3A_1025, %dma_wait3A_1026] : memref<2x8x1024xf32, #tpu.memory_space<vmem>> -> memref<1x8x1024xf32, #tpu.memory_space<vmem>>
        %dma_wait3A_1028 = tpu.memref_squeeze %dma_wait3A_1027 : memref<1x8x1024xf32, #tpu.memory_space<vmem>> -> memref<8x1024xf32, #tpu.memory_space<vmem>>
        tpu.wait_dma2 semaphore(%arg18 : memref<!tpu.dma_semaphore, #tpu.memory_space<semaphore_mem>>) src(%dma_wait3A_1028 : memref<8x1024xf32, #tpu.memory_space<vmem>>) dst(%dma_wait3A_1024 : memref<8x1024xf32, #tpu.memory_space<hbm>>)
        %dma_wait3A_1029 = arith.constant 0 : i32
        %dma_wait3A_1030 = arith.constant 0 : i32
        %dma_wait3A_1031 = arith.constant 0 : i32
        %dma_wait3A_1032 = tpu.memref_slice %arg12[%dma_wait3A_1029, %dma_wait3A_1030, %dma_wait3A_1031] : memref<2x8x1024xf32, #tpu.memory_space<vmem>> -> memref<1x8x1024xf32, #tpu.memory_space<vmem>>
        %dma_wait3A_1033 = tpu.memref_squeeze %dma_wait3A_1032 : memref<1x8x1024xf32, #tpu.memory_space<vmem>> -> memref<8x1024xf32, #tpu.memory_space<vmem>>
        %dma_wait3A_1034 = arith.constant 0 : i32
        %dma_wait3A_1035 = arith.constant 0 : i32
        %dma_wait3A_1036 = tpu.memref_slice %arg8[%dma_wait3A_1034, %dma_wait3A_1035] : memref<32768x1024xf32, #tpu.memory_space<hbm>> -> memref<8x1024xf32, #tpu.memory_space<hbm>>
        %dma_wait3A_1037 = arith.constant 0 : i32
        %dma_wait3A_1038 = arith.constant 0 : i32
        %dma_wait3A_1039 = tpu.memref_slice %arg8[%dma_wait3A_1037, %dma_wait3A_1038] : memref<32768x1024xf32, #tpu.memory_space<hbm>> -> memref<8x1024xf32, #tpu.memory_space<hbm>>
        %dma_wait3A_1040 = arith.constant 0 : i32
        %dma_wait3A_1041 = arith.constant 0 : i32
        %dma_wait3A_1042 = tpu.memref_slice %arg12[%dma_wait3A_1029, %dma_wait3A_1040, %dma_wait3A_1041] : memref<2x8x1024xf32, #tpu.memory_space<vmem>> -> memref<1x8x1024xf32, #tpu.memory_space<vmem>>
        %dma_wait3A_1043 = tpu.memref_squeeze %dma_wait3A_1042 : memref<1x8x1024xf32, #tpu.memory_space<vmem>> -> memref<8x1024xf32, #tpu.memory_space<vmem>>
        tpu.wait_dma2 semaphore(%arg18 : memref<!tpu.dma_semaphore, #tpu.memory_space<semaphore_mem>>) src(%dma_wait3A_1043 : memref<8x1024xf32, #tpu.memory_space<vmem>>) dst(%dma_wait3A_1039 : memref<8x1024xf32, #tpu.memory_space<hbm>>)
      } else {
      }
      %slice3A = vector.extract_strided_slice %get3A_166 {offsets = [0], sizes = [1], strides = [1]} : vector<16xf32> to vector<1xf32>
      %squeeze3A = vector.extract %slice3A[0] : f32 from vector<1xf32>
      %broadcast_in_dim3A = vector.broadcast %squeeze3A : f32 to vector<16xf32>
      %ge3A = arith.cmpf oge, %broadcast_in_dim3A, %get3A_4 : vector<16xf32>
      %slice3A_174 = vector.extract_strided_slice %get3A_171 {offsets = [0], sizes = [1], strides = [1]} : vector<16xf32> to vector<1xf32>
      %squeeze3A_175 = vector.extract %slice3A_174[0] : f32 from vector<1xf32>
      %broadcast_in_dim3A_176 = vector.broadcast %squeeze3A_175 : f32 to vector<16xf32>
      %ge3A_177 = arith.cmpf oge, %broadcast_in_dim3A_176, %get3A_4 : vector<16xf32>
      %parallel_loop3A = arith.constant 0 : i32
      %parallel_loop3A_178 = arith.constant 1024 : i32
      %parallel_loop3A_179 = arith.constant 16 : i32
      %parallel_loop3A_180 = arith.constant 0 : i32
      %parallel_loop3A_181 = arith.constant 0 : i32
      %parallel_loop3A_182 = arith.constant 0 : i32
      %parallel_loop3A_183 = arith.constant 0 : i32
      %parallel_loop3A_184 = arith.constant 0 : i32
      %parallel_loop3A_185 = arith.constant 0 : i32
      %parallel_loop3A_186 = arith.constant 0 : i32
      %parallel_loop3A_187 = arith.constant 0 : i32
      scf.for %parallel_loop3A_1014 = %parallel_loop3A to %parallel_loop3A_178 step %parallel_loop3A_179  : i32 {
        %parallel_loop3A_1015 = arith.constant 0 : i32
        %parallel_loop3A_1016 = arith.constant 0 : i32
        %parallel_loop3A_1017 = tpu.memref_slice %arg9[%parallel_loop3A_180, %parallel_loop3A_1015, %parallel_loop3A_1016] : memref<2x16x1024xf32, #tpu.memory_space<vmem>> -> memref<1x16x1024xf32, #tpu.memory_space<vmem>>
        %parallel_loop3A_1018 = tpu.memref_squeeze %parallel_loop3A_1017 : memref<1x16x1024xf32, #tpu.memory_space<vmem>> -> memref<16x1024xf32, #tpu.memory_space<vmem>>
        %parallel_loop3A_1019 = arith.constant 0 : i32
        %parallel_loop3A_1020 = tpu.memref_slice %parallel_loop3A_1018[%parallel_loop3A_181, %parallel_loop3A_1019] : memref<16x1024xf32, #tpu.memory_space<vmem>> -> memref<1x1024xf32, #tpu.memory_space<vmem>>
        %parallel_loop3A_1021 = tpu.memref_squeeze %parallel_loop3A_1020 : memref<1x1024xf32, #tpu.memory_space<vmem>> -> memref<1024xf32, #tpu.memory_space<vmem>>
        %parallel_loop3A_1022 = arith.index_cast %parallel_loop3A_1014 : i32 to index
        %parallel_loop3A_1023 = tpu.vector_load %parallel_loop3A_1021[%parallel_loop3A_1022] {strides = array<i32>} : memref<1024xf32, #tpu.memory_space<vmem>>, vector<16xf32>,
        %parallel_loop3A_1024 = vector.shape_cast %parallel_loop3A_1023 : vector<16xf32> to vector<16xf32>
        %parallel_loop3A_1025 = arith.constant 0 : i32
        %parallel_loop3A_1026 = arith.constant 0 : i32
        %parallel_loop3A_1027 = tpu.memref_slice %arg10[%parallel_loop3A_182, %parallel_loop3A_1025, %parallel_loop3A_1026] : memref<2x16x1024xf32, #tpu.memory_space<vmem>> -> memref<1x16x1024xf32, #tpu.memory_space<vmem>>
        %parallel_loop3A_1028 = tpu.memref_squeeze %parallel_loop3A_1027 : memref<1x16x1024xf32, #tpu.memory_space<vmem>> -> memref<16x1024xf32, #tpu.memory_space<vmem>>
        %parallel_loop3A_1029 = arith.constant 0 : i32
        %parallel_loop3A_1030 = tpu.memref_slice %parallel_loop3A_1028[%parallel_loop3A_183, %parallel_loop3A_1029] : memref<16x1024xf32, #tpu.memory_space<vmem>> -> memref<1x1024xf32, #tpu.memory_space<vmem>>
        %parallel_loop3A_1031 = tpu.memref_squeeze %parallel_loop3A_1030 : memref<1x1024xf32, #tpu.memory_space<vmem>> -> memref<1024xf32, #tpu.memory_space<vmem>>
        %parallel_loop3A_1032 = arith.index_cast %parallel_loop3A_1014 : i32 to index
        %parallel_loop3A_1033 = tpu.vector_load %parallel_loop3A_1031[%parallel_loop3A_1032] {strides = array<i32>} : memref<1024xf32, #tpu.memory_space<vmem>>, vector<16xf32>,
        %parallel_loop3A_1034 = vector.shape_cast %parallel_loop3A_1033 : vector<16xf32> to vector<16xf32>
        %parallel_loop3A_1035 = arith.select %ge3A, %parallel_loop3A_1024, %parallel_loop3A_1034 : vector<16xi1>, vector<16xf32>
        %parallel_loop3A_1036 = arith.constant 0 : i32
        %parallel_loop3A_1037 = arith.constant 0 : i32
        %parallel_loop3A_1038 = tpu.memref_slice %arg11[%parallel_loop3A_184, %parallel_loop3A_1036, %parallel_loop3A_1037] : memref<2x8x1024xf32, #tpu.memory_space<vmem>> -> memref<1x8x1024xf32, #tpu.memory_space<vmem>>
        %parallel_loop3A_1039 = tpu.memref_squeeze %parallel_loop3A_1038 : memref<1x8x1024xf32, #tpu.memory_space<vmem>> -> memref<8x1024xf32, #tpu.memory_space<vmem>>
        %parallel_loop3A_1040 = arith.constant 0 : i32
        %parallel_loop3A_1041 = tpu.memref_slice %parallel_loop3A_1039[%parallel_loop3A_185, %parallel_loop3A_1040] : memref<8x1024xf32, #tpu.memory_space<vmem>> -> memref<1x1024xf32, #tpu.memory_space<vmem>>
        %parallel_loop3A_1042 = tpu.memref_squeeze %parallel_loop3A_1041 : memref<1x1024xf32, #tpu.memory_space<vmem>> -> memref<1024xf32, #tpu.memory_space<vmem>>
        %parallel_loop3A_1043 = arith.index_cast %parallel_loop3A_1014 : i32 to index
        %parallel_loop3A_1044 = tpu.vector_load %parallel_loop3A_1042[%parallel_loop3A_1043] {strides = array<i32>} : memref<1024xf32, #tpu.memory_space<vmem>>, vector<16xf32>,
        %parallel_loop3A_1045 = vector.shape_cast %parallel_loop3A_1044 : vector<16xf32> to vector<16xf32>
        %parallel_loop3A_1046 = vector.shape_cast %parallel_loop3A_1035 : vector<16xf32> to vector<16xf32>
        tpu.vector_store %parallel_loop3A_1042[%parallel_loop3A_1043], %parallel_loop3A_1046 {strides = array<i32>} : memref<1024xf32, #tpu.memory_space<vmem>>, vector<16xf32>,
        %parallel_loop3A_1047 = arith.select %ge3A_177, %parallel_loop3A_1034, %parallel_loop3A_1024 : vector<16xi1>, vector<16xf32>
        %parallel_loop3A_1048 = arith.constant 0 : i32
        %parallel_loop3A_1049 = arith.constant 0 : i32
        %parallel_loop3A_1050 = tpu.memref_slice %arg12[%parallel_loop3A_186, %parallel_loop3A_1048, %parallel_loop3A_1049] : memref<2x8x1024xf32, #tpu.memory_space<vmem>> -> memref<1x8x1024xf32, #tpu.memory_space<vmem>>
        %parallel_loop3A_1051 = tpu.memref_squeeze %parallel_loop3A_1050 : memref<1x8x1024xf32, #tpu.memory_space<vmem>> -> memref<8x1024xf32, #tpu.memory_space<vmem>>
        %parallel_loop3A_1052 = arith.constant 0 : i32
        %parallel_loop3A_1053 = tpu.memref_slice %parallel_loop3A_1051[%parallel_loop3A_187, %parallel_loop3A_1052] : memref<8x1024xf32, #tpu.memory_space<vmem>> -> memref<1x1024xf32, #tpu.memory_space<vmem>>
        %parallel_loop3A_1054 = tpu.memref_squeeze %parallel_loop3A_1053 : memref<1x1024xf32, #tpu.memory_space<vmem>> -> memref<1024xf32, #tpu.memory_space<vmem>>
        %parallel_loop3A_1055 = arith.index_cast %parallel_loop3A_1014 : i32 to index
        %parallel_loop3A_1056 = tpu.vector_load %parallel_loop3A_1054[%parallel_loop3A_1055] {strides = array<i32>} : memref<1024xf32, #tpu.memory_space<vmem>>, vector<16xf32>,
        %parallel_loop3A_1057 = vector.shape_cast %parallel_loop3A_1056 : vector<16xf32> to vector<16xf32>
        %parallel_loop3A_1058 = vector.shape_cast %parallel_loop3A_1047 : vector<16xf32> to vector<16xf32>
        tpu.vector_store %parallel_loop3A_1054[%parallel_loop3A_1055], %parallel_loop3A_1058 {strides = array<i32>} : memref<1024xf32, #tpu.memory_space<vmem>>, vector<16xf32>,
      } {sc.loop_unroll_factor = 8 : i64, sc.parallel_access}
      %slice3A_188 = vector.extract_strided_slice %get3A_166 {offsets = [1], sizes = [1], strides = [1]} : vector<16xf32> to vector<1xf32>
      %squeeze3A_189 = vector.extract %slice3A_188[0] : f32 from vector<1xf32>
      %broadcast_in_dim3A_190 = vector.broadcast %squeeze3A_189 : f32 to vector<16xf32>
      %ge3A_191 = arith.cmpf oge, %broadcast_in_dim3A_190, %get3A_4 : vector<16xf32>
      %slice3A_192 = vector.extract_strided_slice %get3A_171 {offsets = [1], sizes = [1], strides = [1]} : vector<16xf32> to vector<1xf32>
      %squeeze3A_193 = vector.extract %slice3A_192[0] : f32 from vector<1xf32>
      %broadcast_in_dim3A_194 = vector.broadcast %squeeze3A_193 : f32 to vector<16xf32>
      %ge3A_195 = arith.cmpf oge, %broadcast_in_dim3A_194, %get3A_4 : vector<16xf32>
      %parallel_loop3A_196 = arith.constant 0 : i32
      %parallel_loop3A_197 = arith.constant 1024 : i32
      %parallel_loop3A_198 = arith.constant 16 : i32
      %parallel_loop3A_199 = arith.constant 0 : i32
      %parallel_loop3A_200 = arith.constant 1 : i32
      %parallel_loop3A_201 = arith.constant 0 : i32
      %parallel_loop3A_202 = arith.constant 1 : i32
      %parallel_loop3A_203 = arith.constant 0 : i32
      %parallel_loop3A_204 = arith.constant 1 : i32
      %parallel_loop3A_205 = arith.constant 0 : i32
      %parallel_loop3A_206 = arith.constant 1 : i32
      scf.for %parallel_loop3A_1014 = %parallel_loop3A_196 to %parallel_loop3A_197 step %parallel_loop3A_198  : i32 {
        %parallel_loop3A_1015 = arith.constant 0 : i32
        %parallel_loop3A_1016 = arith.constant 0 : i32
        %parallel_loop3A_1017 = tpu.memref_slice %arg9[%parallel_loop3A_199, %parallel_loop3A_1015, %parallel_loop3A_1016] : memref<2x16x1024xf32, #tpu.memory_space<vmem>> -> memref<1x16x1024xf32, #tpu.memory_space<vmem>>
        %parallel_loop3A_1018 = tpu.memref_squeeze %parallel_loop3A_1017 : memref<1x16x1024xf32, #tpu.memory_space<vmem>> -> memref<16x1024xf32, #tpu.memory_space<vmem>>
        %parallel_loop3A_1019 = arith.constant 0 : i32
        %parallel_loop3A_1020 = tpu.memref_slice %parallel_loop3A_1018[%parallel_loop3A_200, %parallel_loop3A_1019] : memref<16x1024xf32, #tpu.memory_space<vmem>> -> memref<1x1024xf32, #tpu.memory_space<vmem>>
        %parallel_loop3A_1021 = tpu.memref_squeeze %parallel_loop3A_1020 : memref<1x1024xf32, #tpu.memory_space<vmem>> -> memref<1024xf32, #tpu.memory_space<vmem>>
        %parallel_loop3A_1022 = arith.index_cast %parallel_loop3A_1014 : i32 to index
        %parallel_loop3A_1023 = tpu.vector_load %parallel_loop3A_1021[%parallel_loop3A_1022] {strides = array<i32>} : memref<1024xf32, #tpu.memory_space<vmem>>, vector<16xf32>,
        %parallel_loop3A_1024 = vector.shape_cast %parallel_loop3A_1023 : vector<16xf32> to vector<16xf32>
        %parallel_loop3A_1025 = arith.constant 0 : i32
        %parallel_loop3A_1026 = arith.constant 0 : i32
        %parallel_loop3A_1027 = tpu.memref_slice %arg10[%parallel_loop3A_201, %parallel_loop3A_1025, %parallel_loop3A_1026] : memref<2x16x1024xf32, #tpu.memory_space<vmem>> -> memref<1x16x1024xf32, #tpu.memory_space<vmem>>
        %parallel_loop3A_1028 = tpu.memref_squeeze %parallel_loop3A_1027 : memref<1x16x1024xf32, #tpu.memory_space<vmem>> -> memref<16x1024xf32, #tpu.memory_space<vmem>>
        %parallel_loop3A_1029 = arith.constant 0 : i32
        %parallel_loop3A_1030 = tpu.memref_slice %parallel_loop3A_1028[%parallel_loop3A_202, %parallel_loop3A_1029] : memref<16x1024xf32, #tpu.memory_space<vmem>> -> memref<1x1024xf32, #tpu.memory_space<vmem>>
        %parallel_loop3A_1031 = tpu.memref_squeeze %parallel_loop3A_1030 : memref<1x1024xf32, #tpu.memory_space<vmem>> -> memref<1024xf32, #tpu.memory_space<vmem>>
        %parallel_loop3A_1032 = arith.index_cast %parallel_loop3A_1014 : i32 to index
        %parallel_loop3A_1033 = tpu.vector_load %parallel_loop3A_1031[%parallel_loop3A_1032] {strides = array<i32>} : memref<1024xf32, #tpu.memory_space<vmem>>, vector<16xf32>,
        %parallel_loop3A_1034 = vector.shape_cast %parallel_loop3A_1033 : vector<16xf32> to vector<16xf32>
        %parallel_loop3A_1035 = arith.select %ge3A_191, %parallel_loop3A_1024, %parallel_loop3A_1034 : vector<16xi1>, vector<16xf32>
        %parallel_loop3A_1036 = arith.constant 0 : i32
        %parallel_loop3A_1037 = arith.constant 0 : i32
        %parallel_loop3A_1038 = tpu.memref_slice %arg11[%parallel_loop3A_203, %parallel_loop3A_1036, %parallel_loop3A_1037] : memref<2x8x1024xf32, #tpu.memory_space<vmem>> -> memref<1x8x1024xf32, #tpu.memory_space<vmem>>
        %parallel_loop3A_1039 = tpu.memref_squeeze %parallel_loop3A_1038 : memref<1x8x1024xf32, #tpu.memory_space<vmem>> -> memref<8x1024xf32, #tpu.memory_space<vmem>>
        %parallel_loop3A_1040 = arith.constant 0 : i32
        %parallel_loop3A_1041 = tpu.memref_slice %parallel_loop3A_1039[%parallel_loop3A_204, %parallel_loop3A_1040] : memref<8x1024xf32, #tpu.memory_space<vmem>> -> memref<1x1024xf32, #tpu.memory_space<vmem>>
        %parallel_loop3A_1042 = tpu.memref_squeeze %parallel_loop3A_1041 : memref<1x1024xf32, #tpu.memory_space<vmem>> -> memref<1024xf32, #tpu.memory_space<vmem>>
        %parallel_loop3A_1043 = arith.index_cast %parallel_loop3A_1014 : i32 to index
        %parallel_loop3A_1044 = tpu.vector_load %parallel_loop3A_1042[%parallel_loop3A_1043] {strides = array<i32>} : memref<1024xf32, #tpu.memory_space<vmem>>, vector<16xf32>,
        %parallel_loop3A_1045 = vector.shape_cast %parallel_loop3A_1044 : vector<16xf32> to vector<16xf32>
        %parallel_loop3A_1046 = vector.shape_cast %parallel_loop3A_1035 : vector<16xf32> to vector<16xf32>
        tpu.vector_store %parallel_loop3A_1042[%parallel_loop3A_1043], %parallel_loop3A_1046 {strides = array<i32>} : memref<1024xf32, #tpu.memory_space<vmem>>, vector<16xf32>,
        %parallel_loop3A_1047 = arith.select %ge3A_195, %parallel_loop3A_1034, %parallel_loop3A_1024 : vector<16xi1>, vector<16xf32>
        %parallel_loop3A_1048 = arith.constant 0 : i32
        %parallel_loop3A_1049 = arith.constant 0 : i32
        %parallel_loop3A_1050 = tpu.memref_slice %arg12[%parallel_loop3A_205, %parallel_loop3A_1048, %parallel_loop3A_1049] : memref<2x8x1024xf32, #tpu.memory_space<vmem>> -> memref<1x8x1024xf32, #tpu.memory_space<vmem>>
        %parallel_loop3A_1051 = tpu.memref_squeeze %parallel_loop3A_1050 : memref<1x8x1024xf32, #tpu.memory_space<vmem>> -> memref<8x1024xf32, #tpu.memory_space<vmem>>
        %parallel_loop3A_1052 = arith.constant 0 : i32
        %parallel_loop3A_1053 = tpu.memref_slice %parallel_loop3A_1051[%parallel_loop3A_206, %parallel_loop3A_1052] : memref<8x1024xf32, #tpu.memory_space<vmem>> -> memref<1x1024xf32, #tpu.memory_space<vmem>>
        %parallel_loop3A_1054 = tpu.memref_squeeze %parallel_loop3A_1053 : memref<1x1024xf32, #tpu.memory_space<vmem>> -> memref<1024xf32, #tpu.memory_space<vmem>>
        %parallel_loop3A_1055 = arith.index_cast %parallel_loop3A_1014 : i32 to index
        %parallel_loop3A_1056 = tpu.vector_load %parallel_loop3A_1054[%parallel_loop3A_1055] {strides = array<i32>} : memref<1024xf32, #tpu.memory_space<vmem>>, vector<16xf32>,
        %parallel_loop3A_1057 = vector.shape_cast %parallel_loop3A_1056 : vector<16xf32> to vector<16xf32>
        %parallel_loop3A_1058 = vector.shape_cast %parallel_loop3A_1047 : vector<16xf32> to vector<16xf32>
        tpu.vector_store %parallel_loop3A_1054[%parallel_loop3A_1055], %parallel_loop3A_1058 {strides = array<i32>} : memref<1024xf32, #tpu.memory_space<vmem>>, vector<16xf32>,
      } {sc.loop_unroll_factor = 8 : i64, sc.parallel_access}
      %slice3A_207 = vector.extract_strided_slice %get3A_166 {offsets = [2], sizes = [1], strides = [1]} : vector<16xf32> to vector<1xf32>
      %squeeze3A_208 = vector.extract %slice3A_207[0] : f32 from vector<1xf32>
      %broadcast_in_dim3A_209 = vector.broadcast %squeeze3A_208 : f32 to vector<16xf32>
      %ge3A_210 = arith.cmpf oge, %broadcast_in_dim3A_209, %get3A_4 : vector<16xf32>
      %slice3A_211 = vector.extract_strided_slice %get3A_171 {offsets = [2], sizes = [1], strides = [1]} : vector<16xf32> to vector<1xf32>
      %squeeze3A_212 = vector.extract %slice3A_211[0] : f32 from vector<1xf32>
      %broadcast_in_dim3A_213 = vector.broadcast %squeeze3A_212 : f32 to vector<16xf32>
      %ge3A_214 = arith.cmpf oge, %broadcast_in_dim3A_213, %get3A_4 : vector<16xf32>
      %parallel_loop3A_215 = arith.constant 0 : i32
      %parallel_loop3A_216 = arith.constant 1024 : i32
      %parallel_loop3A_217 = arith.constant 16 : i32
      %parallel_loop3A_218 = arith.constant 0 : i32
      %parallel_loop3A_219 = arith.constant 2 : i32
      %parallel_loop3A_220 = arith.constant 0 : i32
      %parallel_loop3A_221 = arith.constant 2 : i32
      %parallel_loop3A_222 = arith.constant 0 : i32
      %parallel_loop3A_223 = arith.constant 2 : i32
      %parallel_loop3A_224 = arith.constant 0 : i32
      %parallel_loop3A_225 = arith.constant 2 : i32
      scf.for %parallel_loop3A_1014 = %parallel_loop3A_215 to %parallel_loop3A_216 step %parallel_loop3A_217  : i32 {
        %parallel_loop3A_1015 = arith.constant 0 : i32
        %parallel_loop3A_1016 = arith.constant 0 : i32
        %parallel_loop3A_1017 = tpu.memref_slice %arg9[%parallel_loop3A_218, %parallel_loop3A_1015, %parallel_loop3A_1016] : memref<2x16x1024xf32, #tpu.memory_space<vmem>> -> memref<1x16x1024xf32, #tpu.memory_space<vmem>>
        %parallel_loop3A_1018 = tpu.memref_squeeze %parallel_loop3A_1017 : memref<1x16x1024xf32, #tpu.memory_space<vmem>> -> memref<16x1024xf32, #tpu.memory_space<vmem>>
        %parallel_loop3A_1019 = arith.constant 0 : i32
        %parallel_loop3A_1020 = tpu.memref_slice %parallel_loop3A_1018[%parallel_loop3A_219, %parallel_loop3A_1019] : memref<16x1024xf32, #tpu.memory_space<vmem>> -> memref<1x1024xf32, #tpu.memory_space<vmem>>
        %parallel_loop3A_1021 = tpu.memref_squeeze %parallel_loop3A_1020 : memref<1x1024xf32, #tpu.memory_space<vmem>> -> memref<1024xf32, #tpu.memory_space<vmem>>
        %parallel_loop3A_1022 = arith.index_cast %parallel_loop3A_1014 : i32 to index
        %parallel_loop3A_1023 = tpu.vector_load %parallel_loop3A_1021[%parallel_loop3A_1022] {strides = array<i32>} : memref<1024xf32, #tpu.memory_space<vmem>>, vector<16xf32>,
        %parallel_loop3A_1024 = vector.shape_cast %parallel_loop3A_1023 : vector<16xf32> to vector<16xf32>
        %parallel_loop3A_1025 = arith.constant 0 : i32
        %parallel_loop3A_1026 = arith.constant 0 : i32
        %parallel_loop3A_1027 = tpu.memref_slice %arg10[%parallel_loop3A_220, %parallel_loop3A_1025, %parallel_loop3A_1026] : memref<2x16x1024xf32, #tpu.memory_space<vmem>> -> memref<1x16x1024xf32, #tpu.memory_space<vmem>>
        %parallel_loop3A_1028 = tpu.memref_squeeze %parallel_loop3A_1027 : memref<1x16x1024xf32, #tpu.memory_space<vmem>> -> memref<16x1024xf32, #tpu.memory_space<vmem>>
        %parallel_loop3A_1029 = arith.constant 0 : i32
        %parallel_loop3A_1030 = tpu.memref_slice %parallel_loop3A_1028[%parallel_loop3A_221, %parallel_loop3A_1029] : memref<16x1024xf32, #tpu.memory_space<vmem>> -> memref<1x1024xf32, #tpu.memory_space<vmem>>
        %parallel_loop3A_1031 = tpu.memref_squeeze %parallel_loop3A_1030 : memref<1x1024xf32, #tpu.memory_space<vmem>> -> memref<1024xf32, #tpu.memory_space<vmem>>
        %parallel_loop3A_1032 = arith.index_cast %parallel_loop3A_1014 : i32 to index
        %parallel_loop3A_1033 = tpu.vector_load %parallel_loop3A_1031[%parallel_loop3A_1032] {strides = array<i32>} : memref<1024xf32, #tpu.memory_space<vmem>>, vector<16xf32>,
        %parallel_loop3A_1034 = vector.shape_cast %parallel_loop3A_1033 : vector<16xf32> to vector<16xf32>
        %parallel_loop3A_1035 = arith.select %ge3A_210, %parallel_loop3A_1024, %parallel_loop3A_1034 : vector<16xi1>, vector<16xf32>
        %parallel_loop3A_1036 = arith.constant 0 : i32
        %parallel_loop3A_1037 = arith.constant 0 : i32
        %parallel_loop3A_1038 = tpu.memref_slice %arg11[%parallel_loop3A_222, %parallel_loop3A_1036, %parallel_loop3A_1037] : memref<2x8x1024xf32, #tpu.memory_space<vmem>> -> memref<1x8x1024xf32, #tpu.memory_space<vmem>>
        %parallel_loop3A_1039 = tpu.memref_squeeze %parallel_loop3A_1038 : memref<1x8x1024xf32, #tpu.memory_space<vmem>> -> memref<8x1024xf32, #tpu.memory_space<vmem>>
        %parallel_loop3A_1040 = arith.constant 0 : i32
        %parallel_loop3A_1041 = tpu.memref_slice %parallel_loop3A_1039[%parallel_loop3A_223, %parallel_loop3A_1040] : memref<8x1024xf32, #tpu.memory_space<vmem>> -> memref<1x1024xf32, #tpu.memory_space<vmem>>
        %parallel_loop3A_1042 = tpu.memref_squeeze %parallel_loop3A_1041 : memref<1x1024xf32, #tpu.memory_space<vmem>> -> memref<1024xf32, #tpu.memory_space<vmem>>
        %parallel_loop3A_1043 = arith.index_cast %parallel_loop3A_1014 : i32 to index
        %parallel_loop3A_1044 = tpu.vector_load %parallel_loop3A_1042[%parallel_loop3A_1043] {strides = array<i32>} : memref<1024xf32, #tpu.memory_space<vmem>>, vector<16xf32>,
        %parallel_loop3A_1045 = vector.shape_cast %parallel_loop3A_1044 : vector<16xf32> to vector<16xf32>
        %parallel_loop3A_1046 = vector.shape_cast %parallel_loop3A_1035 : vector<16xf32> to vector<16xf32>
        tpu.vector_store %parallel_loop3A_1042[%parallel_loop3A_1043], %parallel_loop3A_1046 {strides = array<i32>} : memref<1024xf32, #tpu.memory_space<vmem>>, vector<16xf32>,
        %parallel_loop3A_1047 = arith.select %ge3A_214, %parallel_loop3A_1034, %parallel_loop3A_1024 : vector<16xi1>, vector<16xf32>
        %parallel_loop3A_1048 = arith.constant 0 : i32
        %parallel_loop3A_1049 = arith.constant 0 : i32
        %parallel_loop3A_1050 = tpu.memref_slice %arg12[%parallel_loop3A_224, %parallel_loop3A_1048, %parallel_loop3A_1049] : memref<2x8x1024xf32, #tpu.memory_space<vmem>> -> memref<1x8x1024xf32, #tpu.memory_space<vmem>>
        %parallel_loop3A_1051 = tpu.memref_squeeze %parallel_loop3A_1050 : memref<1x8x1024xf32, #tpu.memory_space<vmem>> -> memref<8x1024xf32, #tpu.memory_space<vmem>>
        %parallel_loop3A_1052 = arith.constant 0 : i32
        %parallel_loop3A_1053 = tpu.memref_slice %parallel_loop3A_1051[%parallel_loop3A_225, %parallel_loop3A_1052] : memref<8x1024xf32, #tpu.memory_space<vmem>> -> memref<1x1024xf32, #tpu.memory_space<vmem>>
        %parallel_loop3A_1054 = tpu.memref_squeeze %parallel_loop3A_1053 : memref<1x1024xf32, #tpu.memory_space<vmem>> -> memref<1024xf32, #tpu.memory_space<vmem>>
        %parallel_loop3A_1055 = arith.index_cast %parallel_loop3A_1014 : i32 to index
        %parallel_loop3A_1056 = tpu.vector_load %parallel_loop3A_1054[%parallel_loop3A_1055] {strides = array<i32>} : memref<1024xf32, #tpu.memory_space<vmem>>, vector<16xf32>,
        %parallel_loop3A_1057 = vector.shape_cast %parallel_loop3A_1056 : vector<16xf32> to vector<16xf32>
        %parallel_loop3A_1058 = vector.shape_cast %parallel_loop3A_1047 : vector<16xf32> to vector<16xf32>
        tpu.vector_store %parallel_loop3A_1054[%parallel_loop3A_1055], %parallel_loop3A_1058 {strides = array<i32>} : memref<1024xf32, #tpu.memory_space<vmem>>, vector<16xf32>,
      } {sc.loop_unroll_factor = 8 : i64, sc.parallel_access}
      %slice3A_226 = vector.extract_strided_slice %get3A_166 {offsets = [3], sizes = [1], strides = [1]} : vector<16xf32> to vector<1xf32>
      %squeeze3A_227 = vector.extract %slice3A_226[0] : f32 from vector<1xf32>
      %broadcast_in_dim3A_228 = vector.broadcast %squeeze3A_227 : f32 to vector<16xf32>
      %ge3A_229 = arith.cmpf oge, %broadcast_in_dim3A_228, %get3A_4 : vector<16xf32>
      %slice3A_230 = vector.extract_strided_slice %get3A_171 {offsets = [3], sizes = [1], strides = [1]} : vector<16xf32> to vector<1xf32>
      %squeeze3A_231 = vector.extract %slice3A_230[0] : f32 from vector<1xf32>
      %broadcast_in_dim3A_232 = vector.broadcast %squeeze3A_231 : f32 to vector<16xf32>
      %ge3A_233 = arith.cmpf oge, %broadcast_in_dim3A_232, %get3A_4 : vector<16xf32>
      %parallel_loop3A_234 = arith.constant 0 : i32
      %parallel_loop3A_235 = arith.constant 1024 : i32
      %parallel_loop3A_236 = arith.constant 16 : i32
      %parallel_loop3A_237 = arith.constant 0 : i32
      %parallel_loop3A_238 = arith.constant 3 : i32
      %parallel_loop3A_239 = arith.constant 0 : i32
      %parallel_loop3A_240 = arith.constant 3 : i32
      %parallel_loop3A_241 = arith.constant 0 : i32
      %parallel_loop3A_242 = arith.constant 3 : i32
      %parallel_loop3A_243 = arith.constant 0 : i32
      %parallel_loop3A_244 = arith.constant 3 : i32
      scf.for %parallel_loop3A_1014 = %parallel_loop3A_234 to %parallel_loop3A_235 step %parallel_loop3A_236  : i32 {
        %parallel_loop3A_1015 = arith.constant 0 : i32
        %parallel_loop3A_1016 = arith.constant 0 : i32
        %parallel_loop3A_1017 = tpu.memref_slice %arg9[%parallel_loop3A_237, %parallel_loop3A_1015, %parallel_loop3A_1016] : memref<2x16x1024xf32, #tpu.memory_space<vmem>> -> memref<1x16x1024xf32, #tpu.memory_space<vmem>>
        %parallel_loop3A_1018 = tpu.memref_squeeze %parallel_loop3A_1017 : memref<1x16x1024xf32, #tpu.memory_space<vmem>> -> memref<16x1024xf32, #tpu.memory_space<vmem>>
        %parallel_loop3A_1019 = arith.constant 0 : i32
        %parallel_loop3A_1020 = tpu.memref_slice %parallel_loop3A_1018[%parallel_loop3A_238, %parallel_loop3A_1019] : memref<16x1024xf32, #tpu.memory_space<vmem>> -> memref<1x1024xf32, #tpu.memory_space<vmem>>
        %parallel_loop3A_1021 = tpu.memref_squeeze %parallel_loop3A_1020 : memref<1x1024xf32, #tpu.memory_space<vmem>> -> memref<1024xf32, #tpu.memory_space<vmem>>
        %parallel_loop3A_1022 = arith.index_cast %parallel_loop3A_1014 : i32 to index
        %parallel_loop3A_1023 = tpu.vector_load %parallel_loop3A_1021[%parallel_loop3A_1022] {strides = array<i32>} : memref<1024xf32, #tpu.memory_space<vmem>>, vector<16xf32>,
        %parallel_loop3A_1024 = vector.shape_cast %parallel_loop3A_1023 : vector<16xf32> to vector<16xf32>
        %parallel_loop3A_1025 = arith.constant 0 : i32
        %parallel_loop3A_1026 = arith.constant 0 : i32
        %parallel_loop3A_1027 = tpu.memref_slice %arg10[%parallel_loop3A_239, %parallel_loop3A_1025, %parallel_loop3A_1026] : memref<2x16x1024xf32, #tpu.memory_space<vmem>> -> memref<1x16x1024xf32, #tpu.memory_space<vmem>>
        %parallel_loop3A_1028 = tpu.memref_squeeze %parallel_loop3A_1027 : memref<1x16x1024xf32, #tpu.memory_space<vmem>> -> memref<16x1024xf32, #tpu.memory_space<vmem>>
        %parallel_loop3A_1029 = arith.constant 0 : i32
        %parallel_loop3A_1030 = tpu.memref_slice %parallel_loop3A_1028[%parallel_loop3A_240, %parallel_loop3A_1029] : memref<16x1024xf32, #tpu.memory_space<vmem>> -> memref<1x1024xf32, #tpu.memory_space<vmem>>
        %parallel_loop3A_1031 = tpu.memref_squeeze %parallel_loop3A_1030 : memref<1x1024xf32, #tpu.memory_space<vmem>> -> memref<1024xf32, #tpu.memory_space<vmem>>
        %parallel_loop3A_1032 = arith.index_cast %parallel_loop3A_1014 : i32 to index
        %parallel_loop3A_1033 = tpu.vector_load %parallel_loop3A_1031[%parallel_loop3A_1032] {strides = array<i32>} : memref<1024xf32, #tpu.memory_space<vmem>>, vector<16xf32>,
        %parallel_loop3A_1034 = vector.shape_cast %parallel_loop3A_1033 : vector<16xf32> to vector<16xf32>
        %parallel_loop3A_1035 = arith.select %ge3A_229, %parallel_loop3A_1024, %parallel_loop3A_1034 : vector<16xi1>, vector<16xf32>
        %parallel_loop3A_1036 = arith.constant 0 : i32
        %parallel_loop3A_1037 = arith.constant 0 : i32
        %parallel_loop3A_1038 = tpu.memref_slice %arg11[%parallel_loop3A_241, %parallel_loop3A_1036, %parallel_loop3A_1037] : memref<2x8x1024xf32, #tpu.memory_space<vmem>> -> memref<1x8x1024xf32, #tpu.memory_space<vmem>>
        %parallel_loop3A_1039 = tpu.memref_squeeze %parallel_loop3A_1038 : memref<1x8x1024xf32, #tpu.memory_space<vmem>> -> memref<8x1024xf32, #tpu.memory_space<vmem>>
        %parallel_loop3A_1040 = arith.constant 0 : i32
        %parallel_loop3A_1041 = tpu.memref_slice %parallel_loop3A_1039[%parallel_loop3A_242, %parallel_loop3A_1040] : memref<8x1024xf32, #tpu.memory_space<vmem>> -> memref<1x1024xf32, #tpu.memory_space<vmem>>
        %parallel_loop3A_1042 = tpu.memref_squeeze %parallel_loop3A_1041 : memref<1x1024xf32, #tpu.memory_space<vmem>> -> memref<1024xf32, #tpu.memory_space<vmem>>
        %parallel_loop3A_1043 = arith.index_cast %parallel_loop3A_1014 : i32 to index
        %parallel_loop3A_1044 = tpu.vector_load %parallel_loop3A_1042[%parallel_loop3A_1043] {strides = array<i32>} : memref<1024xf32, #tpu.memory_space<vmem>>, vector<16xf32>,
        %parallel_loop3A_1045 = vector.shape_cast %parallel_loop3A_1044 : vector<16xf32> to vector<16xf32>
        %parallel_loop3A_1046 = vector.shape_cast %parallel_loop3A_1035 : vector<16xf32> to vector<16xf32>
        tpu.vector_store %parallel_loop3A_1042[%parallel_loop3A_1043], %parallel_loop3A_1046 {strides = array<i32>} : memref<1024xf32, #tpu.memory_space<vmem>>, vector<16xf32>,
        %parallel_loop3A_1047 = arith.select %ge3A_233, %parallel_loop3A_1034, %parallel_loop3A_1024 : vector<16xi1>, vector<16xf32>
        %parallel_loop3A_1048 = arith.constant 0 : i32
        %parallel_loop3A_1049 = arith.constant 0 : i32
        %parallel_loop3A_1050 = tpu.memref_slice %arg12[%parallel_loop3A_243, %parallel_loop3A_1048, %parallel_loop3A_1049] : memref<2x8x1024xf32, #tpu.memory_space<vmem>> -> memref<1x8x1024xf32, #tpu.memory_space<vmem>>
        %parallel_loop3A_1051 = tpu.memref_squeeze %parallel_loop3A_1050 : memref<1x8x1024xf32, #tpu.memory_space<vmem>> -> memref<8x1024xf32, #tpu.memory_space<vmem>>
        %parallel_loop3A_1052 = arith.constant 0 : i32
        %parallel_loop3A_1053 = tpu.memref_slice %parallel_loop3A_1051[%parallel_loop3A_244, %parallel_loop3A_1052] : memref<8x1024xf32, #tpu.memory_space<vmem>> -> memref<1x1024xf32, #tpu.memory_space<vmem>>
        %parallel_loop3A_1054 = tpu.memref_squeeze %parallel_loop3A_1053 : memref<1x1024xf32, #tpu.memory_space<vmem>> -> memref<1024xf32, #tpu.memory_space<vmem>>
        %parallel_loop3A_1055 = arith.index_cast %parallel_loop3A_1014 : i32 to index
        %parallel_loop3A_1056 = tpu.vector_load %parallel_loop3A_1054[%parallel_loop3A_1055] {strides = array<i32>} : memref<1024xf32, #tpu.memory_space<vmem>>, vector<16xf32>,
        %parallel_loop3A_1057 = vector.shape_cast %parallel_loop3A_1056 : vector<16xf32> to vector<16xf32>
        %parallel_loop3A_1058 = vector.shape_cast %parallel_loop3A_1047 : vector<16xf32> to vector<16xf32>
        tpu.vector_store %parallel_loop3A_1054[%parallel_loop3A_1055], %parallel_loop3A_1058 {strides = array<i32>} : memref<1024xf32, #tpu.memory_space<vmem>>, vector<16xf32>,
      } {sc.loop_unroll_factor = 8 : i64, sc.parallel_access}
      %slice3A_245 = vector.extract_strided_slice %get3A_166 {offsets = [4], sizes = [1], strides = [1]} : vector<16xf32> to vector<1xf32>
      %squeeze3A_246 = vector.extract %slice3A_245[0] : f32 from vector<1xf32>
      %broadcast_in_dim3A_247 = vector.broadcast %squeeze3A_246 : f32 to vector<16xf32>
      %ge3A_248 = arith.cmpf oge, %broadcast_in_dim3A_247, %get3A_4 : vector<16xf32>
      %slice3A_249 = vector.extract_strided_slice %get3A_171 {offsets = [4], sizes = [1], strides = [1]} : vector<16xf32> to vector<1xf32>
      %squeeze3A_250 = vector.extract %slice3A_249[0] : f32 from vector<1xf32>
      %broadcast_in_dim3A_251 = vector.broadcast %squeeze3A_250 : f32 to vector<16xf32>
      %ge3A_252 = arith.cmpf oge, %broadcast_in_dim3A_251, %get3A_4 : vector<16xf32>
      %parallel_loop3A_253 = arith.constant 0 : i32
      %parallel_loop3A_254 = arith.constant 1024 : i32
      %parallel_loop3A_255 = arith.constant 16 : i32
      %parallel_loop3A_256 = arith.constant 0 : i32
      %parallel_loop3A_257 = arith.constant 4 : i32
      %parallel_loop3A_258 = arith.constant 0 : i32
      %parallel_loop3A_259 = arith.constant 4 : i32
      %parallel_loop3A_260 = arith.constant 0 : i32
      %parallel_loop3A_261 = arith.constant 4 : i32
      %parallel_loop3A_262 = arith.constant 0 : i32
      %parallel_loop3A_263 = arith.constant 4 : i32
      scf.for %parallel_loop3A_1014 = %parallel_loop3A_253 to %parallel_loop3A_254 step %parallel_loop3A_255  : i32 {
        %parallel_loop3A_1015 = arith.constant 0 : i32
        %parallel_loop3A_1016 = arith.constant 0 : i32
        %parallel_loop3A_1017 = tpu.memref_slice %arg9[%parallel_loop3A_256, %parallel_loop3A_1015, %parallel_loop3A_1016] : memref<2x16x1024xf32, #tpu.memory_space<vmem>> -> memref<1x16x1024xf32, #tpu.memory_space<vmem>>
        %parallel_loop3A_1018 = tpu.memref_squeeze %parallel_loop3A_1017 : memref<1x16x1024xf32, #tpu.memory_space<vmem>> -> memref<16x1024xf32, #tpu.memory_space<vmem>>
        %parallel_loop3A_1019 = arith.constant 0 : i32
        %parallel_loop3A_1020 = tpu.memref_slice %parallel_loop3A_1018[%parallel_loop3A_257, %parallel_loop3A_1019] : memref<16x1024xf32, #tpu.memory_space<vmem>> -> memref<1x1024xf32, #tpu.memory_space<vmem>>
        %parallel_loop3A_1021 = tpu.memref_squeeze %parallel_loop3A_1020 : memref<1x1024xf32, #tpu.memory_space<vmem>> -> memref<1024xf32, #tpu.memory_space<vmem>>
        %parallel_loop3A_1022 = arith.index_cast %parallel_loop3A_1014 : i32 to index
        %parallel_loop3A_1023 = tpu.vector_load %parallel_loop3A_1021[%parallel_loop3A_1022] {strides = array<i32>} : memref<1024xf32, #tpu.memory_space<vmem>>, vector<16xf32>,
        %parallel_loop3A_1024 = vector.shape_cast %parallel_loop3A_1023 : vector<16xf32> to vector<16xf32>
        %parallel_loop3A_1025 = arith.constant 0 : i32
        %parallel_loop3A_1026 = arith.constant 0 : i32
        %parallel_loop3A_1027 = tpu.memref_slice %arg10[%parallel_loop3A_258, %parallel_loop3A_1025, %parallel_loop3A_1026] : memref<2x16x1024xf32, #tpu.memory_space<vmem>> -> memref<1x16x1024xf32, #tpu.memory_space<vmem>>
        %parallel_loop3A_1028 = tpu.memref_squeeze %parallel_loop3A_1027 : memref<1x16x1024xf32, #tpu.memory_space<vmem>> -> memref<16x1024xf32, #tpu.memory_space<vmem>>
        %parallel_loop3A_1029 = arith.constant 0 : i32
        %parallel_loop3A_1030 = tpu.memref_slice %parallel_loop3A_1028[%parallel_loop3A_259, %parallel_loop3A_1029] : memref<16x1024xf32, #tpu.memory_space<vmem>> -> memref<1x1024xf32, #tpu.memory_space<vmem>>
        %parallel_loop3A_1031 = tpu.memref_squeeze %parallel_loop3A_1030 : memref<1x1024xf32, #tpu.memory_space<vmem>> -> memref<1024xf32, #tpu.memory_space<vmem>>
        %parallel_loop3A_1032 = arith.index_cast %parallel_loop3A_1014 : i32 to index
        %parallel_loop3A_1033 = tpu.vector_load %parallel_loop3A_1031[%parallel_loop3A_1032] {strides = array<i32>} : memref<1024xf32, #tpu.memory_space<vmem>>, vector<16xf32>,
        %parallel_loop3A_1034 = vector.shape_cast %parallel_loop3A_1033 : vector<16xf32> to vector<16xf32>
        %parallel_loop3A_1035 = arith.select %ge3A_248, %parallel_loop3A_1024, %parallel_loop3A_1034 : vector<16xi1>, vector<16xf32>
        %parallel_loop3A_1036 = arith.constant 0 : i32
        %parallel_loop3A_1037 = arith.constant 0 : i32
        %parallel_loop3A_1038 = tpu.memref_slice %arg11[%parallel_loop3A_260, %parallel_loop3A_1036, %parallel_loop3A_1037] : memref<2x8x1024xf32, #tpu.memory_space<vmem>> -> memref<1x8x1024xf32, #tpu.memory_space<vmem>>
        %parallel_loop3A_1039 = tpu.memref_squeeze %parallel_loop3A_1038 : memref<1x8x1024xf32, #tpu.memory_space<vmem>> -> memref<8x1024xf32, #tpu.memory_space<vmem>>
        %parallel_loop3A_1040 = arith.constant 0 : i32
        %parallel_loop3A_1041 = tpu.memref_slice %parallel_loop3A_1039[%parallel_loop3A_261, %parallel_loop3A_1040] : memref<8x1024xf32, #tpu.memory_space<vmem>> -> memref<1x1024xf32, #tpu.memory_space<vmem>>
        %parallel_loop3A_1042 = tpu.memref_squeeze %parallel_loop3A_1041 : memref<1x1024xf32, #tpu.memory_space<vmem>> -> memref<1024xf32, #tpu.memory_space<vmem>>
        %parallel_loop3A_1043 = arith.index_cast %parallel_loop3A_1014 : i32 to index
        %parallel_loop3A_1044 = tpu.vector_load %parallel_loop3A_1042[%parallel_loop3A_1043] {strides = array<i32>} : memref<1024xf32, #tpu.memory_space<vmem>>, vector<16xf32>,
        %parallel_loop3A_1045 = vector.shape_cast %parallel_loop3A_1044 : vector<16xf32> to vector<16xf32>
        %parallel_loop3A_1046 = vector.shape_cast %parallel_loop3A_1035 : vector<16xf32> to vector<16xf32>
        tpu.vector_store %parallel_loop3A_1042[%parallel_loop3A_1043], %parallel_loop3A_1046 {strides = array<i32>} : memref<1024xf32, #tpu.memory_space<vmem>>, vector<16xf32>,
        %parallel_loop3A_1047 = arith.select %ge3A_252, %parallel_loop3A_1034, %parallel_loop3A_1024 : vector<16xi1>, vector<16xf32>
        %parallel_loop3A_1048 = arith.constant 0 : i32
        %parallel_loop3A_1049 = arith.constant 0 : i32
        %parallel_loop3A_1050 = tpu.memref_slice %arg12[%parallel_loop3A_262, %parallel_loop3A_1048, %parallel_loop3A_1049] : memref<2x8x1024xf32, #tpu.memory_space<vmem>> -> memref<1x8x1024xf32, #tpu.memory_space<vmem>>
        %parallel_loop3A_1051 = tpu.memref_squeeze %parallel_loop3A_1050 : memref<1x8x1024xf32, #tpu.memory_space<vmem>> -> memref<8x1024xf32, #tpu.memory_space<vmem>>
        %parallel_loop3A_1052 = arith.constant 0 : i32
        %parallel_loop3A_1053 = tpu.memref_slice %parallel_loop3A_1051[%parallel_loop3A_263, %parallel_loop3A_1052] : memref<8x1024xf32, #tpu.memory_space<vmem>> -> memref<1x1024xf32, #tpu.memory_space<vmem>>
        %parallel_loop3A_1054 = tpu.memref_squeeze %parallel_loop3A_1053 : memref<1x1024xf32, #tpu.memory_space<vmem>> -> memref<1024xf32, #tpu.memory_space<vmem>>
        %parallel_loop3A_1055 = arith.index_cast %parallel_loop3A_1014 : i32 to index
        %parallel_loop3A_1056 = tpu.vector_load %parallel_loop3A_1054[%parallel_loop3A_1055] {strides = array<i32>} : memref<1024xf32, #tpu.memory_space<vmem>>, vector<16xf32>,
        %parallel_loop3A_1057 = vector.shape_cast %parallel_loop3A_1056 : vector<16xf32> to vector<16xf32>
        %parallel_loop3A_1058 = vector.shape_cast %parallel_loop3A_1047 : vector<16xf32> to vector<16xf32>
        tpu.vector_store %parallel_loop3A_1054[%parallel_loop3A_1055], %parallel_loop3A_1058 {strides = array<i32>} : memref<1024xf32, #tpu.memory_space<vmem>>, vector<16xf32>,
      } {sc.loop_unroll_factor = 8 : i64, sc.parallel_access}
      %slice3A_264 = vector.extract_strided_slice %get3A_166 {offsets = [5], sizes = [1], strides = [1]} : vector<16xf32> to vector<1xf32>
      %squeeze3A_265 = vector.extract %slice3A_264[0] : f32 from vector<1xf32>
      %broadcast_in_dim3A_266 = vector.broadcast %squeeze3A_265 : f32 to vector<16xf32>
      %ge3A_267 = arith.cmpf oge, %broadcast_in_dim3A_266, %get3A_4 : vector<16xf32>
      %slice3A_268 = vector.extract_strided_slice %get3A_171 {offsets = [5], sizes = [1], strides = [1]} : vector<16xf32> to vector<1xf32>
      %squeeze3A_269 = vector.extract %slice3A_268[0] : f32 from vector<1xf32>
      %broadcast_in_dim3A_270 = vector.broadcast %squeeze3A_269 : f32 to vector<16xf32>
      %ge3A_271 = arith.cmpf oge, %broadcast_in_dim3A_270, %get3A_4 : vector<16xf32>
      %parallel_loop3A_272 = arith.constant 0 : i32
      %parallel_loop3A_273 = arith.constant 1024 : i32
      %parallel_loop3A_274 = arith.constant 16 : i32
      %parallel_loop3A_275 = arith.constant 0 : i32
      %parallel_loop3A_276 = arith.constant 5 : i32
      %parallel_loop3A_277 = arith.constant 0 : i32
      %parallel_loop3A_278 = arith.constant 5 : i32
      %parallel_loop3A_279 = arith.constant 0 : i32
      %parallel_loop3A_280 = arith.constant 5 : i32
      %parallel_loop3A_281 = arith.constant 0 : i32
      %parallel_loop3A_282 = arith.constant 5 : i32
      scf.for %parallel_loop3A_1014 = %parallel_loop3A_272 to %parallel_loop3A_273 step %parallel_loop3A_274  : i32 {
        %parallel_loop3A_1015 = arith.constant 0 : i32
        %parallel_loop3A_1016 = arith.constant 0 : i32
        %parallel_loop3A_1017 = tpu.memref_slice %arg9[%parallel_loop3A_275, %parallel_loop3A_1015, %parallel_loop3A_1016] : memref<2x16x1024xf32, #tpu.memory_space<vmem>> -> memref<1x16x1024xf32, #tpu.memory_space<vmem>>
        %parallel_loop3A_1018 = tpu.memref_squeeze %parallel_loop3A_1017 : memref<1x16x1024xf32, #tpu.memory_space<vmem>> -> memref<16x1024xf32, #tpu.memory_space<vmem>>
        %parallel_loop3A_1019 = arith.constant 0 : i32
        %parallel_loop3A_1020 = tpu.memref_slice %parallel_loop3A_1018[%parallel_loop3A_276, %parallel_loop3A_1019] : memref<16x1024xf32, #tpu.memory_space<vmem>> -> memref<1x1024xf32, #tpu.memory_space<vmem>>
        %parallel_loop3A_1021 = tpu.memref_squeeze %parallel_loop3A_1020 : memref<1x1024xf32, #tpu.memory_space<vmem>> -> memref<1024xf32, #tpu.memory_space<vmem>>
        %parallel_loop3A_1022 = arith.index_cast %parallel_loop3A_1014 : i32 to index
        %parallel_loop3A_1023 = tpu.vector_load %parallel_loop3A_1021[%parallel_loop3A_1022] {strides = array<i32>} : memref<1024xf32, #tpu.memory_space<vmem>>, vector<16xf32>,
        %parallel_loop3A_1024 = vector.shape_cast %parallel_loop3A_1023 : vector<16xf32> to vector<16xf32>
        %parallel_loop3A_1025 = arith.constant 0 : i32
        %parallel_loop3A_1026 = arith.constant 0 : i32
        %parallel_loop3A_1027 = tpu.memref_slice %arg10[%parallel_loop3A_277, %parallel_loop3A_1025, %parallel_loop3A_1026] : memref<2x16x1024xf32, #tpu.memory_space<vmem>> -> memref<1x16x1024xf32, #tpu.memory_space<vmem>>
        %parallel_loop3A_1028 = tpu.memref_squeeze %parallel_loop3A_1027 : memref<1x16x1024xf32, #tpu.memory_space<vmem>> -> memref<16x1024xf32, #tpu.memory_space<vmem>>
        %parallel_loop3A_1029 = arith.constant 0 : i32
        %parallel_loop3A_1030 = tpu.memref_slice %parallel_loop3A_1028[%parallel_loop3A_278, %parallel_loop3A_1029] : memref<16x1024xf32, #tpu.memory_space<vmem>> -> memref<1x1024xf32, #tpu.memory_space<vmem>>
        %parallel_loop3A_1031 = tpu.memref_squeeze %parallel_loop3A_1030 : memref<1x1024xf32, #tpu.memory_space<vmem>> -> memref<1024xf32, #tpu.memory_space<vmem>>
        %parallel_loop3A_1032 = arith.index_cast %parallel_loop3A_1014 : i32 to index
        %parallel_loop3A_1033 = tpu.vector_load %parallel_loop3A_1031[%parallel_loop3A_1032] {strides = array<i32>} : memref<1024xf32, #tpu.memory_space<vmem>>, vector<16xf32>,
        %parallel_loop3A_1034 = vector.shape_cast %parallel_loop3A_1033 : vector<16xf32> to vector<16xf32>
        %parallel_loop3A_1035 = arith.select %ge3A_267, %parallel_loop3A_1024, %parallel_loop3A_1034 : vector<16xi1>, vector<16xf32>
        %parallel_loop3A_1036 = arith.constant 0 : i32
        %parallel_loop3A_1037 = arith.constant 0 : i32
        %parallel_loop3A_1038 = tpu.memref_slice %arg11[%parallel_loop3A_279, %parallel_loop3A_1036, %parallel_loop3A_1037] : memref<2x8x1024xf32, #tpu.memory_space<vmem>> -> memref<1x8x1024xf32, #tpu.memory_space<vmem>>
        %parallel_loop3A_1039 = tpu.memref_squeeze %parallel_loop3A_1038 : memref<1x8x1024xf32, #tpu.memory_space<vmem>> -> memref<8x1024xf32, #tpu.memory_space<vmem>>
        %parallel_loop3A_1040 = arith.constant 0 : i32
        %parallel_loop3A_1041 = tpu.memref_slice %parallel_loop3A_1039[%parallel_loop3A_280, %parallel_loop3A_1040] : memref<8x1024xf32, #tpu.memory_space<vmem>> -> memref<1x1024xf32, #tpu.memory_space<vmem>>
        %parallel_loop3A_1042 = tpu.memref_squeeze %parallel_loop3A_1041 : memref<1x1024xf32, #tpu.memory_space<vmem>> -> memref<1024xf32, #tpu.memory_space<vmem>>
        %parallel_loop3A_1043 = arith.index_cast %parallel_loop3A_1014 : i32 to index
        %parallel_loop3A_1044 = tpu.vector_load %parallel_loop3A_1042[%parallel_loop3A_1043] {strides = array<i32>} : memref<1024xf32, #tpu.memory_space<vmem>>, vector<16xf32>,
        %parallel_loop3A_1045 = vector.shape_cast %parallel_loop3A_1044 : vector<16xf32> to vector<16xf32>
        %parallel_loop3A_1046 = vector.shape_cast %parallel_loop3A_1035 : vector<16xf32> to vector<16xf32>
        tpu.vector_store %parallel_loop3A_1042[%parallel_loop3A_1043], %parallel_loop3A_1046 {strides = array<i32>} : memref<1024xf32, #tpu.memory_space<vmem>>, vector<16xf32>,
        %parallel_loop3A_1047 = arith.select %ge3A_271, %parallel_loop3A_1034, %parallel_loop3A_1024 : vector<16xi1>, vector<16xf32>
        %parallel_loop3A_1048 = arith.constant 0 : i32
        %parallel_loop3A_1049 = arith.constant 0 : i32
        %parallel_loop3A_1050 = tpu.memref_slice %arg12[%parallel_loop3A_281, %parallel_loop3A_1048, %parallel_loop3A_1049] : memref<2x8x1024xf32, #tpu.memory_space<vmem>> -> memref<1x8x1024xf32, #tpu.memory_space<vmem>>
        %parallel_loop3A_1051 = tpu.memref_squeeze %parallel_loop3A_1050 : memref<1x8x1024xf32, #tpu.memory_space<vmem>> -> memref<8x1024xf32, #tpu.memory_space<vmem>>
        %parallel_loop3A_1052 = arith.constant 0 : i32
        %parallel_loop3A_1053 = tpu.memref_slice %parallel_loop3A_1051[%parallel_loop3A_282, %parallel_loop3A_1052] : memref<8x1024xf32, #tpu.memory_space<vmem>> -> memref<1x1024xf32, #tpu.memory_space<vmem>>
        %parallel_loop3A_1054 = tpu.memref_squeeze %parallel_loop3A_1053 : memref<1x1024xf32, #tpu.memory_space<vmem>> -> memref<1024xf32, #tpu.memory_space<vmem>>
        %parallel_loop3A_1055 = arith.index_cast %parallel_loop3A_1014 : i32 to index
        %parallel_loop3A_1056 = tpu.vector_load %parallel_loop3A_1054[%parallel_loop3A_1055] {strides = array<i32>} : memref<1024xf32, #tpu.memory_space<vmem>>, vector<16xf32>,
        %parallel_loop3A_1057 = vector.shape_cast %parallel_loop3A_1056 : vector<16xf32> to vector<16xf32>
        %parallel_loop3A_1058 = vector.shape_cast %parallel_loop3A_1047 : vector<16xf32> to vector<16xf32>
        tpu.vector_store %parallel_loop3A_1054[%parallel_loop3A_1055], %parallel_loop3A_1058 {strides = array<i32>} : memref<1024xf32, #tpu.memory_space<vmem>>, vector<16xf32>,
      } {sc.loop_unroll_factor = 8 : i64, sc.parallel_access}
      %slice3A_283 = vector.extract_strided_slice %get3A_166 {offsets = [6], sizes = [1], strides = [1]} : vector<16xf32> to vector<1xf32>
      %squeeze3A_284 = vector.extract %slice3A_283[0] : f32 from vector<1xf32>
      %broadcast_in_dim3A_285 = vector.broadcast %squeeze3A_284 : f32 to vector<16xf32>
      %ge3A_286 = arith.cmpf oge, %broadcast_in_dim3A_285, %get3A_4 : vector<16xf32>
      %slice3A_287 = vector.extract_strided_slice %get3A_171 {offsets = [6], sizes = [1], strides = [1]} : vector<16xf32> to vector<1xf32>
      %squeeze3A_288 = vector.extract %slice3A_287[0] : f32 from vector<1xf32>
      %broadcast_in_dim3A_289 = vector.broadcast %squeeze3A_288 : f32 to vector<16xf32>
      %ge3A_290 = arith.cmpf oge, %broadcast_in_dim3A_289, %get3A_4 : vector<16xf32>
      %parallel_loop3A_291 = arith.constant 0 : i32
      %parallel_loop3A_292 = arith.constant 1024 : i32
      %parallel_loop3A_293 = arith.constant 16 : i32
      %parallel_loop3A_294 = arith.constant 0 : i32
      %parallel_loop3A_295 = arith.constant 6 : i32
      %parallel_loop3A_296 = arith.constant 0 : i32
      %parallel_loop3A_297 = arith.constant 6 : i32
      %parallel_loop3A_298 = arith.constant 0 : i32
      %parallel_loop3A_299 = arith.constant 6 : i32
      %parallel_loop3A_300 = arith.constant 0 : i32
      %parallel_loop3A_301 = arith.constant 6 : i32
      scf.for %parallel_loop3A_1014 = %parallel_loop3A_291 to %parallel_loop3A_292 step %parallel_loop3A_293  : i32 {
        %parallel_loop3A_1015 = arith.constant 0 : i32
        %parallel_loop3A_1016 = arith.constant 0 : i32
        %parallel_loop3A_1017 = tpu.memref_slice %arg9[%parallel_loop3A_294, %parallel_loop3A_1015, %parallel_loop3A_1016] : memref<2x16x1024xf32, #tpu.memory_space<vmem>> -> memref<1x16x1024xf32, #tpu.memory_space<vmem>>
        %parallel_loop3A_1018 = tpu.memref_squeeze %parallel_loop3A_1017 : memref<1x16x1024xf32, #tpu.memory_space<vmem>> -> memref<16x1024xf32, #tpu.memory_space<vmem>>
        %parallel_loop3A_1019 = arith.constant 0 : i32
        %parallel_loop3A_1020 = tpu.memref_slice %parallel_loop3A_1018[%parallel_loop3A_295, %parallel_loop3A_1019] : memref<16x1024xf32, #tpu.memory_space<vmem>> -> memref<1x1024xf32, #tpu.memory_space<vmem>>
        %parallel_loop3A_1021 = tpu.memref_squeeze %parallel_loop3A_1020 : memref<1x1024xf32, #tpu.memory_space<vmem>> -> memref<1024xf32, #tpu.memory_space<vmem>>
        %parallel_loop3A_1022 = arith.index_cast %parallel_loop3A_1014 : i32 to index
        %parallel_loop3A_1023 = tpu.vector_load %parallel_loop3A_1021[%parallel_loop3A_1022] {strides = array<i32>} : memref<1024xf32, #tpu.memory_space<vmem>>, vector<16xf32>,
        %parallel_loop3A_1024 = vector.shape_cast %parallel_loop3A_1023 : vector<16xf32> to vector<16xf32>
        %parallel_loop3A_1025 = arith.constant 0 : i32
        %parallel_loop3A_1026 = arith.constant 0 : i32
        %parallel_loop3A_1027 = tpu.memref_slice %arg10[%parallel_loop3A_296, %parallel_loop3A_1025, %parallel_loop3A_1026] : memref<2x16x1024xf32, #tpu.memory_space<vmem>> -> memref<1x16x1024xf32, #tpu.memory_space<vmem>>
        %parallel_loop3A_1028 = tpu.memref_squeeze %parallel_loop3A_1027 : memref<1x16x1024xf32, #tpu.memory_space<vmem>> -> memref<16x1024xf32, #tpu.memory_space<vmem>>
        %parallel_loop3A_1029 = arith.constant 0 : i32
        %parallel_loop3A_1030 = tpu.memref_slice %parallel_loop3A_1028[%parallel_loop3A_297, %parallel_loop3A_1029] : memref<16x1024xf32, #tpu.memory_space<vmem>> -> memref<1x1024xf32, #tpu.memory_space<vmem>>
        %parallel_loop3A_1031 = tpu.memref_squeeze %parallel_loop3A_1030 : memref<1x1024xf32, #tpu.memory_space<vmem>> -> memref<1024xf32, #tpu.memory_space<vmem>>
        %parallel_loop3A_1032 = arith.index_cast %parallel_loop3A_1014 : i32 to index
        %parallel_loop3A_1033 = tpu.vector_load %parallel_loop3A_1031[%parallel_loop3A_1032] {strides = array<i32>} : memref<1024xf32, #tpu.memory_space<vmem>>, vector<16xf32>,
        %parallel_loop3A_1034 = vector.shape_cast %parallel_loop3A_1033 : vector<16xf32> to vector<16xf32>
        %parallel_loop3A_1035 = arith.select %ge3A_286, %parallel_loop3A_1024, %parallel_loop3A_1034 : vector<16xi1>, vector<16xf32>
        %parallel_loop3A_1036 = arith.constant 0 : i32
        %parallel_loop3A_1037 = arith.constant 0 : i32
        %parallel_loop3A_1038 = tpu.memref_slice %arg11[%parallel_loop3A_298, %parallel_loop3A_1036, %parallel_loop3A_1037] : memref<2x8x1024xf32, #tpu.memory_space<vmem>> -> memref<1x8x1024xf32, #tpu.memory_space<vmem>>
        %parallel_loop3A_1039 = tpu.memref_squeeze %parallel_loop3A_1038 : memref<1x8x1024xf32, #tpu.memory_space<vmem>> -> memref<8x1024xf32, #tpu.memory_space<vmem>>
        %parallel_loop3A_1040 = arith.constant 0 : i32
        %parallel_loop3A_1041 = tpu.memref_slice %parallel_loop3A_1039[%parallel_loop3A_299, %parallel_loop3A_1040] : memref<8x1024xf32, #tpu.memory_space<vmem>> -> memref<1x1024xf32, #tpu.memory_space<vmem>>
        %parallel_loop3A_1042 = tpu.memref_squeeze %parallel_loop3A_1041 : memref<1x1024xf32, #tpu.memory_space<vmem>> -> memref<1024xf32, #tpu.memory_space<vmem>>
        %parallel_loop3A_1043 = arith.index_cast %parallel_loop3A_1014 : i32 to index
        %parallel_loop3A_1044 = tpu.vector_load %parallel_loop3A_1042[%parallel_loop3A_1043] {strides = array<i32>} : memref<1024xf32, #tpu.memory_space<vmem>>, vector<16xf32>,
        %parallel_loop3A_1045 = vector.shape_cast %parallel_loop3A_1044 : vector<16xf32> to vector<16xf32>
        %parallel_loop3A_1046 = vector.shape_cast %parallel_loop3A_1035 : vector<16xf32> to vector<16xf32>
        tpu.vector_store %parallel_loop3A_1042[%parallel_loop3A_1043], %parallel_loop3A_1046 {strides = array<i32>} : memref<1024xf32, #tpu.memory_space<vmem>>, vector<16xf32>,
        %parallel_loop3A_1047 = arith.select %ge3A_290, %parallel_loop3A_1034, %parallel_loop3A_1024 : vector<16xi1>, vector<16xf32>
        %parallel_loop3A_1048 = arith.constant 0 : i32
        %parallel_loop3A_1049 = arith.constant 0 : i32
        %parallel_loop3A_1050 = tpu.memref_slice %arg12[%parallel_loop3A_300, %parallel_loop3A_1048, %parallel_loop3A_1049] : memref<2x8x1024xf32, #tpu.memory_space<vmem>> -> memref<1x8x1024xf32, #tpu.memory_space<vmem>>
        %parallel_loop3A_1051 = tpu.memref_squeeze %parallel_loop3A_1050 : memref<1x8x1024xf32, #tpu.memory_space<vmem>> -> memref<8x1024xf32, #tpu.memory_space<vmem>>
        %parallel_loop3A_1052 = arith.constant 0 : i32
        %parallel_loop3A_1053 = tpu.memref_slice %parallel_loop3A_1051[%parallel_loop3A_301, %parallel_loop3A_1052] : memref<8x1024xf32, #tpu.memory_space<vmem>> -> memref<1x1024xf32, #tpu.memory_space<vmem>>
        %parallel_loop3A_1054 = tpu.memref_squeeze %parallel_loop3A_1053 : memref<1x1024xf32, #tpu.memory_space<vmem>> -> memref<1024xf32, #tpu.memory_space<vmem>>
        %parallel_loop3A_1055 = arith.index_cast %parallel_loop3A_1014 : i32 to index
        %parallel_loop3A_1056 = tpu.vector_load %parallel_loop3A_1054[%parallel_loop3A_1055] {strides = array<i32>} : memref<1024xf32, #tpu.memory_space<vmem>>, vector<16xf32>,
        %parallel_loop3A_1057 = vector.shape_cast %parallel_loop3A_1056 : vector<16xf32> to vector<16xf32>
        %parallel_loop3A_1058 = vector.shape_cast %parallel_loop3A_1047 : vector<16xf32> to vector<16xf32>
        tpu.vector_store %parallel_loop3A_1054[%parallel_loop3A_1055], %parallel_loop3A_1058 {strides = array<i32>} : memref<1024xf32, #tpu.memory_space<vmem>>, vector<16xf32>,
      } {sc.loop_unroll_factor = 8 : i64, sc.parallel_access}
      %slice3A_302 = vector.extract_strided_slice %get3A_166 {offsets = [7], sizes = [1], strides = [1]} : vector<16xf32> to vector<1xf32>
      %squeeze3A_303 = vector.extract %slice3A_302[0] : f32 from vector<1xf32>
      %broadcast_in_dim3A_304 = vector.broadcast %squeeze3A_303 : f32 to vector<16xf32>
      %ge3A_305 = arith.cmpf oge, %broadcast_in_dim3A_304, %get3A_4 : vector<16xf32>
      %slice3A_306 = vector.extract_strided_slice %get3A_171 {offsets = [7], sizes = [1], strides = [1]} : vector<16xf32> to vector<1xf32>
      %squeeze3A_307 = vector.extract %slice3A_306[0] : f32 from vector<1xf32>
      %broadcast_in_dim3A_308 = vector.broadcast %squeeze3A_307 : f32 to vector<16xf32>
      %ge3A_309 = arith.cmpf oge, %broadcast_in_dim3A_308, %get3A_4 : vector<16xf32>
      %parallel_loop3A_310 = arith.constant 0 : i32
      %parallel_loop3A_311 = arith.constant 1024 : i32
      %parallel_loop3A_312 = arith.constant 16 : i32
      %parallel_loop3A_313 = arith.constant 0 : i32
      %parallel_loop3A_314 = arith.constant 7 : i32
      %parallel_loop3A_315 = arith.constant 0 : i32
      %parallel_loop3A_316 = arith.constant 7 : i32
      %parallel_loop3A_317 = arith.constant 0 : i32
      %parallel_loop3A_318 = arith.constant 7 : i32
      %parallel_loop3A_319 = arith.constant 0 : i32
      %parallel_loop3A_320 = arith.constant 7 : i32
      scf.for %parallel_loop3A_1014 = %parallel_loop3A_310 to %parallel_loop3A_311 step %parallel_loop3A_312  : i32 {
        %parallel_loop3A_1015 = arith.constant 0 : i32
        %parallel_loop3A_1016 = arith.constant 0 : i32
        %parallel_loop3A_1017 = tpu.memref_slice %arg9[%parallel_loop3A_313, %parallel_loop3A_1015, %parallel_loop3A_1016] : memref<2x16x1024xf32, #tpu.memory_space<vmem>> -> memref<1x16x1024xf32, #tpu.memory_space<vmem>>
        %parallel_loop3A_1018 = tpu.memref_squeeze %parallel_loop3A_1017 : memref<1x16x1024xf32, #tpu.memory_space<vmem>> -> memref<16x1024xf32, #tpu.memory_space<vmem>>
        %parallel_loop3A_1019 = arith.constant 0 : i32
        %parallel_loop3A_1020 = tpu.memref_slice %parallel_loop3A_1018[%parallel_loop3A_314, %parallel_loop3A_1019] : memref<16x1024xf32, #tpu.memory_space<vmem>> -> memref<1x1024xf32, #tpu.memory_space<vmem>>
        %parallel_loop3A_1021 = tpu.memref_squeeze %parallel_loop3A_1020 : memref<1x1024xf32, #tpu.memory_space<vmem>> -> memref<1024xf32, #tpu.memory_space<vmem>>
        %parallel_loop3A_1022 = arith.index_cast %parallel_loop3A_1014 : i32 to index
        %parallel_loop3A_1023 = tpu.vector_load %parallel_loop3A_1021[%parallel_loop3A_1022] {strides = array<i32>} : memref<1024xf32, #tpu.memory_space<vmem>>, vector<16xf32>,
        %parallel_loop3A_1024 = vector.shape_cast %parallel_loop3A_1023 : vector<16xf32> to vector<16xf32>
        %parallel_loop3A_1025 = arith.constant 0 : i32
        %parallel_loop3A_1026 = arith.constant 0 : i32
        %parallel_loop3A_1027 = tpu.memref_slice %arg10[%parallel_loop3A_315, %parallel_loop3A_1025, %parallel_loop3A_1026] : memref<2x16x1024xf32, #tpu.memory_space<vmem>> -> memref<1x16x1024xf32, #tpu.memory_space<vmem>>
        %parallel_loop3A_1028 = tpu.memref_squeeze %parallel_loop3A_1027 : memref<1x16x1024xf32, #tpu.memory_space<vmem>> -> memref<16x1024xf32, #tpu.memory_space<vmem>>
        %parallel_loop3A_1029 = arith.constant 0 : i32
        %parallel_loop3A_1030 = tpu.memref_slice %parallel_loop3A_1028[%parallel_loop3A_316, %parallel_loop3A_1029] : memref<16x1024xf32, #tpu.memory_space<vmem>> -> memref<1x1024xf32, #tpu.memory_space<vmem>>
        %parallel_loop3A_1031 = tpu.memref_squeeze %parallel_loop3A_1030 : memref<1x1024xf32, #tpu.memory_space<vmem>> -> memref<1024xf32, #tpu.memory_space<vmem>>
        %parallel_loop3A_1032 = arith.index_cast %parallel_loop3A_1014 : i32 to index
        %parallel_loop3A_1033 = tpu.vector_load %parallel_loop3A_1031[%parallel_loop3A_1032] {strides = array<i32>} : memref<1024xf32, #tpu.memory_space<vmem>>, vector<16xf32>,
        %parallel_loop3A_1034 = vector.shape_cast %parallel_loop3A_1033 : vector<16xf32> to vector<16xf32>
        %parallel_loop3A_1035 = arith.select %ge3A_305, %parallel_loop3A_1024, %parallel_loop3A_1034 : vector<16xi1>, vector<16xf32>
        %parallel_loop3A_1036 = arith.constant 0 : i32
        %parallel_loop3A_1037 = arith.constant 0 : i32
        %parallel_loop3A_1038 = tpu.memref_slice %arg11[%parallel_loop3A_317, %parallel_loop3A_1036, %parallel_loop3A_1037] : memref<2x8x1024xf32, #tpu.memory_space<vmem>> -> memref<1x8x1024xf32, #tpu.memory_space<vmem>>
        %parallel_loop3A_1039 = tpu.memref_squeeze %parallel_loop3A_1038 : memref<1x8x1024xf32, #tpu.memory_space<vmem>> -> memref<8x1024xf32, #tpu.memory_space<vmem>>
        %parallel_loop3A_1040 = arith.constant 0 : i32
        %parallel_loop3A_1041 = tpu.memref_slice %parallel_loop3A_1039[%parallel_loop3A_318, %parallel_loop3A_1040] : memref<8x1024xf32, #tpu.memory_space<vmem>> -> memref<1x1024xf32, #tpu.memory_space<vmem>>
        %parallel_loop3A_1042 = tpu.memref_squeeze %parallel_loop3A_1041 : memref<1x1024xf32, #tpu.memory_space<vmem>> -> memref<1024xf32, #tpu.memory_space<vmem>>
        %parallel_loop3A_1043 = arith.index_cast %parallel_loop3A_1014 : i32 to index
        %parallel_loop3A_1044 = tpu.vector_load %parallel_loop3A_1042[%parallel_loop3A_1043] {strides = array<i32>} : memref<1024xf32, #tpu.memory_space<vmem>>, vector<16xf32>,
        %parallel_loop3A_1045 = vector.shape_cast %parallel_loop3A_1044 : vector<16xf32> to vector<16xf32>
        %parallel_loop3A_1046 = vector.shape_cast %parallel_loop3A_1035 : vector<16xf32> to vector<16xf32>
        tpu.vector_store %parallel_loop3A_1042[%parallel_loop3A_1043], %parallel_loop3A_1046 {strides = array<i32>} : memref<1024xf32, #tpu.memory_space<vmem>>, vector<16xf32>,
        %parallel_loop3A_1047 = arith.select %ge3A_309, %parallel_loop3A_1034, %parallel_loop3A_1024 : vector<16xi1>, vector<16xf32>
        %parallel_loop3A_1048 = arith.constant 0 : i32
        %parallel_loop3A_1049 = arith.constant 0 : i32
        %parallel_loop3A_1050 = tpu.memref_slice %arg12[%parallel_loop3A_319, %parallel_loop3A_1048, %parallel_loop3A_1049] : memref<2x8x1024xf32, #tpu.memory_space<vmem>> -> memref<1x8x1024xf32, #tpu.memory_space<vmem>>
        %parallel_loop3A_1051 = tpu.memref_squeeze %parallel_loop3A_1050 : memref<1x8x1024xf32, #tpu.memory_space<vmem>> -> memref<8x1024xf32, #tpu.memory_space<vmem>>
        %parallel_loop3A_1052 = arith.constant 0 : i32
        %parallel_loop3A_1053 = tpu.memref_slice %parallel_loop3A_1051[%parallel_loop3A_320, %parallel_loop3A_1052] : memref<8x1024xf32, #tpu.memory_space<vmem>> -> memref<1x1024xf32, #tpu.memory_space<vmem>>
        %parallel_loop3A_1054 = tpu.memref_squeeze %parallel_loop3A_1053 : memref<1x1024xf32, #tpu.memory_space<vmem>> -> memref<1024xf32, #tpu.memory_space<vmem>>
        %parallel_loop3A_1055 = arith.index_cast %parallel_loop3A_1014 : i32 to index
        %parallel_loop3A_1056 = tpu.vector_load %parallel_loop3A_1054[%parallel_loop3A_1055] {strides = array<i32>} : memref<1024xf32, #tpu.memory_space<vmem>>, vector<16xf32>,
        %parallel_loop3A_1057 = vector.shape_cast %parallel_loop3A_1056 : vector<16xf32> to vector<16xf32>
        %parallel_loop3A_1058 = vector.shape_cast %parallel_loop3A_1047 : vector<16xf32> to vector<16xf32>
        tpu.vector_store %parallel_loop3A_1054[%parallel_loop3A_1055], %parallel_loop3A_1058 {strides = array<i32>} : memref<1024xf32, #tpu.memory_space<vmem>>, vector<16xf32>,
      } {sc.loop_unroll_factor = 8 : i64, sc.parallel_access}
      %mul3A_321 = arith.constant 16 : i32
      %mul3A_322 = arith.muli %add3A_100, %mul3A_321 : i32
      %add3A_323 = arith.addi %mul3A_2, %mul3A_322 : i32
      %add3A_324 = arith.constant 0 : i32
      %add3A_325 = arith.addi %add3A_323, %add3A_324 : i32
      %dma_start3A_326 = arith.constant 0 : i32
      %dma_start3A_327 = arith.constant 0 : i32
      %dma_start3A_328 = arith.constant 0 : i32
      %dma_start3A_329 = tpu.memref_slice %arg11[%dma_start3A_326, %dma_start3A_327, %dma_start3A_328] : memref<2x8x1024xf32, #tpu.memory_space<vmem>> -> memref<1x8x1024xf32, #tpu.memory_space<vmem>>
      %dma_start3A_330 = tpu.memref_squeeze %dma_start3A_329 : memref<1x8x1024xf32, #tpu.memory_space<vmem>> -> memref<8x1024xf32, #tpu.memory_space<vmem>>
      %dma_start3A_331 = arith.constant 0 : i32
      %dma_start3A_332 = tpu.memref_slice %arg7[%add3A_325, %dma_start3A_331] : memref<32768x1024xf32, #tpu.memory_space<hbm>> -> memref<8x1024xf32, #tpu.memory_space<hbm>>
      %dma_start3A_333 = arith.constant 0 : i32
      %dma_start3A_334 = tpu.memref_slice %arg7[%add3A_325, %dma_start3A_333] : memref<32768x1024xf32, #tpu.memory_space<hbm>> -> memref<8x1024xf32, #tpu.memory_space<hbm>>
      %dma_start3A_335 = arith.constant 0 : i32
      %dma_start3A_336 = arith.constant 0 : i32
      %dma_start3A_337 = tpu.memref_slice %arg11[%dma_start3A_326, %dma_start3A_335, %dma_start3A_336] : memref<2x8x1024xf32, #tpu.memory_space<vmem>> -> memref<1x8x1024xf32, #tpu.memory_space<vmem>>
      %dma_start3A_338 = tpu.memref_squeeze %dma_start3A_337 : memref<1x8x1024xf32, #tpu.memory_space<vmem>> -> memref<8x1024xf32, #tpu.memory_space<vmem>>
      tpu.enqueue_dma source(%dma_start3A_338 : memref<8x1024xf32, #tpu.memory_space<vmem>>) target(%dma_start3A_334 : memref<8x1024xf32, #tpu.memory_space<hbm>>) target_semaphore(%arg18 : memref<!tpu.dma_semaphore, #tpu.memory_space<semaphore_mem>>)
      %dma_start3A_339 = arith.constant 0 : i32
      %dma_start3A_340 = arith.constant 0 : i32
      %dma_start3A_341 = arith.constant 0 : i32
      %dma_start3A_342 = tpu.memref_slice %arg12[%dma_start3A_339, %dma_start3A_340, %dma_start3A_341] : memref<2x8x1024xf32, #tpu.memory_space<vmem>> -> memref<1x8x1024xf32, #tpu.memory_space<vmem>>
      %dma_start3A_343 = tpu.memref_squeeze %dma_start3A_342 : memref<1x8x1024xf32, #tpu.memory_space<vmem>> -> memref<8x1024xf32, #tpu.memory_space<vmem>>
      %dma_start3A_344 = arith.constant 0 : i32
      %dma_start3A_345 = tpu.memref_slice %arg8[%add3A_325, %dma_start3A_344] : memref<32768x1024xf32, #tpu.memory_space<hbm>> -> memref<8x1024xf32, #tpu.memory_space<hbm>>
      %dma_start3A_346 = arith.constant 0 : i32
      %dma_start3A_347 = tpu.memref_slice %arg8[%add3A_325, %dma_start3A_346] : memref<32768x1024xf32, #tpu.memory_space<hbm>> -> memref<8x1024xf32, #tpu.memory_space<hbm>>
      %dma_start3A_348 = arith.constant 0 : i32
      %dma_start3A_349 = arith.constant 0 : i32
      %dma_start3A_350 = tpu.memref_slice %arg12[%dma_start3A_339, %dma_start3A_348, %dma_start3A_349] : memref<2x8x1024xf32, #tpu.memory_space<vmem>> -> memref<1x8x1024xf32, #tpu.memory_space<vmem>>
      %dma_start3A_351 = tpu.memref_squeeze %dma_start3A_350 : memref<1x8x1024xf32, #tpu.memory_space<vmem>> -> memref<8x1024xf32, #tpu.memory_space<vmem>>
      tpu.enqueue_dma source(%dma_start3A_351 : memref<8x1024xf32, #tpu.memory_space<vmem>>) target(%dma_start3A_347 : memref<8x1024xf32, #tpu.memory_space<hbm>>) target_semaphore(%arg18 : memref<!tpu.dma_semaphore, #tpu.memory_space<semaphore_mem>>)
      %gt3A_352 = arith.constant 0 : i32
      %gt3A_353 = arith.cmpi sgt, %scan3A_96, %gt3A_352 : i32
      %convert_element_type3A_354 = arith.extui %gt3A_353 : i1 to i32
      %cond3A_355 = arith.constant 0 : i32
      %cond3A_356 = arith.cmpi ne, %convert_element_type3A_354, %cond3A_355 : i32
      scf.if %cond3A_356 {
        %dma_wait3A_1014 = arith.constant 1 : i32
        %dma_wait3A_1015 = arith.constant 0 : i32
        %dma_wait3A_1016 = arith.constant 0 : i32
        %dma_wait3A_1017 = tpu.memref_slice %arg11[%dma_wait3A_1014, %dma_wait3A_1015, %dma_wait3A_1016] : memref<2x8x1024xf32, #tpu.memory_space<vmem>> -> memref<1x8x1024xf32, #tpu.memory_space<vmem>>
        %dma_wait3A_1018 = tpu.memref_squeeze %dma_wait3A_1017 : memref<1x8x1024xf32, #tpu.memory_space<vmem>> -> memref<8x1024xf32, #tpu.memory_space<vmem>>
        %dma_wait3A_1019 = arith.constant 0 : i32
        %dma_wait3A_1020 = arith.constant 0 : i32
        %dma_wait3A_1021 = tpu.memref_slice %arg7[%dma_wait3A_1019, %dma_wait3A_1020] : memref<32768x1024xf32, #tpu.memory_space<hbm>> -> memref<8x1024xf32, #tpu.memory_space<hbm>>
        %dma_wait3A_1022 = arith.constant 0 : i32
        %dma_wait3A_1023 = arith.constant 0 : i32
        %dma_wait3A_1024 = tpu.memref_slice %arg7[%dma_wait3A_1022, %dma_wait3A_1023] : memref<32768x1024xf32, #tpu.memory_space<hbm>> -> memref<8x1024xf32, #tpu.memory_space<hbm>>
        %dma_wait3A_1025 = arith.constant 0 : i32
        %dma_wait3A_1026 = arith.constant 0 : i32
        %dma_wait3A_1027 = tpu.memref_slice %arg11[%dma_wait3A_1014, %dma_wait3A_1025, %dma_wait3A_1026] : memref<2x8x1024xf32, #tpu.memory_space<vmem>> -> memref<1x8x1024xf32, #tpu.memory_space<vmem>>
        %dma_wait3A_1028 = tpu.memref_squeeze %dma_wait3A_1027 : memref<1x8x1024xf32, #tpu.memory_space<vmem>> -> memref<8x1024xf32, #tpu.memory_space<vmem>>
        tpu.wait_dma2 semaphore(%arg19 : memref<!tpu.dma_semaphore, #tpu.memory_space<semaphore_mem>>) src(%dma_wait3A_1028 : memref<8x1024xf32, #tpu.memory_space<vmem>>) dst(%dma_wait3A_1024 : memref<8x1024xf32, #tpu.memory_space<hbm>>)
        %dma_wait3A_1029 = arith.constant 1 : i32
        %dma_wait3A_1030 = arith.constant 0 : i32
        %dma_wait3A_1031 = arith.constant 0 : i32
        %dma_wait3A_1032 = tpu.memref_slice %arg12[%dma_wait3A_1029, %dma_wait3A_1030, %dma_wait3A_1031] : memref<2x8x1024xf32, #tpu.memory_space<vmem>> -> memref<1x8x1024xf32, #tpu.memory_space<vmem>>
        %dma_wait3A_1033 = tpu.memref_squeeze %dma_wait3A_1032 : memref<1x8x1024xf32, #tpu.memory_space<vmem>> -> memref<8x1024xf32, #tpu.memory_space<vmem>>
        %dma_wait3A_1034 = arith.constant 0 : i32
        %dma_wait3A_1035 = arith.constant 0 : i32
        %dma_wait3A_1036 = tpu.memref_slice %arg8[%dma_wait3A_1034, %dma_wait3A_1035] : memref<32768x1024xf32, #tpu.memory_space<hbm>> -> memref<8x1024xf32, #tpu.memory_space<hbm>>
        %dma_wait3A_1037 = arith.constant 0 : i32
        %dma_wait3A_1038 = arith.constant 0 : i32
        %dma_wait3A_1039 = tpu.memref_slice %arg8[%dma_wait3A_1037, %dma_wait3A_1038] : memref<32768x1024xf32, #tpu.memory_space<hbm>> -> memref<8x1024xf32, #tpu.memory_space<hbm>>
        %dma_wait3A_1040 = arith.constant 0 : i32
        %dma_wait3A_1041 = arith.constant 0 : i32
        %dma_wait3A_1042 = tpu.memref_slice %arg12[%dma_wait3A_1029, %dma_wait3A_1040, %dma_wait3A_1041] : memref<2x8x1024xf32, #tpu.memory_space<vmem>> -> memref<1x8x1024xf32, #tpu.memory_space<vmem>>
        %dma_wait3A_1043 = tpu.memref_squeeze %dma_wait3A_1042 : memref<1x8x1024xf32, #tpu.memory_space<vmem>> -> memref<8x1024xf32, #tpu.memory_space<vmem>>
        tpu.wait_dma2 semaphore(%arg19 : memref<!tpu.dma_semaphore, #tpu.memory_space<semaphore_mem>>) src(%dma_wait3A_1043 : memref<8x1024xf32, #tpu.memory_space<vmem>>) dst(%dma_wait3A_1039 : memref<8x1024xf32, #tpu.memory_space<hbm>>)
      } else {
      }
      %slice3A_357 = vector.extract_strided_slice %get3A_166 {offsets = [8], sizes = [1], strides = [1]} : vector<16xf32> to vector<1xf32>
      %squeeze3A_358 = vector.extract %slice3A_357[0] : f32 from vector<1xf32>
      %broadcast_in_dim3A_359 = vector.broadcast %squeeze3A_358 : f32 to vector<16xf32>
      %ge3A_360 = arith.cmpf oge, %broadcast_in_dim3A_359, %get3A_4 : vector<16xf32>
      %slice3A_361 = vector.extract_strided_slice %get3A_171 {offsets = [8], sizes = [1], strides = [1]} : vector<16xf32> to vector<1xf32>
      %squeeze3A_362 = vector.extract %slice3A_361[0] : f32 from vector<1xf32>
      %broadcast_in_dim3A_363 = vector.broadcast %squeeze3A_362 : f32 to vector<16xf32>
      %ge3A_364 = arith.cmpf oge, %broadcast_in_dim3A_363, %get3A_4 : vector<16xf32>
      %parallel_loop3A_365 = arith.constant 0 : i32
      %parallel_loop3A_366 = arith.constant 1024 : i32
      %parallel_loop3A_367 = arith.constant 16 : i32
      %parallel_loop3A_368 = arith.constant 0 : i32
      %parallel_loop3A_369 = arith.constant 8 : i32
      %parallel_loop3A_370 = arith.constant 0 : i32
      %parallel_loop3A_371 = arith.constant 8 : i32
      %parallel_loop3A_372 = arith.constant 1 : i32
      %parallel_loop3A_373 = arith.constant 0 : i32
      %parallel_loop3A_374 = arith.constant 1 : i32
      %parallel_loop3A_375 = arith.constant 0 : i32
      scf.for %parallel_loop3A_1014 = %parallel_loop3A_365 to %parallel_loop3A_366 step %parallel_loop3A_367  : i32 {
        %parallel_loop3A_1015 = arith.constant 0 : i32
        %parallel_loop3A_1016 = arith.constant 0 : i32
        %parallel_loop3A_1017 = tpu.memref_slice %arg9[%parallel_loop3A_368, %parallel_loop3A_1015, %parallel_loop3A_1016] : memref<2x16x1024xf32, #tpu.memory_space<vmem>> -> memref<1x16x1024xf32, #tpu.memory_space<vmem>>
        %parallel_loop3A_1018 = tpu.memref_squeeze %parallel_loop3A_1017 : memref<1x16x1024xf32, #tpu.memory_space<vmem>> -> memref<16x1024xf32, #tpu.memory_space<vmem>>
        %parallel_loop3A_1019 = arith.constant 0 : i32
        %parallel_loop3A_1020 = tpu.memref_slice %parallel_loop3A_1018[%parallel_loop3A_369, %parallel_loop3A_1019] : memref<16x1024xf32, #tpu.memory_space<vmem>> -> memref<1x1024xf32, #tpu.memory_space<vmem>>
        %parallel_loop3A_1021 = tpu.memref_squeeze %parallel_loop3A_1020 : memref<1x1024xf32, #tpu.memory_space<vmem>> -> memref<1024xf32, #tpu.memory_space<vmem>>
        %parallel_loop3A_1022 = arith.index_cast %parallel_loop3A_1014 : i32 to index
        %parallel_loop3A_1023 = tpu.vector_load %parallel_loop3A_1021[%parallel_loop3A_1022] {strides = array<i32>} : memref<1024xf32, #tpu.memory_space<vmem>>, vector<16xf32>,
        %parallel_loop3A_1024 = vector.shape_cast %parallel_loop3A_1023 : vector<16xf32> to vector<16xf32>
        %parallel_loop3A_1025 = arith.constant 0 : i32
        %parallel_loop3A_1026 = arith.constant 0 : i32
        %parallel_loop3A_1027 = tpu.memref_slice %arg10[%parallel_loop3A_370, %parallel_loop3A_1025, %parallel_loop3A_1026] : memref<2x16x1024xf32, #tpu.memory_space<vmem>> -> memref<1x16x1024xf32, #tpu.memory_space<vmem>>
        %parallel_loop3A_1028 = tpu.memref_squeeze %parallel_loop3A_1027 : memref<1x16x1024xf32, #tpu.memory_space<vmem>> -> memref<16x1024xf32, #tpu.memory_space<vmem>>
        %parallel_loop3A_1029 = arith.constant 0 : i32
        %parallel_loop3A_1030 = tpu.memref_slice %parallel_loop3A_1028[%parallel_loop3A_371, %parallel_loop3A_1029] : memref<16x1024xf32, #tpu.memory_space<vmem>> -> memref<1x1024xf32, #tpu.memory_space<vmem>>
        %parallel_loop3A_1031 = tpu.memref_squeeze %parallel_loop3A_1030 : memref<1x1024xf32, #tpu.memory_space<vmem>> -> memref<1024xf32, #tpu.memory_space<vmem>>
        %parallel_loop3A_1032 = arith.index_cast %parallel_loop3A_1014 : i32 to index
        %parallel_loop3A_1033 = tpu.vector_load %parallel_loop3A_1031[%parallel_loop3A_1032] {strides = array<i32>} : memref<1024xf32, #tpu.memory_space<vmem>>, vector<16xf32>,
        %parallel_loop3A_1034 = vector.shape_cast %parallel_loop3A_1033 : vector<16xf32> to vector<16xf32>
        %parallel_loop3A_1035 = arith.select %ge3A_360, %parallel_loop3A_1024, %parallel_loop3A_1034 : vector<16xi1>, vector<16xf32>
        %parallel_loop3A_1036 = arith.constant 0 : i32
        %parallel_loop3A_1037 = arith.constant 0 : i32
        %parallel_loop3A_1038 = tpu.memref_slice %arg11[%parallel_loop3A_372, %parallel_loop3A_1036, %parallel_loop3A_1037] : memref<2x8x1024xf32, #tpu.memory_space<vmem>> -> memref<1x8x1024xf32, #tpu.memory_space<vmem>>
        %parallel_loop3A_1039 = tpu.memref_squeeze %parallel_loop3A_1038 : memref<1x8x1024xf32, #tpu.memory_space<vmem>> -> memref<8x1024xf32, #tpu.memory_space<vmem>>
        %parallel_loop3A_1040 = arith.constant 0 : i32
        %parallel_loop3A_1041 = tpu.memref_slice %parallel_loop3A_1039[%parallel_loop3A_373, %parallel_loop3A_1040] : memref<8x1024xf32, #tpu.memory_space<vmem>> -> memref<1x1024xf32, #tpu.memory_space<vmem>>
        %parallel_loop3A_1042 = tpu.memref_squeeze %parallel_loop3A_1041 : memref<1x1024xf32, #tpu.memory_space<vmem>> -> memref<1024xf32, #tpu.memory_space<vmem>>
        %parallel_loop3A_1043 = arith.index_cast %parallel_loop3A_1014 : i32 to index
        %parallel_loop3A_1044 = tpu.vector_load %parallel_loop3A_1042[%parallel_loop3A_1043] {strides = array<i32>} : memref<1024xf32, #tpu.memory_space<vmem>>, vector<16xf32>,
        %parallel_loop3A_1045 = vector.shape_cast %parallel_loop3A_1044 : vector<16xf32> to vector<16xf32>
        %parallel_loop3A_1046 = vector.shape_cast %parallel_loop3A_1035 : vector<16xf32> to vector<16xf32>
        tpu.vector_store %parallel_loop3A_1042[%parallel_loop3A_1043], %parallel_loop3A_1046 {strides = array<i32>} : memref<1024xf32, #tpu.memory_space<vmem>>, vector<16xf32>,
        %parallel_loop3A_1047 = arith.select %ge3A_364, %parallel_loop3A_1034, %parallel_loop3A_1024 : vector<16xi1>, vector<16xf32>
        %parallel_loop3A_1048 = arith.constant 0 : i32
        %parallel_loop3A_1049 = arith.constant 0 : i32
        %parallel_loop3A_1050 = tpu.memref_slice %arg12[%parallel_loop3A_374, %parallel_loop3A_1048, %parallel_loop3A_1049] : memref<2x8x1024xf32, #tpu.memory_space<vmem>> -> memref<1x8x1024xf32, #tpu.memory_space<vmem>>
        %parallel_loop3A_1051 = tpu.memref_squeeze %parallel_loop3A_1050 : memref<1x8x1024xf32, #tpu.memory_space<vmem>> -> memref<8x1024xf32, #tpu.memory_space<vmem>>
        %parallel_loop3A_1052 = arith.constant 0 : i32
        %parallel_loop3A_1053 = tpu.memref_slice %parallel_loop3A_1051[%parallel_loop3A_375, %parallel_loop3A_1052] : memref<8x1024xf32, #tpu.memory_space<vmem>> -> memref<1x1024xf32, #tpu.memory_space<vmem>>
        %parallel_loop3A_1054 = tpu.memref_squeeze %parallel_loop3A_1053 : memref<1x1024xf32, #tpu.memory_space<vmem>> -> memref<1024xf32, #tpu.memory_space<vmem>>
        %parallel_loop3A_1055 = arith.index_cast %parallel_loop3A_1014 : i32 to index
        %parallel_loop3A_1056 = tpu.vector_load %parallel_loop3A_1054[%parallel_loop3A_1055] {strides = array<i32>} : memref<1024xf32, #tpu.memory_space<vmem>>, vector<16xf32>,
        %parallel_loop3A_1057 = vector.shape_cast %parallel_loop3A_1056 : vector<16xf32> to vector<16xf32>
        %parallel_loop3A_1058 = vector.shape_cast %parallel_loop3A_1047 : vector<16xf32> to vector<16xf32>
        tpu.vector_store %parallel_loop3A_1054[%parallel_loop3A_1055], %parallel_loop3A_1058 {strides = array<i32>} : memref<1024xf32, #tpu.memory_space<vmem>>, vector<16xf32>,
      } {sc.loop_unroll_factor = 8 : i64, sc.parallel_access}
      %slice3A_376 = vector.extract_strided_slice %get3A_166 {offsets = [9], sizes = [1], strides = [1]} : vector<16xf32> to vector<1xf32>
      %squeeze3A_377 = vector.extract %slice3A_376[0] : f32 from vector<1xf32>
      %broadcast_in_dim3A_378 = vector.broadcast %squeeze3A_377 : f32 to vector<16xf32>
      %ge3A_379 = arith.cmpf oge, %broadcast_in_dim3A_378, %get3A_4 : vector<16xf32>
      %slice3A_380 = vector.extract_strided_slice %get3A_171 {offsets = [9], sizes = [1], strides = [1]} : vector<16xf32> to vector<1xf32>
      %squeeze3A_381 = vector.extract %slice3A_380[0] : f32 from vector<1xf32>
      %broadcast_in_dim3A_382 = vector.broadcast %squeeze3A_381 : f32 to vector<16xf32>
      %ge3A_383 = arith.cmpf oge, %broadcast_in_dim3A_382, %get3A_4 : vector<16xf32>
      %parallel_loop3A_384 = arith.constant 0 : i32
      %parallel_loop3A_385 = arith.constant 1024 : i32
      %parallel_loop3A_386 = arith.constant 16 : i32
      %parallel_loop3A_387 = arith.constant 0 : i32
      %parallel_loop3A_388 = arith.constant 9 : i32
      %parallel_loop3A_389 = arith.constant 0 : i32
      %parallel_loop3A_390 = arith.constant 9 : i32
      %parallel_loop3A_391 = arith.constant 1 : i32
      %parallel_loop3A_392 = arith.constant 1 : i32
      %parallel_loop3A_393 = arith.constant 1 : i32
      %parallel_loop3A_394 = arith.constant 1 : i32
      scf.for %parallel_loop3A_1014 = %parallel_loop3A_384 to %parallel_loop3A_385 step %parallel_loop3A_386  : i32 {
        %parallel_loop3A_1015 = arith.constant 0 : i32
        %parallel_loop3A_1016 = arith.constant 0 : i32
        %parallel_loop3A_1017 = tpu.memref_slice %arg9[%parallel_loop3A_387, %parallel_loop3A_1015, %parallel_loop3A_1016] : memref<2x16x1024xf32, #tpu.memory_space<vmem>> -> memref<1x16x1024xf32, #tpu.memory_space<vmem>>
        %parallel_loop3A_1018 = tpu.memref_squeeze %parallel_loop3A_1017 : memref<1x16x1024xf32, #tpu.memory_space<vmem>> -> memref<16x1024xf32, #tpu.memory_space<vmem>>
        %parallel_loop3A_1019 = arith.constant 0 : i32
        %parallel_loop3A_1020 = tpu.memref_slice %parallel_loop3A_1018[%parallel_loop3A_388, %parallel_loop3A_1019] : memref<16x1024xf32, #tpu.memory_space<vmem>> -> memref<1x1024xf32, #tpu.memory_space<vmem>>
        %parallel_loop3A_1021 = tpu.memref_squeeze %parallel_loop3A_1020 : memref<1x1024xf32, #tpu.memory_space<vmem>> -> memref<1024xf32, #tpu.memory_space<vmem>>
        %parallel_loop3A_1022 = arith.index_cast %parallel_loop3A_1014 : i32 to index
        %parallel_loop3A_1023 = tpu.vector_load %parallel_loop3A_1021[%parallel_loop3A_1022] {strides = array<i32>} : memref<1024xf32, #tpu.memory_space<vmem>>, vector<16xf32>,
        %parallel_loop3A_1024 = vector.shape_cast %parallel_loop3A_1023 : vector<16xf32> to vector<16xf32>
        %parallel_loop3A_1025 = arith.constant 0 : i32
        %parallel_loop3A_1026 = arith.constant 0 : i32
        %parallel_loop3A_1027 = tpu.memref_slice %arg10[%parallel_loop3A_389, %parallel_loop3A_1025, %parallel_loop3A_1026] : memref<2x16x1024xf32, #tpu.memory_space<vmem>> -> memref<1x16x1024xf32, #tpu.memory_space<vmem>>
        %parallel_loop3A_1028 = tpu.memref_squeeze %parallel_loop3A_1027 : memref<1x16x1024xf32, #tpu.memory_space<vmem>> -> memref<16x1024xf32, #tpu.memory_space<vmem>>
        %parallel_loop3A_1029 = arith.constant 0 : i32
        %parallel_loop3A_1030 = tpu.memref_slice %parallel_loop3A_1028[%parallel_loop3A_390, %parallel_loop3A_1029] : memref<16x1024xf32, #tpu.memory_space<vmem>> -> memref<1x1024xf32, #tpu.memory_space<vmem>>
        %parallel_loop3A_1031 = tpu.memref_squeeze %parallel_loop3A_1030 : memref<1x1024xf32, #tpu.memory_space<vmem>> -> memref<1024xf32, #tpu.memory_space<vmem>>
        %parallel_loop3A_1032 = arith.index_cast %parallel_loop3A_1014 : i32 to index
        %parallel_loop3A_1033 = tpu.vector_load %parallel_loop3A_1031[%parallel_loop3A_1032] {strides = array<i32>} : memref<1024xf32, #tpu.memory_space<vmem>>, vector<16xf32>,
        %parallel_loop3A_1034 = vector.shape_cast %parallel_loop3A_1033 : vector<16xf32> to vector<16xf32>
        %parallel_loop3A_1035 = arith.select %ge3A_379, %parallel_loop3A_1024, %parallel_loop3A_1034 : vector<16xi1>, vector<16xf32>
        %parallel_loop3A_1036 = arith.constant 0 : i32
        %parallel_loop3A_1037 = arith.constant 0 : i32
        %parallel_loop3A_1038 = tpu.memref_slice %arg11[%parallel_loop3A_391, %parallel_loop3A_1036, %parallel_loop3A_1037] : memref<2x8x1024xf32, #tpu.memory_space<vmem>> -> memref<1x8x1024xf32, #tpu.memory_space<vmem>>
        %parallel_loop3A_1039 = tpu.memref_squeeze %parallel_loop3A_1038 : memref<1x8x1024xf32, #tpu.memory_space<vmem>> -> memref<8x1024xf32, #tpu.memory_space<vmem>>
        %parallel_loop3A_1040 = arith.constant 0 : i32
        %parallel_loop3A_1041 = tpu.memref_slice %parallel_loop3A_1039[%parallel_loop3A_392, %parallel_loop3A_1040] : memref<8x1024xf32, #tpu.memory_space<vmem>> -> memref<1x1024xf32, #tpu.memory_space<vmem>>
        %parallel_loop3A_1042 = tpu.memref_squeeze %parallel_loop3A_1041 : memref<1x1024xf32, #tpu.memory_space<vmem>> -> memref<1024xf32, #tpu.memory_space<vmem>>
        %parallel_loop3A_1043 = arith.index_cast %parallel_loop3A_1014 : i32 to index
        %parallel_loop3A_1044 = tpu.vector_load %parallel_loop3A_1042[%parallel_loop3A_1043] {strides = array<i32>} : memref<1024xf32, #tpu.memory_space<vmem>>, vector<16xf32>,
        %parallel_loop3A_1045 = vector.shape_cast %parallel_loop3A_1044 : vector<16xf32> to vector<16xf32>
        %parallel_loop3A_1046 = vector.shape_cast %parallel_loop3A_1035 : vector<16xf32> to vector<16xf32>
        tpu.vector_store %parallel_loop3A_1042[%parallel_loop3A_1043], %parallel_loop3A_1046 {strides = array<i32>} : memref<1024xf32, #tpu.memory_space<vmem>>, vector<16xf32>,
        %parallel_loop3A_1047 = arith.select %ge3A_383, %parallel_loop3A_1034, %parallel_loop3A_1024 : vector<16xi1>, vector<16xf32>
        %parallel_loop3A_1048 = arith.constant 0 : i32
        %parallel_loop3A_1049 = arith.constant 0 : i32
        %parallel_loop3A_1050 = tpu.memref_slice %arg12[%parallel_loop3A_393, %parallel_loop3A_1048, %parallel_loop3A_1049] : memref<2x8x1024xf32, #tpu.memory_space<vmem>> -> memref<1x8x1024xf32, #tpu.memory_space<vmem>>
        %parallel_loop3A_1051 = tpu.memref_squeeze %parallel_loop3A_1050 : memref<1x8x1024xf32, #tpu.memory_space<vmem>> -> memref<8x1024xf32, #tpu.memory_space<vmem>>
        %parallel_loop3A_1052 = arith.constant 0 : i32
        %parallel_loop3A_1053 = tpu.memref_slice %parallel_loop3A_1051[%parallel_loop3A_394, %parallel_loop3A_1052] : memref<8x1024xf32, #tpu.memory_space<vmem>> -> memref<1x1024xf32, #tpu.memory_space<vmem>>
        %parallel_loop3A_1054 = tpu.memref_squeeze %parallel_loop3A_1053 : memref<1x1024xf32, #tpu.memory_space<vmem>> -> memref<1024xf32, #tpu.memory_space<vmem>>
        %parallel_loop3A_1055 = arith.index_cast %parallel_loop3A_1014 : i32 to index
        %parallel_loop3A_1056 = tpu.vector_load %parallel_loop3A_1054[%parallel_loop3A_1055] {strides = array<i32>} : memref<1024xf32, #tpu.memory_space<vmem>>, vector<16xf32>,
        %parallel_loop3A_1057 = vector.shape_cast %parallel_loop3A_1056 : vector<16xf32> to vector<16xf32>
        %parallel_loop3A_1058 = vector.shape_cast %parallel_loop3A_1047 : vector<16xf32> to vector<16xf32>
        tpu.vector_store %parallel_loop3A_1054[%parallel_loop3A_1055], %parallel_loop3A_1058 {strides = array<i32>} : memref<1024xf32, #tpu.memory_space<vmem>>, vector<16xf32>,
      } {sc.loop_unroll_factor = 8 : i64, sc.parallel_access}
      %slice3A_395 = vector.extract_strided_slice %get3A_166 {offsets = [10], sizes = [1], strides = [1]} : vector<16xf32> to vector<1xf32>
      %squeeze3A_396 = vector.extract %slice3A_395[0] : f32 from vector<1xf32>
      %broadcast_in_dim3A_397 = vector.broadcast %squeeze3A_396 : f32 to vector<16xf32>
      %ge3A_398 = arith.cmpf oge, %broadcast_in_dim3A_397, %get3A_4 : vector<16xf32>
      %slice3A_399 = vector.extract_strided_slice %get3A_171 {offsets = [10], sizes = [1], strides = [1]} : vector<16xf32> to vector<1xf32>
      %squeeze3A_400 = vector.extract %slice3A_399[0] : f32 from vector<1xf32>
      %broadcast_in_dim3A_401 = vector.broadcast %squeeze3A_400 : f32 to vector<16xf32>
      %ge3A_402 = arith.cmpf oge, %broadcast_in_dim3A_401, %get3A_4 : vector<16xf32>
      %parallel_loop3A_403 = arith.constant 0 : i32
      %parallel_loop3A_404 = arith.constant 1024 : i32
      %parallel_loop3A_405 = arith.constant 16 : i32
      %parallel_loop3A_406 = arith.constant 0 : i32
      %parallel_loop3A_407 = arith.constant 10 : i32
      %parallel_loop3A_408 = arith.constant 0 : i32
      %parallel_loop3A_409 = arith.constant 10 : i32
      %parallel_loop3A_410 = arith.constant 1 : i32
      %parallel_loop3A_411 = arith.constant 2 : i32
      %parallel_loop3A_412 = arith.constant 1 : i32
      %parallel_loop3A_413 = arith.constant 2 : i32
      scf.for %parallel_loop3A_1014 = %parallel_loop3A_403 to %parallel_loop3A_404 step %parallel_loop3A_405  : i32 {
        %parallel_loop3A_1015 = arith.constant 0 : i32
        %parallel_loop3A_1016 = arith.constant 0 : i32
        %parallel_loop3A_1017 = tpu.memref_slice %arg9[%parallel_loop3A_406, %parallel_loop3A_1015, %parallel_loop3A_1016] : memref<2x16x1024xf32, #tpu.memory_space<vmem>> -> memref<1x16x1024xf32, #tpu.memory_space<vmem>>
        %parallel_loop3A_1018 = tpu.memref_squeeze %parallel_loop3A_1017 : memref<1x16x1024xf32, #tpu.memory_space<vmem>> -> memref<16x1024xf32, #tpu.memory_space<vmem>>
        %parallel_loop3A_1019 = arith.constant 0 : i32
        %parallel_loop3A_1020 = tpu.memref_slice %parallel_loop3A_1018[%parallel_loop3A_407, %parallel_loop3A_1019] : memref<16x1024xf32, #tpu.memory_space<vmem>> -> memref<1x1024xf32, #tpu.memory_space<vmem>>
        %parallel_loop3A_1021 = tpu.memref_squeeze %parallel_loop3A_1020 : memref<1x1024xf32, #tpu.memory_space<vmem>> -> memref<1024xf32, #tpu.memory_space<vmem>>
        %parallel_loop3A_1022 = arith.index_cast %parallel_loop3A_1014 : i32 to index
        %parallel_loop3A_1023 = tpu.vector_load %parallel_loop3A_1021[%parallel_loop3A_1022] {strides = array<i32>} : memref<1024xf32, #tpu.memory_space<vmem>>, vector<16xf32>,
        %parallel_loop3A_1024 = vector.shape_cast %parallel_loop3A_1023 : vector<16xf32> to vector<16xf32>
        %parallel_loop3A_1025 = arith.constant 0 : i32
        %parallel_loop3A_1026 = arith.constant 0 : i32
        %parallel_loop3A_1027 = tpu.memref_slice %arg10[%parallel_loop3A_408, %parallel_loop3A_1025, %parallel_loop3A_1026] : memref<2x16x1024xf32, #tpu.memory_space<vmem>> -> memref<1x16x1024xf32, #tpu.memory_space<vmem>>
        %parallel_loop3A_1028 = tpu.memref_squeeze %parallel_loop3A_1027 : memref<1x16x1024xf32, #tpu.memory_space<vmem>> -> memref<16x1024xf32, #tpu.memory_space<vmem>>
        %parallel_loop3A_1029 = arith.constant 0 : i32
        %parallel_loop3A_1030 = tpu.memref_slice %parallel_loop3A_1028[%parallel_loop3A_409, %parallel_loop3A_1029] : memref<16x1024xf32, #tpu.memory_space<vmem>> -> memref<1x1024xf32, #tpu.memory_space<vmem>>
        %parallel_loop3A_1031 = tpu.memref_squeeze %parallel_loop3A_1030 : memref<1x1024xf32, #tpu.memory_space<vmem>> -> memref<1024xf32, #tpu.memory_space<vmem>>
        %parallel_loop3A_1032 = arith.index_cast %parallel_loop3A_1014 : i32 to index
        %parallel_loop3A_1033 = tpu.vector_load %parallel_loop3A_1031[%parallel_loop3A_1032] {strides = array<i32>} : memref<1024xf32, #tpu.memory_space<vmem>>, vector<16xf32>,
        %parallel_loop3A_1034 = vector.shape_cast %parallel_loop3A_1033 : vector<16xf32> to vector<16xf32>
        %parallel_loop3A_1035 = arith.select %ge3A_398, %parallel_loop3A_1024, %parallel_loop3A_1034 : vector<16xi1>, vector<16xf32>
        %parallel_loop3A_1036 = arith.constant 0 : i32
        %parallel_loop3A_1037 = arith.constant 0 : i32
        %parallel_loop3A_1038 = tpu.memref_slice %arg11[%parallel_loop3A_410, %parallel_loop3A_1036, %parallel_loop3A_1037] : memref<2x8x1024xf32, #tpu.memory_space<vmem>> -> memref<1x8x1024xf32, #tpu.memory_space<vmem>>
        %parallel_loop3A_1039 = tpu.memref_squeeze %parallel_loop3A_1038 : memref<1x8x1024xf32, #tpu.memory_space<vmem>> -> memref<8x1024xf32, #tpu.memory_space<vmem>>
        %parallel_loop3A_1040 = arith.constant 0 : i32
        %parallel_loop3A_1041 = tpu.memref_slice %parallel_loop3A_1039[%parallel_loop3A_411, %parallel_loop3A_1040] : memref<8x1024xf32, #tpu.memory_space<vmem>> -> memref<1x1024xf32, #tpu.memory_space<vmem>>
        %parallel_loop3A_1042 = tpu.memref_squeeze %parallel_loop3A_1041 : memref<1x1024xf32, #tpu.memory_space<vmem>> -> memref<1024xf32, #tpu.memory_space<vmem>>
        %parallel_loop3A_1043 = arith.index_cast %parallel_loop3A_1014 : i32 to index
        %parallel_loop3A_1044 = tpu.vector_load %parallel_loop3A_1042[%parallel_loop3A_1043] {strides = array<i32>} : memref<1024xf32, #tpu.memory_space<vmem>>, vector<16xf32>,
        %parallel_loop3A_1045 = vector.shape_cast %parallel_loop3A_1044 : vector<16xf32> to vector<16xf32>
        %parallel_loop3A_1046 = vector.shape_cast %parallel_loop3A_1035 : vector<16xf32> to vector<16xf32>
        tpu.vector_store %parallel_loop3A_1042[%parallel_loop3A_1043], %parallel_loop3A_1046 {strides = array<i32>} : memref<1024xf32, #tpu.memory_space<vmem>>, vector<16xf32>,
        %parallel_loop3A_1047 = arith.select %ge3A_402, %parallel_loop3A_1034, %parallel_loop3A_1024 : vector<16xi1>, vector<16xf32>
        %parallel_loop3A_1048 = arith.constant 0 : i32
        %parallel_loop3A_1049 = arith.constant 0 : i32
        %parallel_loop3A_1050 = tpu.memref_slice %arg12[%parallel_loop3A_412, %parallel_loop3A_1048, %parallel_loop3A_1049] : memref<2x8x1024xf32, #tpu.memory_space<vmem>> -> memref<1x8x1024xf32, #tpu.memory_space<vmem>>
        %parallel_loop3A_1051 = tpu.memref_squeeze %parallel_loop3A_1050 : memref<1x8x1024xf32, #tpu.memory_space<vmem>> -> memref<8x1024xf32, #tpu.memory_space<vmem>>
        %parallel_loop3A_1052 = arith.constant 0 : i32
        %parallel_loop3A_1053 = tpu.memref_slice %parallel_loop3A_1051[%parallel_loop3A_413, %parallel_loop3A_1052] : memref<8x1024xf32, #tpu.memory_space<vmem>> -> memref<1x1024xf32, #tpu.memory_space<vmem>>
        %parallel_loop3A_1054 = tpu.memref_squeeze %parallel_loop3A_1053 : memref<1x1024xf32, #tpu.memory_space<vmem>> -> memref<1024xf32, #tpu.memory_space<vmem>>
        %parallel_loop3A_1055 = arith.index_cast %parallel_loop3A_1014 : i32 to index
        %parallel_loop3A_1056 = tpu.vector_load %parallel_loop3A_1054[%parallel_loop3A_1055] {strides = array<i32>} : memref<1024xf32, #tpu.memory_space<vmem>>, vector<16xf32>,
        %parallel_loop3A_1057 = vector.shape_cast %parallel_loop3A_1056 : vector<16xf32> to vector<16xf32>
        %parallel_loop3A_1058 = vector.shape_cast %parallel_loop3A_1047 : vector<16xf32> to vector<16xf32>
        tpu.vector_store %parallel_loop3A_1054[%parallel_loop3A_1055], %parallel_loop3A_1058 {strides = array<i32>} : memref<1024xf32, #tpu.memory_space<vmem>>, vector<16xf32>,
      } {sc.loop_unroll_factor = 8 : i64, sc.parallel_access}
      %slice3A_414 = vector.extract_strided_slice %get3A_166 {offsets = [11], sizes = [1], strides = [1]} : vector<16xf32> to vector<1xf32>
      %squeeze3A_415 = vector.extract %slice3A_414[0] : f32 from vector<1xf32>
      %broadcast_in_dim3A_416 = vector.broadcast %squeeze3A_415 : f32 to vector<16xf32>
      %ge3A_417 = arith.cmpf oge, %broadcast_in_dim3A_416, %get3A_4 : vector<16xf32>
      %slice3A_418 = vector.extract_strided_slice %get3A_171 {offsets = [11], sizes = [1], strides = [1]} : vector<16xf32> to vector<1xf32>
      %squeeze3A_419 = vector.extract %slice3A_418[0] : f32 from vector<1xf32>
      %broadcast_in_dim3A_420 = vector.broadcast %squeeze3A_419 : f32 to vector<16xf32>
      %ge3A_421 = arith.cmpf oge, %broadcast_in_dim3A_420, %get3A_4 : vector<16xf32>
      %parallel_loop3A_422 = arith.constant 0 : i32
      %parallel_loop3A_423 = arith.constant 1024 : i32
      %parallel_loop3A_424 = arith.constant 16 : i32
      %parallel_loop3A_425 = arith.constant 0 : i32
      %parallel_loop3A_426 = arith.constant 11 : i32
      %parallel_loop3A_427 = arith.constant 0 : i32
      %parallel_loop3A_428 = arith.constant 11 : i32
      %parallel_loop3A_429 = arith.constant 1 : i32
      %parallel_loop3A_430 = arith.constant 3 : i32
      %parallel_loop3A_431 = arith.constant 1 : i32
      %parallel_loop3A_432 = arith.constant 3 : i32
      scf.for %parallel_loop3A_1014 = %parallel_loop3A_422 to %parallel_loop3A_423 step %parallel_loop3A_424  : i32 {
        %parallel_loop3A_1015 = arith.constant 0 : i32
        %parallel_loop3A_1016 = arith.constant 0 : i32
        %parallel_loop3A_1017 = tpu.memref_slice %arg9[%parallel_loop3A_425, %parallel_loop3A_1015, %parallel_loop3A_1016] : memref<2x16x1024xf32, #tpu.memory_space<vmem>> -> memref<1x16x1024xf32, #tpu.memory_space<vmem>>
        %parallel_loop3A_1018 = tpu.memref_squeeze %parallel_loop3A_1017 : memref<1x16x1024xf32, #tpu.memory_space<vmem>> -> memref<16x1024xf32, #tpu.memory_space<vmem>>
        %parallel_loop3A_1019 = arith.constant 0 : i32
        %parallel_loop3A_1020 = tpu.memref_slice %parallel_loop3A_1018[%parallel_loop3A_426, %parallel_loop3A_1019] : memref<16x1024xf32, #tpu.memory_space<vmem>> -> memref<1x1024xf32, #tpu.memory_space<vmem>>
        %parallel_loop3A_1021 = tpu.memref_squeeze %parallel_loop3A_1020 : memref<1x1024xf32, #tpu.memory_space<vmem>> -> memref<1024xf32, #tpu.memory_space<vmem>>
        %parallel_loop3A_1022 = arith.index_cast %parallel_loop3A_1014 : i32 to index
        %parallel_loop3A_1023 = tpu.vector_load %parallel_loop3A_1021[%parallel_loop3A_1022] {strides = array<i32>} : memref<1024xf32, #tpu.memory_space<vmem>>, vector<16xf32>,
        %parallel_loop3A_1024 = vector.shape_cast %parallel_loop3A_1023 : vector<16xf32> to vector<16xf32>
        %parallel_loop3A_1025 = arith.constant 0 : i32
        %parallel_loop3A_1026 = arith.constant 0 : i32
        %parallel_loop3A_1027 = tpu.memref_slice %arg10[%parallel_loop3A_427, %parallel_loop3A_1025, %parallel_loop3A_1026] : memref<2x16x1024xf32, #tpu.memory_space<vmem>> -> memref<1x16x1024xf32, #tpu.memory_space<vmem>>
        %parallel_loop3A_1028 = tpu.memref_squeeze %parallel_loop3A_1027 : memref<1x16x1024xf32, #tpu.memory_space<vmem>> -> memref<16x1024xf32, #tpu.memory_space<vmem>>
        %parallel_loop3A_1029 = arith.constant 0 : i32
        %parallel_loop3A_1030 = tpu.memref_slice %parallel_loop3A_1028[%parallel_loop3A_428, %parallel_loop3A_1029] : memref<16x1024xf32, #tpu.memory_space<vmem>> -> memref<1x1024xf32, #tpu.memory_space<vmem>>
        %parallel_loop3A_1031 = tpu.memref_squeeze %parallel_loop3A_1030 : memref<1x1024xf32, #tpu.memory_space<vmem>> -> memref<1024xf32, #tpu.memory_space<vmem>>
        %parallel_loop3A_1032 = arith.index_cast %parallel_loop3A_1014 : i32 to index
        %parallel_loop3A_1033 = tpu.vector_load %parallel_loop3A_1031[%parallel_loop3A_1032] {strides = array<i32>} : memref<1024xf32, #tpu.memory_space<vmem>>, vector<16xf32>,
        %parallel_loop3A_1034 = vector.shape_cast %parallel_loop3A_1033 : vector<16xf32> to vector<16xf32>
        %parallel_loop3A_1035 = arith.select %ge3A_417, %parallel_loop3A_1024, %parallel_loop3A_1034 : vector<16xi1>, vector<16xf32>
        %parallel_loop3A_1036 = arith.constant 0 : i32
        %parallel_loop3A_1037 = arith.constant 0 : i32
        %parallel_loop3A_1038 = tpu.memref_slice %arg11[%parallel_loop3A_429, %parallel_loop3A_1036, %parallel_loop3A_1037] : memref<2x8x1024xf32, #tpu.memory_space<vmem>> -> memref<1x8x1024xf32, #tpu.memory_space<vmem>>
        %parallel_loop3A_1039 = tpu.memref_squeeze %parallel_loop3A_1038 : memref<1x8x1024xf32, #tpu.memory_space<vmem>> -> memref<8x1024xf32, #tpu.memory_space<vmem>>
        %parallel_loop3A_1040 = arith.constant 0 : i32
        %parallel_loop3A_1041 = tpu.memref_slice %parallel_loop3A_1039[%parallel_loop3A_430, %parallel_loop3A_1040] : memref<8x1024xf32, #tpu.memory_space<vmem>> -> memref<1x1024xf32, #tpu.memory_space<vmem>>
        %parallel_loop3A_1042 = tpu.memref_squeeze %parallel_loop3A_1041 : memref<1x1024xf32, #tpu.memory_space<vmem>> -> memref<1024xf32, #tpu.memory_space<vmem>>
        %parallel_loop3A_1043 = arith.index_cast %parallel_loop3A_1014 : i32 to index
        %parallel_loop3A_1044 = tpu.vector_load %parallel_loop3A_1042[%parallel_loop3A_1043] {strides = array<i32>} : memref<1024xf32, #tpu.memory_space<vmem>>, vector<16xf32>,
        %parallel_loop3A_1045 = vector.shape_cast %parallel_loop3A_1044 : vector<16xf32> to vector<16xf32>
        %parallel_loop3A_1046 = vector.shape_cast %parallel_loop3A_1035 : vector<16xf32> to vector<16xf32>
        tpu.vector_store %parallel_loop3A_1042[%parallel_loop3A_1043], %parallel_loop3A_1046 {strides = array<i32>} : memref<1024xf32, #tpu.memory_space<vmem>>, vector<16xf32>,
        %parallel_loop3A_1047 = arith.select %ge3A_421, %parallel_loop3A_1034, %parallel_loop3A_1024 : vector<16xi1>, vector<16xf32>
        %parallel_loop3A_1048 = arith.constant 0 : i32
        %parallel_loop3A_1049 = arith.constant 0 : i32
        %parallel_loop3A_1050 = tpu.memref_slice %arg12[%parallel_loop3A_431, %parallel_loop3A_1048, %parallel_loop3A_1049] : memref<2x8x1024xf32, #tpu.memory_space<vmem>> -> memref<1x8x1024xf32, #tpu.memory_space<vmem>>
        %parallel_loop3A_1051 = tpu.memref_squeeze %parallel_loop3A_1050 : memref<1x8x1024xf32, #tpu.memory_space<vmem>> -> memref<8x1024xf32, #tpu.memory_space<vmem>>
        %parallel_loop3A_1052 = arith.constant 0 : i32
        %parallel_loop3A_1053 = tpu.memref_slice %parallel_loop3A_1051[%parallel_loop3A_432, %parallel_loop3A_1052] : memref<8x1024xf32, #tpu.memory_space<vmem>> -> memref<1x1024xf32, #tpu.memory_space<vmem>>
        %parallel_loop3A_1054 = tpu.memref_squeeze %parallel_loop3A_1053 : memref<1x1024xf32, #tpu.memory_space<vmem>> -> memref<1024xf32, #tpu.memory_space<vmem>>
        %parallel_loop3A_1055 = arith.index_cast %parallel_loop3A_1014 : i32 to index
        %parallel_loop3A_1056 = tpu.vector_load %parallel_loop3A_1054[%parallel_loop3A_1055] {strides = array<i32>} : memref<1024xf32, #tpu.memory_space<vmem>>, vector<16xf32>,
        %parallel_loop3A_1057 = vector.shape_cast %parallel_loop3A_1056 : vector<16xf32> to vector<16xf32>
        %parallel_loop3A_1058 = vector.shape_cast %parallel_loop3A_1047 : vector<16xf32> to vector<16xf32>
        tpu.vector_store %parallel_loop3A_1054[%parallel_loop3A_1055], %parallel_loop3A_1058 {strides = array<i32>} : memref<1024xf32, #tpu.memory_space<vmem>>, vector<16xf32>,
      } {sc.loop_unroll_factor = 8 : i64, sc.parallel_access}
      %slice3A_433 = vector.extract_strided_slice %get3A_166 {offsets = [12], sizes = [1], strides = [1]} : vector<16xf32> to vector<1xf32>
      %squeeze3A_434 = vector.extract %slice3A_433[0] : f32 from vector<1xf32>
      %broadcast_in_dim3A_435 = vector.broadcast %squeeze3A_434 : f32 to vector<16xf32>
      %ge3A_436 = arith.cmpf oge, %broadcast_in_dim3A_435, %get3A_4 : vector<16xf32>
      %slice3A_437 = vector.extract_strided_slice %get3A_171 {offsets = [12], sizes = [1], strides = [1]} : vector<16xf32> to vector<1xf32>
      %squeeze3A_438 = vector.extract %slice3A_437[0] : f32 from vector<1xf32>
      %broadcast_in_dim3A_439 = vector.broadcast %squeeze3A_438 : f32 to vector<16xf32>
      %ge3A_440 = arith.cmpf oge, %broadcast_in_dim3A_439, %get3A_4 : vector<16xf32>
      %parallel_loop3A_441 = arith.constant 0 : i32
      %parallel_loop3A_442 = arith.constant 1024 : i32
      %parallel_loop3A_443 = arith.constant 16 : i32
      %parallel_loop3A_444 = arith.constant 0 : i32
      %parallel_loop3A_445 = arith.constant 12 : i32
      %parallel_loop3A_446 = arith.constant 0 : i32
      %parallel_loop3A_447 = arith.constant 12 : i32
      %parallel_loop3A_448 = arith.constant 1 : i32
      %parallel_loop3A_449 = arith.constant 4 : i32
      %parallel_loop3A_450 = arith.constant 1 : i32
      %parallel_loop3A_451 = arith.constant 4 : i32
      scf.for %parallel_loop3A_1014 = %parallel_loop3A_441 to %parallel_loop3A_442 step %parallel_loop3A_443  : i32 {
        %parallel_loop3A_1015 = arith.constant 0 : i32
        %parallel_loop3A_1016 = arith.constant 0 : i32
        %parallel_loop3A_1017 = tpu.memref_slice %arg9[%parallel_loop3A_444, %parallel_loop3A_1015, %parallel_loop3A_1016] : memref<2x16x1024xf32, #tpu.memory_space<vmem>> -> memref<1x16x1024xf32, #tpu.memory_space<vmem>>
        %parallel_loop3A_1018 = tpu.memref_squeeze %parallel_loop3A_1017 : memref<1x16x1024xf32, #tpu.memory_space<vmem>> -> memref<16x1024xf32, #tpu.memory_space<vmem>>
        %parallel_loop3A_1019 = arith.constant 0 : i32
        %parallel_loop3A_1020 = tpu.memref_slice %parallel_loop3A_1018[%parallel_loop3A_445, %parallel_loop3A_1019] : memref<16x1024xf32, #tpu.memory_space<vmem>> -> memref<1x1024xf32, #tpu.memory_space<vmem>>
        %parallel_loop3A_1021 = tpu.memref_squeeze %parallel_loop3A_1020 : memref<1x1024xf32, #tpu.memory_space<vmem>> -> memref<1024xf32, #tpu.memory_space<vmem>>
        %parallel_loop3A_1022 = arith.index_cast %parallel_loop3A_1014 : i32 to index
        %parallel_loop3A_1023 = tpu.vector_load %parallel_loop3A_1021[%parallel_loop3A_1022] {strides = array<i32>} : memref<1024xf32, #tpu.memory_space<vmem>>, vector<16xf32>,
        %parallel_loop3A_1024 = vector.shape_cast %parallel_loop3A_1023 : vector<16xf32> to vector<16xf32>
        %parallel_loop3A_1025 = arith.constant 0 : i32
        %parallel_loop3A_1026 = arith.constant 0 : i32
        %parallel_loop3A_1027 = tpu.memref_slice %arg10[%parallel_loop3A_446, %parallel_loop3A_1025, %parallel_loop3A_1026] : memref<2x16x1024xf32, #tpu.memory_space<vmem>> -> memref<1x16x1024xf32, #tpu.memory_space<vmem>>
        %parallel_loop3A_1028 = tpu.memref_squeeze %parallel_loop3A_1027 : memref<1x16x1024xf32, #tpu.memory_space<vmem>> -> memref<16x1024xf32, #tpu.memory_space<vmem>>
        %parallel_loop3A_1029 = arith.constant 0 : i32
        %parallel_loop3A_1030 = tpu.memref_slice %parallel_loop3A_1028[%parallel_loop3A_447, %parallel_loop3A_1029] : memref<16x1024xf32, #tpu.memory_space<vmem>> -> memref<1x1024xf32, #tpu.memory_space<vmem>>
        %parallel_loop3A_1031 = tpu.memref_squeeze %parallel_loop3A_1030 : memref<1x1024xf32, #tpu.memory_space<vmem>> -> memref<1024xf32, #tpu.memory_space<vmem>>
        %parallel_loop3A_1032 = arith.index_cast %parallel_loop3A_1014 : i32 to index
        %parallel_loop3A_1033 = tpu.vector_load %parallel_loop3A_1031[%parallel_loop3A_1032] {strides = array<i32>} : memref<1024xf32, #tpu.memory_space<vmem>>, vector<16xf32>,
        %parallel_loop3A_1034 = vector.shape_cast %parallel_loop3A_1033 : vector<16xf32> to vector<16xf32>
        %parallel_loop3A_1035 = arith.select %ge3A_436, %parallel_loop3A_1024, %parallel_loop3A_1034 : vector<16xi1>, vector<16xf32>
        %parallel_loop3A_1036 = arith.constant 0 : i32
        %parallel_loop3A_1037 = arith.constant 0 : i32
        %parallel_loop3A_1038 = tpu.memref_slice %arg11[%parallel_loop3A_448, %parallel_loop3A_1036, %parallel_loop3A_1037] : memref<2x8x1024xf32, #tpu.memory_space<vmem>> -> memref<1x8x1024xf32, #tpu.memory_space<vmem>>
        %parallel_loop3A_1039 = tpu.memref_squeeze %parallel_loop3A_1038 : memref<1x8x1024xf32, #tpu.memory_space<vmem>> -> memref<8x1024xf32, #tpu.memory_space<vmem>>
        %parallel_loop3A_1040 = arith.constant 0 : i32
        %parallel_loop3A_1041 = tpu.memref_slice %parallel_loop3A_1039[%parallel_loop3A_449, %parallel_loop3A_1040] : memref<8x1024xf32, #tpu.memory_space<vmem>> -> memref<1x1024xf32, #tpu.memory_space<vmem>>
        %parallel_loop3A_1042 = tpu.memref_squeeze %parallel_loop3A_1041 : memref<1x1024xf32, #tpu.memory_space<vmem>> -> memref<1024xf32, #tpu.memory_space<vmem>>
        %parallel_loop3A_1043 = arith.index_cast %parallel_loop3A_1014 : i32 to index
        %parallel_loop3A_1044 = tpu.vector_load %parallel_loop3A_1042[%parallel_loop3A_1043] {strides = array<i32>} : memref<1024xf32, #tpu.memory_space<vmem>>, vector<16xf32>,
        %parallel_loop3A_1045 = vector.shape_cast %parallel_loop3A_1044 : vector<16xf32> to vector<16xf32>
        %parallel_loop3A_1046 = vector.shape_cast %parallel_loop3A_1035 : vector<16xf32> to vector<16xf32>
        tpu.vector_store %parallel_loop3A_1042[%parallel_loop3A_1043], %parallel_loop3A_1046 {strides = array<i32>} : memref<1024xf32, #tpu.memory_space<vmem>>, vector<16xf32>,
        %parallel_loop3A_1047 = arith.select %ge3A_440, %parallel_loop3A_1034, %parallel_loop3A_1024 : vector<16xi1>, vector<16xf32>
        %parallel_loop3A_1048 = arith.constant 0 : i32
        %parallel_loop3A_1049 = arith.constant 0 : i32
        %parallel_loop3A_1050 = tpu.memref_slice %arg12[%parallel_loop3A_450, %parallel_loop3A_1048, %parallel_loop3A_1049] : memref<2x8x1024xf32, #tpu.memory_space<vmem>> -> memref<1x8x1024xf32, #tpu.memory_space<vmem>>
        %parallel_loop3A_1051 = tpu.memref_squeeze %parallel_loop3A_1050 : memref<1x8x1024xf32, #tpu.memory_space<vmem>> -> memref<8x1024xf32, #tpu.memory_space<vmem>>
        %parallel_loop3A_1052 = arith.constant 0 : i32
        %parallel_loop3A_1053 = tpu.memref_slice %parallel_loop3A_1051[%parallel_loop3A_451, %parallel_loop3A_1052] : memref<8x1024xf32, #tpu.memory_space<vmem>> -> memref<1x1024xf32, #tpu.memory_space<vmem>>
        %parallel_loop3A_1054 = tpu.memref_squeeze %parallel_loop3A_1053 : memref<1x1024xf32, #tpu.memory_space<vmem>> -> memref<1024xf32, #tpu.memory_space<vmem>>
        %parallel_loop3A_1055 = arith.index_cast %parallel_loop3A_1014 : i32 to index
        %parallel_loop3A_1056 = tpu.vector_load %parallel_loop3A_1054[%parallel_loop3A_1055] {strides = array<i32>} : memref<1024xf32, #tpu.memory_space<vmem>>, vector<16xf32>,
        %parallel_loop3A_1057 = vector.shape_cast %parallel_loop3A_1056 : vector<16xf32> to vector<16xf32>
        %parallel_loop3A_1058 = vector.shape_cast %parallel_loop3A_1047 : vector<16xf32> to vector<16xf32>
        tpu.vector_store %parallel_loop3A_1054[%parallel_loop3A_1055], %parallel_loop3A_1058 {strides = array<i32>} : memref<1024xf32, #tpu.memory_space<vmem>>, vector<16xf32>,
      } {sc.loop_unroll_factor = 8 : i64, sc.parallel_access}
      %slice3A_452 = vector.extract_strided_slice %get3A_166 {offsets = [13], sizes = [1], strides = [1]} : vector<16xf32> to vector<1xf32>
      %squeeze3A_453 = vector.extract %slice3A_452[0] : f32 from vector<1xf32>
      %broadcast_in_dim3A_454 = vector.broadcast %squeeze3A_453 : f32 to vector<16xf32>
      %ge3A_455 = arith.cmpf oge, %broadcast_in_dim3A_454, %get3A_4 : vector<16xf32>
      %slice3A_456 = vector.extract_strided_slice %get3A_171 {offsets = [13], sizes = [1], strides = [1]} : vector<16xf32> to vector<1xf32>
      %squeeze3A_457 = vector.extract %slice3A_456[0] : f32 from vector<1xf32>
      %broadcast_in_dim3A_458 = vector.broadcast %squeeze3A_457 : f32 to vector<16xf32>
      %ge3A_459 = arith.cmpf oge, %broadcast_in_dim3A_458, %get3A_4 : vector<16xf32>
      %parallel_loop3A_460 = arith.constant 0 : i32
      %parallel_loop3A_461 = arith.constant 1024 : i32
      %parallel_loop3A_462 = arith.constant 16 : i32
      %parallel_loop3A_463 = arith.constant 0 : i32
      %parallel_loop3A_464 = arith.constant 13 : i32
      %parallel_loop3A_465 = arith.constant 0 : i32
      %parallel_loop3A_466 = arith.constant 13 : i32
      %parallel_loop3A_467 = arith.constant 1 : i32
      %parallel_loop3A_468 = arith.constant 5 : i32
      %parallel_loop3A_469 = arith.constant 1 : i32
      %parallel_loop3A_470 = arith.constant 5 : i32
      scf.for %parallel_loop3A_1014 = %parallel_loop3A_460 to %parallel_loop3A_461 step %parallel_loop3A_462  : i32 {
        %parallel_loop3A_1015 = arith.constant 0 : i32
        %parallel_loop3A_1016 = arith.constant 0 : i32
        %parallel_loop3A_1017 = tpu.memref_slice %arg9[%parallel_loop3A_463, %parallel_loop3A_1015, %parallel_loop3A_1016] : memref<2x16x1024xf32, #tpu.memory_space<vmem>> -> memref<1x16x1024xf32, #tpu.memory_space<vmem>>
        %parallel_loop3A_1018 = tpu.memref_squeeze %parallel_loop3A_1017 : memref<1x16x1024xf32, #tpu.memory_space<vmem>> -> memref<16x1024xf32, #tpu.memory_space<vmem>>
        %parallel_loop3A_1019 = arith.constant 0 : i32
        %parallel_loop3A_1020 = tpu.memref_slice %parallel_loop3A_1018[%parallel_loop3A_464, %parallel_loop3A_1019] : memref<16x1024xf32, #tpu.memory_space<vmem>> -> memref<1x1024xf32, #tpu.memory_space<vmem>>
        %parallel_loop3A_1021 = tpu.memref_squeeze %parallel_loop3A_1020 : memref<1x1024xf32, #tpu.memory_space<vmem>> -> memref<1024xf32, #tpu.memory_space<vmem>>
        %parallel_loop3A_1022 = arith.index_cast %parallel_loop3A_1014 : i32 to index
        %parallel_loop3A_1023 = tpu.vector_load %parallel_loop3A_1021[%parallel_loop3A_1022] {strides = array<i32>} : memref<1024xf32, #tpu.memory_space<vmem>>, vector<16xf32>,
        %parallel_loop3A_1024 = vector.shape_cast %parallel_loop3A_1023 : vector<16xf32> to vector<16xf32>
        %parallel_loop3A_1025 = arith.constant 0 : i32
        %parallel_loop3A_1026 = arith.constant 0 : i32
        %parallel_loop3A_1027 = tpu.memref_slice %arg10[%parallel_loop3A_465, %parallel_loop3A_1025, %parallel_loop3A_1026] : memref<2x16x1024xf32, #tpu.memory_space<vmem>> -> memref<1x16x1024xf32, #tpu.memory_space<vmem>>
        %parallel_loop3A_1028 = tpu.memref_squeeze %parallel_loop3A_1027 : memref<1x16x1024xf32, #tpu.memory_space<vmem>> -> memref<16x1024xf32, #tpu.memory_space<vmem>>
        %parallel_loop3A_1029 = arith.constant 0 : i32
        %parallel_loop3A_1030 = tpu.memref_slice %parallel_loop3A_1028[%parallel_loop3A_466, %parallel_loop3A_1029] : memref<16x1024xf32, #tpu.memory_space<vmem>> -> memref<1x1024xf32, #tpu.memory_space<vmem>>
        %parallel_loop3A_1031 = tpu.memref_squeeze %parallel_loop3A_1030 : memref<1x1024xf32, #tpu.memory_space<vmem>> -> memref<1024xf32, #tpu.memory_space<vmem>>
        %parallel_loop3A_1032 = arith.index_cast %parallel_loop3A_1014 : i32 to index
        %parallel_loop3A_1033 = tpu.vector_load %parallel_loop3A_1031[%parallel_loop3A_1032] {strides = array<i32>} : memref<1024xf32, #tpu.memory_space<vmem>>, vector<16xf32>,
        %parallel_loop3A_1034 = vector.shape_cast %parallel_loop3A_1033 : vector<16xf32> to vector<16xf32>
        %parallel_loop3A_1035 = arith.select %ge3A_455, %parallel_loop3A_1024, %parallel_loop3A_1034 : vector<16xi1>, vector<16xf32>
        %parallel_loop3A_1036 = arith.constant 0 : i32
        %parallel_loop3A_1037 = arith.constant 0 : i32
        %parallel_loop3A_1038 = tpu.memref_slice %arg11[%parallel_loop3A_467, %parallel_loop3A_1036, %parallel_loop3A_1037] : memref<2x8x1024xf32, #tpu.memory_space<vmem>> -> memref<1x8x1024xf32, #tpu.memory_space<vmem>>
        %parallel_loop3A_1039 = tpu.memref_squeeze %parallel_loop3A_1038 : memref<1x8x1024xf32, #tpu.memory_space<vmem>> -> memref<8x1024xf32, #tpu.memory_space<vmem>>
        %parallel_loop3A_1040 = arith.constant 0 : i32
        %parallel_loop3A_1041 = tpu.memref_slice %parallel_loop3A_1039[%parallel_loop3A_468, %parallel_loop3A_1040] : memref<8x1024xf32, #tpu.memory_space<vmem>> -> memref<1x1024xf32, #tpu.memory_space<vmem>>
        %parallel_loop3A_1042 = tpu.memref_squeeze %parallel_loop3A_1041 : memref<1x1024xf32, #tpu.memory_space<vmem>> -> memref<1024xf32, #tpu.memory_space<vmem>>
        %parallel_loop3A_1043 = arith.index_cast %parallel_loop3A_1014 : i32 to index
        %parallel_loop3A_1044 = tpu.vector_load %parallel_loop3A_1042[%parallel_loop3A_1043] {strides = array<i32>} : memref<1024xf32, #tpu.memory_space<vmem>>, vector<16xf32>,
        %parallel_loop3A_1045 = vector.shape_cast %parallel_loop3A_1044 : vector<16xf32> to vector<16xf32>
        %parallel_loop3A_1046 = vector.shape_cast %parallel_loop3A_1035 : vector<16xf32> to vector<16xf32>
        tpu.vector_store %parallel_loop3A_1042[%parallel_loop3A_1043], %parallel_loop3A_1046 {strides = array<i32>} : memref<1024xf32, #tpu.memory_space<vmem>>, vector<16xf32>,
        %parallel_loop3A_1047 = arith.select %ge3A_459, %parallel_loop3A_1034, %parallel_loop3A_1024 : vector<16xi1>, vector<16xf32>
        %parallel_loop3A_1048 = arith.constant 0 : i32
        %parallel_loop3A_1049 = arith.constant 0 : i32
        %parallel_loop3A_1050 = tpu.memref_slice %arg12[%parallel_loop3A_469, %parallel_loop3A_1048, %parallel_loop3A_1049] : memref<2x8x1024xf32, #tpu.memory_space<vmem>> -> memref<1x8x1024xf32, #tpu.memory_space<vmem>>
        %parallel_loop3A_1051 = tpu.memref_squeeze %parallel_loop3A_1050 : memref<1x8x1024xf32, #tpu.memory_space<vmem>> -> memref<8x1024xf32, #tpu.memory_space<vmem>>
        %parallel_loop3A_1052 = arith.constant 0 : i32
        %parallel_loop3A_1053 = tpu.memref_slice %parallel_loop3A_1051[%parallel_loop3A_470, %parallel_loop3A_1052] : memref<8x1024xf32, #tpu.memory_space<vmem>> -> memref<1x1024xf32, #tpu.memory_space<vmem>>
        %parallel_loop3A_1054 = tpu.memref_squeeze %parallel_loop3A_1053 : memref<1x1024xf32, #tpu.memory_space<vmem>> -> memref<1024xf32, #tpu.memory_space<vmem>>
        %parallel_loop3A_1055 = arith.index_cast %parallel_loop3A_1014 : i32 to index
        %parallel_loop3A_1056 = tpu.vector_load %parallel_loop3A_1054[%parallel_loop3A_1055] {strides = array<i32>} : memref<1024xf32, #tpu.memory_space<vmem>>, vector<16xf32>,
        %parallel_loop3A_1057 = vector.shape_cast %parallel_loop3A_1056 : vector<16xf32> to vector<16xf32>
        %parallel_loop3A_1058 = vector.shape_cast %parallel_loop3A_1047 : vector<16xf32> to vector<16xf32>
        tpu.vector_store %parallel_loop3A_1054[%parallel_loop3A_1055], %parallel_loop3A_1058 {strides = array<i32>} : memref<1024xf32, #tpu.memory_space<vmem>>, vector<16xf32>,
      } {sc.loop_unroll_factor = 8 : i64, sc.parallel_access}
      %slice3A_471 = vector.extract_strided_slice %get3A_166 {offsets = [14], sizes = [1], strides = [1]} : vector<16xf32> to vector<1xf32>
      %squeeze3A_472 = vector.extract %slice3A_471[0] : f32 from vector<1xf32>
      %broadcast_in_dim3A_473 = vector.broadcast %squeeze3A_472 : f32 to vector<16xf32>
      %ge3A_474 = arith.cmpf oge, %broadcast_in_dim3A_473, %get3A_4 : vector<16xf32>
      %slice3A_475 = vector.extract_strided_slice %get3A_171 {offsets = [14], sizes = [1], strides = [1]} : vector<16xf32> to vector<1xf32>
      %squeeze3A_476 = vector.extract %slice3A_475[0] : f32 from vector<1xf32>
      %broadcast_in_dim3A_477 = vector.broadcast %squeeze3A_476 : f32 to vector<16xf32>
      %ge3A_478 = arith.cmpf oge, %broadcast_in_dim3A_477, %get3A_4 : vector<16xf32>
      %parallel_loop3A_479 = arith.constant 0 : i32
      %parallel_loop3A_480 = arith.constant 1024 : i32
      %parallel_loop3A_481 = arith.constant 16 : i32
      %parallel_loop3A_482 = arith.constant 0 : i32
      %parallel_loop3A_483 = arith.constant 14 : i32
      %parallel_loop3A_484 = arith.constant 0 : i32
      %parallel_loop3A_485 = arith.constant 14 : i32
      %parallel_loop3A_486 = arith.constant 1 : i32
      %parallel_loop3A_487 = arith.constant 6 : i32
      %parallel_loop3A_488 = arith.constant 1 : i32
      %parallel_loop3A_489 = arith.constant 6 : i32
      scf.for %parallel_loop3A_1014 = %parallel_loop3A_479 to %parallel_loop3A_480 step %parallel_loop3A_481  : i32 {
        %parallel_loop3A_1015 = arith.constant 0 : i32
        %parallel_loop3A_1016 = arith.constant 0 : i32
        %parallel_loop3A_1017 = tpu.memref_slice %arg9[%parallel_loop3A_482, %parallel_loop3A_1015, %parallel_loop3A_1016] : memref<2x16x1024xf32, #tpu.memory_space<vmem>> -> memref<1x16x1024xf32, #tpu.memory_space<vmem>>
        %parallel_loop3A_1018 = tpu.memref_squeeze %parallel_loop3A_1017 : memref<1x16x1024xf32, #tpu.memory_space<vmem>> -> memref<16x1024xf32, #tpu.memory_space<vmem>>
        %parallel_loop3A_1019 = arith.constant 0 : i32
        %parallel_loop3A_1020 = tpu.memref_slice %parallel_loop3A_1018[%parallel_loop3A_483, %parallel_loop3A_1019] : memref<16x1024xf32, #tpu.memory_space<vmem>> -> memref<1x1024xf32, #tpu.memory_space<vmem>>
        %parallel_loop3A_1021 = tpu.memref_squeeze %parallel_loop3A_1020 : memref<1x1024xf32, #tpu.memory_space<vmem>> -> memref<1024xf32, #tpu.memory_space<vmem>>
        %parallel_loop3A_1022 = arith.index_cast %parallel_loop3A_1014 : i32 to index
        %parallel_loop3A_1023 = tpu.vector_load %parallel_loop3A_1021[%parallel_loop3A_1022] {strides = array<i32>} : memref<1024xf32, #tpu.memory_space<vmem>>, vector<16xf32>,
        %parallel_loop3A_1024 = vector.shape_cast %parallel_loop3A_1023 : vector<16xf32> to vector<16xf32>
        %parallel_loop3A_1025 = arith.constant 0 : i32
        %parallel_loop3A_1026 = arith.constant 0 : i32
        %parallel_loop3A_1027 = tpu.memref_slice %arg10[%parallel_loop3A_484, %parallel_loop3A_1025, %parallel_loop3A_1026] : memref<2x16x1024xf32, #tpu.memory_space<vmem>> -> memref<1x16x1024xf32, #tpu.memory_space<vmem>>
        %parallel_loop3A_1028 = tpu.memref_squeeze %parallel_loop3A_1027 : memref<1x16x1024xf32, #tpu.memory_space<vmem>> -> memref<16x1024xf32, #tpu.memory_space<vmem>>
        %parallel_loop3A_1029 = arith.constant 0 : i32
        %parallel_loop3A_1030 = tpu.memref_slice %parallel_loop3A_1028[%parallel_loop3A_485, %parallel_loop3A_1029] : memref<16x1024xf32, #tpu.memory_space<vmem>> -> memref<1x1024xf32, #tpu.memory_space<vmem>>
        %parallel_loop3A_1031 = tpu.memref_squeeze %parallel_loop3A_1030 : memref<1x1024xf32, #tpu.memory_space<vmem>> -> memref<1024xf32, #tpu.memory_space<vmem>>
        %parallel_loop3A_1032 = arith.index_cast %parallel_loop3A_1014 : i32 to index
        %parallel_loop3A_1033 = tpu.vector_load %parallel_loop3A_1031[%parallel_loop3A_1032] {strides = array<i32>} : memref<1024xf32, #tpu.memory_space<vmem>>, vector<16xf32>,
        %parallel_loop3A_1034 = vector.shape_cast %parallel_loop3A_1033 : vector<16xf32> to vector<16xf32>
        %parallel_loop3A_1035 = arith.select %ge3A_474, %parallel_loop3A_1024, %parallel_loop3A_1034 : vector<16xi1>, vector<16xf32>
        %parallel_loop3A_1036 = arith.constant 0 : i32
        %parallel_loop3A_1037 = arith.constant 0 : i32
        %parallel_loop3A_1038 = tpu.memref_slice %arg11[%parallel_loop3A_486, %parallel_loop3A_1036, %parallel_loop3A_1037] : memref<2x8x1024xf32, #tpu.memory_space<vmem>> -> memref<1x8x1024xf32, #tpu.memory_space<vmem>>
        %parallel_loop3A_1039 = tpu.memref_squeeze %parallel_loop3A_1038 : memref<1x8x1024xf32, #tpu.memory_space<vmem>> -> memref<8x1024xf32, #tpu.memory_space<vmem>>
        %parallel_loop3A_1040 = arith.constant 0 : i32
        %parallel_loop3A_1041 = tpu.memref_slice %parallel_loop3A_1039[%parallel_loop3A_487, %parallel_loop3A_1040] : memref<8x1024xf32, #tpu.memory_space<vmem>> -> memref<1x1024xf32, #tpu.memory_space<vmem>>
        %parallel_loop3A_1042 = tpu.memref_squeeze %parallel_loop3A_1041 : memref<1x1024xf32, #tpu.memory_space<vmem>> -> memref<1024xf32, #tpu.memory_space<vmem>>
        %parallel_loop3A_1043 = arith.index_cast %parallel_loop3A_1014 : i32 to index
        %parallel_loop3A_1044 = tpu.vector_load %parallel_loop3A_1042[%parallel_loop3A_1043] {strides = array<i32>} : memref<1024xf32, #tpu.memory_space<vmem>>, vector<16xf32>,
        %parallel_loop3A_1045 = vector.shape_cast %parallel_loop3A_1044 : vector<16xf32> to vector<16xf32>
        %parallel_loop3A_1046 = vector.shape_cast %parallel_loop3A_1035 : vector<16xf32> to vector<16xf32>
        tpu.vector_store %parallel_loop3A_1042[%parallel_loop3A_1043], %parallel_loop3A_1046 {strides = array<i32>} : memref<1024xf32, #tpu.memory_space<vmem>>, vector<16xf32>,
        %parallel_loop3A_1047 = arith.select %ge3A_478, %parallel_loop3A_1034, %parallel_loop3A_1024 : vector<16xi1>, vector<16xf32>
        %parallel_loop3A_1048 = arith.constant 0 : i32
        %parallel_loop3A_1049 = arith.constant 0 : i32
        %parallel_loop3A_1050 = tpu.memref_slice %arg12[%parallel_loop3A_488, %parallel_loop3A_1048, %parallel_loop3A_1049] : memref<2x8x1024xf32, #tpu.memory_space<vmem>> -> memref<1x8x1024xf32, #tpu.memory_space<vmem>>
        %parallel_loop3A_1051 = tpu.memref_squeeze %parallel_loop3A_1050 : memref<1x8x1024xf32, #tpu.memory_space<vmem>> -> memref<8x1024xf32, #tpu.memory_space<vmem>>
        %parallel_loop3A_1052 = arith.constant 0 : i32
        %parallel_loop3A_1053 = tpu.memref_slice %parallel_loop3A_1051[%parallel_loop3A_489, %parallel_loop3A_1052] : memref<8x1024xf32, #tpu.memory_space<vmem>> -> memref<1x1024xf32, #tpu.memory_space<vmem>>
        %parallel_loop3A_1054 = tpu.memref_squeeze %parallel_loop3A_1053 : memref<1x1024xf32, #tpu.memory_space<vmem>> -> memref<1024xf32, #tpu.memory_space<vmem>>
        %parallel_loop3A_1055 = arith.index_cast %parallel_loop3A_1014 : i32 to index
        %parallel_loop3A_1056 = tpu.vector_load %parallel_loop3A_1054[%parallel_loop3A_1055] {strides = array<i32>} : memref<1024xf32, #tpu.memory_space<vmem>>, vector<16xf32>,
        %parallel_loop3A_1057 = vector.shape_cast %parallel_loop3A_1056 : vector<16xf32> to vector<16xf32>
        %parallel_loop3A_1058 = vector.shape_cast %parallel_loop3A_1047 : vector<16xf32> to vector<16xf32>
        tpu.vector_store %parallel_loop3A_1054[%parallel_loop3A_1055], %parallel_loop3A_1058 {strides = array<i32>} : memref<1024xf32, #tpu.memory_space<vmem>>, vector<16xf32>,
      } {sc.loop_unroll_factor = 8 : i64, sc.parallel_access}
      %slice3A_490 = vector.extract_strided_slice %get3A_166 {offsets = [15], sizes = [1], strides = [1]} : vector<16xf32> to vector<1xf32>
      %squeeze3A_491 = vector.extract %slice3A_490[0] : f32 from vector<1xf32>
      %broadcast_in_dim3A_492 = vector.broadcast %squeeze3A_491 : f32 to vector<16xf32>
      %ge3A_493 = arith.cmpf oge, %broadcast_in_dim3A_492, %get3A_4 : vector<16xf32>
      %slice3A_494 = vector.extract_strided_slice %get3A_171 {offsets = [15], sizes = [1], strides = [1]} : vector<16xf32> to vector<1xf32>
      %squeeze3A_495 = vector.extract %slice3A_494[0] : f32 from vector<1xf32>
      %broadcast_in_dim3A_496 = vector.broadcast %squeeze3A_495 : f32 to vector<16xf32>
      %ge3A_497 = arith.cmpf oge, %broadcast_in_dim3A_496, %get3A_4 : vector<16xf32>
      %parallel_loop3A_498 = arith.constant 0 : i32
      %parallel_loop3A_499 = arith.constant 1024 : i32
      %parallel_loop3A_500 = arith.constant 16 : i32
      %parallel_loop3A_501 = arith.constant 0 : i32
      %parallel_loop3A_502 = arith.constant 15 : i32
      %parallel_loop3A_503 = arith.constant 0 : i32
      %parallel_loop3A_504 = arith.constant 15 : i32
      %parallel_loop3A_505 = arith.constant 1 : i32
      %parallel_loop3A_506 = arith.constant 7 : i32
      %parallel_loop3A_507 = arith.constant 1 : i32
      %parallel_loop3A_508 = arith.constant 7 : i32
      scf.for %parallel_loop3A_1014 = %parallel_loop3A_498 to %parallel_loop3A_499 step %parallel_loop3A_500  : i32 {
        %parallel_loop3A_1015 = arith.constant 0 : i32
        %parallel_loop3A_1016 = arith.constant 0 : i32
        %parallel_loop3A_1017 = tpu.memref_slice %arg9[%parallel_loop3A_501, %parallel_loop3A_1015, %parallel_loop3A_1016] : memref<2x16x1024xf32, #tpu.memory_space<vmem>> -> memref<1x16x1024xf32, #tpu.memory_space<vmem>>
        %parallel_loop3A_1018 = tpu.memref_squeeze %parallel_loop3A_1017 : memref<1x16x1024xf32, #tpu.memory_space<vmem>> -> memref<16x1024xf32, #tpu.memory_space<vmem>>
        %parallel_loop3A_1019 = arith.constant 0 : i32
        %parallel_loop3A_1020 = tpu.memref_slice %parallel_loop3A_1018[%parallel_loop3A_502, %parallel_loop3A_1019] : memref<16x1024xf32, #tpu.memory_space<vmem>> -> memref<1x1024xf32, #tpu.memory_space<vmem>>
        %parallel_loop3A_1021 = tpu.memref_squeeze %parallel_loop3A_1020 : memref<1x1024xf32, #tpu.memory_space<vmem>> -> memref<1024xf32, #tpu.memory_space<vmem>>
        %parallel_loop3A_1022 = arith.index_cast %parallel_loop3A_1014 : i32 to index
        %parallel_loop3A_1023 = tpu.vector_load %parallel_loop3A_1021[%parallel_loop3A_1022] {strides = array<i32>} : memref<1024xf32, #tpu.memory_space<vmem>>, vector<16xf32>,
        %parallel_loop3A_1024 = vector.shape_cast %parallel_loop3A_1023 : vector<16xf32> to vector<16xf32>
        %parallel_loop3A_1025 = arith.constant 0 : i32
        %parallel_loop3A_1026 = arith.constant 0 : i32
        %parallel_loop3A_1027 = tpu.memref_slice %arg10[%parallel_loop3A_503, %parallel_loop3A_1025, %parallel_loop3A_1026] : memref<2x16x1024xf32, #tpu.memory_space<vmem>> -> memref<1x16x1024xf32, #tpu.memory_space<vmem>>
        %parallel_loop3A_1028 = tpu.memref_squeeze %parallel_loop3A_1027 : memref<1x16x1024xf32, #tpu.memory_space<vmem>> -> memref<16x1024xf32, #tpu.memory_space<vmem>>
        %parallel_loop3A_1029 = arith.constant 0 : i32
        %parallel_loop3A_1030 = tpu.memref_slice %parallel_loop3A_1028[%parallel_loop3A_504, %parallel_loop3A_1029] : memref<16x1024xf32, #tpu.memory_space<vmem>> -> memref<1x1024xf32, #tpu.memory_space<vmem>>
        %parallel_loop3A_1031 = tpu.memref_squeeze %parallel_loop3A_1030 : memref<1x1024xf32, #tpu.memory_space<vmem>> -> memref<1024xf32, #tpu.memory_space<vmem>>
        %parallel_loop3A_1032 = arith.index_cast %parallel_loop3A_1014 : i32 to index
        %parallel_loop3A_1033 = tpu.vector_load %parallel_loop3A_1031[%parallel_loop3A_1032] {strides = array<i32>} : memref<1024xf32, #tpu.memory_space<vmem>>, vector<16xf32>,
        %parallel_loop3A_1034 = vector.shape_cast %parallel_loop3A_1033 : vector<16xf32> to vector<16xf32>
        %parallel_loop3A_1035 = arith.select %ge3A_493, %parallel_loop3A_1024, %parallel_loop3A_1034 : vector<16xi1>, vector<16xf32>
        %parallel_loop3A_1036 = arith.constant 0 : i32
        %parallel_loop3A_1037 = arith.constant 0 : i32
        %parallel_loop3A_1038 = tpu.memref_slice %arg11[%parallel_loop3A_505, %parallel_loop3A_1036, %parallel_loop3A_1037] : memref<2x8x1024xf32, #tpu.memory_space<vmem>> -> memref<1x8x1024xf32, #tpu.memory_space<vmem>>
        %parallel_loop3A_1039 = tpu.memref_squeeze %parallel_loop3A_1038 : memref<1x8x1024xf32, #tpu.memory_space<vmem>> -> memref<8x1024xf32, #tpu.memory_space<vmem>>
        %parallel_loop3A_1040 = arith.constant 0 : i32
        %parallel_loop3A_1041 = tpu.memref_slice %parallel_loop3A_1039[%parallel_loop3A_506, %parallel_loop3A_1040] : memref<8x1024xf32, #tpu.memory_space<vmem>> -> memref<1x1024xf32, #tpu.memory_space<vmem>>
        %parallel_loop3A_1042 = tpu.memref_squeeze %parallel_loop3A_1041 : memref<1x1024xf32, #tpu.memory_space<vmem>> -> memref<1024xf32, #tpu.memory_space<vmem>>
        %parallel_loop3A_1043 = arith.index_cast %parallel_loop3A_1014 : i32 to index
        %parallel_loop3A_1044 = tpu.vector_load %parallel_loop3A_1042[%parallel_loop3A_1043] {strides = array<i32>} : memref<1024xf32, #tpu.memory_space<vmem>>, vector<16xf32>,
        %parallel_loop3A_1045 = vector.shape_cast %parallel_loop3A_1044 : vector<16xf32> to vector<16xf32>
        %parallel_loop3A_1046 = vector.shape_cast %parallel_loop3A_1035 : vector<16xf32> to vector<16xf32>
        tpu.vector_store %parallel_loop3A_1042[%parallel_loop3A_1043], %parallel_loop3A_1046 {strides = array<i32>} : memref<1024xf32, #tpu.memory_space<vmem>>, vector<16xf32>,
        %parallel_loop3A_1047 = arith.select %ge3A_497, %parallel_loop3A_1034, %parallel_loop3A_1024 : vector<16xi1>, vector<16xf32>
        %parallel_loop3A_1048 = arith.constant 0 : i32
        %parallel_loop3A_1049 = arith.constant 0 : i32
        %parallel_loop3A_1050 = tpu.memref_slice %arg12[%parallel_loop3A_507, %parallel_loop3A_1048, %parallel_loop3A_1049] : memref<2x8x1024xf32, #tpu.memory_space<vmem>> -> memref<1x8x1024xf32, #tpu.memory_space<vmem>>
        %parallel_loop3A_1051 = tpu.memref_squeeze %parallel_loop3A_1050 : memref<1x8x1024xf32, #tpu.memory_space<vmem>> -> memref<8x1024xf32, #tpu.memory_space<vmem>>
        %parallel_loop3A_1052 = arith.constant 0 : i32
        %parallel_loop3A_1053 = tpu.memref_slice %parallel_loop3A_1051[%parallel_loop3A_508, %parallel_loop3A_1052] : memref<8x1024xf32, #tpu.memory_space<vmem>> -> memref<1x1024xf32, #tpu.memory_space<vmem>>
        %parallel_loop3A_1054 = tpu.memref_squeeze %parallel_loop3A_1053 : memref<1x1024xf32, #tpu.memory_space<vmem>> -> memref<1024xf32, #tpu.memory_space<vmem>>
        %parallel_loop3A_1055 = arith.index_cast %parallel_loop3A_1014 : i32 to index
        %parallel_loop3A_1056 = tpu.vector_load %parallel_loop3A_1054[%parallel_loop3A_1055] {strides = array<i32>} : memref<1024xf32, #tpu.memory_space<vmem>>, vector<16xf32>,
        %parallel_loop3A_1057 = vector.shape_cast %parallel_loop3A_1056 : vector<16xf32> to vector<16xf32>
        %parallel_loop3A_1058 = vector.shape_cast %parallel_loop3A_1047 : vector<16xf32> to vector<16xf32>
        tpu.vector_store %parallel_loop3A_1054[%parallel_loop3A_1055], %parallel_loop3A_1058 {strides = array<i32>} : memref<1024xf32, #tpu.memory_space<vmem>>, vector<16xf32>,
      } {sc.loop_unroll_factor = 8 : i64, sc.parallel_access}
      %mul3A_509 = arith.constant 16 : i32
      %mul3A_510 = arith.muli %add3A_100, %mul3A_509 : i32
      %add3A_511 = arith.addi %mul3A_2, %mul3A_510 : i32
      %add3A_512 = arith.constant 8 : i32
      %add3A_513 = arith.addi %add3A_511, %add3A_512 : i32
      %dma_start3A_514 = arith.constant 1 : i32
      %dma_start3A_515 = arith.constant 0 : i32
      %dma_start3A_516 = arith.constant 0 : i32
      %dma_start3A_517 = tpu.memref_slice %arg11[%dma_start3A_514, %dma_start3A_515, %dma_start3A_516] : memref<2x8x1024xf32, #tpu.memory_space<vmem>> -> memref<1x8x1024xf32, #tpu.memory_space<vmem>>
      %dma_start3A_518 = tpu.memref_squeeze %dma_start3A_517 : memref<1x8x1024xf32, #tpu.memory_space<vmem>> -> memref<8x1024xf32, #tpu.memory_space<vmem>>
      %dma_start3A_519 = arith.constant 0 : i32
      %dma_start3A_520 = tpu.memref_slice %arg7[%add3A_513, %dma_start3A_519] : memref<32768x1024xf32, #tpu.memory_space<hbm>> -> memref<8x1024xf32, #tpu.memory_space<hbm>>
      %dma_start3A_521 = arith.constant 0 : i32
      %dma_start3A_522 = tpu.memref_slice %arg7[%add3A_513, %dma_start3A_521] : memref<32768x1024xf32, #tpu.memory_space<hbm>> -> memref<8x1024xf32, #tpu.memory_space<hbm>>
      %dma_start3A_523 = arith.constant 0 : i32
      %dma_start3A_524 = arith.constant 0 : i32
      %dma_start3A_525 = tpu.memref_slice %arg11[%dma_start3A_514, %dma_start3A_523, %dma_start3A_524] : memref<2x8x1024xf32, #tpu.memory_space<vmem>> -> memref<1x8x1024xf32, #tpu.memory_space<vmem>>
      %dma_start3A_526 = tpu.memref_squeeze %dma_start3A_525 : memref<1x8x1024xf32, #tpu.memory_space<vmem>> -> memref<8x1024xf32, #tpu.memory_space<vmem>>
      tpu.enqueue_dma source(%dma_start3A_526 : memref<8x1024xf32, #tpu.memory_space<vmem>>) target(%dma_start3A_522 : memref<8x1024xf32, #tpu.memory_space<hbm>>) target_semaphore(%arg19 : memref<!tpu.dma_semaphore, #tpu.memory_space<semaphore_mem>>)
      %dma_start3A_527 = arith.constant 1 : i32
      %dma_start3A_528 = arith.constant 0 : i32
      %dma_start3A_529 = arith.constant 0 : i32
      %dma_start3A_530 = tpu.memref_slice %arg12[%dma_start3A_527, %dma_start3A_528, %dma_start3A_529] : memref<2x8x1024xf32, #tpu.memory_space<vmem>> -> memref<1x8x1024xf32, #tpu.memory_space<vmem>>
      %dma_start3A_531 = tpu.memref_squeeze %dma_start3A_530 : memref<1x8x1024xf32, #tpu.memory_space<vmem>> -> memref<8x1024xf32, #tpu.memory_space<vmem>>
      %dma_start3A_532 = arith.constant 0 : i32
      %dma_start3A_533 = tpu.memref_slice %arg8[%add3A_513, %dma_start3A_532] : memref<32768x1024xf32, #tpu.memory_space<hbm>> -> memref<8x1024xf32, #tpu.memory_space<hbm>>
      %dma_start3A_534 = arith.constant 0 : i32
      %dma_start3A_535 = tpu.memref_slice %arg8[%add3A_513, %dma_start3A_534] : memref<32768x1024xf32, #tpu.memory_space<hbm>> -> memref<8x1024xf32, #tpu.memory_space<hbm>>
      %dma_start3A_536 = arith.constant 0 : i32
      %dma_start3A_537 = arith.constant 0 : i32
      %dma_start3A_538 = tpu.memref_slice %arg12[%dma_start3A_527, %dma_start3A_536, %dma_start3A_537] : memref<2x8x1024xf32, #tpu.memory_space<vmem>> -> memref<1x8x1024xf32, #tpu.memory_space<vmem>>
      %dma_start3A_539 = tpu.memref_squeeze %dma_start3A_538 : memref<1x8x1024xf32, #tpu.memory_space<vmem>> -> memref<8x1024xf32, #tpu.memory_space<vmem>>
      tpu.enqueue_dma source(%dma_start3A_539 : memref<8x1024xf32, #tpu.memory_space<vmem>>) target(%dma_start3A_535 : memref<8x1024xf32, #tpu.memory_space<hbm>>) target_semaphore(%arg19 : memref<!tpu.dma_semaphore, #tpu.memory_space<semaphore_mem>>)
      %mul3A_540 = arith.constant 2 : i32
      %mul3A_541 = arith.muli %mul3A_540, %scan3A_96 : i32
      %add3A_542 = arith.constant 1 : i32
      %add3A_543 = arith.addi %mul3A_541, %add3A_542 : i32
      %lt3A = arith.constant 31 : i32
      %lt3A_544 = arith.cmpi slt, %scan3A_96, %lt3A : i32
      %convert_element_type3A_545 = arith.extui %lt3A_544 : i1 to i32
      %cond3A_546 = arith.constant 0 : i32
      %cond3A_547 = arith.cmpi ne, %convert_element_type3A_545, %cond3A_546 : i32
      scf.if %cond3A_547 {
        %mul3A_1014 = arith.constant 2 : i32
        %mul3A_1015 = arith.muli %mul3A_1014, %scan3A_96 : i32
        %add3A_1016 = arith.constant 2 : i32
        %add3A_1017 = arith.addi %mul3A_1015, %add3A_1016 : i32
        %mul3A_1018 = arith.constant 16 : i32
        %mul3A_1019 = arith.muli %add3A_1017, %mul3A_1018 : i32
        %add3A_1020 = arith.addi %mul3A_2, %mul3A_1019 : i32
        %dma_start3A_1021 = arith.constant 0 : i32
        %dma_start3A_1022 = arith.constant 0 : i32
        %dma_start3A_1023 = arith.constant 0 : i32
        %dma_start3A_1024 = tpu.memref_slice %arg9[%dma_start3A_1021, %dma_start3A_1022, %dma_start3A_1023] : memref<2x16x1024xf32, #tpu.memory_space<vmem>> -> memref<1x16x1024xf32, #tpu.memory_space<vmem>>
        %dma_start3A_1025 = tpu.memref_squeeze %dma_start3A_1024 : memref<1x16x1024xf32, #tpu.memory_space<vmem>> -> memref<16x1024xf32, #tpu.memory_space<vmem>>
        %dma_start3A_1026 = arith.constant 0 : i32
        %dma_start3A_1027 = tpu.memref_slice %arg5[%add3A_1020, %dma_start3A_1026] : memref<32768x1024xf32, #tpu.memory_space<hbm>> -> memref<16x1024xf32, #tpu.memory_space<hbm>>
        %dma_start3A_1028 = arith.constant 0 : i32
        %dma_start3A_1029 = arith.constant 0 : i32
        %dma_start3A_1030 = tpu.memref_slice %arg9[%dma_start3A_1021, %dma_start3A_1028, %dma_start3A_1029] : memref<2x16x1024xf32, #tpu.memory_space<vmem>> -> memref<1x16x1024xf32, #tpu.memory_space<vmem>>
        %dma_start3A_1031 = tpu.memref_squeeze %dma_start3A_1030 : memref<1x16x1024xf32, #tpu.memory_space<vmem>> -> memref<16x1024xf32, #tpu.memory_space<vmem>>
        %dma_start3A_1032 = arith.constant 0 : i32
        %dma_start3A_1033 = tpu.memref_slice %arg5[%add3A_1020, %dma_start3A_1032] : memref<32768x1024xf32, #tpu.memory_space<hbm>> -> memref<16x1024xf32, #tpu.memory_space<hbm>>
        tpu.enqueue_dma source(%dma_start3A_1033 : memref<16x1024xf32, #tpu.memory_space<hbm>>) target(%dma_start3A_1031 : memref<16x1024xf32, #tpu.memory_space<vmem>>) target_semaphore(%arg16 : memref<!tpu.dma_semaphore, #tpu.memory_space<semaphore_mem>>)
        %dma_start3A_1034 = arith.constant 0 : i32
        %dma_start3A_1035 = arith.constant 0 : i32
        %dma_start3A_1036 = arith.constant 0 : i32
        %dma_start3A_1037 = tpu.memref_slice %arg10[%dma_start3A_1034, %dma_start3A_1035, %dma_start3A_1036] : memref<2x16x1024xf32, #tpu.memory_space<vmem>> -> memref<1x16x1024xf32, #tpu.memory_space<vmem>>
        %dma_start3A_1038 = tpu.memref_squeeze %dma_start3A_1037 : memref<1x16x1024xf32, #tpu.memory_space<vmem>> -> memref<16x1024xf32, #tpu.memory_space<vmem>>
        %dma_start3A_1039 = arith.constant 0 : i32
        %dma_start3A_1040 = tpu.memref_slice %arg6[%add3A_1020, %dma_start3A_1039] : memref<32768x1024xf32, #tpu.memory_space<hbm>> -> memref<16x1024xf32, #tpu.memory_space<hbm>>
        %dma_start3A_1041 = arith.constant 0 : i32
        %dma_start3A_1042 = arith.constant 0 : i32
        %dma_start3A_1043 = tpu.memref_slice %arg10[%dma_start3A_1034, %dma_start3A_1041, %dma_start3A_1042] : memref<2x16x1024xf32, #tpu.memory_space<vmem>> -> memref<1x16x1024xf32, #tpu.memory_space<vmem>>
        %dma_start3A_1044 = tpu.memref_squeeze %dma_start3A_1043 : memref<1x16x1024xf32, #tpu.memory_space<vmem>> -> memref<16x1024xf32, #tpu.memory_space<vmem>>
        %dma_start3A_1045 = arith.constant 0 : i32
        %dma_start3A_1046 = tpu.memref_slice %arg6[%add3A_1020, %dma_start3A_1045] : memref<32768x1024xf32, #tpu.memory_space<hbm>> -> memref<16x1024xf32, #tpu.memory_space<hbm>>
        tpu.enqueue_dma source(%dma_start3A_1046 : memref<16x1024xf32, #tpu.memory_space<hbm>>) target(%dma_start3A_1044 : memref<16x1024xf32, #tpu.memory_space<vmem>>) target_semaphore(%arg16 : memref<!tpu.dma_semaphore, #tpu.memory_space<semaphore_mem>>)
      } else {
      }
      %dma_wait3A_548 = arith.constant 1 : i32
      %dma_wait3A_549 = arith.constant 0 : i32
      %dma_wait3A_550 = arith.constant 0 : i32
      %dma_wait3A_551 = tpu.memref_slice %arg9[%dma_wait3A_548, %dma_wait3A_549, %dma_wait3A_550] : memref<2x16x1024xf32, #tpu.memory_space<vmem>> -> memref<1x16x1024xf32, #tpu.memory_space<vmem>>
      %dma_wait3A_552 = tpu.memref_squeeze %dma_wait3A_551 : memref<1x16x1024xf32, #tpu.memory_space<vmem>> -> memref<16x1024xf32, #tpu.memory_space<vmem>>
      %dma_wait3A_553 = arith.constant 0 : i32
      %dma_wait3A_554 = arith.constant 0 : i32
      %dma_wait3A_555 = tpu.memref_slice %arg5[%dma_wait3A_553, %dma_wait3A_554] : memref<32768x1024xf32, #tpu.memory_space<hbm>> -> memref<16x1024xf32, #tpu.memory_space<hbm>>
      %dma_wait3A_556 = arith.constant 0 : i32
      %dma_wait3A_557 = arith.constant 0 : i32
      %dma_wait3A_558 = tpu.memref_slice %arg9[%dma_wait3A_548, %dma_wait3A_556, %dma_wait3A_557] : memref<2x16x1024xf32, #tpu.memory_space<vmem>> -> memref<1x16x1024xf32, #tpu.memory_space<vmem>>
      %dma_wait3A_559 = tpu.memref_squeeze %dma_wait3A_558 : memref<1x16x1024xf32, #tpu.memory_space<vmem>> -> memref<16x1024xf32, #tpu.memory_space<vmem>>
      %dma_wait3A_560 = arith.constant 0 : i32
      %dma_wait3A_561 = arith.constant 0 : i32
      %dma_wait3A_562 = tpu.memref_slice %arg5[%dma_wait3A_560, %dma_wait3A_561] : memref<32768x1024xf32, #tpu.memory_space<hbm>> -> memref<16x1024xf32, #tpu.memory_space<hbm>>
      tpu.wait_dma2 semaphore(%arg17 : memref<!tpu.dma_semaphore, #tpu.memory_space<semaphore_mem>>) src(%dma_wait3A_562 : memref<16x1024xf32, #tpu.memory_space<hbm>>) dst(%dma_wait3A_559 : memref<16x1024xf32, #tpu.memory_space<vmem>>)
      %dma_wait3A_563 = arith.constant 1 : i32
      %dma_wait3A_564 = arith.constant 0 : i32
      %dma_wait3A_565 = arith.constant 0 : i32
      %dma_wait3A_566 = tpu.memref_slice %arg10[%dma_wait3A_563, %dma_wait3A_564, %dma_wait3A_565] : memref<2x16x1024xf32, #tpu.memory_space<vmem>> -> memref<1x16x1024xf32, #tpu.memory_space<vmem>>
      %dma_wait3A_567 = tpu.memref_squeeze %dma_wait3A_566 : memref<1x16x1024xf32, #tpu.memory_space<vmem>> -> memref<16x1024xf32, #tpu.memory_space<vmem>>
      %dma_wait3A_568 = arith.constant 0 : i32
      %dma_wait3A_569 = arith.constant 0 : i32
      %dma_wait3A_570 = tpu.memref_slice %arg6[%dma_wait3A_568, %dma_wait3A_569] : memref<32768x1024xf32, #tpu.memory_space<hbm>> -> memref<16x1024xf32, #tpu.memory_space<hbm>>
      %dma_wait3A_571 = arith.constant 0 : i32
      %dma_wait3A_572 = arith.constant 0 : i32
      %dma_wait3A_573 = tpu.memref_slice %arg10[%dma_wait3A_563, %dma_wait3A_571, %dma_wait3A_572] : memref<2x16x1024xf32, #tpu.memory_space<vmem>> -> memref<1x16x1024xf32, #tpu.memory_space<vmem>>
      %dma_wait3A_574 = tpu.memref_squeeze %dma_wait3A_573 : memref<1x16x1024xf32, #tpu.memory_space<vmem>> -> memref<16x1024xf32, #tpu.memory_space<vmem>>
      %dma_wait3A_575 = arith.constant 0 : i32
      %dma_wait3A_576 = arith.constant 0 : i32
      %dma_wait3A_577 = tpu.memref_slice %arg6[%dma_wait3A_575, %dma_wait3A_576] : memref<32768x1024xf32, #tpu.memory_space<hbm>> -> memref<16x1024xf32, #tpu.memory_space<hbm>>
      tpu.wait_dma2 semaphore(%arg17 : memref<!tpu.dma_semaphore, #tpu.memory_space<semaphore_mem>>) src(%dma_wait3A_577 : memref<16x1024xf32, #tpu.memory_space<hbm>>) dst(%dma_wait3A_574 : memref<16x1024xf32, #tpu.memory_space<vmem>>)
      %mul3A_578 = arith.constant 16 : i32
      %mul3A_579 = arith.muli %add3A_543, %mul3A_578 : i32
      %get3A_580 = arith.index_cast %mul3A_579 : i32 to index
      %get3A_581 = tpu.vector_load %arg13[%get3A_580] {strides = array<i32>} : memref<1024xf32, #tpu.memory_space<vmem>>, vector<16xf32>,
      %get3A_582 = vector.shape_cast %get3A_581 : vector<16xf32> to vector<16xf32>
      %mul3A_583 = arith.constant 16 : i32
      %mul3A_584 = arith.muli %add3A_543, %mul3A_583 : i32
      %get3A_585 = arith.index_cast %mul3A_584 : i32 to index
      %get3A_586 = tpu.vector_load %arg14[%get3A_585] {strides = array<i32>} : memref<1024xf32, #tpu.memory_space<vmem>>, vector<16xf32>,
      %get3A_587 = vector.shape_cast %get3A_586 : vector<16xf32> to vector<16xf32>
      %dma_wait3A_588 = arith.constant 0 : i32
      %dma_wait3A_589 = arith.constant 0 : i32
      %dma_wait3A_590 = arith.constant 0 : i32
      %dma_wait3A_591 = tpu.memref_slice %arg11[%dma_wait3A_588, %dma_wait3A_589, %dma_wait3A_590] : memref<2x8x1024xf32, #tpu.memory_space<vmem>> -> memref<1x8x1024xf32, #tpu.memory_space<vmem>>
      %dma_wait3A_592 = tpu.memref_squeeze %dma_wait3A_591 : memref<1x8x1024xf32, #tpu.memory_space<vmem>> -> memref<8x1024xf32, #tpu.memory_space<vmem>>
      %dma_wait3A_593 = arith.constant 0 : i32
      %dma_wait3A_594 = arith.constant 0 : i32
      %dma_wait3A_595 = tpu.memref_slice %arg7[%dma_wait3A_593, %dma_wait3A_594] : memref<32768x1024xf32, #tpu.memory_space<hbm>> -> memref<8x1024xf32, #tpu.memory_space<hbm>>
      %dma_wait3A_596 = arith.constant 0 : i32
      %dma_wait3A_597 = arith.constant 0 : i32
      %dma_wait3A_598 = tpu.memref_slice %arg7[%dma_wait3A_596, %dma_wait3A_597] : memref<32768x1024xf32, #tpu.memory_space<hbm>> -> memref<8x1024xf32, #tpu.memory_space<hbm>>
      %dma_wait3A_599 = arith.constant 0 : i32
      %dma_wait3A_600 = arith.constant 0 : i32
      %dma_wait3A_601 = tpu.memref_slice %arg11[%dma_wait3A_588, %dma_wait3A_599, %dma_wait3A_600] : memref<2x8x1024xf32, #tpu.memory_space<vmem>> -> memref<1x8x1024xf32, #tpu.memory_space<vmem>>
      %dma_wait3A_602 = tpu.memref_squeeze %dma_wait3A_601 : memref<1x8x1024xf32, #tpu.memory_space<vmem>> -> memref<8x1024xf32, #tpu.memory_space<vmem>>
      tpu.wait_dma2 semaphore(%arg18 : memref<!tpu.dma_semaphore, #tpu.memory_space<semaphore_mem>>) src(%dma_wait3A_602 : memref<8x1024xf32, #tpu.memory_space<vmem>>) dst(%dma_wait3A_598 : memref<8x1024xf32, #tpu.memory_space<hbm>>)
      %dma_wait3A_603 = arith.constant 0 : i32
      %dma_wait3A_604 = arith.constant 0 : i32
      %dma_wait3A_605 = arith.constant 0 : i32
      %dma_wait3A_606 = tpu.memref_slice %arg12[%dma_wait3A_603, %dma_wait3A_604, %dma_wait3A_605] : memref<2x8x1024xf32, #tpu.memory_space<vmem>> -> memref<1x8x1024xf32, #tpu.memory_space<vmem>>
      %dma_wait3A_607 = tpu.memref_squeeze %dma_wait3A_606 : memref<1x8x1024xf32, #tpu.memory_space<vmem>> -> memref<8x1024xf32, #tpu.memory_space<vmem>>
      %dma_wait3A_608 = arith.constant 0 : i32
      %dma_wait3A_609 = arith.constant 0 : i32
      %dma_wait3A_610 = tpu.memref_slice %arg8[%dma_wait3A_608, %dma_wait3A_609] : memref<32768x1024xf32, #tpu.memory_space<hbm>> -> memref<8x1024xf32, #tpu.memory_space<hbm>>
      %dma_wait3A_611 = arith.constant 0 : i32
      %dma_wait3A_612 = arith.constant 0 : i32
      %dma_wait3A_613 = tpu.memref_slice %arg8[%dma_wait3A_611, %dma_wait3A_612] : memref<32768x1024xf32, #tpu.memory_space<hbm>> -> memref<8x1024xf32, #tpu.memory_space<hbm>>
      %dma_wait3A_614 = arith.constant 0 : i32
      %dma_wait3A_615 = arith.constant 0 : i32
      %dma_wait3A_616 = tpu.memref_slice %arg12[%dma_wait3A_603, %dma_wait3A_614, %dma_wait3A_615] : memref<2x8x1024xf32, #tpu.memory_space<vmem>> -> memref<1x8x1024xf32, #tpu.memory_space<vmem>>
      %dma_wait3A_617 = tpu.memref_squeeze %dma_wait3A_616 : memref<1x8x1024xf32, #tpu.memory_space<vmem>> -> memref<8x1024xf32, #tpu.memory_space<vmem>>
      tpu.wait_dma2 semaphore(%arg18 : memref<!tpu.dma_semaphore, #tpu.memory_space<semaphore_mem>>) src(%dma_wait3A_617 : memref<8x1024xf32, #tpu.memory_space<vmem>>) dst(%dma_wait3A_613 : memref<8x1024xf32, #tpu.memory_space<hbm>>)
      %slice3A_618 = vector.extract_strided_slice %get3A_582 {offsets = [0], sizes = [1], strides = [1]} : vector<16xf32> to vector<1xf32>
      %squeeze3A_619 = vector.extract %slice3A_618[0] : f32 from vector<1xf32>
      %broadcast_in_dim3A_620 = vector.broadcast %squeeze3A_619 : f32 to vector<16xf32>
      %ge3A_621 = arith.cmpf oge, %broadcast_in_dim3A_620, %get3A_4 : vector<16xf32>
      %slice3A_622 = vector.extract_strided_slice %get3A_587 {offsets = [0], sizes = [1], strides = [1]} : vector<16xf32> to vector<1xf32>
      %squeeze3A_623 = vector.extract %slice3A_622[0] : f32 from vector<1xf32>
      %broadcast_in_dim3A_624 = vector.broadcast %squeeze3A_623 : f32 to vector<16xf32>
      %ge3A_625 = arith.cmpf oge, %broadcast_in_dim3A_624, %get3A_4 : vector<16xf32>
      %parallel_loop3A_626 = arith.constant 0 : i32
      %parallel_loop3A_627 = arith.constant 1024 : i32
      %parallel_loop3A_628 = arith.constant 16 : i32
      %parallel_loop3A_629 = arith.constant 1 : i32
      %parallel_loop3A_630 = arith.constant 0 : i32
      %parallel_loop3A_631 = arith.constant 1 : i32
      %parallel_loop3A_632 = arith.constant 0 : i32
      %parallel_loop3A_633 = arith.constant 0 : i32
      %parallel_loop3A_634 = arith.constant 0 : i32
      %parallel_loop3A_635 = arith.constant 0 : i32
      %parallel_loop3A_636 = arith.constant 0 : i32
      scf.for %parallel_loop3A_1014 = %parallel_loop3A_626 to %parallel_loop3A_627 step %parallel_loop3A_628  : i32 {
        %parallel_loop3A_1015 = arith.constant 0 : i32
        %parallel_loop3A_1016 = arith.constant 0 : i32
        %parallel_loop3A_1017 = tpu.memref_slice %arg9[%parallel_loop3A_629, %parallel_loop3A_1015, %parallel_loop3A_1016] : memref<2x16x1024xf32, #tpu.memory_space<vmem>> -> memref<1x16x1024xf32, #tpu.memory_space<vmem>>
        %parallel_loop3A_1018 = tpu.memref_squeeze %parallel_loop3A_1017 : memref<1x16x1024xf32, #tpu.memory_space<vmem>> -> memref<16x1024xf32, #tpu.memory_space<vmem>>
        %parallel_loop3A_1019 = arith.constant 0 : i32
        %parallel_loop3A_1020 = tpu.memref_slice %parallel_loop3A_1018[%parallel_loop3A_630, %parallel_loop3A_1019] : memref<16x1024xf32, #tpu.memory_space<vmem>> -> memref<1x1024xf32, #tpu.memory_space<vmem>>
        %parallel_loop3A_1021 = tpu.memref_squeeze %parallel_loop3A_1020 : memref<1x1024xf32, #tpu.memory_space<vmem>> -> memref<1024xf32, #tpu.memory_space<vmem>>
        %parallel_loop3A_1022 = arith.index_cast %parallel_loop3A_1014 : i32 to index
        %parallel_loop3A_1023 = tpu.vector_load %parallel_loop3A_1021[%parallel_loop3A_1022] {strides = array<i32>} : memref<1024xf32, #tpu.memory_space<vmem>>, vector<16xf32>,
        %parallel_loop3A_1024 = vector.shape_cast %parallel_loop3A_1023 : vector<16xf32> to vector<16xf32>
        %parallel_loop3A_1025 = arith.constant 0 : i32
        %parallel_loop3A_1026 = arith.constant 0 : i32
        %parallel_loop3A_1027 = tpu.memref_slice %arg10[%parallel_loop3A_631, %parallel_loop3A_1025, %parallel_loop3A_1026] : memref<2x16x1024xf32, #tpu.memory_space<vmem>> -> memref<1x16x1024xf32, #tpu.memory_space<vmem>>
        %parallel_loop3A_1028 = tpu.memref_squeeze %parallel_loop3A_1027 : memref<1x16x1024xf32, #tpu.memory_space<vmem>> -> memref<16x1024xf32, #tpu.memory_space<vmem>>
        %parallel_loop3A_1029 = arith.constant 0 : i32
        %parallel_loop3A_1030 = tpu.memref_slice %parallel_loop3A_1028[%parallel_loop3A_632, %parallel_loop3A_1029] : memref<16x1024xf32, #tpu.memory_space<vmem>> -> memref<1x1024xf32, #tpu.memory_space<vmem>>
        %parallel_loop3A_1031 = tpu.memref_squeeze %parallel_loop3A_1030 : memref<1x1024xf32, #tpu.memory_space<vmem>> -> memref<1024xf32, #tpu.memory_space<vmem>>
        %parallel_loop3A_1032 = arith.index_cast %parallel_loop3A_1014 : i32 to index
        %parallel_loop3A_1033 = tpu.vector_load %parallel_loop3A_1031[%parallel_loop3A_1032] {strides = array<i32>} : memref<1024xf32, #tpu.memory_space<vmem>>, vector<16xf32>,
        %parallel_loop3A_1034 = vector.shape_cast %parallel_loop3A_1033 : vector<16xf32> to vector<16xf32>
        %parallel_loop3A_1035 = arith.select %ge3A_621, %parallel_loop3A_1024, %parallel_loop3A_1034 : vector<16xi1>, vector<16xf32>
        %parallel_loop3A_1036 = arith.constant 0 : i32
        %parallel_loop3A_1037 = arith.constant 0 : i32
        %parallel_loop3A_1038 = tpu.memref_slice %arg11[%parallel_loop3A_633, %parallel_loop3A_1036, %parallel_loop3A_1037] : memref<2x8x1024xf32, #tpu.memory_space<vmem>> -> memref<1x8x1024xf32, #tpu.memory_space<vmem>>
        %parallel_loop3A_1039 = tpu.memref_squeeze %parallel_loop3A_1038 : memref<1x8x1024xf32, #tpu.memory_space<vmem>> -> memref<8x1024xf32, #tpu.memory_space<vmem>>
        %parallel_loop3A_1040 = arith.constant 0 : i32
        %parallel_loop3A_1041 = tpu.memref_slice %parallel_loop3A_1039[%parallel_loop3A_634, %parallel_loop3A_1040] : memref<8x1024xf32, #tpu.memory_space<vmem>> -> memref<1x1024xf32, #tpu.memory_space<vmem>>
        %parallel_loop3A_1042 = tpu.memref_squeeze %parallel_loop3A_1041 : memref<1x1024xf32, #tpu.memory_space<vmem>> -> memref<1024xf32, #tpu.memory_space<vmem>>
        %parallel_loop3A_1043 = arith.index_cast %parallel_loop3A_1014 : i32 to index
        %parallel_loop3A_1044 = tpu.vector_load %parallel_loop3A_1042[%parallel_loop3A_1043] {strides = array<i32>} : memref<1024xf32, #tpu.memory_space<vmem>>, vector<16xf32>,
        %parallel_loop3A_1045 = vector.shape_cast %parallel_loop3A_1044 : vector<16xf32> to vector<16xf32>
        %parallel_loop3A_1046 = vector.shape_cast %parallel_loop3A_1035 : vector<16xf32> to vector<16xf32>
        tpu.vector_store %parallel_loop3A_1042[%parallel_loop3A_1043], %parallel_loop3A_1046 {strides = array<i32>} : memref<1024xf32, #tpu.memory_space<vmem>>, vector<16xf32>,
        %parallel_loop3A_1047 = arith.select %ge3A_625, %parallel_loop3A_1034, %parallel_loop3A_1024 : vector<16xi1>, vector<16xf32>
        %parallel_loop3A_1048 = arith.constant 0 : i32
        %parallel_loop3A_1049 = arith.constant 0 : i32
        %parallel_loop3A_1050 = tpu.memref_slice %arg12[%parallel_loop3A_635, %parallel_loop3A_1048, %parallel_loop3A_1049] : memref<2x8x1024xf32, #tpu.memory_space<vmem>> -> memref<1x8x1024xf32, #tpu.memory_space<vmem>>
        %parallel_loop3A_1051 = tpu.memref_squeeze %parallel_loop3A_1050 : memref<1x8x1024xf32, #tpu.memory_space<vmem>> -> memref<8x1024xf32, #tpu.memory_space<vmem>>
        %parallel_loop3A_1052 = arith.constant 0 : i32
        %parallel_loop3A_1053 = tpu.memref_slice %parallel_loop3A_1051[%parallel_loop3A_636, %parallel_loop3A_1052] : memref<8x1024xf32, #tpu.memory_space<vmem>> -> memref<1x1024xf32, #tpu.memory_space<vmem>>
        %parallel_loop3A_1054 = tpu.memref_squeeze %parallel_loop3A_1053 : memref<1x1024xf32, #tpu.memory_space<vmem>> -> memref<1024xf32, #tpu.memory_space<vmem>>
        %parallel_loop3A_1055 = arith.index_cast %parallel_loop3A_1014 : i32 to index
        %parallel_loop3A_1056 = tpu.vector_load %parallel_loop3A_1054[%parallel_loop3A_1055] {strides = array<i32>} : memref<1024xf32, #tpu.memory_space<vmem>>, vector<16xf32>,
        %parallel_loop3A_1057 = vector.shape_cast %parallel_loop3A_1056 : vector<16xf32> to vector<16xf32>
        %parallel_loop3A_1058 = vector.shape_cast %parallel_loop3A_1047 : vector<16xf32> to vector<16xf32>
        tpu.vector_store %parallel_loop3A_1054[%parallel_loop3A_1055], %parallel_loop3A_1058 {strides = array<i32>} : memref<1024xf32, #tpu.memory_space<vmem>>, vector<16xf32>,
      } {sc.loop_unroll_factor = 8 : i64, sc.parallel_access}
      %slice3A_637 = vector.extract_strided_slice %get3A_582 {offsets = [1], sizes = [1], strides = [1]} : vector<16xf32> to vector<1xf32>
      %squeeze3A_638 = vector.extract %slice3A_637[0] : f32 from vector<1xf32>
      %broadcast_in_dim3A_639 = vector.broadcast %squeeze3A_638 : f32 to vector<16xf32>
      %ge3A_640 = arith.cmpf oge, %broadcast_in_dim3A_639, %get3A_4 : vector<16xf32>
      %slice3A_641 = vector.extract_strided_slice %get3A_587 {offsets = [1], sizes = [1], strides = [1]} : vector<16xf32> to vector<1xf32>
      %squeeze3A_642 = vector.extract %slice3A_641[0] : f32 from vector<1xf32>
      %broadcast_in_dim3A_643 = vector.broadcast %squeeze3A_642 : f32 to vector<16xf32>
      %ge3A_644 = arith.cmpf oge, %broadcast_in_dim3A_643, %get3A_4 : vector<16xf32>
      %parallel_loop3A_645 = arith.constant 0 : i32
      %parallel_loop3A_646 = arith.constant 1024 : i32
      %parallel_loop3A_647 = arith.constant 16 : i32
      %parallel_loop3A_648 = arith.constant 1 : i32
      %parallel_loop3A_649 = arith.constant 1 : i32
      %parallel_loop3A_650 = arith.constant 1 : i32
      %parallel_loop3A_651 = arith.constant 1 : i32
      %parallel_loop3A_652 = arith.constant 0 : i32
      %parallel_loop3A_653 = arith.constant 1 : i32
      %parallel_loop3A_654 = arith.constant 0 : i32
      %parallel_loop3A_655 = arith.constant 1 : i32
      scf.for %parallel_loop3A_1014 = %parallel_loop3A_645 to %parallel_loop3A_646 step %parallel_loop3A_647  : i32 {
        %parallel_loop3A_1015 = arith.constant 0 : i32
        %parallel_loop3A_1016 = arith.constant 0 : i32
        %parallel_loop3A_1017 = tpu.memref_slice %arg9[%parallel_loop3A_648, %parallel_loop3A_1015, %parallel_loop3A_1016] : memref<2x16x1024xf32, #tpu.memory_space<vmem>> -> memref<1x16x1024xf32, #tpu.memory_space<vmem>>
        %parallel_loop3A_1018 = tpu.memref_squeeze %parallel_loop3A_1017 : memref<1x16x1024xf32, #tpu.memory_space<vmem>> -> memref<16x1024xf32, #tpu.memory_space<vmem>>
        %parallel_loop3A_1019 = arith.constant 0 : i32
        %parallel_loop3A_1020 = tpu.memref_slice %parallel_loop3A_1018[%parallel_loop3A_649, %parallel_loop3A_1019] : memref<16x1024xf32, #tpu.memory_space<vmem>> -> memref<1x1024xf32, #tpu.memory_space<vmem>>
        %parallel_loop3A_1021 = tpu.memref_squeeze %parallel_loop3A_1020 : memref<1x1024xf32, #tpu.memory_space<vmem>> -> memref<1024xf32, #tpu.memory_space<vmem>>
        %parallel_loop3A_1022 = arith.index_cast %parallel_loop3A_1014 : i32 to index
        %parallel_loop3A_1023 = tpu.vector_load %parallel_loop3A_1021[%parallel_loop3A_1022] {strides = array<i32>} : memref<1024xf32, #tpu.memory_space<vmem>>, vector<16xf32>,
        %parallel_loop3A_1024 = vector.shape_cast %parallel_loop3A_1023 : vector<16xf32> to vector<16xf32>
        %parallel_loop3A_1025 = arith.constant 0 : i32
        %parallel_loop3A_1026 = arith.constant 0 : i32
        %parallel_loop3A_1027 = tpu.memref_slice %arg10[%parallel_loop3A_650, %parallel_loop3A_1025, %parallel_loop3A_1026] : memref<2x16x1024xf32, #tpu.memory_space<vmem>> -> memref<1x16x1024xf32, #tpu.memory_space<vmem>>
        %parallel_loop3A_1028 = tpu.memref_squeeze %parallel_loop3A_1027 : memref<1x16x1024xf32, #tpu.memory_space<vmem>> -> memref<16x1024xf32, #tpu.memory_space<vmem>>
        %parallel_loop3A_1029 = arith.constant 0 : i32
        %parallel_loop3A_1030 = tpu.memref_slice %parallel_loop3A_1028[%parallel_loop3A_651, %parallel_loop3A_1029] : memref<16x1024xf32, #tpu.memory_space<vmem>> -> memref<1x1024xf32, #tpu.memory_space<vmem>>
        %parallel_loop3A_1031 = tpu.memref_squeeze %parallel_loop3A_1030 : memref<1x1024xf32, #tpu.memory_space<vmem>> -> memref<1024xf32, #tpu.memory_space<vmem>>
        %parallel_loop3A_1032 = arith.index_cast %parallel_loop3A_1014 : i32 to index
        %parallel_loop3A_1033 = tpu.vector_load %parallel_loop3A_1031[%parallel_loop3A_1032] {strides = array<i32>} : memref<1024xf32, #tpu.memory_space<vmem>>, vector<16xf32>,
        %parallel_loop3A_1034 = vector.shape_cast %parallel_loop3A_1033 : vector<16xf32> to vector<16xf32>
        %parallel_loop3A_1035 = arith.select %ge3A_640, %parallel_loop3A_1024, %parallel_loop3A_1034 : vector<16xi1>, vector<16xf32>
        %parallel_loop3A_1036 = arith.constant 0 : i32
        %parallel_loop3A_1037 = arith.constant 0 : i32
        %parallel_loop3A_1038 = tpu.memref_slice %arg11[%parallel_loop3A_652, %parallel_loop3A_1036, %parallel_loop3A_1037] : memref<2x8x1024xf32, #tpu.memory_space<vmem>> -> memref<1x8x1024xf32, #tpu.memory_space<vmem>>
        %parallel_loop3A_1039 = tpu.memref_squeeze %parallel_loop3A_1038 : memref<1x8x1024xf32, #tpu.memory_space<vmem>> -> memref<8x1024xf32, #tpu.memory_space<vmem>>
        %parallel_loop3A_1040 = arith.constant 0 : i32
        %parallel_loop3A_1041 = tpu.memref_slice %parallel_loop3A_1039[%parallel_loop3A_653, %parallel_loop3A_1040] : memref<8x1024xf32, #tpu.memory_space<vmem>> -> memref<1x1024xf32, #tpu.memory_space<vmem>>
        %parallel_loop3A_1042 = tpu.memref_squeeze %parallel_loop3A_1041 : memref<1x1024xf32, #tpu.memory_space<vmem>> -> memref<1024xf32, #tpu.memory_space<vmem>>
        %parallel_loop3A_1043 = arith.index_cast %parallel_loop3A_1014 : i32 to index
        %parallel_loop3A_1044 = tpu.vector_load %parallel_loop3A_1042[%parallel_loop3A_1043] {strides = array<i32>} : memref<1024xf32, #tpu.memory_space<vmem>>, vector<16xf32>,
        %parallel_loop3A_1045 = vector.shape_cast %parallel_loop3A_1044 : vector<16xf32> to vector<16xf32>
        %parallel_loop3A_1046 = vector.shape_cast %parallel_loop3A_1035 : vector<16xf32> to vector<16xf32>
        tpu.vector_store %parallel_loop3A_1042[%parallel_loop3A_1043], %parallel_loop3A_1046 {strides = array<i32>} : memref<1024xf32, #tpu.memory_space<vmem>>, vector<16xf32>,
        %parallel_loop3A_1047 = arith.select %ge3A_644, %parallel_loop3A_1034, %parallel_loop3A_1024 : vector<16xi1>, vector<16xf32>
        %parallel_loop3A_1048 = arith.constant 0 : i32
        %parallel_loop3A_1049 = arith.constant 0 : i32
        %parallel_loop3A_1050 = tpu.memref_slice %arg12[%parallel_loop3A_654, %parallel_loop3A_1048, %parallel_loop3A_1049] : memref<2x8x1024xf32, #tpu.memory_space<vmem>> -> memref<1x8x1024xf32, #tpu.memory_space<vmem>>
        %parallel_loop3A_1051 = tpu.memref_squeeze %parallel_loop3A_1050 : memref<1x8x1024xf32, #tpu.memory_space<vmem>> -> memref<8x1024xf32, #tpu.memory_space<vmem>>
        %parallel_loop3A_1052 = arith.constant 0 : i32
        %parallel_loop3A_1053 = tpu.memref_slice %parallel_loop3A_1051[%parallel_loop3A_655, %parallel_loop3A_1052] : memref<8x1024xf32, #tpu.memory_space<vmem>> -> memref<1x1024xf32, #tpu.memory_space<vmem>>
        %parallel_loop3A_1054 = tpu.memref_squeeze %parallel_loop3A_1053 : memref<1x1024xf32, #tpu.memory_space<vmem>> -> memref<1024xf32, #tpu.memory_space<vmem>>
        %parallel_loop3A_1055 = arith.index_cast %parallel_loop3A_1014 : i32 to index
        %parallel_loop3A_1056 = tpu.vector_load %parallel_loop3A_1054[%parallel_loop3A_1055] {strides = array<i32>} : memref<1024xf32, #tpu.memory_space<vmem>>, vector<16xf32>,
        %parallel_loop3A_1057 = vector.shape_cast %parallel_loop3A_1056 : vector<16xf32> to vector<16xf32>
        %parallel_loop3A_1058 = vector.shape_cast %parallel_loop3A_1047 : vector<16xf32> to vector<16xf32>
        tpu.vector_store %parallel_loop3A_1054[%parallel_loop3A_1055], %parallel_loop3A_1058 {strides = array<i32>} : memref<1024xf32, #tpu.memory_space<vmem>>, vector<16xf32>,
      } {sc.loop_unroll_factor = 8 : i64, sc.parallel_access}
      %slice3A_656 = vector.extract_strided_slice %get3A_582 {offsets = [2], sizes = [1], strides = [1]} : vector<16xf32> to vector<1xf32>
      %squeeze3A_657 = vector.extract %slice3A_656[0] : f32 from vector<1xf32>
      %broadcast_in_dim3A_658 = vector.broadcast %squeeze3A_657 : f32 to vector<16xf32>
      %ge3A_659 = arith.cmpf oge, %broadcast_in_dim3A_658, %get3A_4 : vector<16xf32>
      %slice3A_660 = vector.extract_strided_slice %get3A_587 {offsets = [2], sizes = [1], strides = [1]} : vector<16xf32> to vector<1xf32>
      %squeeze3A_661 = vector.extract %slice3A_660[0] : f32 from vector<1xf32>
      %broadcast_in_dim3A_662 = vector.broadcast %squeeze3A_661 : f32 to vector<16xf32>
      %ge3A_663 = arith.cmpf oge, %broadcast_in_dim3A_662, %get3A_4 : vector<16xf32>
      %parallel_loop3A_664 = arith.constant 0 : i32
      %parallel_loop3A_665 = arith.constant 1024 : i32
      %parallel_loop3A_666 = arith.constant 16 : i32
      %parallel_loop3A_667 = arith.constant 1 : i32
      %parallel_loop3A_668 = arith.constant 2 : i32
      %parallel_loop3A_669 = arith.constant 1 : i32
      %parallel_loop3A_670 = arith.constant 2 : i32
      %parallel_loop3A_671 = arith.constant 0 : i32
      %parallel_loop3A_672 = arith.constant 2 : i32
      %parallel_loop3A_673 = arith.constant 0 : i32
      %parallel_loop3A_674 = arith.constant 2 : i32
      scf.for %parallel_loop3A_1014 = %parallel_loop3A_664 to %parallel_loop3A_665 step %parallel_loop3A_666  : i32 {
        %parallel_loop3A_1015 = arith.constant 0 : i32
        %parallel_loop3A_1016 = arith.constant 0 : i32
        %parallel_loop3A_1017 = tpu.memref_slice %arg9[%parallel_loop3A_667, %parallel_loop3A_1015, %parallel_loop3A_1016] : memref<2x16x1024xf32, #tpu.memory_space<vmem>> -> memref<1x16x1024xf32, #tpu.memory_space<vmem>>
        %parallel_loop3A_1018 = tpu.memref_squeeze %parallel_loop3A_1017 : memref<1x16x1024xf32, #tpu.memory_space<vmem>> -> memref<16x1024xf32, #tpu.memory_space<vmem>>
        %parallel_loop3A_1019 = arith.constant 0 : i32
        %parallel_loop3A_1020 = tpu.memref_slice %parallel_loop3A_1018[%parallel_loop3A_668, %parallel_loop3A_1019] : memref<16x1024xf32, #tpu.memory_space<vmem>> -> memref<1x1024xf32, #tpu.memory_space<vmem>>
        %parallel_loop3A_1021 = tpu.memref_squeeze %parallel_loop3A_1020 : memref<1x1024xf32, #tpu.memory_space<vmem>> -> memref<1024xf32, #tpu.memory_space<vmem>>
        %parallel_loop3A_1022 = arith.index_cast %parallel_loop3A_1014 : i32 to index
        %parallel_loop3A_1023 = tpu.vector_load %parallel_loop3A_1021[%parallel_loop3A_1022] {strides = array<i32>} : memref<1024xf32, #tpu.memory_space<vmem>>, vector<16xf32>,
        %parallel_loop3A_1024 = vector.shape_cast %parallel_loop3A_1023 : vector<16xf32> to vector<16xf32>
        %parallel_loop3A_1025 = arith.constant 0 : i32
        %parallel_loop3A_1026 = arith.constant 0 : i32
        %parallel_loop3A_1027 = tpu.memref_slice %arg10[%parallel_loop3A_669, %parallel_loop3A_1025, %parallel_loop3A_1026] : memref<2x16x1024xf32, #tpu.memory_space<vmem>> -> memref<1x16x1024xf32, #tpu.memory_space<vmem>>
        %parallel_loop3A_1028 = tpu.memref_squeeze %parallel_loop3A_1027 : memref<1x16x1024xf32, #tpu.memory_space<vmem>> -> memref<16x1024xf32, #tpu.memory_space<vmem>>
        %parallel_loop3A_1029 = arith.constant 0 : i32
        %parallel_loop3A_1030 = tpu.memref_slice %parallel_loop3A_1028[%parallel_loop3A_670, %parallel_loop3A_1029] : memref<16x1024xf32, #tpu.memory_space<vmem>> -> memref<1x1024xf32, #tpu.memory_space<vmem>>
        %parallel_loop3A_1031 = tpu.memref_squeeze %parallel_loop3A_1030 : memref<1x1024xf32, #tpu.memory_space<vmem>> -> memref<1024xf32, #tpu.memory_space<vmem>>
        %parallel_loop3A_1032 = arith.index_cast %parallel_loop3A_1014 : i32 to index
        %parallel_loop3A_1033 = tpu.vector_load %parallel_loop3A_1031[%parallel_loop3A_1032] {strides = array<i32>} : memref<1024xf32, #tpu.memory_space<vmem>>, vector<16xf32>,
        %parallel_loop3A_1034 = vector.shape_cast %parallel_loop3A_1033 : vector<16xf32> to vector<16xf32>
        %parallel_loop3A_1035 = arith.select %ge3A_659, %parallel_loop3A_1024, %parallel_loop3A_1034 : vector<16xi1>, vector<16xf32>
        %parallel_loop3A_1036 = arith.constant 0 : i32
        %parallel_loop3A_1037 = arith.constant 0 : i32
        %parallel_loop3A_1038 = tpu.memref_slice %arg11[%parallel_loop3A_671, %parallel_loop3A_1036, %parallel_loop3A_1037] : memref<2x8x1024xf32, #tpu.memory_space<vmem>> -> memref<1x8x1024xf32, #tpu.memory_space<vmem>>
        %parallel_loop3A_1039 = tpu.memref_squeeze %parallel_loop3A_1038 : memref<1x8x1024xf32, #tpu.memory_space<vmem>> -> memref<8x1024xf32, #tpu.memory_space<vmem>>
        %parallel_loop3A_1040 = arith.constant 0 : i32
        %parallel_loop3A_1041 = tpu.memref_slice %parallel_loop3A_1039[%parallel_loop3A_672, %parallel_loop3A_1040] : memref<8x1024xf32, #tpu.memory_space<vmem>> -> memref<1x1024xf32, #tpu.memory_space<vmem>>
        %parallel_loop3A_1042 = tpu.memref_squeeze %parallel_loop3A_1041 : memref<1x1024xf32, #tpu.memory_space<vmem>> -> memref<1024xf32, #tpu.memory_space<vmem>>
        %parallel_loop3A_1043 = arith.index_cast %parallel_loop3A_1014 : i32 to index
        %parallel_loop3A_1044 = tpu.vector_load %parallel_loop3A_1042[%parallel_loop3A_1043] {strides = array<i32>} : memref<1024xf32, #tpu.memory_space<vmem>>, vector<16xf32>,
        %parallel_loop3A_1045 = vector.shape_cast %parallel_loop3A_1044 : vector<16xf32> to vector<16xf32>
        %parallel_loop3A_1046 = vector.shape_cast %parallel_loop3A_1035 : vector<16xf32> to vector<16xf32>
        tpu.vector_store %parallel_loop3A_1042[%parallel_loop3A_1043], %parallel_loop3A_1046 {strides = array<i32>} : memref<1024xf32, #tpu.memory_space<vmem>>, vector<16xf32>,
        %parallel_loop3A_1047 = arith.select %ge3A_663, %parallel_loop3A_1034, %parallel_loop3A_1024 : vector<16xi1>, vector<16xf32>
        %parallel_loop3A_1048 = arith.constant 0 : i32
        %parallel_loop3A_1049 = arith.constant 0 : i32
        %parallel_loop3A_1050 = tpu.memref_slice %arg12[%parallel_loop3A_673, %parallel_loop3A_1048, %parallel_loop3A_1049] : memref<2x8x1024xf32, #tpu.memory_space<vmem>> -> memref<1x8x1024xf32, #tpu.memory_space<vmem>>
        %parallel_loop3A_1051 = tpu.memref_squeeze %parallel_loop3A_1050 : memref<1x8x1024xf32, #tpu.memory_space<vmem>> -> memref<8x1024xf32, #tpu.memory_space<vmem>>
        %parallel_loop3A_1052 = arith.constant 0 : i32
        %parallel_loop3A_1053 = tpu.memref_slice %parallel_loop3A_1051[%parallel_loop3A_674, %parallel_loop3A_1052] : memref<8x1024xf32, #tpu.memory_space<vmem>> -> memref<1x1024xf32, #tpu.memory_space<vmem>>
        %parallel_loop3A_1054 = tpu.memref_squeeze %parallel_loop3A_1053 : memref<1x1024xf32, #tpu.memory_space<vmem>> -> memref<1024xf32, #tpu.memory_space<vmem>>
        %parallel_loop3A_1055 = arith.index_cast %parallel_loop3A_1014 : i32 to index
        %parallel_loop3A_1056 = tpu.vector_load %parallel_loop3A_1054[%parallel_loop3A_1055] {strides = array<i32>} : memref<1024xf32, #tpu.memory_space<vmem>>, vector<16xf32>,
        %parallel_loop3A_1057 = vector.shape_cast %parallel_loop3A_1056 : vector<16xf32> to vector<16xf32>
        %parallel_loop3A_1058 = vector.shape_cast %parallel_loop3A_1047 : vector<16xf32> to vector<16xf32>
        tpu.vector_store %parallel_loop3A_1054[%parallel_loop3A_1055], %parallel_loop3A_1058 {strides = array<i32>} : memref<1024xf32, #tpu.memory_space<vmem>>, vector<16xf32>,
      } {sc.loop_unroll_factor = 8 : i64, sc.parallel_access}
      %slice3A_675 = vector.extract_strided_slice %get3A_582 {offsets = [3], sizes = [1], strides = [1]} : vector<16xf32> to vector<1xf32>
      %squeeze3A_676 = vector.extract %slice3A_675[0] : f32 from vector<1xf32>
      %broadcast_in_dim3A_677 = vector.broadcast %squeeze3A_676 : f32 to vector<16xf32>
      %ge3A_678 = arith.cmpf oge, %broadcast_in_dim3A_677, %get3A_4 : vector<16xf32>
      %slice3A_679 = vector.extract_strided_slice %get3A_587 {offsets = [3], sizes = [1], strides = [1]} : vector<16xf32> to vector<1xf32>
      %squeeze3A_680 = vector.extract %slice3A_679[0] : f32 from vector<1xf32>
      %broadcast_in_dim3A_681 = vector.broadcast %squeeze3A_680 : f32 to vector<16xf32>
      %ge3A_682 = arith.cmpf oge, %broadcast_in_dim3A_681, %get3A_4 : vector<16xf32>
      %parallel_loop3A_683 = arith.constant 0 : i32
      %parallel_loop3A_684 = arith.constant 1024 : i32
      %parallel_loop3A_685 = arith.constant 16 : i32
      %parallel_loop3A_686 = arith.constant 1 : i32
      %parallel_loop3A_687 = arith.constant 3 : i32
      %parallel_loop3A_688 = arith.constant 1 : i32
      %parallel_loop3A_689 = arith.constant 3 : i32
      %parallel_loop3A_690 = arith.constant 0 : i32
      %parallel_loop3A_691 = arith.constant 3 : i32
      %parallel_loop3A_692 = arith.constant 0 : i32
      %parallel_loop3A_693 = arith.constant 3 : i32
      scf.for %parallel_loop3A_1014 = %parallel_loop3A_683 to %parallel_loop3A_684 step %parallel_loop3A_685  : i32 {
        %parallel_loop3A_1015 = arith.constant 0 : i32
        %parallel_loop3A_1016 = arith.constant 0 : i32
        %parallel_loop3A_1017 = tpu.memref_slice %arg9[%parallel_loop3A_686, %parallel_loop3A_1015, %parallel_loop3A_1016] : memref<2x16x1024xf32, #tpu.memory_space<vmem>> -> memref<1x16x1024xf32, #tpu.memory_space<vmem>>
        %parallel_loop3A_1018 = tpu.memref_squeeze %parallel_loop3A_1017 : memref<1x16x1024xf32, #tpu.memory_space<vmem>> -> memref<16x1024xf32, #tpu.memory_space<vmem>>
        %parallel_loop3A_1019 = arith.constant 0 : i32
        %parallel_loop3A_1020 = tpu.memref_slice %parallel_loop3A_1018[%parallel_loop3A_687, %parallel_loop3A_1019] : memref<16x1024xf32, #tpu.memory_space<vmem>> -> memref<1x1024xf32, #tpu.memory_space<vmem>>
        %parallel_loop3A_1021 = tpu.memref_squeeze %parallel_loop3A_1020 : memref<1x1024xf32, #tpu.memory_space<vmem>> -> memref<1024xf32, #tpu.memory_space<vmem>>
        %parallel_loop3A_1022 = arith.index_cast %parallel_loop3A_1014 : i32 to index
        %parallel_loop3A_1023 = tpu.vector_load %parallel_loop3A_1021[%parallel_loop3A_1022] {strides = array<i32>} : memref<1024xf32, #tpu.memory_space<vmem>>, vector<16xf32>,
        %parallel_loop3A_1024 = vector.shape_cast %parallel_loop3A_1023 : vector<16xf32> to vector<16xf32>
        %parallel_loop3A_1025 = arith.constant 0 : i32
        %parallel_loop3A_1026 = arith.constant 0 : i32
        %parallel_loop3A_1027 = tpu.memref_slice %arg10[%parallel_loop3A_688, %parallel_loop3A_1025, %parallel_loop3A_1026] : memref<2x16x1024xf32, #tpu.memory_space<vmem>> -> memref<1x16x1024xf32, #tpu.memory_space<vmem>>
        %parallel_loop3A_1028 = tpu.memref_squeeze %parallel_loop3A_1027 : memref<1x16x1024xf32, #tpu.memory_space<vmem>> -> memref<16x1024xf32, #tpu.memory_space<vmem>>
        %parallel_loop3A_1029 = arith.constant 0 : i32
        %parallel_loop3A_1030 = tpu.memref_slice %parallel_loop3A_1028[%parallel_loop3A_689, %parallel_loop3A_1029] : memref<16x1024xf32, #tpu.memory_space<vmem>> -> memref<1x1024xf32, #tpu.memory_space<vmem>>
        %parallel_loop3A_1031 = tpu.memref_squeeze %parallel_loop3A_1030 : memref<1x1024xf32, #tpu.memory_space<vmem>> -> memref<1024xf32, #tpu.memory_space<vmem>>
        %parallel_loop3A_1032 = arith.index_cast %parallel_loop3A_1014 : i32 to index
        %parallel_loop3A_1033 = tpu.vector_load %parallel_loop3A_1031[%parallel_loop3A_1032] {strides = array<i32>} : memref<1024xf32, #tpu.memory_space<vmem>>, vector<16xf32>,
        %parallel_loop3A_1034 = vector.shape_cast %parallel_loop3A_1033 : vector<16xf32> to vector<16xf32>
        %parallel_loop3A_1035 = arith.select %ge3A_678, %parallel_loop3A_1024, %parallel_loop3A_1034 : vector<16xi1>, vector<16xf32>
        %parallel_loop3A_1036 = arith.constant 0 : i32
        %parallel_loop3A_1037 = arith.constant 0 : i32
        %parallel_loop3A_1038 = tpu.memref_slice %arg11[%parallel_loop3A_690, %parallel_loop3A_1036, %parallel_loop3A_1037] : memref<2x8x1024xf32, #tpu.memory_space<vmem>> -> memref<1x8x1024xf32, #tpu.memory_space<vmem>>
        %parallel_loop3A_1039 = tpu.memref_squeeze %parallel_loop3A_1038 : memref<1x8x1024xf32, #tpu.memory_space<vmem>> -> memref<8x1024xf32, #tpu.memory_space<vmem>>
        %parallel_loop3A_1040 = arith.constant 0 : i32
        %parallel_loop3A_1041 = tpu.memref_slice %parallel_loop3A_1039[%parallel_loop3A_691, %parallel_loop3A_1040] : memref<8x1024xf32, #tpu.memory_space<vmem>> -> memref<1x1024xf32, #tpu.memory_space<vmem>>
        %parallel_loop3A_1042 = tpu.memref_squeeze %parallel_loop3A_1041 : memref<1x1024xf32, #tpu.memory_space<vmem>> -> memref<1024xf32, #tpu.memory_space<vmem>>
        %parallel_loop3A_1043 = arith.index_cast %parallel_loop3A_1014 : i32 to index
        %parallel_loop3A_1044 = tpu.vector_load %parallel_loop3A_1042[%parallel_loop3A_1043] {strides = array<i32>} : memref<1024xf32, #tpu.memory_space<vmem>>, vector<16xf32>,
        %parallel_loop3A_1045 = vector.shape_cast %parallel_loop3A_1044 : vector<16xf32> to vector<16xf32>
        %parallel_loop3A_1046 = vector.shape_cast %parallel_loop3A_1035 : vector<16xf32> to vector<16xf32>
        tpu.vector_store %parallel_loop3A_1042[%parallel_loop3A_1043], %parallel_loop3A_1046 {strides = array<i32>} : memref<1024xf32, #tpu.memory_space<vmem>>, vector<16xf32>,
        %parallel_loop3A_1047 = arith.select %ge3A_682, %parallel_loop3A_1034, %parallel_loop3A_1024 : vector<16xi1>, vector<16xf32>
        %parallel_loop3A_1048 = arith.constant 0 : i32
        %parallel_loop3A_1049 = arith.constant 0 : i32
        %parallel_loop3A_1050 = tpu.memref_slice %arg12[%parallel_loop3A_692, %parallel_loop3A_1048, %parallel_loop3A_1049] : memref<2x8x1024xf32, #tpu.memory_space<vmem>> -> memref<1x8x1024xf32, #tpu.memory_space<vmem>>
        %parallel_loop3A_1051 = tpu.memref_squeeze %parallel_loop3A_1050 : memref<1x8x1024xf32, #tpu.memory_space<vmem>> -> memref<8x1024xf32, #tpu.memory_space<vmem>>
        %parallel_loop3A_1052 = arith.constant 0 : i32
        %parallel_loop3A_1053 = tpu.memref_slice %parallel_loop3A_1051[%parallel_loop3A_693, %parallel_loop3A_1052] : memref<8x1024xf32, #tpu.memory_space<vmem>> -> memref<1x1024xf32, #tpu.memory_space<vmem>>
        %parallel_loop3A_1054 = tpu.memref_squeeze %parallel_loop3A_1053 : memref<1x1024xf32, #tpu.memory_space<vmem>> -> memref<1024xf32, #tpu.memory_space<vmem>>
        %parallel_loop3A_1055 = arith.index_cast %parallel_loop3A_1014 : i32 to index
        %parallel_loop3A_1056 = tpu.vector_load %parallel_loop3A_1054[%parallel_loop3A_1055] {strides = array<i32>} : memref<1024xf32, #tpu.memory_space<vmem>>, vector<16xf32>,
        %parallel_loop3A_1057 = vector.shape_cast %parallel_loop3A_1056 : vector<16xf32> to vector<16xf32>
        %parallel_loop3A_1058 = vector.shape_cast %parallel_loop3A_1047 : vector<16xf32> to vector<16xf32>
        tpu.vector_store %parallel_loop3A_1054[%parallel_loop3A_1055], %parallel_loop3A_1058 {strides = array<i32>} : memref<1024xf32, #tpu.memory_space<vmem>>, vector<16xf32>,
      } {sc.loop_unroll_factor = 8 : i64, sc.parallel_access}
      %slice3A_694 = vector.extract_strided_slice %get3A_582 {offsets = [4], sizes = [1], strides = [1]} : vector<16xf32> to vector<1xf32>
      %squeeze3A_695 = vector.extract %slice3A_694[0] : f32 from vector<1xf32>
      %broadcast_in_dim3A_696 = vector.broadcast %squeeze3A_695 : f32 to vector<16xf32>
      %ge3A_697 = arith.cmpf oge, %broadcast_in_dim3A_696, %get3A_4 : vector<16xf32>
      %slice3A_698 = vector.extract_strided_slice %get3A_587 {offsets = [4], sizes = [1], strides = [1]} : vector<16xf32> to vector<1xf32>
      %squeeze3A_699 = vector.extract %slice3A_698[0] : f32 from vector<1xf32>
      %broadcast_in_dim3A_700 = vector.broadcast %squeeze3A_699 : f32 to vector<16xf32>
      %ge3A_701 = arith.cmpf oge, %broadcast_in_dim3A_700, %get3A_4 : vector<16xf32>
      %parallel_loop3A_702 = arith.constant 0 : i32
      %parallel_loop3A_703 = arith.constant 1024 : i32
      %parallel_loop3A_704 = arith.constant 16 : i32
      %parallel_loop3A_705 = arith.constant 1 : i32
      %parallel_loop3A_706 = arith.constant 4 : i32
      %parallel_loop3A_707 = arith.constant 1 : i32
      %parallel_loop3A_708 = arith.constant 4 : i32
      %parallel_loop3A_709 = arith.constant 0 : i32
      %parallel_loop3A_710 = arith.constant 4 : i32
      %parallel_loop3A_711 = arith.constant 0 : i32
      %parallel_loop3A_712 = arith.constant 4 : i32
      scf.for %parallel_loop3A_1014 = %parallel_loop3A_702 to %parallel_loop3A_703 step %parallel_loop3A_704  : i32 {
        %parallel_loop3A_1015 = arith.constant 0 : i32
        %parallel_loop3A_1016 = arith.constant 0 : i32
        %parallel_loop3A_1017 = tpu.memref_slice %arg9[%parallel_loop3A_705, %parallel_loop3A_1015, %parallel_loop3A_1016] : memref<2x16x1024xf32, #tpu.memory_space<vmem>> -> memref<1x16x1024xf32, #tpu.memory_space<vmem>>
        %parallel_loop3A_1018 = tpu.memref_squeeze %parallel_loop3A_1017 : memref<1x16x1024xf32, #tpu.memory_space<vmem>> -> memref<16x1024xf32, #tpu.memory_space<vmem>>
        %parallel_loop3A_1019 = arith.constant 0 : i32
        %parallel_loop3A_1020 = tpu.memref_slice %parallel_loop3A_1018[%parallel_loop3A_706, %parallel_loop3A_1019] : memref<16x1024xf32, #tpu.memory_space<vmem>> -> memref<1x1024xf32, #tpu.memory_space<vmem>>
        %parallel_loop3A_1021 = tpu.memref_squeeze %parallel_loop3A_1020 : memref<1x1024xf32, #tpu.memory_space<vmem>> -> memref<1024xf32, #tpu.memory_space<vmem>>
        %parallel_loop3A_1022 = arith.index_cast %parallel_loop3A_1014 : i32 to index
        %parallel_loop3A_1023 = tpu.vector_load %parallel_loop3A_1021[%parallel_loop3A_1022] {strides = array<i32>} : memref<1024xf32, #tpu.memory_space<vmem>>, vector<16xf32>,
        %parallel_loop3A_1024 = vector.shape_cast %parallel_loop3A_1023 : vector<16xf32> to vector<16xf32>
        %parallel_loop3A_1025 = arith.constant 0 : i32
        %parallel_loop3A_1026 = arith.constant 0 : i32
        %parallel_loop3A_1027 = tpu.memref_slice %arg10[%parallel_loop3A_707, %parallel_loop3A_1025, %parallel_loop3A_1026] : memref<2x16x1024xf32, #tpu.memory_space<vmem>> -> memref<1x16x1024xf32, #tpu.memory_space<vmem>>
        %parallel_loop3A_1028 = tpu.memref_squeeze %parallel_loop3A_1027 : memref<1x16x1024xf32, #tpu.memory_space<vmem>> -> memref<16x1024xf32, #tpu.memory_space<vmem>>
        %parallel_loop3A_1029 = arith.constant 0 : i32
        %parallel_loop3A_1030 = tpu.memref_slice %parallel_loop3A_1028[%parallel_loop3A_708, %parallel_loop3A_1029] : memref<16x1024xf32, #tpu.memory_space<vmem>> -> memref<1x1024xf32, #tpu.memory_space<vmem>>
        %parallel_loop3A_1031 = tpu.memref_squeeze %parallel_loop3A_1030 : memref<1x1024xf32, #tpu.memory_space<vmem>> -> memref<1024xf32, #tpu.memory_space<vmem>>
        %parallel_loop3A_1032 = arith.index_cast %parallel_loop3A_1014 : i32 to index
        %parallel_loop3A_1033 = tpu.vector_load %parallel_loop3A_1031[%parallel_loop3A_1032] {strides = array<i32>} : memref<1024xf32, #tpu.memory_space<vmem>>, vector<16xf32>,
        %parallel_loop3A_1034 = vector.shape_cast %parallel_loop3A_1033 : vector<16xf32> to vector<16xf32>
        %parallel_loop3A_1035 = arith.select %ge3A_697, %parallel_loop3A_1024, %parallel_loop3A_1034 : vector<16xi1>, vector<16xf32>
        %parallel_loop3A_1036 = arith.constant 0 : i32
        %parallel_loop3A_1037 = arith.constant 0 : i32
        %parallel_loop3A_1038 = tpu.memref_slice %arg11[%parallel_loop3A_709, %parallel_loop3A_1036, %parallel_loop3A_1037] : memref<2x8x1024xf32, #tpu.memory_space<vmem>> -> memref<1x8x1024xf32, #tpu.memory_space<vmem>>
        %parallel_loop3A_1039 = tpu.memref_squeeze %parallel_loop3A_1038 : memref<1x8x1024xf32, #tpu.memory_space<vmem>> -> memref<8x1024xf32, #tpu.memory_space<vmem>>
        %parallel_loop3A_1040 = arith.constant 0 : i32
        %parallel_loop3A_1041 = tpu.memref_slice %parallel_loop3A_1039[%parallel_loop3A_710, %parallel_loop3A_1040] : memref<8x1024xf32, #tpu.memory_space<vmem>> -> memref<1x1024xf32, #tpu.memory_space<vmem>>
        %parallel_loop3A_1042 = tpu.memref_squeeze %parallel_loop3A_1041 : memref<1x1024xf32, #tpu.memory_space<vmem>> -> memref<1024xf32, #tpu.memory_space<vmem>>
        %parallel_loop3A_1043 = arith.index_cast %parallel_loop3A_1014 : i32 to index
        %parallel_loop3A_1044 = tpu.vector_load %parallel_loop3A_1042[%parallel_loop3A_1043] {strides = array<i32>} : memref<1024xf32, #tpu.memory_space<vmem>>, vector<16xf32>,
        %parallel_loop3A_1045 = vector.shape_cast %parallel_loop3A_1044 : vector<16xf32> to vector<16xf32>
        %parallel_loop3A_1046 = vector.shape_cast %parallel_loop3A_1035 : vector<16xf32> to vector<16xf32>
        tpu.vector_store %parallel_loop3A_1042[%parallel_loop3A_1043], %parallel_loop3A_1046 {strides = array<i32>} : memref<1024xf32, #tpu.memory_space<vmem>>, vector<16xf32>,
        %parallel_loop3A_1047 = arith.select %ge3A_701, %parallel_loop3A_1034, %parallel_loop3A_1024 : vector<16xi1>, vector<16xf32>
        %parallel_loop3A_1048 = arith.constant 0 : i32
        %parallel_loop3A_1049 = arith.constant 0 : i32
        %parallel_loop3A_1050 = tpu.memref_slice %arg12[%parallel_loop3A_711, %parallel_loop3A_1048, %parallel_loop3A_1049] : memref<2x8x1024xf32, #tpu.memory_space<vmem>> -> memref<1x8x1024xf32, #tpu.memory_space<vmem>>
        %parallel_loop3A_1051 = tpu.memref_squeeze %parallel_loop3A_1050 : memref<1x8x1024xf32, #tpu.memory_space<vmem>> -> memref<8x1024xf32, #tpu.memory_space<vmem>>
        %parallel_loop3A_1052 = arith.constant 0 : i32
        %parallel_loop3A_1053 = tpu.memref_slice %parallel_loop3A_1051[%parallel_loop3A_712, %parallel_loop3A_1052] : memref<8x1024xf32, #tpu.memory_space<vmem>> -> memref<1x1024xf32, #tpu.memory_space<vmem>>
        %parallel_loop3A_1054 = tpu.memref_squeeze %parallel_loop3A_1053 : memref<1x1024xf32, #tpu.memory_space<vmem>> -> memref<1024xf32, #tpu.memory_space<vmem>>
        %parallel_loop3A_1055 = arith.index_cast %parallel_loop3A_1014 : i32 to index
        %parallel_loop3A_1056 = tpu.vector_load %parallel_loop3A_1054[%parallel_loop3A_1055] {strides = array<i32>} : memref<1024xf32, #tpu.memory_space<vmem>>, vector<16xf32>,
        %parallel_loop3A_1057 = vector.shape_cast %parallel_loop3A_1056 : vector<16xf32> to vector<16xf32>
        %parallel_loop3A_1058 = vector.shape_cast %parallel_loop3A_1047 : vector<16xf32> to vector<16xf32>
        tpu.vector_store %parallel_loop3A_1054[%parallel_loop3A_1055], %parallel_loop3A_1058 {strides = array<i32>} : memref<1024xf32, #tpu.memory_space<vmem>>, vector<16xf32>,
      } {sc.loop_unroll_factor = 8 : i64, sc.parallel_access}
      %slice3A_713 = vector.extract_strided_slice %get3A_582 {offsets = [5], sizes = [1], strides = [1]} : vector<16xf32> to vector<1xf32>
      %squeeze3A_714 = vector.extract %slice3A_713[0] : f32 from vector<1xf32>
      %broadcast_in_dim3A_715 = vector.broadcast %squeeze3A_714 : f32 to vector<16xf32>
      %ge3A_716 = arith.cmpf oge, %broadcast_in_dim3A_715, %get3A_4 : vector<16xf32>
      %slice3A_717 = vector.extract_strided_slice %get3A_587 {offsets = [5], sizes = [1], strides = [1]} : vector<16xf32> to vector<1xf32>
      %squeeze3A_718 = vector.extract %slice3A_717[0] : f32 from vector<1xf32>
      %broadcast_in_dim3A_719 = vector.broadcast %squeeze3A_718 : f32 to vector<16xf32>
      %ge3A_720 = arith.cmpf oge, %broadcast_in_dim3A_719, %get3A_4 : vector<16xf32>
      %parallel_loop3A_721 = arith.constant 0 : i32
      %parallel_loop3A_722 = arith.constant 1024 : i32
      %parallel_loop3A_723 = arith.constant 16 : i32
      %parallel_loop3A_724 = arith.constant 1 : i32
      %parallel_loop3A_725 = arith.constant 5 : i32
      %parallel_loop3A_726 = arith.constant 1 : i32
      %parallel_loop3A_727 = arith.constant 5 : i32
      %parallel_loop3A_728 = arith.constant 0 : i32
      %parallel_loop3A_729 = arith.constant 5 : i32
      %parallel_loop3A_730 = arith.constant 0 : i32
      %parallel_loop3A_731 = arith.constant 5 : i32
      scf.for %parallel_loop3A_1014 = %parallel_loop3A_721 to %parallel_loop3A_722 step %parallel_loop3A_723  : i32 {
        %parallel_loop3A_1015 = arith.constant 0 : i32
        %parallel_loop3A_1016 = arith.constant 0 : i32
        %parallel_loop3A_1017 = tpu.memref_slice %arg9[%parallel_loop3A_724, %parallel_loop3A_1015, %parallel_loop3A_1016] : memref<2x16x1024xf32, #tpu.memory_space<vmem>> -> memref<1x16x1024xf32, #tpu.memory_space<vmem>>
        %parallel_loop3A_1018 = tpu.memref_squeeze %parallel_loop3A_1017 : memref<1x16x1024xf32, #tpu.memory_space<vmem>> -> memref<16x1024xf32, #tpu.memory_space<vmem>>
        %parallel_loop3A_1019 = arith.constant 0 : i32
        %parallel_loop3A_1020 = tpu.memref_slice %parallel_loop3A_1018[%parallel_loop3A_725, %parallel_loop3A_1019] : memref<16x1024xf32, #tpu.memory_space<vmem>> -> memref<1x1024xf32, #tpu.memory_space<vmem>>
        %parallel_loop3A_1021 = tpu.memref_squeeze %parallel_loop3A_1020 : memref<1x1024xf32, #tpu.memory_space<vmem>> -> memref<1024xf32, #tpu.memory_space<vmem>>
        %parallel_loop3A_1022 = arith.index_cast %parallel_loop3A_1014 : i32 to index
        %parallel_loop3A_1023 = tpu.vector_load %parallel_loop3A_1021[%parallel_loop3A_1022] {strides = array<i32>} : memref<1024xf32, #tpu.memory_space<vmem>>, vector<16xf32>,
        %parallel_loop3A_1024 = vector.shape_cast %parallel_loop3A_1023 : vector<16xf32> to vector<16xf32>
        %parallel_loop3A_1025 = arith.constant 0 : i32
        %parallel_loop3A_1026 = arith.constant 0 : i32
        %parallel_loop3A_1027 = tpu.memref_slice %arg10[%parallel_loop3A_726, %parallel_loop3A_1025, %parallel_loop3A_1026] : memref<2x16x1024xf32, #tpu.memory_space<vmem>> -> memref<1x16x1024xf32, #tpu.memory_space<vmem>>
        %parallel_loop3A_1028 = tpu.memref_squeeze %parallel_loop3A_1027 : memref<1x16x1024xf32, #tpu.memory_space<vmem>> -> memref<16x1024xf32, #tpu.memory_space<vmem>>
        %parallel_loop3A_1029 = arith.constant 0 : i32
        %parallel_loop3A_1030 = tpu.memref_slice %parallel_loop3A_1028[%parallel_loop3A_727, %parallel_loop3A_1029] : memref<16x1024xf32, #tpu.memory_space<vmem>> -> memref<1x1024xf32, #tpu.memory_space<vmem>>
        %parallel_loop3A_1031 = tpu.memref_squeeze %parallel_loop3A_1030 : memref<1x1024xf32, #tpu.memory_space<vmem>> -> memref<1024xf32, #tpu.memory_space<vmem>>
        %parallel_loop3A_1032 = arith.index_cast %parallel_loop3A_1014 : i32 to index
        %parallel_loop3A_1033 = tpu.vector_load %parallel_loop3A_1031[%parallel_loop3A_1032] {strides = array<i32>} : memref<1024xf32, #tpu.memory_space<vmem>>, vector<16xf32>,
        %parallel_loop3A_1034 = vector.shape_cast %parallel_loop3A_1033 : vector<16xf32> to vector<16xf32>
        %parallel_loop3A_1035 = arith.select %ge3A_716, %parallel_loop3A_1024, %parallel_loop3A_1034 : vector<16xi1>, vector<16xf32>
        %parallel_loop3A_1036 = arith.constant 0 : i32
        %parallel_loop3A_1037 = arith.constant 0 : i32
        %parallel_loop3A_1038 = tpu.memref_slice %arg11[%parallel_loop3A_728, %parallel_loop3A_1036, %parallel_loop3A_1037] : memref<2x8x1024xf32, #tpu.memory_space<vmem>> -> memref<1x8x1024xf32, #tpu.memory_space<vmem>>
        %parallel_loop3A_1039 = tpu.memref_squeeze %parallel_loop3A_1038 : memref<1x8x1024xf32, #tpu.memory_space<vmem>> -> memref<8x1024xf32, #tpu.memory_space<vmem>>
        %parallel_loop3A_1040 = arith.constant 0 : i32
        %parallel_loop3A_1041 = tpu.memref_slice %parallel_loop3A_1039[%parallel_loop3A_729, %parallel_loop3A_1040] : memref<8x1024xf32, #tpu.memory_space<vmem>> -> memref<1x1024xf32, #tpu.memory_space<vmem>>
        %parallel_loop3A_1042 = tpu.memref_squeeze %parallel_loop3A_1041 : memref<1x1024xf32, #tpu.memory_space<vmem>> -> memref<1024xf32, #tpu.memory_space<vmem>>
        %parallel_loop3A_1043 = arith.index_cast %parallel_loop3A_1014 : i32 to index
        %parallel_loop3A_1044 = tpu.vector_load %parallel_loop3A_1042[%parallel_loop3A_1043] {strides = array<i32>} : memref<1024xf32, #tpu.memory_space<vmem>>, vector<16xf32>,
        %parallel_loop3A_1045 = vector.shape_cast %parallel_loop3A_1044 : vector<16xf32> to vector<16xf32>
        %parallel_loop3A_1046 = vector.shape_cast %parallel_loop3A_1035 : vector<16xf32> to vector<16xf32>
        tpu.vector_store %parallel_loop3A_1042[%parallel_loop3A_1043], %parallel_loop3A_1046 {strides = array<i32>} : memref<1024xf32, #tpu.memory_space<vmem>>, vector<16xf32>,
        %parallel_loop3A_1047 = arith.select %ge3A_720, %parallel_loop3A_1034, %parallel_loop3A_1024 : vector<16xi1>, vector<16xf32>
        %parallel_loop3A_1048 = arith.constant 0 : i32
        %parallel_loop3A_1049 = arith.constant 0 : i32
        %parallel_loop3A_1050 = tpu.memref_slice %arg12[%parallel_loop3A_730, %parallel_loop3A_1048, %parallel_loop3A_1049] : memref<2x8x1024xf32, #tpu.memory_space<vmem>> -> memref<1x8x1024xf32, #tpu.memory_space<vmem>>
        %parallel_loop3A_1051 = tpu.memref_squeeze %parallel_loop3A_1050 : memref<1x8x1024xf32, #tpu.memory_space<vmem>> -> memref<8x1024xf32, #tpu.memory_space<vmem>>
        %parallel_loop3A_1052 = arith.constant 0 : i32
        %parallel_loop3A_1053 = tpu.memref_slice %parallel_loop3A_1051[%parallel_loop3A_731, %parallel_loop3A_1052] : memref<8x1024xf32, #tpu.memory_space<vmem>> -> memref<1x1024xf32, #tpu.memory_space<vmem>>
        %parallel_loop3A_1054 = tpu.memref_squeeze %parallel_loop3A_1053 : memref<1x1024xf32, #tpu.memory_space<vmem>> -> memref<1024xf32, #tpu.memory_space<vmem>>
        %parallel_loop3A_1055 = arith.index_cast %parallel_loop3A_1014 : i32 to index
        %parallel_loop3A_1056 = tpu.vector_load %parallel_loop3A_1054[%parallel_loop3A_1055] {strides = array<i32>} : memref<1024xf32, #tpu.memory_space<vmem>>, vector<16xf32>,
        %parallel_loop3A_1057 = vector.shape_cast %parallel_loop3A_1056 : vector<16xf32> to vector<16xf32>
        %parallel_loop3A_1058 = vector.shape_cast %parallel_loop3A_1047 : vector<16xf32> to vector<16xf32>
        tpu.vector_store %parallel_loop3A_1054[%parallel_loop3A_1055], %parallel_loop3A_1058 {strides = array<i32>} : memref<1024xf32, #tpu.memory_space<vmem>>, vector<16xf32>,
      } {sc.loop_unroll_factor = 8 : i64, sc.parallel_access}
      %slice3A_732 = vector.extract_strided_slice %get3A_582 {offsets = [6], sizes = [1], strides = [1]} : vector<16xf32> to vector<1xf32>
      %squeeze3A_733 = vector.extract %slice3A_732[0] : f32 from vector<1xf32>
      %broadcast_in_dim3A_734 = vector.broadcast %squeeze3A_733 : f32 to vector<16xf32>
      %ge3A_735 = arith.cmpf oge, %broadcast_in_dim3A_734, %get3A_4 : vector<16xf32>
      %slice3A_736 = vector.extract_strided_slice %get3A_587 {offsets = [6], sizes = [1], strides = [1]} : vector<16xf32> to vector<1xf32>
      %squeeze3A_737 = vector.extract %slice3A_736[0] : f32 from vector<1xf32>
      %broadcast_in_dim3A_738 = vector.broadcast %squeeze3A_737 : f32 to vector<16xf32>
      %ge3A_739 = arith.cmpf oge, %broadcast_in_dim3A_738, %get3A_4 : vector<16xf32>
      %parallel_loop3A_740 = arith.constant 0 : i32
      %parallel_loop3A_741 = arith.constant 1024 : i32
      %parallel_loop3A_742 = arith.constant 16 : i32
      %parallel_loop3A_743 = arith.constant 1 : i32
      %parallel_loop3A_744 = arith.constant 6 : i32
      %parallel_loop3A_745 = arith.constant 1 : i32
      %parallel_loop3A_746 = arith.constant 6 : i32
      %parallel_loop3A_747 = arith.constant 0 : i32
      %parallel_loop3A_748 = arith.constant 6 : i32
      %parallel_loop3A_749 = arith.constant 0 : i32
      %parallel_loop3A_750 = arith.constant 6 : i32
      scf.for %parallel_loop3A_1014 = %parallel_loop3A_740 to %parallel_loop3A_741 step %parallel_loop3A_742  : i32 {
        %parallel_loop3A_1015 = arith.constant 0 : i32
        %parallel_loop3A_1016 = arith.constant 0 : i32
        %parallel_loop3A_1017 = tpu.memref_slice %arg9[%parallel_loop3A_743, %parallel_loop3A_1015, %parallel_loop3A_1016] : memref<2x16x1024xf32, #tpu.memory_space<vmem>> -> memref<1x16x1024xf32, #tpu.memory_space<vmem>>
        %parallel_loop3A_1018 = tpu.memref_squeeze %parallel_loop3A_1017 : memref<1x16x1024xf32, #tpu.memory_space<vmem>> -> memref<16x1024xf32, #tpu.memory_space<vmem>>
        %parallel_loop3A_1019 = arith.constant 0 : i32
        %parallel_loop3A_1020 = tpu.memref_slice %parallel_loop3A_1018[%parallel_loop3A_744, %parallel_loop3A_1019] : memref<16x1024xf32, #tpu.memory_space<vmem>> -> memref<1x1024xf32, #tpu.memory_space<vmem>>
        %parallel_loop3A_1021 = tpu.memref_squeeze %parallel_loop3A_1020 : memref<1x1024xf32, #tpu.memory_space<vmem>> -> memref<1024xf32, #tpu.memory_space<vmem>>
        %parallel_loop3A_1022 = arith.index_cast %parallel_loop3A_1014 : i32 to index
        %parallel_loop3A_1023 = tpu.vector_load %parallel_loop3A_1021[%parallel_loop3A_1022] {strides = array<i32>} : memref<1024xf32, #tpu.memory_space<vmem>>, vector<16xf32>,
        %parallel_loop3A_1024 = vector.shape_cast %parallel_loop3A_1023 : vector<16xf32> to vector<16xf32>
        %parallel_loop3A_1025 = arith.constant 0 : i32
        %parallel_loop3A_1026 = arith.constant 0 : i32
        %parallel_loop3A_1027 = tpu.memref_slice %arg10[%parallel_loop3A_745, %parallel_loop3A_1025, %parallel_loop3A_1026] : memref<2x16x1024xf32, #tpu.memory_space<vmem>> -> memref<1x16x1024xf32, #tpu.memory_space<vmem>>
        %parallel_loop3A_1028 = tpu.memref_squeeze %parallel_loop3A_1027 : memref<1x16x1024xf32, #tpu.memory_space<vmem>> -> memref<16x1024xf32, #tpu.memory_space<vmem>>
        %parallel_loop3A_1029 = arith.constant 0 : i32
        %parallel_loop3A_1030 = tpu.memref_slice %parallel_loop3A_1028[%parallel_loop3A_746, %parallel_loop3A_1029] : memref<16x1024xf32, #tpu.memory_space<vmem>> -> memref<1x1024xf32, #tpu.memory_space<vmem>>
        %parallel_loop3A_1031 = tpu.memref_squeeze %parallel_loop3A_1030 : memref<1x1024xf32, #tpu.memory_space<vmem>> -> memref<1024xf32, #tpu.memory_space<vmem>>
        %parallel_loop3A_1032 = arith.index_cast %parallel_loop3A_1014 : i32 to index
        %parallel_loop3A_1033 = tpu.vector_load %parallel_loop3A_1031[%parallel_loop3A_1032] {strides = array<i32>} : memref<1024xf32, #tpu.memory_space<vmem>>, vector<16xf32>,
        %parallel_loop3A_1034 = vector.shape_cast %parallel_loop3A_1033 : vector<16xf32> to vector<16xf32>
        %parallel_loop3A_1035 = arith.select %ge3A_735, %parallel_loop3A_1024, %parallel_loop3A_1034 : vector<16xi1>, vector<16xf32>
        %parallel_loop3A_1036 = arith.constant 0 : i32
        %parallel_loop3A_1037 = arith.constant 0 : i32
        %parallel_loop3A_1038 = tpu.memref_slice %arg11[%parallel_loop3A_747, %parallel_loop3A_1036, %parallel_loop3A_1037] : memref<2x8x1024xf32, #tpu.memory_space<vmem>> -> memref<1x8x1024xf32, #tpu.memory_space<vmem>>
        %parallel_loop3A_1039 = tpu.memref_squeeze %parallel_loop3A_1038 : memref<1x8x1024xf32, #tpu.memory_space<vmem>> -> memref<8x1024xf32, #tpu.memory_space<vmem>>
        %parallel_loop3A_1040 = arith.constant 0 : i32
        %parallel_loop3A_1041 = tpu.memref_slice %parallel_loop3A_1039[%parallel_loop3A_748, %parallel_loop3A_1040] : memref<8x1024xf32, #tpu.memory_space<vmem>> -> memref<1x1024xf32, #tpu.memory_space<vmem>>
        %parallel_loop3A_1042 = tpu.memref_squeeze %parallel_loop3A_1041 : memref<1x1024xf32, #tpu.memory_space<vmem>> -> memref<1024xf32, #tpu.memory_space<vmem>>
        %parallel_loop3A_1043 = arith.index_cast %parallel_loop3A_1014 : i32 to index
        %parallel_loop3A_1044 = tpu.vector_load %parallel_loop3A_1042[%parallel_loop3A_1043] {strides = array<i32>} : memref<1024xf32, #tpu.memory_space<vmem>>, vector<16xf32>,
        %parallel_loop3A_1045 = vector.shape_cast %parallel_loop3A_1044 : vector<16xf32> to vector<16xf32>
        %parallel_loop3A_1046 = vector.shape_cast %parallel_loop3A_1035 : vector<16xf32> to vector<16xf32>
        tpu.vector_store %parallel_loop3A_1042[%parallel_loop3A_1043], %parallel_loop3A_1046 {strides = array<i32>} : memref<1024xf32, #tpu.memory_space<vmem>>, vector<16xf32>,
        %parallel_loop3A_1047 = arith.select %ge3A_739, %parallel_loop3A_1034, %parallel_loop3A_1024 : vector<16xi1>, vector<16xf32>
        %parallel_loop3A_1048 = arith.constant 0 : i32
        %parallel_loop3A_1049 = arith.constant 0 : i32
        %parallel_loop3A_1050 = tpu.memref_slice %arg12[%parallel_loop3A_749, %parallel_loop3A_1048, %parallel_loop3A_1049] : memref<2x8x1024xf32, #tpu.memory_space<vmem>> -> memref<1x8x1024xf32, #tpu.memory_space<vmem>>
        %parallel_loop3A_1051 = tpu.memref_squeeze %parallel_loop3A_1050 : memref<1x8x1024xf32, #tpu.memory_space<vmem>> -> memref<8x1024xf32, #tpu.memory_space<vmem>>
        %parallel_loop3A_1052 = arith.constant 0 : i32
        %parallel_loop3A_1053 = tpu.memref_slice %parallel_loop3A_1051[%parallel_loop3A_750, %parallel_loop3A_1052] : memref<8x1024xf32, #tpu.memory_space<vmem>> -> memref<1x1024xf32, #tpu.memory_space<vmem>>
        %parallel_loop3A_1054 = tpu.memref_squeeze %parallel_loop3A_1053 : memref<1x1024xf32, #tpu.memory_space<vmem>> -> memref<1024xf32, #tpu.memory_space<vmem>>
        %parallel_loop3A_1055 = arith.index_cast %parallel_loop3A_1014 : i32 to index
        %parallel_loop3A_1056 = tpu.vector_load %parallel_loop3A_1054[%parallel_loop3A_1055] {strides = array<i32>} : memref<1024xf32, #tpu.memory_space<vmem>>, vector<16xf32>,
        %parallel_loop3A_1057 = vector.shape_cast %parallel_loop3A_1056 : vector<16xf32> to vector<16xf32>
        %parallel_loop3A_1058 = vector.shape_cast %parallel_loop3A_1047 : vector<16xf32> to vector<16xf32>
        tpu.vector_store %parallel_loop3A_1054[%parallel_loop3A_1055], %parallel_loop3A_1058 {strides = array<i32>} : memref<1024xf32, #tpu.memory_space<vmem>>, vector<16xf32>,
      } {sc.loop_unroll_factor = 8 : i64, sc.parallel_access}
      %slice3A_751 = vector.extract_strided_slice %get3A_582 {offsets = [7], sizes = [1], strides = [1]} : vector<16xf32> to vector<1xf32>
      %squeeze3A_752 = vector.extract %slice3A_751[0] : f32 from vector<1xf32>
      %broadcast_in_dim3A_753 = vector.broadcast %squeeze3A_752 : f32 to vector<16xf32>
      %ge3A_754 = arith.cmpf oge, %broadcast_in_dim3A_753, %get3A_4 : vector<16xf32>
      %slice3A_755 = vector.extract_strided_slice %get3A_587 {offsets = [7], sizes = [1], strides = [1]} : vector<16xf32> to vector<1xf32>
      %squeeze3A_756 = vector.extract %slice3A_755[0] : f32 from vector<1xf32>
      %broadcast_in_dim3A_757 = vector.broadcast %squeeze3A_756 : f32 to vector<16xf32>
      %ge3A_758 = arith.cmpf oge, %broadcast_in_dim3A_757, %get3A_4 : vector<16xf32>
      %parallel_loop3A_759 = arith.constant 0 : i32
      %parallel_loop3A_760 = arith.constant 1024 : i32
      %parallel_loop3A_761 = arith.constant 16 : i32
      %parallel_loop3A_762 = arith.constant 1 : i32
      %parallel_loop3A_763 = arith.constant 7 : i32
      %parallel_loop3A_764 = arith.constant 1 : i32
      %parallel_loop3A_765 = arith.constant 7 : i32
      %parallel_loop3A_766 = arith.constant 0 : i32
      %parallel_loop3A_767 = arith.constant 7 : i32
      %parallel_loop3A_768 = arith.constant 0 : i32
      %parallel_loop3A_769 = arith.constant 7 : i32
      scf.for %parallel_loop3A_1014 = %parallel_loop3A_759 to %parallel_loop3A_760 step %parallel_loop3A_761  : i32 {
        %parallel_loop3A_1015 = arith.constant 0 : i32
        %parallel_loop3A_1016 = arith.constant 0 : i32
        %parallel_loop3A_1017 = tpu.memref_slice %arg9[%parallel_loop3A_762, %parallel_loop3A_1015, %parallel_loop3A_1016] : memref<2x16x1024xf32, #tpu.memory_space<vmem>> -> memref<1x16x1024xf32, #tpu.memory_space<vmem>>
        %parallel_loop3A_1018 = tpu.memref_squeeze %parallel_loop3A_1017 : memref<1x16x1024xf32, #tpu.memory_space<vmem>> -> memref<16x1024xf32, #tpu.memory_space<vmem>>
        %parallel_loop3A_1019 = arith.constant 0 : i32
        %parallel_loop3A_1020 = tpu.memref_slice %parallel_loop3A_1018[%parallel_loop3A_763, %parallel_loop3A_1019] : memref<16x1024xf32, #tpu.memory_space<vmem>> -> memref<1x1024xf32, #tpu.memory_space<vmem>>
        %parallel_loop3A_1021 = tpu.memref_squeeze %parallel_loop3A_1020 : memref<1x1024xf32, #tpu.memory_space<vmem>> -> memref<1024xf32, #tpu.memory_space<vmem>>
        %parallel_loop3A_1022 = arith.index_cast %parallel_loop3A_1014 : i32 to index
        %parallel_loop3A_1023 = tpu.vector_load %parallel_loop3A_1021[%parallel_loop3A_1022] {strides = array<i32>} : memref<1024xf32, #tpu.memory_space<vmem>>, vector<16xf32>,
        %parallel_loop3A_1024 = vector.shape_cast %parallel_loop3A_1023 : vector<16xf32> to vector<16xf32>
        %parallel_loop3A_1025 = arith.constant 0 : i32
        %parallel_loop3A_1026 = arith.constant 0 : i32
        %parallel_loop3A_1027 = tpu.memref_slice %arg10[%parallel_loop3A_764, %parallel_loop3A_1025, %parallel_loop3A_1026] : memref<2x16x1024xf32, #tpu.memory_space<vmem>> -> memref<1x16x1024xf32, #tpu.memory_space<vmem>>
        %parallel_loop3A_1028 = tpu.memref_squeeze %parallel_loop3A_1027 : memref<1x16x1024xf32, #tpu.memory_space<vmem>> -> memref<16x1024xf32, #tpu.memory_space<vmem>>
        %parallel_loop3A_1029 = arith.constant 0 : i32
        %parallel_loop3A_1030 = tpu.memref_slice %parallel_loop3A_1028[%parallel_loop3A_765, %parallel_loop3A_1029] : memref<16x1024xf32, #tpu.memory_space<vmem>> -> memref<1x1024xf32, #tpu.memory_space<vmem>>
        %parallel_loop3A_1031 = tpu.memref_squeeze %parallel_loop3A_1030 : memref<1x1024xf32, #tpu.memory_space<vmem>> -> memref<1024xf32, #tpu.memory_space<vmem>>
        %parallel_loop3A_1032 = arith.index_cast %parallel_loop3A_1014 : i32 to index
        %parallel_loop3A_1033 = tpu.vector_load %parallel_loop3A_1031[%parallel_loop3A_1032] {strides = array<i32>} : memref<1024xf32, #tpu.memory_space<vmem>>, vector<16xf32>,
        %parallel_loop3A_1034 = vector.shape_cast %parallel_loop3A_1033 : vector<16xf32> to vector<16xf32>
        %parallel_loop3A_1035 = arith.select %ge3A_754, %parallel_loop3A_1024, %parallel_loop3A_1034 : vector<16xi1>, vector<16xf32>
        %parallel_loop3A_1036 = arith.constant 0 : i32
        %parallel_loop3A_1037 = arith.constant 0 : i32
        %parallel_loop3A_1038 = tpu.memref_slice %arg11[%parallel_loop3A_766, %parallel_loop3A_1036, %parallel_loop3A_1037] : memref<2x8x1024xf32, #tpu.memory_space<vmem>> -> memref<1x8x1024xf32, #tpu.memory_space<vmem>>
        %parallel_loop3A_1039 = tpu.memref_squeeze %parallel_loop3A_1038 : memref<1x8x1024xf32, #tpu.memory_space<vmem>> -> memref<8x1024xf32, #tpu.memory_space<vmem>>
        %parallel_loop3A_1040 = arith.constant 0 : i32
        %parallel_loop3A_1041 = tpu.memref_slice %parallel_loop3A_1039[%parallel_loop3A_767, %parallel_loop3A_1040] : memref<8x1024xf32, #tpu.memory_space<vmem>> -> memref<1x1024xf32, #tpu.memory_space<vmem>>
        %parallel_loop3A_1042 = tpu.memref_squeeze %parallel_loop3A_1041 : memref<1x1024xf32, #tpu.memory_space<vmem>> -> memref<1024xf32, #tpu.memory_space<vmem>>
        %parallel_loop3A_1043 = arith.index_cast %parallel_loop3A_1014 : i32 to index
        %parallel_loop3A_1044 = tpu.vector_load %parallel_loop3A_1042[%parallel_loop3A_1043] {strides = array<i32>} : memref<1024xf32, #tpu.memory_space<vmem>>, vector<16xf32>,
        %parallel_loop3A_1045 = vector.shape_cast %parallel_loop3A_1044 : vector<16xf32> to vector<16xf32>
        %parallel_loop3A_1046 = vector.shape_cast %parallel_loop3A_1035 : vector<16xf32> to vector<16xf32>
        tpu.vector_store %parallel_loop3A_1042[%parallel_loop3A_1043], %parallel_loop3A_1046 {strides = array<i32>} : memref<1024xf32, #tpu.memory_space<vmem>>, vector<16xf32>,
        %parallel_loop3A_1047 = arith.select %ge3A_758, %parallel_loop3A_1034, %parallel_loop3A_1024 : vector<16xi1>, vector<16xf32>
        %parallel_loop3A_1048 = arith.constant 0 : i32
        %parallel_loop3A_1049 = arith.constant 0 : i32
        %parallel_loop3A_1050 = tpu.memref_slice %arg12[%parallel_loop3A_768, %parallel_loop3A_1048, %parallel_loop3A_1049] : memref<2x8x1024xf32, #tpu.memory_space<vmem>> -> memref<1x8x1024xf32, #tpu.memory_space<vmem>>
        %parallel_loop3A_1051 = tpu.memref_squeeze %parallel_loop3A_1050 : memref<1x8x1024xf32, #tpu.memory_space<vmem>> -> memref<8x1024xf32, #tpu.memory_space<vmem>>
        %parallel_loop3A_1052 = arith.constant 0 : i32
        %parallel_loop3A_1053 = tpu.memref_slice %parallel_loop3A_1051[%parallel_loop3A_769, %parallel_loop3A_1052] : memref<8x1024xf32, #tpu.memory_space<vmem>> -> memref<1x1024xf32, #tpu.memory_space<vmem>>
        %parallel_loop3A_1054 = tpu.memref_squeeze %parallel_loop3A_1053 : memref<1x1024xf32, #tpu.memory_space<vmem>> -> memref<1024xf32, #tpu.memory_space<vmem>>
        %parallel_loop3A_1055 = arith.index_cast %parallel_loop3A_1014 : i32 to index
        %parallel_loop3A_1056 = tpu.vector_load %parallel_loop3A_1054[%parallel_loop3A_1055] {strides = array<i32>} : memref<1024xf32, #tpu.memory_space<vmem>>, vector<16xf32>,
        %parallel_loop3A_1057 = vector.shape_cast %parallel_loop3A_1056 : vector<16xf32> to vector<16xf32>
        %parallel_loop3A_1058 = vector.shape_cast %parallel_loop3A_1047 : vector<16xf32> to vector<16xf32>
        tpu.vector_store %parallel_loop3A_1054[%parallel_loop3A_1055], %parallel_loop3A_1058 {strides = array<i32>} : memref<1024xf32, #tpu.memory_space<vmem>>, vector<16xf32>,
      } {sc.loop_unroll_factor = 8 : i64, sc.parallel_access}
      %mul3A_770 = arith.constant 16 : i32
      %mul3A_771 = arith.muli %add3A_543, %mul3A_770 : i32
      %add3A_772 = arith.addi %mul3A_2, %mul3A_771 : i32
      %add3A_773 = arith.constant 0 : i32
      %add3A_774 = arith.addi %add3A_772, %add3A_773 : i32
      %dma_start3A_775 = arith.constant 0 : i32
      %dma_start3A_776 = arith.constant 0 : i32
      %dma_start3A_777 = arith.constant 0 : i32
      %dma_start3A_778 = tpu.memref_slice %arg11[%dma_start3A_775, %dma_start3A_776, %dma_start3A_777] : memref<2x8x1024xf32, #tpu.memory_space<vmem>> -> memref<1x8x1024xf32, #tpu.memory_space<vmem>>
      %dma_start3A_779 = tpu.memref_squeeze %dma_start3A_778 : memref<1x8x1024xf32, #tpu.memory_space<vmem>> -> memref<8x1024xf32, #tpu.memory_space<vmem>>
      %dma_start3A_780 = arith.constant 0 : i32
      %dma_start3A_781 = tpu.memref_slice %arg7[%add3A_774, %dma_start3A_780] : memref<32768x1024xf32, #tpu.memory_space<hbm>> -> memref<8x1024xf32, #tpu.memory_space<hbm>>
      %dma_start3A_782 = arith.constant 0 : i32
      %dma_start3A_783 = tpu.memref_slice %arg7[%add3A_774, %dma_start3A_782] : memref<32768x1024xf32, #tpu.memory_space<hbm>> -> memref<8x1024xf32, #tpu.memory_space<hbm>>
      %dma_start3A_784 = arith.constant 0 : i32
      %dma_start3A_785 = arith.constant 0 : i32
      %dma_start3A_786 = tpu.memref_slice %arg11[%dma_start3A_775, %dma_start3A_784, %dma_start3A_785] : memref<2x8x1024xf32, #tpu.memory_space<vmem>> -> memref<1x8x1024xf32, #tpu.memory_space<vmem>>
      %dma_start3A_787 = tpu.memref_squeeze %dma_start3A_786 : memref<1x8x1024xf32, #tpu.memory_space<vmem>> -> memref<8x1024xf32, #tpu.memory_space<vmem>>
      tpu.enqueue_dma source(%dma_start3A_787 : memref<8x1024xf32, #tpu.memory_space<vmem>>) target(%dma_start3A_783 : memref<8x1024xf32, #tpu.memory_space<hbm>>) target_semaphore(%arg18 : memref<!tpu.dma_semaphore, #tpu.memory_space<semaphore_mem>>)
      %dma_start3A_788 = arith.constant 0 : i32
      %dma_start3A_789 = arith.constant 0 : i32
      %dma_start3A_790 = arith.constant 0 : i32
      %dma_start3A_791 = tpu.memref_slice %arg12[%dma_start3A_788, %dma_start3A_789, %dma_start3A_790] : memref<2x8x1024xf32, #tpu.memory_space<vmem>> -> memref<1x8x1024xf32, #tpu.memory_space<vmem>>
      %dma_start3A_792 = tpu.memref_squeeze %dma_start3A_791 : memref<1x8x1024xf32, #tpu.memory_space<vmem>> -> memref<8x1024xf32, #tpu.memory_space<vmem>>
      %dma_start3A_793 = arith.constant 0 : i32
      %dma_start3A_794 = tpu.memref_slice %arg8[%add3A_774, %dma_start3A_793] : memref<32768x1024xf32, #tpu.memory_space<hbm>> -> memref<8x1024xf32, #tpu.memory_space<hbm>>
      %dma_start3A_795 = arith.constant 0 : i32
      %dma_start3A_796 = tpu.memref_slice %arg8[%add3A_774, %dma_start3A_795] : memref<32768x1024xf32, #tpu.memory_space<hbm>> -> memref<8x1024xf32, #tpu.memory_space<hbm>>
      %dma_start3A_797 = arith.constant 0 : i32
      %dma_start3A_798 = arith.constant 0 : i32
      %dma_start3A_799 = tpu.memref_slice %arg12[%dma_start3A_788, %dma_start3A_797, %dma_start3A_798] : memref<2x8x1024xf32, #tpu.memory_space<vmem>> -> memref<1x8x1024xf32, #tpu.memory_space<vmem>>
      %dma_start3A_800 = tpu.memref_squeeze %dma_start3A_799 : memref<1x8x1024xf32, #tpu.memory_space<vmem>> -> memref<8x1024xf32, #tpu.memory_space<vmem>>
      tpu.enqueue_dma source(%dma_start3A_800 : memref<8x1024xf32, #tpu.memory_space<vmem>>) target(%dma_start3A_796 : memref<8x1024xf32, #tpu.memory_space<hbm>>) target_semaphore(%arg18 : memref<!tpu.dma_semaphore, #tpu.memory_space<semaphore_mem>>)
      %dma_wait3A_801 = arith.constant 1 : i32
      %dma_wait3A_802 = arith.constant 0 : i32
      %dma_wait3A_803 = arith.constant 0 : i32
      %dma_wait3A_804 = tpu.memref_slice %arg11[%dma_wait3A_801, %dma_wait3A_802, %dma_wait3A_803] : memref<2x8x1024xf32, #tpu.memory_space<vmem>> -> memref<1x8x1024xf32, #tpu.memory_space<vmem>>
      %dma_wait3A_805 = tpu.memref_squeeze %dma_wait3A_804 : memref<1x8x1024xf32, #tpu.memory_space<vmem>> -> memref<8x1024xf32, #tpu.memory_space<vmem>>
      %dma_wait3A_806 = arith.constant 0 : i32
      %dma_wait3A_807 = arith.constant 0 : i32
      %dma_wait3A_808 = tpu.memref_slice %arg7[%dma_wait3A_806, %dma_wait3A_807] : memref<32768x1024xf32, #tpu.memory_space<hbm>> -> memref<8x1024xf32, #tpu.memory_space<hbm>>
      %dma_wait3A_809 = arith.constant 0 : i32
      %dma_wait3A_810 = arith.constant 0 : i32
      %dma_wait3A_811 = tpu.memref_slice %arg7[%dma_wait3A_809, %dma_wait3A_810] : memref<32768x1024xf32, #tpu.memory_space<hbm>> -> memref<8x1024xf32, #tpu.memory_space<hbm>>
      %dma_wait3A_812 = arith.constant 0 : i32
      %dma_wait3A_813 = arith.constant 0 : i32
      %dma_wait3A_814 = tpu.memref_slice %arg11[%dma_wait3A_801, %dma_wait3A_812, %dma_wait3A_813] : memref<2x8x1024xf32, #tpu.memory_space<vmem>> -> memref<1x8x1024xf32, #tpu.memory_space<vmem>>
      %dma_wait3A_815 = tpu.memref_squeeze %dma_wait3A_814 : memref<1x8x1024xf32, #tpu.memory_space<vmem>> -> memref<8x1024xf32, #tpu.memory_space<vmem>>
      tpu.wait_dma2 semaphore(%arg19 : memref<!tpu.dma_semaphore, #tpu.memory_space<semaphore_mem>>) src(%dma_wait3A_815 : memref<8x1024xf32, #tpu.memory_space<vmem>>) dst(%dma_wait3A_811 : memref<8x1024xf32, #tpu.memory_space<hbm>>)
      %dma_wait3A_816 = arith.constant 1 : i32
      %dma_wait3A_817 = arith.constant 0 : i32
      %dma_wait3A_818 = arith.constant 0 : i32
      %dma_wait3A_819 = tpu.memref_slice %arg12[%dma_wait3A_816, %dma_wait3A_817, %dma_wait3A_818] : memref<2x8x1024xf32, #tpu.memory_space<vmem>> -> memref<1x8x1024xf32, #tpu.memory_space<vmem>>
      %dma_wait3A_820 = tpu.memref_squeeze %dma_wait3A_819 : memref<1x8x1024xf32, #tpu.memory_space<vmem>> -> memref<8x1024xf32, #tpu.memory_space<vmem>>
      %dma_wait3A_821 = arith.constant 0 : i32
      %dma_wait3A_822 = arith.constant 0 : i32
      %dma_wait3A_823 = tpu.memref_slice %arg8[%dma_wait3A_821, %dma_wait3A_822] : memref<32768x1024xf32, #tpu.memory_space<hbm>> -> memref<8x1024xf32, #tpu.memory_space<hbm>>
      %dma_wait3A_824 = arith.constant 0 : i32
      %dma_wait3A_825 = arith.constant 0 : i32
      %dma_wait3A_826 = tpu.memref_slice %arg8[%dma_wait3A_824, %dma_wait3A_825] : memref<32768x1024xf32, #tpu.memory_space<hbm>> -> memref<8x1024xf32, #tpu.memory_space<hbm>>
      %dma_wait3A_827 = arith.constant 0 : i32
      %dma_wait3A_828 = arith.constant 0 : i32
      %dma_wait3A_829 = tpu.memref_slice %arg12[%dma_wait3A_816, %dma_wait3A_827, %dma_wait3A_828] : memref<2x8x1024xf32, #tpu.memory_space<vmem>> -> memref<1x8x1024xf32, #tpu.memory_space<vmem>>
      %dma_wait3A_830 = tpu.memref_squeeze %dma_wait3A_829 : memref<1x8x1024xf32, #tpu.memory_space<vmem>> -> memref<8x1024xf32, #tpu.memory_space<vmem>>
      tpu.wait_dma2 semaphore(%arg19 : memref<!tpu.dma_semaphore, #tpu.memory_space<semaphore_mem>>) src(%dma_wait3A_830 : memref<8x1024xf32, #tpu.memory_space<vmem>>) dst(%dma_wait3A_826 : memref<8x1024xf32, #tpu.memory_space<hbm>>)
      %slice3A_831 = vector.extract_strided_slice %get3A_582 {offsets = [8], sizes = [1], strides = [1]} : vector<16xf32> to vector<1xf32>
      %squeeze3A_832 = vector.extract %slice3A_831[0] : f32 from vector<1xf32>
      %broadcast_in_dim3A_833 = vector.broadcast %squeeze3A_832 : f32 to vector<16xf32>
      %ge3A_834 = arith.cmpf oge, %broadcast_in_dim3A_833, %get3A_4 : vector<16xf32>
      %slice3A_835 = vector.extract_strided_slice %get3A_587 {offsets = [8], sizes = [1], strides = [1]} : vector<16xf32> to vector<1xf32>
      %squeeze3A_836 = vector.extract %slice3A_835[0] : f32 from vector<1xf32>
      %broadcast_in_dim3A_837 = vector.broadcast %squeeze3A_836 : f32 to vector<16xf32>
      %ge3A_838 = arith.cmpf oge, %broadcast_in_dim3A_837, %get3A_4 : vector<16xf32>
      %parallel_loop3A_839 = arith.constant 0 : i32
      %parallel_loop3A_840 = arith.constant 1024 : i32
      %parallel_loop3A_841 = arith.constant 16 : i32
      %parallel_loop3A_842 = arith.constant 1 : i32
      %parallel_loop3A_843 = arith.constant 8 : i32
      %parallel_loop3A_844 = arith.constant 1 : i32
      %parallel_loop3A_845 = arith.constant 8 : i32
      %parallel_loop3A_846 = arith.constant 1 : i32
      %parallel_loop3A_847 = arith.constant 0 : i32
      %parallel_loop3A_848 = arith.constant 1 : i32
      %parallel_loop3A_849 = arith.constant 0 : i32
      scf.for %parallel_loop3A_1014 = %parallel_loop3A_839 to %parallel_loop3A_840 step %parallel_loop3A_841  : i32 {
        %parallel_loop3A_1015 = arith.constant 0 : i32
        %parallel_loop3A_1016 = arith.constant 0 : i32
        %parallel_loop3A_1017 = tpu.memref_slice %arg9[%parallel_loop3A_842, %parallel_loop3A_1015, %parallel_loop3A_1016] : memref<2x16x1024xf32, #tpu.memory_space<vmem>> -> memref<1x16x1024xf32, #tpu.memory_space<vmem>>
        %parallel_loop3A_1018 = tpu.memref_squeeze %parallel_loop3A_1017 : memref<1x16x1024xf32, #tpu.memory_space<vmem>> -> memref<16x1024xf32, #tpu.memory_space<vmem>>
        %parallel_loop3A_1019 = arith.constant 0 : i32
        %parallel_loop3A_1020 = tpu.memref_slice %parallel_loop3A_1018[%parallel_loop3A_843, %parallel_loop3A_1019] : memref<16x1024xf32, #tpu.memory_space<vmem>> -> memref<1x1024xf32, #tpu.memory_space<vmem>>
        %parallel_loop3A_1021 = tpu.memref_squeeze %parallel_loop3A_1020 : memref<1x1024xf32, #tpu.memory_space<vmem>> -> memref<1024xf32, #tpu.memory_space<vmem>>
        %parallel_loop3A_1022 = arith.index_cast %parallel_loop3A_1014 : i32 to index
        %parallel_loop3A_1023 = tpu.vector_load %parallel_loop3A_1021[%parallel_loop3A_1022] {strides = array<i32>} : memref<1024xf32, #tpu.memory_space<vmem>>, vector<16xf32>,
        %parallel_loop3A_1024 = vector.shape_cast %parallel_loop3A_1023 : vector<16xf32> to vector<16xf32>
        %parallel_loop3A_1025 = arith.constant 0 : i32
        %parallel_loop3A_1026 = arith.constant 0 : i32
        %parallel_loop3A_1027 = tpu.memref_slice %arg10[%parallel_loop3A_844, %parallel_loop3A_1025, %parallel_loop3A_1026] : memref<2x16x1024xf32, #tpu.memory_space<vmem>> -> memref<1x16x1024xf32, #tpu.memory_space<vmem>>
        %parallel_loop3A_1028 = tpu.memref_squeeze %parallel_loop3A_1027 : memref<1x16x1024xf32, #tpu.memory_space<vmem>> -> memref<16x1024xf32, #tpu.memory_space<vmem>>
        %parallel_loop3A_1029 = arith.constant 0 : i32
        %parallel_loop3A_1030 = tpu.memref_slice %parallel_loop3A_1028[%parallel_loop3A_845, %parallel_loop3A_1029] : memref<16x1024xf32, #tpu.memory_space<vmem>> -> memref<1x1024xf32, #tpu.memory_space<vmem>>
        %parallel_loop3A_1031 = tpu.memref_squeeze %parallel_loop3A_1030 : memref<1x1024xf32, #tpu.memory_space<vmem>> -> memref<1024xf32, #tpu.memory_space<vmem>>
        %parallel_loop3A_1032 = arith.index_cast %parallel_loop3A_1014 : i32 to index
        %parallel_loop3A_1033 = tpu.vector_load %parallel_loop3A_1031[%parallel_loop3A_1032] {strides = array<i32>} : memref<1024xf32, #tpu.memory_space<vmem>>, vector<16xf32>,
        %parallel_loop3A_1034 = vector.shape_cast %parallel_loop3A_1033 : vector<16xf32> to vector<16xf32>
        %parallel_loop3A_1035 = arith.select %ge3A_834, %parallel_loop3A_1024, %parallel_loop3A_1034 : vector<16xi1>, vector<16xf32>
        %parallel_loop3A_1036 = arith.constant 0 : i32
        %parallel_loop3A_1037 = arith.constant 0 : i32
        %parallel_loop3A_1038 = tpu.memref_slice %arg11[%parallel_loop3A_846, %parallel_loop3A_1036, %parallel_loop3A_1037] : memref<2x8x1024xf32, #tpu.memory_space<vmem>> -> memref<1x8x1024xf32, #tpu.memory_space<vmem>>
        %parallel_loop3A_1039 = tpu.memref_squeeze %parallel_loop3A_1038 : memref<1x8x1024xf32, #tpu.memory_space<vmem>> -> memref<8x1024xf32, #tpu.memory_space<vmem>>
        %parallel_loop3A_1040 = arith.constant 0 : i32
        %parallel_loop3A_1041 = tpu.memref_slice %parallel_loop3A_1039[%parallel_loop3A_847, %parallel_loop3A_1040] : memref<8x1024xf32, #tpu.memory_space<vmem>> -> memref<1x1024xf32, #tpu.memory_space<vmem>>
        %parallel_loop3A_1042 = tpu.memref_squeeze %parallel_loop3A_1041 : memref<1x1024xf32, #tpu.memory_space<vmem>> -> memref<1024xf32, #tpu.memory_space<vmem>>
        %parallel_loop3A_1043 = arith.index_cast %parallel_loop3A_1014 : i32 to index
        %parallel_loop3A_1044 = tpu.vector_load %parallel_loop3A_1042[%parallel_loop3A_1043] {strides = array<i32>} : memref<1024xf32, #tpu.memory_space<vmem>>, vector<16xf32>,
        %parallel_loop3A_1045 = vector.shape_cast %parallel_loop3A_1044 : vector<16xf32> to vector<16xf32>
        %parallel_loop3A_1046 = vector.shape_cast %parallel_loop3A_1035 : vector<16xf32> to vector<16xf32>
        tpu.vector_store %parallel_loop3A_1042[%parallel_loop3A_1043], %parallel_loop3A_1046 {strides = array<i32>} : memref<1024xf32, #tpu.memory_space<vmem>>, vector<16xf32>,
        %parallel_loop3A_1047 = arith.select %ge3A_838, %parallel_loop3A_1034, %parallel_loop3A_1024 : vector<16xi1>, vector<16xf32>
        %parallel_loop3A_1048 = arith.constant 0 : i32
        %parallel_loop3A_1049 = arith.constant 0 : i32
        %parallel_loop3A_1050 = tpu.memref_slice %arg12[%parallel_loop3A_848, %parallel_loop3A_1048, %parallel_loop3A_1049] : memref<2x8x1024xf32, #tpu.memory_space<vmem>> -> memref<1x8x1024xf32, #tpu.memory_space<vmem>>
        %parallel_loop3A_1051 = tpu.memref_squeeze %parallel_loop3A_1050 : memref<1x8x1024xf32, #tpu.memory_space<vmem>> -> memref<8x1024xf32, #tpu.memory_space<vmem>>
        %parallel_loop3A_1052 = arith.constant 0 : i32
        %parallel_loop3A_1053 = tpu.memref_slice %parallel_loop3A_1051[%parallel_loop3A_849, %parallel_loop3A_1052] : memref<8x1024xf32, #tpu.memory_space<vmem>> -> memref<1x1024xf32, #tpu.memory_space<vmem>>
        %parallel_loop3A_1054 = tpu.memref_squeeze %parallel_loop3A_1053 : memref<1x1024xf32, #tpu.memory_space<vmem>> -> memref<1024xf32, #tpu.memory_space<vmem>>
        %parallel_loop3A_1055 = arith.index_cast %parallel_loop3A_1014 : i32 to index
        %parallel_loop3A_1056 = tpu.vector_load %parallel_loop3A_1054[%parallel_loop3A_1055] {strides = array<i32>} : memref<1024xf32, #tpu.memory_space<vmem>>, vector<16xf32>,
        %parallel_loop3A_1057 = vector.shape_cast %parallel_loop3A_1056 : vector<16xf32> to vector<16xf32>
        %parallel_loop3A_1058 = vector.shape_cast %parallel_loop3A_1047 : vector<16xf32> to vector<16xf32>
        tpu.vector_store %parallel_loop3A_1054[%parallel_loop3A_1055], %parallel_loop3A_1058 {strides = array<i32>} : memref<1024xf32, #tpu.memory_space<vmem>>, vector<16xf32>,
      } {sc.loop_unroll_factor = 8 : i64, sc.parallel_access}
      %slice3A_850 = vector.extract_strided_slice %get3A_582 {offsets = [9], sizes = [1], strides = [1]} : vector<16xf32> to vector<1xf32>
      %squeeze3A_851 = vector.extract %slice3A_850[0] : f32 from vector<1xf32>
      %broadcast_in_dim3A_852 = vector.broadcast %squeeze3A_851 : f32 to vector<16xf32>
      %ge3A_853 = arith.cmpf oge, %broadcast_in_dim3A_852, %get3A_4 : vector<16xf32>
      %slice3A_854 = vector.extract_strided_slice %get3A_587 {offsets = [9], sizes = [1], strides = [1]} : vector<16xf32> to vector<1xf32>
      %squeeze3A_855 = vector.extract %slice3A_854[0] : f32 from vector<1xf32>
      %broadcast_in_dim3A_856 = vector.broadcast %squeeze3A_855 : f32 to vector<16xf32>
      %ge3A_857 = arith.cmpf oge, %broadcast_in_dim3A_856, %get3A_4 : vector<16xf32>
      %parallel_loop3A_858 = arith.constant 0 : i32
      %parallel_loop3A_859 = arith.constant 1024 : i32
      %parallel_loop3A_860 = arith.constant 16 : i32
      %parallel_loop3A_861 = arith.constant 1 : i32
      %parallel_loop3A_862 = arith.constant 9 : i32
      %parallel_loop3A_863 = arith.constant 1 : i32
      %parallel_loop3A_864 = arith.constant 9 : i32
      %parallel_loop3A_865 = arith.constant 1 : i32
      %parallel_loop3A_866 = arith.constant 1 : i32
      %parallel_loop3A_867 = arith.constant 1 : i32
      %parallel_loop3A_868 = arith.constant 1 : i32
      scf.for %parallel_loop3A_1014 = %parallel_loop3A_858 to %parallel_loop3A_859 step %parallel_loop3A_860  : i32 {
        %parallel_loop3A_1015 = arith.constant 0 : i32
        %parallel_loop3A_1016 = arith.constant 0 : i32
        %parallel_loop3A_1017 = tpu.memref_slice %arg9[%parallel_loop3A_861, %parallel_loop3A_1015, %parallel_loop3A_1016] : memref<2x16x1024xf32, #tpu.memory_space<vmem>> -> memref<1x16x1024xf32, #tpu.memory_space<vmem>>
        %parallel_loop3A_1018 = tpu.memref_squeeze %parallel_loop3A_1017 : memref<1x16x1024xf32, #tpu.memory_space<vmem>> -> memref<16x1024xf32, #tpu.memory_space<vmem>>
        %parallel_loop3A_1019 = arith.constant 0 : i32
        %parallel_loop3A_1020 = tpu.memref_slice %parallel_loop3A_1018[%parallel_loop3A_862, %parallel_loop3A_1019] : memref<16x1024xf32, #tpu.memory_space<vmem>> -> memref<1x1024xf32, #tpu.memory_space<vmem>>
        %parallel_loop3A_1021 = tpu.memref_squeeze %parallel_loop3A_1020 : memref<1x1024xf32, #tpu.memory_space<vmem>> -> memref<1024xf32, #tpu.memory_space<vmem>>
        %parallel_loop3A_1022 = arith.index_cast %parallel_loop3A_1014 : i32 to index
        %parallel_loop3A_1023 = tpu.vector_load %parallel_loop3A_1021[%parallel_loop3A_1022] {strides = array<i32>} : memref<1024xf32, #tpu.memory_space<vmem>>, vector<16xf32>,
        %parallel_loop3A_1024 = vector.shape_cast %parallel_loop3A_1023 : vector<16xf32> to vector<16xf32>
        %parallel_loop3A_1025 = arith.constant 0 : i32
        %parallel_loop3A_1026 = arith.constant 0 : i32
        %parallel_loop3A_1027 = tpu.memref_slice %arg10[%parallel_loop3A_863, %parallel_loop3A_1025, %parallel_loop3A_1026] : memref<2x16x1024xf32, #tpu.memory_space<vmem>> -> memref<1x16x1024xf32, #tpu.memory_space<vmem>>
        %parallel_loop3A_1028 = tpu.memref_squeeze %parallel_loop3A_1027 : memref<1x16x1024xf32, #tpu.memory_space<vmem>> -> memref<16x1024xf32, #tpu.memory_space<vmem>>
        %parallel_loop3A_1029 = arith.constant 0 : i32
        %parallel_loop3A_1030 = tpu.memref_slice %parallel_loop3A_1028[%parallel_loop3A_864, %parallel_loop3A_1029] : memref<16x1024xf32, #tpu.memory_space<vmem>> -> memref<1x1024xf32, #tpu.memory_space<vmem>>
        %parallel_loop3A_1031 = tpu.memref_squeeze %parallel_loop3A_1030 : memref<1x1024xf32, #tpu.memory_space<vmem>> -> memref<1024xf32, #tpu.memory_space<vmem>>
        %parallel_loop3A_1032 = arith.index_cast %parallel_loop3A_1014 : i32 to index
        %parallel_loop3A_1033 = tpu.vector_load %parallel_loop3A_1031[%parallel_loop3A_1032] {strides = array<i32>} : memref<1024xf32, #tpu.memory_space<vmem>>, vector<16xf32>,
        %parallel_loop3A_1034 = vector.shape_cast %parallel_loop3A_1033 : vector<16xf32> to vector<16xf32>
        %parallel_loop3A_1035 = arith.select %ge3A_853, %parallel_loop3A_1024, %parallel_loop3A_1034 : vector<16xi1>, vector<16xf32>
        %parallel_loop3A_1036 = arith.constant 0 : i32
        %parallel_loop3A_1037 = arith.constant 0 : i32
        %parallel_loop3A_1038 = tpu.memref_slice %arg11[%parallel_loop3A_865, %parallel_loop3A_1036, %parallel_loop3A_1037] : memref<2x8x1024xf32, #tpu.memory_space<vmem>> -> memref<1x8x1024xf32, #tpu.memory_space<vmem>>
        %parallel_loop3A_1039 = tpu.memref_squeeze %parallel_loop3A_1038 : memref<1x8x1024xf32, #tpu.memory_space<vmem>> -> memref<8x1024xf32, #tpu.memory_space<vmem>>
        %parallel_loop3A_1040 = arith.constant 0 : i32
        %parallel_loop3A_1041 = tpu.memref_slice %parallel_loop3A_1039[%parallel_loop3A_866, %parallel_loop3A_1040] : memref<8x1024xf32, #tpu.memory_space<vmem>> -> memref<1x1024xf32, #tpu.memory_space<vmem>>
        %parallel_loop3A_1042 = tpu.memref_squeeze %parallel_loop3A_1041 : memref<1x1024xf32, #tpu.memory_space<vmem>> -> memref<1024xf32, #tpu.memory_space<vmem>>
        %parallel_loop3A_1043 = arith.index_cast %parallel_loop3A_1014 : i32 to index
        %parallel_loop3A_1044 = tpu.vector_load %parallel_loop3A_1042[%parallel_loop3A_1043] {strides = array<i32>} : memref<1024xf32, #tpu.memory_space<vmem>>, vector<16xf32>,
        %parallel_loop3A_1045 = vector.shape_cast %parallel_loop3A_1044 : vector<16xf32> to vector<16xf32>
        %parallel_loop3A_1046 = vector.shape_cast %parallel_loop3A_1035 : vector<16xf32> to vector<16xf32>
        tpu.vector_store %parallel_loop3A_1042[%parallel_loop3A_1043], %parallel_loop3A_1046 {strides = array<i32>} : memref<1024xf32, #tpu.memory_space<vmem>>, vector<16xf32>,
        %parallel_loop3A_1047 = arith.select %ge3A_857, %parallel_loop3A_1034, %parallel_loop3A_1024 : vector<16xi1>, vector<16xf32>
        %parallel_loop3A_1048 = arith.constant 0 : i32
        %parallel_loop3A_1049 = arith.constant 0 : i32
        %parallel_loop3A_1050 = tpu.memref_slice %arg12[%parallel_loop3A_867, %parallel_loop3A_1048, %parallel_loop3A_1049] : memref<2x8x1024xf32, #tpu.memory_space<vmem>> -> memref<1x8x1024xf32, #tpu.memory_space<vmem>>
        %parallel_loop3A_1051 = tpu.memref_squeeze %parallel_loop3A_1050 : memref<1x8x1024xf32, #tpu.memory_space<vmem>> -> memref<8x1024xf32, #tpu.memory_space<vmem>>
        %parallel_loop3A_1052 = arith.constant 0 : i32
        %parallel_loop3A_1053 = tpu.memref_slice %parallel_loop3A_1051[%parallel_loop3A_868, %parallel_loop3A_1052] : memref<8x1024xf32, #tpu.memory_space<vmem>> -> memref<1x1024xf32, #tpu.memory_space<vmem>>
        %parallel_loop3A_1054 = tpu.memref_squeeze %parallel_loop3A_1053 : memref<1x1024xf32, #tpu.memory_space<vmem>> -> memref<1024xf32, #tpu.memory_space<vmem>>
        %parallel_loop3A_1055 = arith.index_cast %parallel_loop3A_1014 : i32 to index
        %parallel_loop3A_1056 = tpu.vector_load %parallel_loop3A_1054[%parallel_loop3A_1055] {strides = array<i32>} : memref<1024xf32, #tpu.memory_space<vmem>>, vector<16xf32>,
        %parallel_loop3A_1057 = vector.shape_cast %parallel_loop3A_1056 : vector<16xf32> to vector<16xf32>
        %parallel_loop3A_1058 = vector.shape_cast %parallel_loop3A_1047 : vector<16xf32> to vector<16xf32>
        tpu.vector_store %parallel_loop3A_1054[%parallel_loop3A_1055], %parallel_loop3A_1058 {strides = array<i32>} : memref<1024xf32, #tpu.memory_space<vmem>>, vector<16xf32>,
      } {sc.loop_unroll_factor = 8 : i64, sc.parallel_access}
      %slice3A_869 = vector.extract_strided_slice %get3A_582 {offsets = [10], sizes = [1], strides = [1]} : vector<16xf32> to vector<1xf32>
      %squeeze3A_870 = vector.extract %slice3A_869[0] : f32 from vector<1xf32>
      %broadcast_in_dim3A_871 = vector.broadcast %squeeze3A_870 : f32 to vector<16xf32>
      %ge3A_872 = arith.cmpf oge, %broadcast_in_dim3A_871, %get3A_4 : vector<16xf32>
      %slice3A_873 = vector.extract_strided_slice %get3A_587 {offsets = [10], sizes = [1], strides = [1]} : vector<16xf32> to vector<1xf32>
      %squeeze3A_874 = vector.extract %slice3A_873[0] : f32 from vector<1xf32>
      %broadcast_in_dim3A_875 = vector.broadcast %squeeze3A_874 : f32 to vector<16xf32>
      %ge3A_876 = arith.cmpf oge, %broadcast_in_dim3A_875, %get3A_4 : vector<16xf32>
      %parallel_loop3A_877 = arith.constant 0 : i32
      %parallel_loop3A_878 = arith.constant 1024 : i32
      %parallel_loop3A_879 = arith.constant 16 : i32
      %parallel_loop3A_880 = arith.constant 1 : i32
      %parallel_loop3A_881 = arith.constant 10 : i32
      %parallel_loop3A_882 = arith.constant 1 : i32
      %parallel_loop3A_883 = arith.constant 10 : i32
      %parallel_loop3A_884 = arith.constant 1 : i32
      %parallel_loop3A_885 = arith.constant 2 : i32
      %parallel_loop3A_886 = arith.constant 1 : i32
      %parallel_loop3A_887 = arith.constant 2 : i32
      scf.for %parallel_loop3A_1014 = %parallel_loop3A_877 to %parallel_loop3A_878 step %parallel_loop3A_879  : i32 {
        %parallel_loop3A_1015 = arith.constant 0 : i32
        %parallel_loop3A_1016 = arith.constant 0 : i32
        %parallel_loop3A_1017 = tpu.memref_slice %arg9[%parallel_loop3A_880, %parallel_loop3A_1015, %parallel_loop3A_1016] : memref<2x16x1024xf32, #tpu.memory_space<vmem>> -> memref<1x16x1024xf32, #tpu.memory_space<vmem>>
        %parallel_loop3A_1018 = tpu.memref_squeeze %parallel_loop3A_1017 : memref<1x16x1024xf32, #tpu.memory_space<vmem>> -> memref<16x1024xf32, #tpu.memory_space<vmem>>
        %parallel_loop3A_1019 = arith.constant 0 : i32
        %parallel_loop3A_1020 = tpu.memref_slice %parallel_loop3A_1018[%parallel_loop3A_881, %parallel_loop3A_1019] : memref<16x1024xf32, #tpu.memory_space<vmem>> -> memref<1x1024xf32, #tpu.memory_space<vmem>>
        %parallel_loop3A_1021 = tpu.memref_squeeze %parallel_loop3A_1020 : memref<1x1024xf32, #tpu.memory_space<vmem>> -> memref<1024xf32, #tpu.memory_space<vmem>>
        %parallel_loop3A_1022 = arith.index_cast %parallel_loop3A_1014 : i32 to index
        %parallel_loop3A_1023 = tpu.vector_load %parallel_loop3A_1021[%parallel_loop3A_1022] {strides = array<i32>} : memref<1024xf32, #tpu.memory_space<vmem>>, vector<16xf32>,
        %parallel_loop3A_1024 = vector.shape_cast %parallel_loop3A_1023 : vector<16xf32> to vector<16xf32>
        %parallel_loop3A_1025 = arith.constant 0 : i32
        %parallel_loop3A_1026 = arith.constant 0 : i32
        %parallel_loop3A_1027 = tpu.memref_slice %arg10[%parallel_loop3A_882, %parallel_loop3A_1025, %parallel_loop3A_1026] : memref<2x16x1024xf32, #tpu.memory_space<vmem>> -> memref<1x16x1024xf32, #tpu.memory_space<vmem>>
        %parallel_loop3A_1028 = tpu.memref_squeeze %parallel_loop3A_1027 : memref<1x16x1024xf32, #tpu.memory_space<vmem>> -> memref<16x1024xf32, #tpu.memory_space<vmem>>
        %parallel_loop3A_1029 = arith.constant 0 : i32
        %parallel_loop3A_1030 = tpu.memref_slice %parallel_loop3A_1028[%parallel_loop3A_883, %parallel_loop3A_1029] : memref<16x1024xf32, #tpu.memory_space<vmem>> -> memref<1x1024xf32, #tpu.memory_space<vmem>>
        %parallel_loop3A_1031 = tpu.memref_squeeze %parallel_loop3A_1030 : memref<1x1024xf32, #tpu.memory_space<vmem>> -> memref<1024xf32, #tpu.memory_space<vmem>>
        %parallel_loop3A_1032 = arith.index_cast %parallel_loop3A_1014 : i32 to index
        %parallel_loop3A_1033 = tpu.vector_load %parallel_loop3A_1031[%parallel_loop3A_1032] {strides = array<i32>} : memref<1024xf32, #tpu.memory_space<vmem>>, vector<16xf32>,
        %parallel_loop3A_1034 = vector.shape_cast %parallel_loop3A_1033 : vector<16xf32> to vector<16xf32>
        %parallel_loop3A_1035 = arith.select %ge3A_872, %parallel_loop3A_1024, %parallel_loop3A_1034 : vector<16xi1>, vector<16xf32>
        %parallel_loop3A_1036 = arith.constant 0 : i32
        %parallel_loop3A_1037 = arith.constant 0 : i32
        %parallel_loop3A_1038 = tpu.memref_slice %arg11[%parallel_loop3A_884, %parallel_loop3A_1036, %parallel_loop3A_1037] : memref<2x8x1024xf32, #tpu.memory_space<vmem>> -> memref<1x8x1024xf32, #tpu.memory_space<vmem>>
        %parallel_loop3A_1039 = tpu.memref_squeeze %parallel_loop3A_1038 : memref<1x8x1024xf32, #tpu.memory_space<vmem>> -> memref<8x1024xf32, #tpu.memory_space<vmem>>
        %parallel_loop3A_1040 = arith.constant 0 : i32
        %parallel_loop3A_1041 = tpu.memref_slice %parallel_loop3A_1039[%parallel_loop3A_885, %parallel_loop3A_1040] : memref<8x1024xf32, #tpu.memory_space<vmem>> -> memref<1x1024xf32, #tpu.memory_space<vmem>>
        %parallel_loop3A_1042 = tpu.memref_squeeze %parallel_loop3A_1041 : memref<1x1024xf32, #tpu.memory_space<vmem>> -> memref<1024xf32, #tpu.memory_space<vmem>>
        %parallel_loop3A_1043 = arith.index_cast %parallel_loop3A_1014 : i32 to index
        %parallel_loop3A_1044 = tpu.vector_load %parallel_loop3A_1042[%parallel_loop3A_1043] {strides = array<i32>} : memref<1024xf32, #tpu.memory_space<vmem>>, vector<16xf32>,
        %parallel_loop3A_1045 = vector.shape_cast %parallel_loop3A_1044 : vector<16xf32> to vector<16xf32>
        %parallel_loop3A_1046 = vector.shape_cast %parallel_loop3A_1035 : vector<16xf32> to vector<16xf32>
        tpu.vector_store %parallel_loop3A_1042[%parallel_loop3A_1043], %parallel_loop3A_1046 {strides = array<i32>} : memref<1024xf32, #tpu.memory_space<vmem>>, vector<16xf32>,
        %parallel_loop3A_1047 = arith.select %ge3A_876, %parallel_loop3A_1034, %parallel_loop3A_1024 : vector<16xi1>, vector<16xf32>
        %parallel_loop3A_1048 = arith.constant 0 : i32
        %parallel_loop3A_1049 = arith.constant 0 : i32
        %parallel_loop3A_1050 = tpu.memref_slice %arg12[%parallel_loop3A_886, %parallel_loop3A_1048, %parallel_loop3A_1049] : memref<2x8x1024xf32, #tpu.memory_space<vmem>> -> memref<1x8x1024xf32, #tpu.memory_space<vmem>>
        %parallel_loop3A_1051 = tpu.memref_squeeze %parallel_loop3A_1050 : memref<1x8x1024xf32, #tpu.memory_space<vmem>> -> memref<8x1024xf32, #tpu.memory_space<vmem>>
        %parallel_loop3A_1052 = arith.constant 0 : i32
        %parallel_loop3A_1053 = tpu.memref_slice %parallel_loop3A_1051[%parallel_loop3A_887, %parallel_loop3A_1052] : memref<8x1024xf32, #tpu.memory_space<vmem>> -> memref<1x1024xf32, #tpu.memory_space<vmem>>
        %parallel_loop3A_1054 = tpu.memref_squeeze %parallel_loop3A_1053 : memref<1x1024xf32, #tpu.memory_space<vmem>> -> memref<1024xf32, #tpu.memory_space<vmem>>
        %parallel_loop3A_1055 = arith.index_cast %parallel_loop3A_1014 : i32 to index
        %parallel_loop3A_1056 = tpu.vector_load %parallel_loop3A_1054[%parallel_loop3A_1055] {strides = array<i32>} : memref<1024xf32, #tpu.memory_space<vmem>>, vector<16xf32>,
        %parallel_loop3A_1057 = vector.shape_cast %parallel_loop3A_1056 : vector<16xf32> to vector<16xf32>
        %parallel_loop3A_1058 = vector.shape_cast %parallel_loop3A_1047 : vector<16xf32> to vector<16xf32>
        tpu.vector_store %parallel_loop3A_1054[%parallel_loop3A_1055], %parallel_loop3A_1058 {strides = array<i32>} : memref<1024xf32, #tpu.memory_space<vmem>>, vector<16xf32>,
      } {sc.loop_unroll_factor = 8 : i64, sc.parallel_access}
      %slice3A_888 = vector.extract_strided_slice %get3A_582 {offsets = [11], sizes = [1], strides = [1]} : vector<16xf32> to vector<1xf32>
      %squeeze3A_889 = vector.extract %slice3A_888[0] : f32 from vector<1xf32>
      %broadcast_in_dim3A_890 = vector.broadcast %squeeze3A_889 : f32 to vector<16xf32>
      %ge3A_891 = arith.cmpf oge, %broadcast_in_dim3A_890, %get3A_4 : vector<16xf32>
      %slice3A_892 = vector.extract_strided_slice %get3A_587 {offsets = [11], sizes = [1], strides = [1]} : vector<16xf32> to vector<1xf32>
      %squeeze3A_893 = vector.extract %slice3A_892[0] : f32 from vector<1xf32>
      %broadcast_in_dim3A_894 = vector.broadcast %squeeze3A_893 : f32 to vector<16xf32>
      %ge3A_895 = arith.cmpf oge, %broadcast_in_dim3A_894, %get3A_4 : vector<16xf32>
      %parallel_loop3A_896 = arith.constant 0 : i32
      %parallel_loop3A_897 = arith.constant 1024 : i32
      %parallel_loop3A_898 = arith.constant 16 : i32
      %parallel_loop3A_899 = arith.constant 1 : i32
      %parallel_loop3A_900 = arith.constant 11 : i32
      %parallel_loop3A_901 = arith.constant 1 : i32
      %parallel_loop3A_902 = arith.constant 11 : i32
      %parallel_loop3A_903 = arith.constant 1 : i32
      %parallel_loop3A_904 = arith.constant 3 : i32
      %parallel_loop3A_905 = arith.constant 1 : i32
      %parallel_loop3A_906 = arith.constant 3 : i32
      scf.for %parallel_loop3A_1014 = %parallel_loop3A_896 to %parallel_loop3A_897 step %parallel_loop3A_898  : i32 {
        %parallel_loop3A_1015 = arith.constant 0 : i32
        %parallel_loop3A_1016 = arith.constant 0 : i32
        %parallel_loop3A_1017 = tpu.memref_slice %arg9[%parallel_loop3A_899, %parallel_loop3A_1015, %parallel_loop3A_1016] : memref<2x16x1024xf32, #tpu.memory_space<vmem>> -> memref<1x16x1024xf32, #tpu.memory_space<vmem>>
        %parallel_loop3A_1018 = tpu.memref_squeeze %parallel_loop3A_1017 : memref<1x16x1024xf32, #tpu.memory_space<vmem>> -> memref<16x1024xf32, #tpu.memory_space<vmem>>
        %parallel_loop3A_1019 = arith.constant 0 : i32
        %parallel_loop3A_1020 = tpu.memref_slice %parallel_loop3A_1018[%parallel_loop3A_900, %parallel_loop3A_1019] : memref<16x1024xf32, #tpu.memory_space<vmem>> -> memref<1x1024xf32, #tpu.memory_space<vmem>>
        %parallel_loop3A_1021 = tpu.memref_squeeze %parallel_loop3A_1020 : memref<1x1024xf32, #tpu.memory_space<vmem>> -> memref<1024xf32, #tpu.memory_space<vmem>>
        %parallel_loop3A_1022 = arith.index_cast %parallel_loop3A_1014 : i32 to index
        %parallel_loop3A_1023 = tpu.vector_load %parallel_loop3A_1021[%parallel_loop3A_1022] {strides = array<i32>} : memref<1024xf32, #tpu.memory_space<vmem>>, vector<16xf32>,
        %parallel_loop3A_1024 = vector.shape_cast %parallel_loop3A_1023 : vector<16xf32> to vector<16xf32>
        %parallel_loop3A_1025 = arith.constant 0 : i32
        %parallel_loop3A_1026 = arith.constant 0 : i32
        %parallel_loop3A_1027 = tpu.memref_slice %arg10[%parallel_loop3A_901, %parallel_loop3A_1025, %parallel_loop3A_1026] : memref<2x16x1024xf32, #tpu.memory_space<vmem>> -> memref<1x16x1024xf32, #tpu.memory_space<vmem>>
        %parallel_loop3A_1028 = tpu.memref_squeeze %parallel_loop3A_1027 : memref<1x16x1024xf32, #tpu.memory_space<vmem>> -> memref<16x1024xf32, #tpu.memory_space<vmem>>
        %parallel_loop3A_1029 = arith.constant 0 : i32
        %parallel_loop3A_1030 = tpu.memref_slice %parallel_loop3A_1028[%parallel_loop3A_902, %parallel_loop3A_1029] : memref<16x1024xf32, #tpu.memory_space<vmem>> -> memref<1x1024xf32, #tpu.memory_space<vmem>>
        %parallel_loop3A_1031 = tpu.memref_squeeze %parallel_loop3A_1030 : memref<1x1024xf32, #tpu.memory_space<vmem>> -> memref<1024xf32, #tpu.memory_space<vmem>>
        %parallel_loop3A_1032 = arith.index_cast %parallel_loop3A_1014 : i32 to index
        %parallel_loop3A_1033 = tpu.vector_load %parallel_loop3A_1031[%parallel_loop3A_1032] {strides = array<i32>} : memref<1024xf32, #tpu.memory_space<vmem>>, vector<16xf32>,
        %parallel_loop3A_1034 = vector.shape_cast %parallel_loop3A_1033 : vector<16xf32> to vector<16xf32>
        %parallel_loop3A_1035 = arith.select %ge3A_891, %parallel_loop3A_1024, %parallel_loop3A_1034 : vector<16xi1>, vector<16xf32>
        %parallel_loop3A_1036 = arith.constant 0 : i32
        %parallel_loop3A_1037 = arith.constant 0 : i32
        %parallel_loop3A_1038 = tpu.memref_slice %arg11[%parallel_loop3A_903, %parallel_loop3A_1036, %parallel_loop3A_1037] : memref<2x8x1024xf32, #tpu.memory_space<vmem>> -> memref<1x8x1024xf32, #tpu.memory_space<vmem>>
        %parallel_loop3A_1039 = tpu.memref_squeeze %parallel_loop3A_1038 : memref<1x8x1024xf32, #tpu.memory_space<vmem>> -> memref<8x1024xf32, #tpu.memory_space<vmem>>
        %parallel_loop3A_1040 = arith.constant 0 : i32
        %parallel_loop3A_1041 = tpu.memref_slice %parallel_loop3A_1039[%parallel_loop3A_904, %parallel_loop3A_1040] : memref<8x1024xf32, #tpu.memory_space<vmem>> -> memref<1x1024xf32, #tpu.memory_space<vmem>>
        %parallel_loop3A_1042 = tpu.memref_squeeze %parallel_loop3A_1041 : memref<1x1024xf32, #tpu.memory_space<vmem>> -> memref<1024xf32, #tpu.memory_space<vmem>>
        %parallel_loop3A_1043 = arith.index_cast %parallel_loop3A_1014 : i32 to index
        %parallel_loop3A_1044 = tpu.vector_load %parallel_loop3A_1042[%parallel_loop3A_1043] {strides = array<i32>} : memref<1024xf32, #tpu.memory_space<vmem>>, vector<16xf32>,
        %parallel_loop3A_1045 = vector.shape_cast %parallel_loop3A_1044 : vector<16xf32> to vector<16xf32>
        %parallel_loop3A_1046 = vector.shape_cast %parallel_loop3A_1035 : vector<16xf32> to vector<16xf32>
        tpu.vector_store %parallel_loop3A_1042[%parallel_loop3A_1043], %parallel_loop3A_1046 {strides = array<i32>} : memref<1024xf32, #tpu.memory_space<vmem>>, vector<16xf32>,
        %parallel_loop3A_1047 = arith.select %ge3A_895, %parallel_loop3A_1034, %parallel_loop3A_1024 : vector<16xi1>, vector<16xf32>
        %parallel_loop3A_1048 = arith.constant 0 : i32
        %parallel_loop3A_1049 = arith.constant 0 : i32
        %parallel_loop3A_1050 = tpu.memref_slice %arg12[%parallel_loop3A_905, %parallel_loop3A_1048, %parallel_loop3A_1049] : memref<2x8x1024xf32, #tpu.memory_space<vmem>> -> memref<1x8x1024xf32, #tpu.memory_space<vmem>>
        %parallel_loop3A_1051 = tpu.memref_squeeze %parallel_loop3A_1050 : memref<1x8x1024xf32, #tpu.memory_space<vmem>> -> memref<8x1024xf32, #tpu.memory_space<vmem>>
        %parallel_loop3A_1052 = arith.constant 0 : i32
        %parallel_loop3A_1053 = tpu.memref_slice %parallel_loop3A_1051[%parallel_loop3A_906, %parallel_loop3A_1052] : memref<8x1024xf32, #tpu.memory_space<vmem>> -> memref<1x1024xf32, #tpu.memory_space<vmem>>
        %parallel_loop3A_1054 = tpu.memref_squeeze %parallel_loop3A_1053 : memref<1x1024xf32, #tpu.memory_space<vmem>> -> memref<1024xf32, #tpu.memory_space<vmem>>
        %parallel_loop3A_1055 = arith.index_cast %parallel_loop3A_1014 : i32 to index
        %parallel_loop3A_1056 = tpu.vector_load %parallel_loop3A_1054[%parallel_loop3A_1055] {strides = array<i32>} : memref<1024xf32, #tpu.memory_space<vmem>>, vector<16xf32>,
        %parallel_loop3A_1057 = vector.shape_cast %parallel_loop3A_1056 : vector<16xf32> to vector<16xf32>
        %parallel_loop3A_1058 = vector.shape_cast %parallel_loop3A_1047 : vector<16xf32> to vector<16xf32>
        tpu.vector_store %parallel_loop3A_1054[%parallel_loop3A_1055], %parallel_loop3A_1058 {strides = array<i32>} : memref<1024xf32, #tpu.memory_space<vmem>>, vector<16xf32>,
      } {sc.loop_unroll_factor = 8 : i64, sc.parallel_access}
      %slice3A_907 = vector.extract_strided_slice %get3A_582 {offsets = [12], sizes = [1], strides = [1]} : vector<16xf32> to vector<1xf32>
      %squeeze3A_908 = vector.extract %slice3A_907[0] : f32 from vector<1xf32>
      %broadcast_in_dim3A_909 = vector.broadcast %squeeze3A_908 : f32 to vector<16xf32>
      %ge3A_910 = arith.cmpf oge, %broadcast_in_dim3A_909, %get3A_4 : vector<16xf32>
      %slice3A_911 = vector.extract_strided_slice %get3A_587 {offsets = [12], sizes = [1], strides = [1]} : vector<16xf32> to vector<1xf32>
      %squeeze3A_912 = vector.extract %slice3A_911[0] : f32 from vector<1xf32>
      %broadcast_in_dim3A_913 = vector.broadcast %squeeze3A_912 : f32 to vector<16xf32>
      %ge3A_914 = arith.cmpf oge, %broadcast_in_dim3A_913, %get3A_4 : vector<16xf32>
      %parallel_loop3A_915 = arith.constant 0 : i32
      %parallel_loop3A_916 = arith.constant 1024 : i32
      %parallel_loop3A_917 = arith.constant 16 : i32
      %parallel_loop3A_918 = arith.constant 1 : i32
      %parallel_loop3A_919 = arith.constant 12 : i32
      %parallel_loop3A_920 = arith.constant 1 : i32
      %parallel_loop3A_921 = arith.constant 12 : i32
      %parallel_loop3A_922 = arith.constant 1 : i32
      %parallel_loop3A_923 = arith.constant 4 : i32
      %parallel_loop3A_924 = arith.constant 1 : i32
      %parallel_loop3A_925 = arith.constant 4 : i32
      scf.for %parallel_loop3A_1014 = %parallel_loop3A_915 to %parallel_loop3A_916 step %parallel_loop3A_917  : i32 {
        %parallel_loop3A_1015 = arith.constant 0 : i32
        %parallel_loop3A_1016 = arith.constant 0 : i32
        %parallel_loop3A_1017 = tpu.memref_slice %arg9[%parallel_loop3A_918, %parallel_loop3A_1015, %parallel_loop3A_1016] : memref<2x16x1024xf32, #tpu.memory_space<vmem>> -> memref<1x16x1024xf32, #tpu.memory_space<vmem>>
        %parallel_loop3A_1018 = tpu.memref_squeeze %parallel_loop3A_1017 : memref<1x16x1024xf32, #tpu.memory_space<vmem>> -> memref<16x1024xf32, #tpu.memory_space<vmem>>
        %parallel_loop3A_1019 = arith.constant 0 : i32
        %parallel_loop3A_1020 = tpu.memref_slice %parallel_loop3A_1018[%parallel_loop3A_919, %parallel_loop3A_1019] : memref<16x1024xf32, #tpu.memory_space<vmem>> -> memref<1x1024xf32, #tpu.memory_space<vmem>>
        %parallel_loop3A_1021 = tpu.memref_squeeze %parallel_loop3A_1020 : memref<1x1024xf32, #tpu.memory_space<vmem>> -> memref<1024xf32, #tpu.memory_space<vmem>>
        %parallel_loop3A_1022 = arith.index_cast %parallel_loop3A_1014 : i32 to index
        %parallel_loop3A_1023 = tpu.vector_load %parallel_loop3A_1021[%parallel_loop3A_1022] {strides = array<i32>} : memref<1024xf32, #tpu.memory_space<vmem>>, vector<16xf32>,
        %parallel_loop3A_1024 = vector.shape_cast %parallel_loop3A_1023 : vector<16xf32> to vector<16xf32>
        %parallel_loop3A_1025 = arith.constant 0 : i32
        %parallel_loop3A_1026 = arith.constant 0 : i32
        %parallel_loop3A_1027 = tpu.memref_slice %arg10[%parallel_loop3A_920, %parallel_loop3A_1025, %parallel_loop3A_1026] : memref<2x16x1024xf32, #tpu.memory_space<vmem>> -> memref<1x16x1024xf32, #tpu.memory_space<vmem>>
        %parallel_loop3A_1028 = tpu.memref_squeeze %parallel_loop3A_1027 : memref<1x16x1024xf32, #tpu.memory_space<vmem>> -> memref<16x1024xf32, #tpu.memory_space<vmem>>
        %parallel_loop3A_1029 = arith.constant 0 : i32
        %parallel_loop3A_1030 = tpu.memref_slice %parallel_loop3A_1028[%parallel_loop3A_921, %parallel_loop3A_1029] : memref<16x1024xf32, #tpu.memory_space<vmem>> -> memref<1x1024xf32, #tpu.memory_space<vmem>>
        %parallel_loop3A_1031 = tpu.memref_squeeze %parallel_loop3A_1030 : memref<1x1024xf32, #tpu.memory_space<vmem>> -> memref<1024xf32, #tpu.memory_space<vmem>>
        %parallel_loop3A_1032 = arith.index_cast %parallel_loop3A_1014 : i32 to index
        %parallel_loop3A_1033 = tpu.vector_load %parallel_loop3A_1031[%parallel_loop3A_1032] {strides = array<i32>} : memref<1024xf32, #tpu.memory_space<vmem>>, vector<16xf32>,
        %parallel_loop3A_1034 = vector.shape_cast %parallel_loop3A_1033 : vector<16xf32> to vector<16xf32>
        %parallel_loop3A_1035 = arith.select %ge3A_910, %parallel_loop3A_1024, %parallel_loop3A_1034 : vector<16xi1>, vector<16xf32>
        %parallel_loop3A_1036 = arith.constant 0 : i32
        %parallel_loop3A_1037 = arith.constant 0 : i32
        %parallel_loop3A_1038 = tpu.memref_slice %arg11[%parallel_loop3A_922, %parallel_loop3A_1036, %parallel_loop3A_1037] : memref<2x8x1024xf32, #tpu.memory_space<vmem>> -> memref<1x8x1024xf32, #tpu.memory_space<vmem>>
        %parallel_loop3A_1039 = tpu.memref_squeeze %parallel_loop3A_1038 : memref<1x8x1024xf32, #tpu.memory_space<vmem>> -> memref<8x1024xf32, #tpu.memory_space<vmem>>
        %parallel_loop3A_1040 = arith.constant 0 : i32
        %parallel_loop3A_1041 = tpu.memref_slice %parallel_loop3A_1039[%parallel_loop3A_923, %parallel_loop3A_1040] : memref<8x1024xf32, #tpu.memory_space<vmem>> -> memref<1x1024xf32, #tpu.memory_space<vmem>>
        %parallel_loop3A_1042 = tpu.memref_squeeze %parallel_loop3A_1041 : memref<1x1024xf32, #tpu.memory_space<vmem>> -> memref<1024xf32, #tpu.memory_space<vmem>>
        %parallel_loop3A_1043 = arith.index_cast %parallel_loop3A_1014 : i32 to index
        %parallel_loop3A_1044 = tpu.vector_load %parallel_loop3A_1042[%parallel_loop3A_1043] {strides = array<i32>} : memref<1024xf32, #tpu.memory_space<vmem>>, vector<16xf32>,
        %parallel_loop3A_1045 = vector.shape_cast %parallel_loop3A_1044 : vector<16xf32> to vector<16xf32>
        %parallel_loop3A_1046 = vector.shape_cast %parallel_loop3A_1035 : vector<16xf32> to vector<16xf32>
        tpu.vector_store %parallel_loop3A_1042[%parallel_loop3A_1043], %parallel_loop3A_1046 {strides = array<i32>} : memref<1024xf32, #tpu.memory_space<vmem>>, vector<16xf32>,
        %parallel_loop3A_1047 = arith.select %ge3A_914, %parallel_loop3A_1034, %parallel_loop3A_1024 : vector<16xi1>, vector<16xf32>
        %parallel_loop3A_1048 = arith.constant 0 : i32
        %parallel_loop3A_1049 = arith.constant 0 : i32
        %parallel_loop3A_1050 = tpu.memref_slice %arg12[%parallel_loop3A_924, %parallel_loop3A_1048, %parallel_loop3A_1049] : memref<2x8x1024xf32, #tpu.memory_space<vmem>> -> memref<1x8x1024xf32, #tpu.memory_space<vmem>>
        %parallel_loop3A_1051 = tpu.memref_squeeze %parallel_loop3A_1050 : memref<1x8x1024xf32, #tpu.memory_space<vmem>> -> memref<8x1024xf32, #tpu.memory_space<vmem>>
        %parallel_loop3A_1052 = arith.constant 0 : i32
        %parallel_loop3A_1053 = tpu.memref_slice %parallel_loop3A_1051[%parallel_loop3A_925, %parallel_loop3A_1052] : memref<8x1024xf32, #tpu.memory_space<vmem>> -> memref<1x1024xf32, #tpu.memory_space<vmem>>
        %parallel_loop3A_1054 = tpu.memref_squeeze %parallel_loop3A_1053 : memref<1x1024xf32, #tpu.memory_space<vmem>> -> memref<1024xf32, #tpu.memory_space<vmem>>
        %parallel_loop3A_1055 = arith.index_cast %parallel_loop3A_1014 : i32 to index
        %parallel_loop3A_1056 = tpu.vector_load %parallel_loop3A_1054[%parallel_loop3A_1055] {strides = array<i32>} : memref<1024xf32, #tpu.memory_space<vmem>>, vector<16xf32>,
        %parallel_loop3A_1057 = vector.shape_cast %parallel_loop3A_1056 : vector<16xf32> to vector<16xf32>
        %parallel_loop3A_1058 = vector.shape_cast %parallel_loop3A_1047 : vector<16xf32> to vector<16xf32>
        tpu.vector_store %parallel_loop3A_1054[%parallel_loop3A_1055], %parallel_loop3A_1058 {strides = array<i32>} : memref<1024xf32, #tpu.memory_space<vmem>>, vector<16xf32>,
      } {sc.loop_unroll_factor = 8 : i64, sc.parallel_access}
      %slice3A_926 = vector.extract_strided_slice %get3A_582 {offsets = [13], sizes = [1], strides = [1]} : vector<16xf32> to vector<1xf32>
      %squeeze3A_927 = vector.extract %slice3A_926[0] : f32 from vector<1xf32>
      %broadcast_in_dim3A_928 = vector.broadcast %squeeze3A_927 : f32 to vector<16xf32>
      %ge3A_929 = arith.cmpf oge, %broadcast_in_dim3A_928, %get3A_4 : vector<16xf32>
      %slice3A_930 = vector.extract_strided_slice %get3A_587 {offsets = [13], sizes = [1], strides = [1]} : vector<16xf32> to vector<1xf32>
      %squeeze3A_931 = vector.extract %slice3A_930[0] : f32 from vector<1xf32>
      %broadcast_in_dim3A_932 = vector.broadcast %squeeze3A_931 : f32 to vector<16xf32>
      %ge3A_933 = arith.cmpf oge, %broadcast_in_dim3A_932, %get3A_4 : vector<16xf32>
      %parallel_loop3A_934 = arith.constant 0 : i32
      %parallel_loop3A_935 = arith.constant 1024 : i32
      %parallel_loop3A_936 = arith.constant 16 : i32
      %parallel_loop3A_937 = arith.constant 1 : i32
      %parallel_loop3A_938 = arith.constant 13 : i32
      %parallel_loop3A_939 = arith.constant 1 : i32
      %parallel_loop3A_940 = arith.constant 13 : i32
      %parallel_loop3A_941 = arith.constant 1 : i32
      %parallel_loop3A_942 = arith.constant 5 : i32
      %parallel_loop3A_943 = arith.constant 1 : i32
      %parallel_loop3A_944 = arith.constant 5 : i32
      scf.for %parallel_loop3A_1014 = %parallel_loop3A_934 to %parallel_loop3A_935 step %parallel_loop3A_936  : i32 {
        %parallel_loop3A_1015 = arith.constant 0 : i32
        %parallel_loop3A_1016 = arith.constant 0 : i32
        %parallel_loop3A_1017 = tpu.memref_slice %arg9[%parallel_loop3A_937, %parallel_loop3A_1015, %parallel_loop3A_1016] : memref<2x16x1024xf32, #tpu.memory_space<vmem>> -> memref<1x16x1024xf32, #tpu.memory_space<vmem>>
        %parallel_loop3A_1018 = tpu.memref_squeeze %parallel_loop3A_1017 : memref<1x16x1024xf32, #tpu.memory_space<vmem>> -> memref<16x1024xf32, #tpu.memory_space<vmem>>
        %parallel_loop3A_1019 = arith.constant 0 : i32
        %parallel_loop3A_1020 = tpu.memref_slice %parallel_loop3A_1018[%parallel_loop3A_938, %parallel_loop3A_1019] : memref<16x1024xf32, #tpu.memory_space<vmem>> -> memref<1x1024xf32, #tpu.memory_space<vmem>>
        %parallel_loop3A_1021 = tpu.memref_squeeze %parallel_loop3A_1020 : memref<1x1024xf32, #tpu.memory_space<vmem>> -> memref<1024xf32, #tpu.memory_space<vmem>>
        %parallel_loop3A_1022 = arith.index_cast %parallel_loop3A_1014 : i32 to index
        %parallel_loop3A_1023 = tpu.vector_load %parallel_loop3A_1021[%parallel_loop3A_1022] {strides = array<i32>} : memref<1024xf32, #tpu.memory_space<vmem>>, vector<16xf32>,
        %parallel_loop3A_1024 = vector.shape_cast %parallel_loop3A_1023 : vector<16xf32> to vector<16xf32>
        %parallel_loop3A_1025 = arith.constant 0 : i32
        %parallel_loop3A_1026 = arith.constant 0 : i32
        %parallel_loop3A_1027 = tpu.memref_slice %arg10[%parallel_loop3A_939, %parallel_loop3A_1025, %parallel_loop3A_1026] : memref<2x16x1024xf32, #tpu.memory_space<vmem>> -> memref<1x16x1024xf32, #tpu.memory_space<vmem>>
        %parallel_loop3A_1028 = tpu.memref_squeeze %parallel_loop3A_1027 : memref<1x16x1024xf32, #tpu.memory_space<vmem>> -> memref<16x1024xf32, #tpu.memory_space<vmem>>
        %parallel_loop3A_1029 = arith.constant 0 : i32
        %parallel_loop3A_1030 = tpu.memref_slice %parallel_loop3A_1028[%parallel_loop3A_940, %parallel_loop3A_1029] : memref<16x1024xf32, #tpu.memory_space<vmem>> -> memref<1x1024xf32, #tpu.memory_space<vmem>>
        %parallel_loop3A_1031 = tpu.memref_squeeze %parallel_loop3A_1030 : memref<1x1024xf32, #tpu.memory_space<vmem>> -> memref<1024xf32, #tpu.memory_space<vmem>>
        %parallel_loop3A_1032 = arith.index_cast %parallel_loop3A_1014 : i32 to index
        %parallel_loop3A_1033 = tpu.vector_load %parallel_loop3A_1031[%parallel_loop3A_1032] {strides = array<i32>} : memref<1024xf32, #tpu.memory_space<vmem>>, vector<16xf32>,
        %parallel_loop3A_1034 = vector.shape_cast %parallel_loop3A_1033 : vector<16xf32> to vector<16xf32>
        %parallel_loop3A_1035 = arith.select %ge3A_929, %parallel_loop3A_1024, %parallel_loop3A_1034 : vector<16xi1>, vector<16xf32>
        %parallel_loop3A_1036 = arith.constant 0 : i32
        %parallel_loop3A_1037 = arith.constant 0 : i32
        %parallel_loop3A_1038 = tpu.memref_slice %arg11[%parallel_loop3A_941, %parallel_loop3A_1036, %parallel_loop3A_1037] : memref<2x8x1024xf32, #tpu.memory_space<vmem>> -> memref<1x8x1024xf32, #tpu.memory_space<vmem>>
        %parallel_loop3A_1039 = tpu.memref_squeeze %parallel_loop3A_1038 : memref<1x8x1024xf32, #tpu.memory_space<vmem>> -> memref<8x1024xf32, #tpu.memory_space<vmem>>
        %parallel_loop3A_1040 = arith.constant 0 : i32
        %parallel_loop3A_1041 = tpu.memref_slice %parallel_loop3A_1039[%parallel_loop3A_942, %parallel_loop3A_1040] : memref<8x1024xf32, #tpu.memory_space<vmem>> -> memref<1x1024xf32, #tpu.memory_space<vmem>>
        %parallel_loop3A_1042 = tpu.memref_squeeze %parallel_loop3A_1041 : memref<1x1024xf32, #tpu.memory_space<vmem>> -> memref<1024xf32, #tpu.memory_space<vmem>>
        %parallel_loop3A_1043 = arith.index_cast %parallel_loop3A_1014 : i32 to index
        %parallel_loop3A_1044 = tpu.vector_load %parallel_loop3A_1042[%parallel_loop3A_1043] {strides = array<i32>} : memref<1024xf32, #tpu.memory_space<vmem>>, vector<16xf32>,
        %parallel_loop3A_1045 = vector.shape_cast %parallel_loop3A_1044 : vector<16xf32> to vector<16xf32>
        %parallel_loop3A_1046 = vector.shape_cast %parallel_loop3A_1035 : vector<16xf32> to vector<16xf32>
        tpu.vector_store %parallel_loop3A_1042[%parallel_loop3A_1043], %parallel_loop3A_1046 {strides = array<i32>} : memref<1024xf32, #tpu.memory_space<vmem>>, vector<16xf32>,
        %parallel_loop3A_1047 = arith.select %ge3A_933, %parallel_loop3A_1034, %parallel_loop3A_1024 : vector<16xi1>, vector<16xf32>
        %parallel_loop3A_1048 = arith.constant 0 : i32
        %parallel_loop3A_1049 = arith.constant 0 : i32
        %parallel_loop3A_1050 = tpu.memref_slice %arg12[%parallel_loop3A_943, %parallel_loop3A_1048, %parallel_loop3A_1049] : memref<2x8x1024xf32, #tpu.memory_space<vmem>> -> memref<1x8x1024xf32, #tpu.memory_space<vmem>>
        %parallel_loop3A_1051 = tpu.memref_squeeze %parallel_loop3A_1050 : memref<1x8x1024xf32, #tpu.memory_space<vmem>> -> memref<8x1024xf32, #tpu.memory_space<vmem>>
        %parallel_loop3A_1052 = arith.constant 0 : i32
        %parallel_loop3A_1053 = tpu.memref_slice %parallel_loop3A_1051[%parallel_loop3A_944, %parallel_loop3A_1052] : memref<8x1024xf32, #tpu.memory_space<vmem>> -> memref<1x1024xf32, #tpu.memory_space<vmem>>
        %parallel_loop3A_1054 = tpu.memref_squeeze %parallel_loop3A_1053 : memref<1x1024xf32, #tpu.memory_space<vmem>> -> memref<1024xf32, #tpu.memory_space<vmem>>
        %parallel_loop3A_1055 = arith.index_cast %parallel_loop3A_1014 : i32 to index
        %parallel_loop3A_1056 = tpu.vector_load %parallel_loop3A_1054[%parallel_loop3A_1055] {strides = array<i32>} : memref<1024xf32, #tpu.memory_space<vmem>>, vector<16xf32>,
        %parallel_loop3A_1057 = vector.shape_cast %parallel_loop3A_1056 : vector<16xf32> to vector<16xf32>
        %parallel_loop3A_1058 = vector.shape_cast %parallel_loop3A_1047 : vector<16xf32> to vector<16xf32>
        tpu.vector_store %parallel_loop3A_1054[%parallel_loop3A_1055], %parallel_loop3A_1058 {strides = array<i32>} : memref<1024xf32, #tpu.memory_space<vmem>>, vector<16xf32>,
      } {sc.loop_unroll_factor = 8 : i64, sc.parallel_access}
      %slice3A_945 = vector.extract_strided_slice %get3A_582 {offsets = [14], sizes = [1], strides = [1]} : vector<16xf32> to vector<1xf32>
      %squeeze3A_946 = vector.extract %slice3A_945[0] : f32 from vector<1xf32>
      %broadcast_in_dim3A_947 = vector.broadcast %squeeze3A_946 : f32 to vector<16xf32>
      %ge3A_948 = arith.cmpf oge, %broadcast_in_dim3A_947, %get3A_4 : vector<16xf32>
      %slice3A_949 = vector.extract_strided_slice %get3A_587 {offsets = [14], sizes = [1], strides = [1]} : vector<16xf32> to vector<1xf32>
      %squeeze3A_950 = vector.extract %slice3A_949[0] : f32 from vector<1xf32>
      %broadcast_in_dim3A_951 = vector.broadcast %squeeze3A_950 : f32 to vector<16xf32>
      %ge3A_952 = arith.cmpf oge, %broadcast_in_dim3A_951, %get3A_4 : vector<16xf32>
      %parallel_loop3A_953 = arith.constant 0 : i32
      %parallel_loop3A_954 = arith.constant 1024 : i32
      %parallel_loop3A_955 = arith.constant 16 : i32
      %parallel_loop3A_956 = arith.constant 1 : i32
      %parallel_loop3A_957 = arith.constant 14 : i32
      %parallel_loop3A_958 = arith.constant 1 : i32
      %parallel_loop3A_959 = arith.constant 14 : i32
      %parallel_loop3A_960 = arith.constant 1 : i32
      %parallel_loop3A_961 = arith.constant 6 : i32
      %parallel_loop3A_962 = arith.constant 1 : i32
      %parallel_loop3A_963 = arith.constant 6 : i32
      scf.for %parallel_loop3A_1014 = %parallel_loop3A_953 to %parallel_loop3A_954 step %parallel_loop3A_955  : i32 {
        %parallel_loop3A_1015 = arith.constant 0 : i32
        %parallel_loop3A_1016 = arith.constant 0 : i32
        %parallel_loop3A_1017 = tpu.memref_slice %arg9[%parallel_loop3A_956, %parallel_loop3A_1015, %parallel_loop3A_1016] : memref<2x16x1024xf32, #tpu.memory_space<vmem>> -> memref<1x16x1024xf32, #tpu.memory_space<vmem>>
        %parallel_loop3A_1018 = tpu.memref_squeeze %parallel_loop3A_1017 : memref<1x16x1024xf32, #tpu.memory_space<vmem>> -> memref<16x1024xf32, #tpu.memory_space<vmem>>
        %parallel_loop3A_1019 = arith.constant 0 : i32
        %parallel_loop3A_1020 = tpu.memref_slice %parallel_loop3A_1018[%parallel_loop3A_957, %parallel_loop3A_1019] : memref<16x1024xf32, #tpu.memory_space<vmem>> -> memref<1x1024xf32, #tpu.memory_space<vmem>>
        %parallel_loop3A_1021 = tpu.memref_squeeze %parallel_loop3A_1020 : memref<1x1024xf32, #tpu.memory_space<vmem>> -> memref<1024xf32, #tpu.memory_space<vmem>>
        %parallel_loop3A_1022 = arith.index_cast %parallel_loop3A_1014 : i32 to index
        %parallel_loop3A_1023 = tpu.vector_load %parallel_loop3A_1021[%parallel_loop3A_1022] {strides = array<i32>} : memref<1024xf32, #tpu.memory_space<vmem>>, vector<16xf32>,
        %parallel_loop3A_1024 = vector.shape_cast %parallel_loop3A_1023 : vector<16xf32> to vector<16xf32>
        %parallel_loop3A_1025 = arith.constant 0 : i32
        %parallel_loop3A_1026 = arith.constant 0 : i32
        %parallel_loop3A_1027 = tpu.memref_slice %arg10[%parallel_loop3A_958, %parallel_loop3A_1025, %parallel_loop3A_1026] : memref<2x16x1024xf32, #tpu.memory_space<vmem>> -> memref<1x16x1024xf32, #tpu.memory_space<vmem>>
        %parallel_loop3A_1028 = tpu.memref_squeeze %parallel_loop3A_1027 : memref<1x16x1024xf32, #tpu.memory_space<vmem>> -> memref<16x1024xf32, #tpu.memory_space<vmem>>
        %parallel_loop3A_1029 = arith.constant 0 : i32
        %parallel_loop3A_1030 = tpu.memref_slice %parallel_loop3A_1028[%parallel_loop3A_959, %parallel_loop3A_1029] : memref<16x1024xf32, #tpu.memory_space<vmem>> -> memref<1x1024xf32, #tpu.memory_space<vmem>>
        %parallel_loop3A_1031 = tpu.memref_squeeze %parallel_loop3A_1030 : memref<1x1024xf32, #tpu.memory_space<vmem>> -> memref<1024xf32, #tpu.memory_space<vmem>>
        %parallel_loop3A_1032 = arith.index_cast %parallel_loop3A_1014 : i32 to index
        %parallel_loop3A_1033 = tpu.vector_load %parallel_loop3A_1031[%parallel_loop3A_1032] {strides = array<i32>} : memref<1024xf32, #tpu.memory_space<vmem>>, vector<16xf32>,
        %parallel_loop3A_1034 = vector.shape_cast %parallel_loop3A_1033 : vector<16xf32> to vector<16xf32>
        %parallel_loop3A_1035 = arith.select %ge3A_948, %parallel_loop3A_1024, %parallel_loop3A_1034 : vector<16xi1>, vector<16xf32>
        %parallel_loop3A_1036 = arith.constant 0 : i32
        %parallel_loop3A_1037 = arith.constant 0 : i32
        %parallel_loop3A_1038 = tpu.memref_slice %arg11[%parallel_loop3A_960, %parallel_loop3A_1036, %parallel_loop3A_1037] : memref<2x8x1024xf32, #tpu.memory_space<vmem>> -> memref<1x8x1024xf32, #tpu.memory_space<vmem>>
        %parallel_loop3A_1039 = tpu.memref_squeeze %parallel_loop3A_1038 : memref<1x8x1024xf32, #tpu.memory_space<vmem>> -> memref<8x1024xf32, #tpu.memory_space<vmem>>
        %parallel_loop3A_1040 = arith.constant 0 : i32
        %parallel_loop3A_1041 = tpu.memref_slice %parallel_loop3A_1039[%parallel_loop3A_961, %parallel_loop3A_1040] : memref<8x1024xf32, #tpu.memory_space<vmem>> -> memref<1x1024xf32, #tpu.memory_space<vmem>>
        %parallel_loop3A_1042 = tpu.memref_squeeze %parallel_loop3A_1041 : memref<1x1024xf32, #tpu.memory_space<vmem>> -> memref<1024xf32, #tpu.memory_space<vmem>>
        %parallel_loop3A_1043 = arith.index_cast %parallel_loop3A_1014 : i32 to index
        %parallel_loop3A_1044 = tpu.vector_load %parallel_loop3A_1042[%parallel_loop3A_1043] {strides = array<i32>} : memref<1024xf32, #tpu.memory_space<vmem>>, vector<16xf32>,
        %parallel_loop3A_1045 = vector.shape_cast %parallel_loop3A_1044 : vector<16xf32> to vector<16xf32>
        %parallel_loop3A_1046 = vector.shape_cast %parallel_loop3A_1035 : vector<16xf32> to vector<16xf32>
        tpu.vector_store %parallel_loop3A_1042[%parallel_loop3A_1043], %parallel_loop3A_1046 {strides = array<i32>} : memref<1024xf32, #tpu.memory_space<vmem>>, vector<16xf32>,
        %parallel_loop3A_1047 = arith.select %ge3A_952, %parallel_loop3A_1034, %parallel_loop3A_1024 : vector<16xi1>, vector<16xf32>
        %parallel_loop3A_1048 = arith.constant 0 : i32
        %parallel_loop3A_1049 = arith.constant 0 : i32
        %parallel_loop3A_1050 = tpu.memref_slice %arg12[%parallel_loop3A_962, %parallel_loop3A_1048, %parallel_loop3A_1049] : memref<2x8x1024xf32, #tpu.memory_space<vmem>> -> memref<1x8x1024xf32, #tpu.memory_space<vmem>>
        %parallel_loop3A_1051 = tpu.memref_squeeze %parallel_loop3A_1050 : memref<1x8x1024xf32, #tpu.memory_space<vmem>> -> memref<8x1024xf32, #tpu.memory_space<vmem>>
        %parallel_loop3A_1052 = arith.constant 0 : i32
        %parallel_loop3A_1053 = tpu.memref_slice %parallel_loop3A_1051[%parallel_loop3A_963, %parallel_loop3A_1052] : memref<8x1024xf32, #tpu.memory_space<vmem>> -> memref<1x1024xf32, #tpu.memory_space<vmem>>
        %parallel_loop3A_1054 = tpu.memref_squeeze %parallel_loop3A_1053 : memref<1x1024xf32, #tpu.memory_space<vmem>> -> memref<1024xf32, #tpu.memory_space<vmem>>
        %parallel_loop3A_1055 = arith.index_cast %parallel_loop3A_1014 : i32 to index
        %parallel_loop3A_1056 = tpu.vector_load %parallel_loop3A_1054[%parallel_loop3A_1055] {strides = array<i32>} : memref<1024xf32, #tpu.memory_space<vmem>>, vector<16xf32>,
        %parallel_loop3A_1057 = vector.shape_cast %parallel_loop3A_1056 : vector<16xf32> to vector<16xf32>
        %parallel_loop3A_1058 = vector.shape_cast %parallel_loop3A_1047 : vector<16xf32> to vector<16xf32>
        tpu.vector_store %parallel_loop3A_1054[%parallel_loop3A_1055], %parallel_loop3A_1058 {strides = array<i32>} : memref<1024xf32, #tpu.memory_space<vmem>>, vector<16xf32>,
      } {sc.loop_unroll_factor = 8 : i64, sc.parallel_access}
      %slice3A_964 = vector.extract_strided_slice %get3A_582 {offsets = [15], sizes = [1], strides = [1]} : vector<16xf32> to vector<1xf32>
      %squeeze3A_965 = vector.extract %slice3A_964[0] : f32 from vector<1xf32>
      %broadcast_in_dim3A_966 = vector.broadcast %squeeze3A_965 : f32 to vector<16xf32>
      %ge3A_967 = arith.cmpf oge, %broadcast_in_dim3A_966, %get3A_4 : vector<16xf32>
      %slice3A_968 = vector.extract_strided_slice %get3A_587 {offsets = [15], sizes = [1], strides = [1]} : vector<16xf32> to vector<1xf32>
      %squeeze3A_969 = vector.extract %slice3A_968[0] : f32 from vector<1xf32>
      %broadcast_in_dim3A_970 = vector.broadcast %squeeze3A_969 : f32 to vector<16xf32>
      %ge3A_971 = arith.cmpf oge, %broadcast_in_dim3A_970, %get3A_4 : vector<16xf32>
      %parallel_loop3A_972 = arith.constant 0 : i32
      %parallel_loop3A_973 = arith.constant 1024 : i32
      %parallel_loop3A_974 = arith.constant 16 : i32
      %parallel_loop3A_975 = arith.constant 1 : i32
      %parallel_loop3A_976 = arith.constant 15 : i32
      %parallel_loop3A_977 = arith.constant 1 : i32
      %parallel_loop3A_978 = arith.constant 15 : i32
      %parallel_loop3A_979 = arith.constant 1 : i32
      %parallel_loop3A_980 = arith.constant 7 : i32
      %parallel_loop3A_981 = arith.constant 1 : i32
      %parallel_loop3A_982 = arith.constant 7 : i32
      scf.for %parallel_loop3A_1014 = %parallel_loop3A_972 to %parallel_loop3A_973 step %parallel_loop3A_974  : i32 {
        %parallel_loop3A_1015 = arith.constant 0 : i32
        %parallel_loop3A_1016 = arith.constant 0 : i32
        %parallel_loop3A_1017 = tpu.memref_slice %arg9[%parallel_loop3A_975, %parallel_loop3A_1015, %parallel_loop3A_1016] : memref<2x16x1024xf32, #tpu.memory_space<vmem>> -> memref<1x16x1024xf32, #tpu.memory_space<vmem>>
        %parallel_loop3A_1018 = tpu.memref_squeeze %parallel_loop3A_1017 : memref<1x16x1024xf32, #tpu.memory_space<vmem>> -> memref<16x1024xf32, #tpu.memory_space<vmem>>
        %parallel_loop3A_1019 = arith.constant 0 : i32
        %parallel_loop3A_1020 = tpu.memref_slice %parallel_loop3A_1018[%parallel_loop3A_976, %parallel_loop3A_1019] : memref<16x1024xf32, #tpu.memory_space<vmem>> -> memref<1x1024xf32, #tpu.memory_space<vmem>>
        %parallel_loop3A_1021 = tpu.memref_squeeze %parallel_loop3A_1020 : memref<1x1024xf32, #tpu.memory_space<vmem>> -> memref<1024xf32, #tpu.memory_space<vmem>>
        %parallel_loop3A_1022 = arith.index_cast %parallel_loop3A_1014 : i32 to index
        %parallel_loop3A_1023 = tpu.vector_load %parallel_loop3A_1021[%parallel_loop3A_1022] {strides = array<i32>} : memref<1024xf32, #tpu.memory_space<vmem>>, vector<16xf32>,
        %parallel_loop3A_1024 = vector.shape_cast %parallel_loop3A_1023 : vector<16xf32> to vector<16xf32>
        %parallel_loop3A_1025 = arith.constant 0 : i32
        %parallel_loop3A_1026 = arith.constant 0 : i32
        %parallel_loop3A_1027 = tpu.memref_slice %arg10[%parallel_loop3A_977, %parallel_loop3A_1025, %parallel_loop3A_1026] : memref<2x16x1024xf32, #tpu.memory_space<vmem>> -> memref<1x16x1024xf32, #tpu.memory_space<vmem>>
        %parallel_loop3A_1028 = tpu.memref_squeeze %parallel_loop3A_1027 : memref<1x16x1024xf32, #tpu.memory_space<vmem>> -> memref<16x1024xf32, #tpu.memory_space<vmem>>
        %parallel_loop3A_1029 = arith.constant 0 : i32
        %parallel_loop3A_1030 = tpu.memref_slice %parallel_loop3A_1028[%parallel_loop3A_978, %parallel_loop3A_1029] : memref<16x1024xf32, #tpu.memory_space<vmem>> -> memref<1x1024xf32, #tpu.memory_space<vmem>>
        %parallel_loop3A_1031 = tpu.memref_squeeze %parallel_loop3A_1030 : memref<1x1024xf32, #tpu.memory_space<vmem>> -> memref<1024xf32, #tpu.memory_space<vmem>>
        %parallel_loop3A_1032 = arith.index_cast %parallel_loop3A_1014 : i32 to index
        %parallel_loop3A_1033 = tpu.vector_load %parallel_loop3A_1031[%parallel_loop3A_1032] {strides = array<i32>} : memref<1024xf32, #tpu.memory_space<vmem>>, vector<16xf32>,
        %parallel_loop3A_1034 = vector.shape_cast %parallel_loop3A_1033 : vector<16xf32> to vector<16xf32>
        %parallel_loop3A_1035 = arith.select %ge3A_967, %parallel_loop3A_1024, %parallel_loop3A_1034 : vector<16xi1>, vector<16xf32>
        %parallel_loop3A_1036 = arith.constant 0 : i32
        %parallel_loop3A_1037 = arith.constant 0 : i32
        %parallel_loop3A_1038 = tpu.memref_slice %arg11[%parallel_loop3A_979, %parallel_loop3A_1036, %parallel_loop3A_1037] : memref<2x8x1024xf32, #tpu.memory_space<vmem>> -> memref<1x8x1024xf32, #tpu.memory_space<vmem>>
        %parallel_loop3A_1039 = tpu.memref_squeeze %parallel_loop3A_1038 : memref<1x8x1024xf32, #tpu.memory_space<vmem>> -> memref<8x1024xf32, #tpu.memory_space<vmem>>
        %parallel_loop3A_1040 = arith.constant 0 : i32
        %parallel_loop3A_1041 = tpu.memref_slice %parallel_loop3A_1039[%parallel_loop3A_980, %parallel_loop3A_1040] : memref<8x1024xf32, #tpu.memory_space<vmem>> -> memref<1x1024xf32, #tpu.memory_space<vmem>>
        %parallel_loop3A_1042 = tpu.memref_squeeze %parallel_loop3A_1041 : memref<1x1024xf32, #tpu.memory_space<vmem>> -> memref<1024xf32, #tpu.memory_space<vmem>>
        %parallel_loop3A_1043 = arith.index_cast %parallel_loop3A_1014 : i32 to index
        %parallel_loop3A_1044 = tpu.vector_load %parallel_loop3A_1042[%parallel_loop3A_1043] {strides = array<i32>} : memref<1024xf32, #tpu.memory_space<vmem>>, vector<16xf32>,
        %parallel_loop3A_1045 = vector.shape_cast %parallel_loop3A_1044 : vector<16xf32> to vector<16xf32>
        %parallel_loop3A_1046 = vector.shape_cast %parallel_loop3A_1035 : vector<16xf32> to vector<16xf32>
        tpu.vector_store %parallel_loop3A_1042[%parallel_loop3A_1043], %parallel_loop3A_1046 {strides = array<i32>} : memref<1024xf32, #tpu.memory_space<vmem>>, vector<16xf32>,
        %parallel_loop3A_1047 = arith.select %ge3A_971, %parallel_loop3A_1034, %parallel_loop3A_1024 : vector<16xi1>, vector<16xf32>
        %parallel_loop3A_1048 = arith.constant 0 : i32
        %parallel_loop3A_1049 = arith.constant 0 : i32
        %parallel_loop3A_1050 = tpu.memref_slice %arg12[%parallel_loop3A_981, %parallel_loop3A_1048, %parallel_loop3A_1049] : memref<2x8x1024xf32, #tpu.memory_space<vmem>> -> memref<1x8x1024xf32, #tpu.memory_space<vmem>>
        %parallel_loop3A_1051 = tpu.memref_squeeze %parallel_loop3A_1050 : memref<1x8x1024xf32, #tpu.memory_space<vmem>> -> memref<8x1024xf32, #tpu.memory_space<vmem>>
        %parallel_loop3A_1052 = arith.constant 0 : i32
        %parallel_loop3A_1053 = tpu.memref_slice %parallel_loop3A_1051[%parallel_loop3A_982, %parallel_loop3A_1052] : memref<8x1024xf32, #tpu.memory_space<vmem>> -> memref<1x1024xf32, #tpu.memory_space<vmem>>
        %parallel_loop3A_1054 = tpu.memref_squeeze %parallel_loop3A_1053 : memref<1x1024xf32, #tpu.memory_space<vmem>> -> memref<1024xf32, #tpu.memory_space<vmem>>
        %parallel_loop3A_1055 = arith.index_cast %parallel_loop3A_1014 : i32 to index
        %parallel_loop3A_1056 = tpu.vector_load %parallel_loop3A_1054[%parallel_loop3A_1055] {strides = array<i32>} : memref<1024xf32, #tpu.memory_space<vmem>>, vector<16xf32>,
        %parallel_loop3A_1057 = vector.shape_cast %parallel_loop3A_1056 : vector<16xf32> to vector<16xf32>
        %parallel_loop3A_1058 = vector.shape_cast %parallel_loop3A_1047 : vector<16xf32> to vector<16xf32>
        tpu.vector_store %parallel_loop3A_1054[%parallel_loop3A_1055], %parallel_loop3A_1058 {strides = array<i32>} : memref<1024xf32, #tpu.memory_space<vmem>>, vector<16xf32>,
      } {sc.loop_unroll_factor = 8 : i64, sc.parallel_access}
      %mul3A_983 = arith.constant 16 : i32
      %mul3A_984 = arith.muli %add3A_543, %mul3A_983 : i32
      %add3A_985 = arith.addi %mul3A_2, %mul3A_984 : i32
      %add3A_986 = arith.constant 8 : i32
      %add3A_987 = arith.addi %add3A_985, %add3A_986 : i32
      %dma_start3A_988 = arith.constant 1 : i32
      %dma_start3A_989 = arith.constant 0 : i32
      %dma_start3A_990 = arith.constant 0 : i32
      %dma_start3A_991 = tpu.memref_slice %arg11[%dma_start3A_988, %dma_start3A_989, %dma_start3A_990] : memref<2x8x1024xf32, #tpu.memory_space<vmem>> -> memref<1x8x1024xf32, #tpu.memory_space<vmem>>
      %dma_start3A_992 = tpu.memref_squeeze %dma_start3A_991 : memref<1x8x1024xf32, #tpu.memory_space<vmem>> -> memref<8x1024xf32, #tpu.memory_space<vmem>>
      %dma_start3A_993 = arith.constant 0 : i32
      %dma_start3A_994 = tpu.memref_slice %arg7[%add3A_987, %dma_start3A_993] : memref<32768x1024xf32, #tpu.memory_space<hbm>> -> memref<8x1024xf32, #tpu.memory_space<hbm>>
      %dma_start3A_995 = arith.constant 0 : i32
      %dma_start3A_996 = tpu.memref_slice %arg7[%add3A_987, %dma_start3A_995] : memref<32768x1024xf32, #tpu.memory_space<hbm>> -> memref<8x1024xf32, #tpu.memory_space<hbm>>
      %dma_start3A_997 = arith.constant 0 : i32
      %dma_start3A_998 = arith.constant 0 : i32
      %dma_start3A_999 = tpu.memref_slice %arg11[%dma_start3A_988, %dma_start3A_997, %dma_start3A_998] : memref<2x8x1024xf32, #tpu.memory_space<vmem>> -> memref<1x8x1024xf32, #tpu.memory_space<vmem>>
      %dma_start3A_1000 = tpu.memref_squeeze %dma_start3A_999 : memref<1x8x1024xf32, #tpu.memory_space<vmem>> -> memref<8x1024xf32, #tpu.memory_space<vmem>>
      tpu.enqueue_dma source(%dma_start3A_1000 : memref<8x1024xf32, #tpu.memory_space<vmem>>) target(%dma_start3A_996 : memref<8x1024xf32, #tpu.memory_space<hbm>>) target_semaphore(%arg19 : memref<!tpu.dma_semaphore, #tpu.memory_space<semaphore_mem>>)
      %dma_start3A_1001 = arith.constant 1 : i32
      %dma_start3A_1002 = arith.constant 0 : i32
      %dma_start3A_1003 = arith.constant 0 : i32
      %dma_start3A_1004 = tpu.memref_slice %arg12[%dma_start3A_1001, %dma_start3A_1002, %dma_start3A_1003] : memref<2x8x1024xf32, #tpu.memory_space<vmem>> -> memref<1x8x1024xf32, #tpu.memory_space<vmem>>
      %dma_start3A_1005 = tpu.memref_squeeze %dma_start3A_1004 : memref<1x8x1024xf32, #tpu.memory_space<vmem>> -> memref<8x1024xf32, #tpu.memory_space<vmem>>
      %dma_start3A_1006 = arith.constant 0 : i32
      %dma_start3A_1007 = tpu.memref_slice %arg8[%add3A_987, %dma_start3A_1006] : memref<32768x1024xf32, #tpu.memory_space<hbm>> -> memref<8x1024xf32, #tpu.memory_space<hbm>>
      %dma_start3A_1008 = arith.constant 0 : i32
      %dma_start3A_1009 = tpu.memref_slice %arg8[%add3A_987, %dma_start3A_1008] : memref<32768x1024xf32, #tpu.memory_space<hbm>> -> memref<8x1024xf32, #tpu.memory_space<hbm>>
      %dma_start3A_1010 = arith.constant 0 : i32
      %dma_start3A_1011 = arith.constant 0 : i32
      %dma_start3A_1012 = tpu.memref_slice %arg12[%dma_start3A_1001, %dma_start3A_1010, %dma_start3A_1011] : memref<2x8x1024xf32, #tpu.memory_space<vmem>> -> memref<1x8x1024xf32, #tpu.memory_space<vmem>>
      %dma_start3A_1013 = tpu.memref_squeeze %dma_start3A_1012 : memref<1x8x1024xf32, #tpu.memory_space<vmem>> -> memref<8x1024xf32, #tpu.memory_space<vmem>>
      tpu.enqueue_dma source(%dma_start3A_1013 : memref<8x1024xf32, #tpu.memory_space<vmem>>) target(%dma_start3A_1009 : memref<8x1024xf32, #tpu.memory_space<hbm>>) target_semaphore(%arg19 : memref<!tpu.dma_semaphore, #tpu.memory_space<semaphore_mem>>)
    }
    %scan3A_36 = arith.constant 32 : i32
    %dma_wait3A = arith.constant 0 : i32
    %dma_wait3A_37 = arith.constant 0 : i32
    %dma_wait3A_38 = arith.constant 0 : i32
    %dma_wait3A_39 = tpu.memref_slice %arg11[%dma_wait3A, %dma_wait3A_37, %dma_wait3A_38] : memref<2x8x1024xf32, #tpu.memory_space<vmem>> -> memref<1x8x1024xf32, #tpu.memory_space<vmem>>
    %dma_wait3A_40 = tpu.memref_squeeze %dma_wait3A_39 : memref<1x8x1024xf32, #tpu.memory_space<vmem>> -> memref<8x1024xf32, #tpu.memory_space<vmem>>
    %dma_wait3A_41 = arith.constant 0 : i32
    %dma_wait3A_42 = arith.constant 0 : i32
    %dma_wait3A_43 = tpu.memref_slice %arg7[%dma_wait3A_41, %dma_wait3A_42] : memref<32768x1024xf32, #tpu.memory_space<hbm>> -> memref<8x1024xf32, #tpu.memory_space<hbm>>
    %dma_wait3A_44 = arith.constant 0 : i32
    %dma_wait3A_45 = arith.constant 0 : i32
    %dma_wait3A_46 = tpu.memref_slice %arg7[%dma_wait3A_44, %dma_wait3A_45] : memref<32768x1024xf32, #tpu.memory_space<hbm>> -> memref<8x1024xf32, #tpu.memory_space<hbm>>
    %dma_wait3A_47 = arith.constant 0 : i32
    %dma_wait3A_48 = arith.constant 0 : i32
    %dma_wait3A_49 = tpu.memref_slice %arg11[%dma_wait3A, %dma_wait3A_47, %dma_wait3A_48] : memref<2x8x1024xf32, #tpu.memory_space<vmem>> -> memref<1x8x1024xf32, #tpu.memory_space<vmem>>
    %dma_wait3A_50 = tpu.memref_squeeze %dma_wait3A_49 : memref<1x8x1024xf32, #tpu.memory_space<vmem>> -> memref<8x1024xf32, #tpu.memory_space<vmem>>
    tpu.wait_dma2 semaphore(%arg18 : memref<!tpu.dma_semaphore, #tpu.memory_space<semaphore_mem>>) src(%dma_wait3A_50 : memref<8x1024xf32, #tpu.memory_space<vmem>>) dst(%dma_wait3A_46 : memref<8x1024xf32, #tpu.memory_space<hbm>>)
    %dma_wait3A_51 = arith.constant 0 : i32
    %dma_wait3A_52 = arith.constant 0 : i32
    %dma_wait3A_53 = arith.constant 0 : i32
    %dma_wait3A_54 = tpu.memref_slice %arg12[%dma_wait3A_51, %dma_wait3A_52, %dma_wait3A_53] : memref<2x8x1024xf32, #tpu.memory_space<vmem>> -> memref<1x8x1024xf32, #tpu.memory_space<vmem>>
    %dma_wait3A_55 = tpu.memref_squeeze %dma_wait3A_54 : memref<1x8x1024xf32, #tpu.memory_space<vmem>> -> memref<8x1024xf32, #tpu.memory_space<vmem>>
    %dma_wait3A_56 = arith.constant 0 : i32
    %dma_wait3A_57 = arith.constant 0 : i32
    %dma_wait3A_58 = tpu.memref_slice %arg8[%dma_wait3A_56, %dma_wait3A_57] : memref<32768x1024xf32, #tpu.memory_space<hbm>> -> memref<8x1024xf32, #tpu.memory_space<hbm>>
    %dma_wait3A_59 = arith.constant 0 : i32
    %dma_wait3A_60 = arith.constant 0 : i32
    %dma_wait3A_61 = tpu.memref_slice %arg8[%dma_wait3A_59, %dma_wait3A_60] : memref<32768x1024xf32, #tpu.memory_space<hbm>> -> memref<8x1024xf32, #tpu.memory_space<hbm>>
    %dma_wait3A_62 = arith.constant 0 : i32
    %dma_wait3A_63 = arith.constant 0 : i32
    %dma_wait3A_64 = tpu.memref_slice %arg12[%dma_wait3A_51, %dma_wait3A_62, %dma_wait3A_63] : memref<2x8x1024xf32, #tpu.memory_space<vmem>> -> memref<1x8x1024xf32, #tpu.memory_space<vmem>>
    %dma_wait3A_65 = tpu.memref_squeeze %dma_wait3A_64 : memref<1x8x1024xf32, #tpu.memory_space<vmem>> -> memref<8x1024xf32, #tpu.memory_space<vmem>>
    tpu.wait_dma2 semaphore(%arg18 : memref<!tpu.dma_semaphore, #tpu.memory_space<semaphore_mem>>) src(%dma_wait3A_65 : memref<8x1024xf32, #tpu.memory_space<vmem>>) dst(%dma_wait3A_61 : memref<8x1024xf32, #tpu.memory_space<hbm>>)
    %dma_wait3A_66 = arith.constant 1 : i32
    %dma_wait3A_67 = arith.constant 0 : i32
    %dma_wait3A_68 = arith.constant 0 : i32
    %dma_wait3A_69 = tpu.memref_slice %arg11[%dma_wait3A_66, %dma_wait3A_67, %dma_wait3A_68] : memref<2x8x1024xf32, #tpu.memory_space<vmem>> -> memref<1x8x1024xf32, #tpu.memory_space<vmem>>
    %dma_wait3A_70 = tpu.memref_squeeze %dma_wait3A_69 : memref<1x8x1024xf32, #tpu.memory_space<vmem>> -> memref<8x1024xf32, #tpu.memory_space<vmem>>
    %dma_wait3A_71 = arith.constant 0 : i32
    %dma_wait3A_72 = arith.constant 0 : i32
    %dma_wait3A_73 = tpu.memref_slice %arg7[%dma_wait3A_71, %dma_wait3A_72] : memref<32768x1024xf32, #tpu.memory_space<hbm>> -> memref<8x1024xf32, #tpu.memory_space<hbm>>
    %dma_wait3A_74 = arith.constant 0 : i32
    %dma_wait3A_75 = arith.constant 0 : i32
    %dma_wait3A_76 = tpu.memref_slice %arg7[%dma_wait3A_74, %dma_wait3A_75] : memref<32768x1024xf32, #tpu.memory_space<hbm>> -> memref<8x1024xf32, #tpu.memory_space<hbm>>
    %dma_wait3A_77 = arith.constant 0 : i32
    %dma_wait3A_78 = arith.constant 0 : i32
    %dma_wait3A_79 = tpu.memref_slice %arg11[%dma_wait3A_66, %dma_wait3A_77, %dma_wait3A_78] : memref<2x8x1024xf32, #tpu.memory_space<vmem>> -> memref<1x8x1024xf32, #tpu.memory_space<vmem>>
    %dma_wait3A_80 = tpu.memref_squeeze %dma_wait3A_79 : memref<1x8x1024xf32, #tpu.memory_space<vmem>> -> memref<8x1024xf32, #tpu.memory_space<vmem>>
    tpu.wait_dma2 semaphore(%arg19 : memref<!tpu.dma_semaphore, #tpu.memory_space<semaphore_mem>>) src(%dma_wait3A_80 : memref<8x1024xf32, #tpu.memory_space<vmem>>) dst(%dma_wait3A_76 : memref<8x1024xf32, #tpu.memory_space<hbm>>)
    %dma_wait3A_81 = arith.constant 1 : i32
    %dma_wait3A_82 = arith.constant 0 : i32
    %dma_wait3A_83 = arith.constant 0 : i32
    %dma_wait3A_84 = tpu.memref_slice %arg12[%dma_wait3A_81, %dma_wait3A_82, %dma_wait3A_83] : memref<2x8x1024xf32, #tpu.memory_space<vmem>> -> memref<1x8x1024xf32, #tpu.memory_space<vmem>>
    %dma_wait3A_85 = tpu.memref_squeeze %dma_wait3A_84 : memref<1x8x1024xf32, #tpu.memory_space<vmem>> -> memref<8x1024xf32, #tpu.memory_space<vmem>>
    %dma_wait3A_86 = arith.constant 0 : i32
    %dma_wait3A_87 = arith.constant 0 : i32
    %dma_wait3A_88 = tpu.memref_slice %arg8[%dma_wait3A_86, %dma_wait3A_87] : memref<32768x1024xf32, #tpu.memory_space<hbm>> -> memref<8x1024xf32, #tpu.memory_space<hbm>>
    %dma_wait3A_89 = arith.constant 0 : i32
    %dma_wait3A_90 = arith.constant 0 : i32
    %dma_wait3A_91 = tpu.memref_slice %arg8[%dma_wait3A_89, %dma_wait3A_90] : memref<32768x1024xf32, #tpu.memory_space<hbm>> -> memref<8x1024xf32, #tpu.memory_space<hbm>>
    %dma_wait3A_92 = arith.constant 0 : i32
    %dma_wait3A_93 = arith.constant 0 : i32
    %dma_wait3A_94 = tpu.memref_slice %arg12[%dma_wait3A_81, %dma_wait3A_92, %dma_wait3A_93] : memref<2x8x1024xf32, #tpu.memory_space<vmem>> -> memref<1x8x1024xf32, #tpu.memory_space<vmem>>
    %dma_wait3A_95 = tpu.memref_squeeze %dma_wait3A_94 : memref<1x8x1024xf32, #tpu.memory_space<vmem>> -> memref<8x1024xf32, #tpu.memory_space<vmem>>
    tpu.wait_dma2 semaphore(%arg19 : memref<!tpu.dma_semaphore, #tpu.memory_space<semaphore_mem>>) src(%dma_wait3A_95 : memref<8x1024xf32, #tpu.memory_space<vmem>>) dst(%dma_wait3A_91 : memref<8x1024xf32, #tpu.memory_space<hbm>>)
    return
  }
}

</mosaic_0001>

<sc_bundles>
// kernel: kernel.3.cloned.1.call-start
scs
__scs_entry_jumppad:
0x0: {  	(pc) =	sbr.rel $0x88, $3  }
0x1: {  	(tag) =	ssettag $0x0;
	lr =	simm.s32 $0x1  }
0x2: {  	[smem:$0x3F9C] =	sst lr;
	_ =	strace $0xD0000000  }
0x3: {  	_ = 	snop  }
0x4: {  	_ = 	snop  }
0x5: {  	_ = 	snop  }
0x6: {  	_ = 	snop  }
0x7: {  	_ = 	snop  }
__scs_overlays_trampoline_lowered:
0x8: {  	[smem:$0x3FAB] =	sst s0  }
0x9: {  	[smem:$0x3FAC] =	sst s1  }
0xa: {  	[smem:$0x3FAD] =	sst s2  }
0xb: {  	[smem:$0x3FAE] =	sst s3  }
0xc: {  	[smem:$0x3FAF] =	sst s4  }
0xd: {  	[smem:$0x3FB0] =	sst s5  }
0xe: {  	[smem:$0x3FB1] =	sst s6  }
0xf: {  	[smem:$0x3FB2] =	sst s7  }
0x10: {  	[smem:$0x3FB3] =	sst s8  }
0x11: {  	[smem:$0x3FB4] =	sst s9;
	s0 =	simm.s32 @!p0 $0x0  }
0x12: {  	s1 =	sld [smem:$0x3F9A];
	s0 =	simm.s32 @p0 $0x1  }
0x13: {  	[smem:$0x3FB5] =	sst s0;
	s0 =	simm.s32 @!p1 $0x0  }
0x14: {  	s2 =	sld [smem:$0x3F99];
	s0 =	simm.s32 @p1 $0x1  }
0x15: {  	[smem:$0x3FB6] =	sst s0;
	s0 =	simm.s32 @!p2 $0x0  }
0x16: {  	s3 =	sld [smem:$0x3FDB];
	s0 =	simm.s32 @p2 $0x1  }
0x17: {  	s4 =	simm.s32 $0x1BF5;
	[smem:$0x3FB8] =	sst s0  }
0x18: {  	s0 =	sld [smem:$0x3F9B];
	_ =	swait.ge [sflag:s4], $0x0  }
0x19: {  	s7 =	sld [smem:$0x3F9C]  }
0x1a: {  	s8 =	sadd.s32 $0xFFFFE003, lr  }
0x1b: {  	s9 =	sadd.s32 $0xFFFFFEF7, lr;
	s5 =	simm.s32 $0xFFFFFFFF;
	p2 =	slt.u32 s8, $0xFFFFF086  }
0x1c: {  	p1 =	slt.u32 s9, $0xF7A;
	s5 =	simm.s32 @!p2 $0x0  }
0x1d: {  	s5 =	simm.s32 @p1 $0x1;
	p0 =	seq.s32 s7, s2  }
0x1e: {  	s7 =	smul.u32 @!p0 $0xF7A, s2;
	p2 =	seq.s32 @!p0 s5, $0x0  }
0x1f: {  	s9 =	smul.u32 $0xF7A, s1;
	s8 =	simm.s32 @!p0 $0x1BF5;
	p2 =	por !p2, p0  }
0x20: {  	[sflag:s8] =	ssyncset.s32 @!p0 $0xFFFFF086;
	s6 =	sadd.s32 @!p0 s3, s7;
	s7 =	simm.s32 @!p0 $0x108  }
0x21: {  	s3 =	sadd.s32 s3, s9;
	s6 =	sadd.s32 @!p0 $0x88, s6;
	s7 =	simm.s32 @p2 $0x1082  }
0x22: {  	[simem:s7], [sflag:s8] =	dma.local @!p0 [hbm:s6], $0xF7A  }
0x23: {  	s9 =	sor.u32 $0xD0000000, s2;
	s6 =	simm.s32 $0x108;
	_ =	swait.ge @!p0 [sflag:s8], $0x0  }
0x24: {  	s3 =	sadd.s32 $0x88, s3;
	s6 =	simm.s32 @!p1 $0x1082;
	[sflag:s4] =	ssyncset.s32 $0xFFFFF086  }
0x25: {  	[simem:s6], [sflag:s4] =	dma.local [hbm:s3], $0xF7A  }
0x26: {  	[smem:$0x3F9C] =	sst s1;
	(tag) =	ssettag s2;
	_ =	strace s9  }
0x27: {  	s1 =	sld [smem:$0x3FAC]  }
0x28: {  	s2 =	sld [smem:$0x3FAD]  }
0x29: {  	s4 =	sld [smem:$0x3FAF]  }
0x2a: {  	p0 =	seq.s32 s5, $0x0;
	s5 =	sld [smem:$0x3FB0]  }
0x2b: {  	s6 =	sld [smem:$0x3FB1]  }
0x2c: {  	s7 =	sld [smem:$0x3FB2]  }
0x2d: {  	s3 =	simm.s32 $0x108;
	s8 =	sld [smem:$0x3FB3]  }
0x2e: {  	s3 =	simm.s32 @!p0 $0x1082;
	s9 =	sld [smem:$0x3FB4]  }
0x2f: {  	lr =	sadd.s32 s0, s3;
	s0 =	sld [smem:$0x3FAB]  }
0x30: {  	s3 =	sld [smem:$0x3FAE]  }
0x31: {  	[smem:$0x3FB7] =	sst s10  }
0x32: {  	s10 =	sld [smem:$0x3FB5];
	_ =	sdelay $0x3  }
0x33: {  	p0 =	seq.s32 s10, $0x1;
	s10 =	sld [smem:$0x3FB7];
	_ =	sdelay $0x3  }
0x34: {  	[smem:$0x3FB7] =	sst s10  }
0x35: {  	s10 =	sld [smem:$0x3FB6];
	_ =	sdelay $0x3  }
0x36: {  	p1 =	seq.s32 s10, $0x1;
	s10 =	sld [smem:$0x3FB7];
	_ =	sdelay $0x3  }
0x37: {  	[smem:$0x3FB7] =	sst s10  }
0x38: {  	s10 =	sld [smem:$0x3FB8]  }
0x39: {  	_ = 	snop;
	(pc) =	sbr.ind lr, $3  }
0x3a: {  	_ = 	snop  }
0x3b: {  	_ = 	snop  }
0x3c: {  	p2 =	seq.s32 s10, $0x1;
	s10 =	sld [smem:$0x3FB7]  }
0x3d: {  	_ =	shalt  }
0x3e: {  	_ =	shalt  }
0x3f: {  	_ =	shalt  }
0x40: {  	_ =	shalt  }
0x41: {  	_ =	shalt  }
0x42: {  	_ =	shalt  }
0x43: {  	_ =	shalt  }
0x44: {  	_ =	shalt  }
0x45: {  	_ =	shalt  }
0x46: {  	_ =	shalt  }
0x47: {  	_ =	shalt  }
0x48: {  	_ =	shalt  }
0x49: {  	_ =	shalt  }
0x4a: {  	_ =	shalt  }
0x4b: {  	_ =	shalt  }
0x4c: {  	_ =	shalt  }
0x4d: {  	_ =	shalt  }
0x4e: {  	_ =	shalt  }
0x4f: {  	_ =	shalt  }
0x50: {  	_ =	shalt  }
0x51: {  	_ =	shalt  }
0x52: {  	_ =	shalt  }
0x53: {  	_ =	shalt  }
0x54: {  	_ =	shalt  }
0x55: {  	_ =	shalt  }
0x56: {  	_ =	shalt  }
0x57: {  	_ =	shalt  }
0x58: {  	_ =	shalt  }
0x59: {  	_ =	shalt  }
0x5a: {  	_ =	shalt  }
0x5b: {  	_ =	shalt  }
0x5c: {  	_ =	shalt  }
0x5d: {  	_ =	shalt  }
0x5e: {  	_ =	shalt  }
0x5f: {  	_ =	shalt  }
0x60: {  	_ =	shalt  }
0x61: {  	_ =	shalt  }
0x62: {  	_ =	shalt  }
0x63: {  	_ =	shalt  }
0x64: {  	_ =	shalt  }
0x65: {  	_ =	shalt  }
0x66: {  	_ =	shalt  }
0x67: {  	_ =	shalt  }
0x68: {  	_ =	shalt  }
0x69: {  	_ =	shalt  }
0x6a: {  	_ =	shalt  }
0x6b: {  	_ =	shalt  }
0x6c: {  	_ =	shalt  }
0x6d: {  	_ =	shalt  }
0x6e: {  	_ =	shalt  }
0x6f: {  	_ =	shalt  }
0x70: {  	_ =	shalt  }
0x71: {  	_ =	shalt  }
0x72: {  	_ =	shalt  }
0x73: {  	_ =	shalt  }
0x74: {  	_ =	shalt  }
0x75: {  	_ =	shalt  }
0x76: {  	_ =	shalt  }
0x77: {  	_ =	shalt  }
0x78: {  	_ =	shalt  }
0x79: {  	_ =	shalt  }
0x7a: {  	_ =	shalt  }
0x7b: {  	_ =	shalt  }
0x7c: {  	_ =	shalt  }
0x7d: {  	_ =	shalt  }
0x7e: {  	_ =	shalt  }
0x7f: {  	_ =	shalt  }
0x80: {  	_ =	shalt  }
0x81: {  	_ =	shalt  }
0x82: {  	_ =	shalt  }
0x83: {  	_ =	shalt  }
0x84: {  	_ =	shalt  }
0x85: {  	_ =	shalt  }
0x86: {  	_ =	shalt  }
0x87: {  	_ =	shalt  }
.Lfunc_end0:
.L_simem_size_0:
called_computation_lowered:
.L_overlay_start_0:
0x88: {  	s2 =	sld [smem:$0x3FD9]  }
0x89: {  	s3 =	sld [smem:$0x3FFE];
	_ =	sdelay $0x1  }
0x8a: {  	s1 =	srdreg.scid  }
0x8b: {  	s0 =	sand.u32 $0x1, s1  }
0x8c: {  	s14 =	sshll.u32 s0, $0xA;
	s2 =	sadd.s32 s3, s2  }
0x8d: {  	s2 =	sadd.s32 s2, s14  }
0x8e: {  	[smem:$0x3FC3] =	sst s2  }
0x8f: {  	_ = 	snop  }
0x90: {  	s2 =	sld [smem:$0x3FD0];
	_ =	sdelay $0x1  }
0x91: {  	s15 =	sld [smem:$0x3FC9]  }
0x92: {  	s5 =	simm.s32 $0xA;
	s6 =	simm.s32 $0x10;
	s4 =	sld [smem:$0x3FC8]  }
0x93: {  	[smem:s6], [sflag:s5] =	dma.local [hbm:s2], $0x1  }
0x94: {  	_ =	swait.eq [sflag:s5], $0x1  }
0x95: {  	[sflag:s5] =	ssyncset.done $0x0  }
0x96: {  	s16 =	sld [smem:$0x10];
	[sflag:s5] =	ssyncadd.s32 $0xFFFFFFFF  }
0x97: {  	s17 =	sld [smem:$0x11];
	(tm) =	ssettm $0x1  }
0x98: {  	s18 =	sld [smem:$0x3FFB];
	_ =	sdelay $0x3  }
0x99: {  	_ =	strace s18  }
0x9a: {  	s6 =	sld [smem:$0x3FFC];
	_ =	sdelay $0x3  }
0x9b: {  	_ =	strace s6  }
0x9c: {  	s6 =	sld [smem:$0x3FFD];
	_ =	sdelay $0x3  }
0x9d: {  	_ =	strace s6  }
0x9e: {  	_ =	strace $0x8FFFFFFF  }
0x9f: {  	s19 =	sld [smem:$0x3FDB];
	_ =	sdelay $0x1  }
0xa0: {  	s7 =	simm.s32 $_scs_section_size  }
0xa1: {  	s8 =	simm.s32 $_size__tile_overlayer_lowered;
	s9 =	simm.s32 $_tile_overlayer_lowered  }
0xa2: {  	s22 =	simm.s32 $0x1BFF;
	s21 =	sshll.u32 s9, $0x1;
	s6 =	sadd.s32 s7, s19  }
0xa3: {  	s10 =	simm.s32 $0x0;
	s20 =	sshll.u32 s8, $0x1;
	s8 =	sadd.s32 s21, s6  }
0xa4: {  	[timem:s10], [sflag:s22] =	dma.local [hbm:s8], s20  }
0xa5: {  	_ =	swait.ge [sflag:s22], s20  }
0xa6: {  	s7 =	ssub.s32 $0x0, s20;
	[sflag:s22] =	ssyncset.done $0x0  }
0xa7: {  	[sflag:s22] =	ssyncadd.s32 s7;
	_ =	sdelay $0x1  }
0xa8: {  	s23 =	simm.s32 $0x1B8B  }
0xa9: {  	_ =	swait.ge [sflag:s23], $0x1  }
0xaa: {  	[sflag:s23] =	ssyncset.done $0x0  }
0xab: {  	s25 =	simm.s32 $0x1B8E;
	s24 =	sld [smem:$0x3FFE];
	[sflag:s23] =	ssyncadd.s32 $0xFFFFFFFF  }
0xac: {  	s26 =	simm.s32 $execute0_lowered;
	[smem:$0x3FD2] =	sst s25  }
0xad: {  	s8 =	sshll.u32 s26, $0x1;
	_ =	strace $0x80000046;
	[dreg:$0x1] =	wrdreg $0xFFFFFFFF  }
0xae: {  	s28 =	simm.s32 $_size_execute0_lowered;
	s6 =	sadd.s32 s6, s8;
	[dreg:$0x0] =	wrdreg $0x0  }
0xaf: {  	s8 =	sshll.u32 s28, $0x1;
	[dreg:$0x2] =	wrdreg s6  }
0xb0: {  	[dreg:$0x3] =	wrdreg s8  }
0xb1: {  	[dreg:$0x4] =	wrdreg $0xC0  }
0xb2: {  	_ =	task [dreg:s10], $0x5FFFF  }
0xb3: {  	[dreg:$0x1] =	wrdreg $0xFFFFFFFF  }
0xb4: {  	[dreg:$0x0] =	wrdreg $0x60  }
0xb5: {  	[dreg:$0x2] =	wrdreg s24  }
0xb6: {  	[dreg:$0x3] =	wrdreg s15  }
0xb7: {  	[dreg:$0x4] =	wrdreg s4  }
0xb8: {  	[dreg:$0x5] =	wrdreg s16  }
0xb9: {  	[dreg:$0x6] =	wrdreg s17  }
0xba: {  	[dreg:$0x7] =	wrdreg $0x9  }
0xbb: {  	_ =	task.clear_ibuf [dreg:s10], $0x8FFFF;
	_ =	strace $0x90000046  }
0xbc: {  	s29 =	simm.s32 $0x9;
	_ =	strace $0x80000048  }
0xbd: {  	_ =	swait.ge [sflag:s29], $0x1  }
0xbe: {  	[sflag:s29] =	ssyncadd.s32 $0xFFFFFFFF  }
0xbf: {  	_ =	strace $0x90000048  }
0xc0: {  	_ =	sfence  }
0xc1: {  	s30 =	sld [smem:$0x0];
	_ =	sdelay $0x2  }
0xc2: {  	s31 =	sshll.u32 s1, $0xD;
	s1 =	sshrl.u32 s1, $0x2  }
0xc3: {  	s3 =	sand.u32 $0x4000, s31;
	s1 =	sadd.s32 s1, s30  }
0xc4: {  	s0 =	sor.u32 s3, s0;
	s1 =	sshll.u32 s1, $0x11  }
0xc5: {  	s0 =	sor.u32 s1, s0  }
0xc6: {  	s0 =	sadd.s32 $0x8F2B, s0  }
0xc7: {  	[sflag:s0] =	ssyncadd.remote.s32 $0x1  }
0xc8: {  	_ =	sfence.sel $0xFFFF  }
0xc9: {  	[dreg:$0x0] =	wrdreg $0xFFFFFFFF;
	(pc) =	sbr.abs _section_cstart, $3  }
0xca: {  	[dreg:$0x1] =	wrdreg $0xFFFFFFFF  }
0xcb: {  	_ =	task.clear_ibuf [dreg:s10], $0x2FFFF;
	_ =	strace $0x9FFFFFFF  }
0xcc: {  	(tm) =	ssettm $0x7FFFFFFF  }
0xcd: {  	_ =	shalt  }
tec
execute0_lowered:
.L_overlay_start_1:
0x0: {  	(tag) =	ssettag $0x1  }
0x1: {  	s0 =	rddreg [dreg:$0x0]  }
0x2: {  	s1 =	rddreg [dreg:$0x1]  }
0x3: {  	s2 =	rddreg [dreg:$0x2]  }
0x4: {  	s4 =	rddreg [dreg:$0x3]  }
0x5: {  	s5 =	rddreg [dreg:$0x4]  }
0x6: {  	s3 =	srdreg.scid;
	s7 =	stileid.u32;
	s6 =	simm.s32 $0x0  }
0x7: {  	s16 =	simm.s32 $0x5;
	s20 =	simm.s32 $0x4000;
	s21 =	simm.s32 $0xC000  }
0x8: {  	s28 =	simm.s32 $0x2;
	s29 =	simm.s32 $0x3;
	s30 =	simm.s32 $0x4  }
0x9: {  	s31 =	simm.s32 $0x0;
	s3 =	sand.u32 $0x1, s3;
	s7 =	sshll.u32 s7, $0xB  }
0xa: {  	[smem:$0x7FF] =	sst s6;
	s9 =	sadd.s32 $0x2800, s0;
	s8 =	sshll.u32 s3, $0xA  }
0xb: {  	_ =	strace $0x80000047;
	s3 =	ssub.s32 $0x2, s3;
	s7 =	sor.u32 s8, s7  }
0xc: {  	[dreg:$0x6] =	wrdreg s9;
	s22 =	sshrl.u32 s3, $0x1;
	s8 =	sshrl.u32 s7, $0x3  }
0xd: {  	s3 =	ssub.s32 s3, s22;
	s24 =	sshll.u32 s7, $0x7;
	s13 =	sor.u32 $0x20, s7  }
0xe: {  	s22 =	simm.s32 $0x1;
	s0 =	sadd.s32 s8, s0;
	s25 =	sadd.s32 s1, s24  }
0xf: {  	s26 =	sadd.s32 s2, s24;
	s14 =	smax.u32 s3, $0x1;
	[dreg:$0x9] =	wrdreg s25  }
0x10: {  	s24 =	simm.s32 $0x14000;
	s23 =	sadd.s32 $0x800, s0;
	[dreg:$0xa] =	wrdreg s26  }
0x11: {  	s0 =	sadd.s32 $0x1800, s0;
	s25 =	simm.s32 $0x12000;
	[dreg:$0x7] =	wrdreg s23  }
0x12: {  	s26 =	simm.s32 $0x16000;
	[dreg:$0x8] =	wrdreg s0;
	s23 =	simm.s32 $0x10000  }
.LBB2_1:
0x13: {  	s0 =	rddreg [dreg:$0x6];
	s3 =	simm.s32 $0x18800  }
0x14: {  	[tilespmem:s3], [sflag:$0x5] =	stream.linear.gather [hbm4b:s0+s6], $0x80, $0x38;
	[tilespmem:$0x18880] =	vst v63  }
0x15: {  	_ =	swait.ge [sflag:s16], $0x80  }
0x16: {  	[sflag:s16] =	ssyncset.done $0x0  }
0x17: {  	s11 =	simm.s32 $0x18000;
	s10 =	rddreg [dreg:$0x7];
	[sflag:s16] =	ssyncadd.s32 $0xFFFFFF80  }
0x18: {  	[tilespmem:s11], [sflag:$0x5] =	stream.linear.gather [hbm4b:s10+s6], $0x400, $0x38;
	[tilespmem:$0x18880] =	vst v63  }
0x19: {  	_ =	swait.ge [sflag:s16], $0x400  }
0x1a: {  	[sflag:s16] =	ssyncset.done $0x0  }
0x1b: {  	s15 =	simm.s32 $0x18400;
	s12 =	rddreg [dreg:$0x8];
	[sflag:s16] =	ssyncadd.s32 $0xFFFFFC00  }
0x1c: {  	[tilespmem:s15], [sflag:$0x5] =	stream.linear.gather [hbm4b:s12+s6], $0x400, $0x38;
	[tilespmem:$0x18880] =	vst v63  }
0x1d: {  	_ =	swait.ge [sflag:s16], $0x400  }
0x1e: {  	[sflag:s16] =	ssyncset.done $0x0  }
0x1f: {  	s17 =	rddreg [dreg:$0x9];
	[sflag:s16] =	ssyncadd.s32 $0xFFFFFC00  }
0x20: {  	v0 =	vld [tilespmem:$0x18800];
	[tilespmem:s6], [sflag:$0x1] =	stream.linear.gather [hbm4b:s17+s6], $0x4000, $0x38  }
0x21: {  	s19 =	simm.s32 $0x8000;
	s0 =	simm.s32 $0x0;
	s18 =	rddreg [dreg:$0xa]  }
0x22: {  	[tilespmem:s19], [sflag:$0x1] =	stream.linear.gather [hbm4b:s18+s6], $0x4000, $0x38;
	[tilespmem:$0x18880] =	vst v63  }
.LBB2_2:
0x23: {  	s17 =	sshll.u32 s0, $0x5  }
0x24: {  	s15 =	sor.u32 $0x10, s17  }
0x25: {  	s3 =	sor.u32 s7, s15  }
0x26: {  	s3 =	sshll.u32 s3, $0x7  }
0x27: {  	s8 =	sadd.s32 s1, s3  }
0x28: {  	[tilespmem:s20], [sflag:$0x2] =	stream.linear.gather [hbm4b:s8+s6], $0x4000, $0x38;
	[tilespmem:$0x18880] =	vst v63  }
0x29: {  	s19 =	sadd.s32 s2, s3  }
0x2a: {  	[tilespmem:s21], [sflag:$0x2] =	stream.linear.gather [hbm4b:s19+s6], $0x4000, $0x38;
	[tilespmem:$0x18880] =	vst v63  }
0x2b: {  	_ =	swait.ge [sflag:s22], $0x4000  }
0x2c: {  	[sflag:s22] =	ssyncset.done $0x0  }
0x2d: {  	[sflag:s22] =	ssyncadd.s32 $0xFFFFC000  }
0x2e: {  	_ =	swait.ge [sflag:s22], $0x4000  }
0x2f: {  	[sflag:s22] =	ssyncset.done $0x0  }
0x30: {  	p0 =	seq.s32 s0, $0x0;
	[sflag:s22] =	ssyncadd.s32 $0xFFFFC000  }
0x31: {  	s8 =	simm.s32 @!p0 $0x3;
	v1 =	vld [tilespmem:s17+$0x18000]  }
0x32: {  	v2 =	vld [tilespmem:s17+$0x18400];
	_ =	swait.ge @!p0 [sflag:s8], $0x2000  }
0x33: {  	[sflag:s8] =	ssyncset.done @!p0 $0x0  }
0x34: {  	[sflag:s8] =	ssyncadd.s32 @!p0 $0xFFFFE000  }
0x35: {  	_ =	swait.ge @!p0 [sflag:s8], $0x2000  }
0x36: {  	[sflag:s8] =	ssyncset.done @!p0 $0x0  }
0x37: {  	s9 =	simm.s32 $0x40;
	[sflag:s8] =	ssyncadd.s32 @!p0 $0xFFFFE000  }
0x38: {  	s19 =	simm.s32 $0x8040;
	v4 =	vld [tilespmem:s9+$0x30]  }
0x39: {  	v5 =	vld [tilespmem:s19+$0x30]  }
0x3a: {  	v3 =	vld [tilespmem:s19+$0xFFFFFFC0]  }
0x3b: {  	v6 =	vld [tilespmem:s9+$0xFFFFFFD0]  }
0x3c: {  	v7 =	vbroadcast v1, $0x0;
	v8 =	vld [tilespmem:s19+$0xFFFFFFD0]  }
0x3d: {  	v9 =	vbroadcast v2, $0x0;
	v10 =	vld [tilespmem:s9+$0xFFFFFFE0]  }
0x3e: {  	vm1 =	vge.f32 v7, v0;
	v7 =	vld [tilespmem:s19+$0xFFFFFFE0]  }
0x3f: {  	s18 =	simm.s32 $0x10040;
	v11 =	vld [tilespmem:s9+$0xFFFFFFF0];
	vm0 =	vge.f32 v9, v0;
	v9 =	vsel vm1, v4, v5  }
0x40: {  	s8 =	simm.s32 $0x14040;
	v4 =	vsel vm0, v5, v4;
	[tilespmem:s18+$0x30] =	vst v9;
	v9 =	vld [tilespmem:s19+$0xFFFFFFF0]  }
0x41: {  	v12 =	vld [tilespmem:s9+$0x0];
	[tilespmem:s8+$0x30] =	vst v4;
	v4 =	vsel vm1, v6, v8  }
0x42: {  	v13 =	vld [tilespmem:s19+$0x0];
	v5 =	vsel vm0, v8, v6;
	[tilespmem:s18+$0xFFFFFFD0] =	vst v4  }
0x43: {  	v8 =	vld [tilespmem:s19+$0x10];
	v4 =	vsel vm1, v10, v7;
	[tilespmem:s8+$0xFFFFFFD0] =	vst v5  }
0x44: {  	v6 =	vsel vm0, v7, v10;
	v5 =	vld [tilespmem:s9+$0x10];
	[tilespmem:s18+$0xFFFFFFE0] =	vst v4  }
0x45: {  	v4 =	vld [tilespmem:s9+$0x20];
	[tilespmem:s8+$0xFFFFFFE0] =	vst v6;
	v6 =	vsel vm1, v11, v9  }
0x46: {  	v9 =	vsel vm0, v9, v11;
	[tilespmem:s18+$0xFFFFFFF0] =	vst v6;
	v6 =	vld [tilespmem:s19+$0x20]  }
0x47: {  	s10 =	simm.s32 $0x0;
	s11 =	simm.s32 $0x440;
	v7 =	vld [tilespmem:s9+$0xFFFFFFC0];
	v10 =	vsel vm1, v12, v13;
	s9 =	simm.s32 $0x14040;
	[tilespmem:s8+$0xFFFFFFF0] =	vst v9;
	v9 =	vsel vm0, v13, v12  }
.LBB2_3:
0x48: {  	v11 =	vld [tilespmem:s11+$0x30];
	[tilespmem:s18+$0x0] =	vst v10;
	s19 =	sadd.s32 $0x400, s19  }
0x49: {  	v10 =	vld [tilespmem:s19+$0x30];
	[tilespmem:s8+$0x0] =	vst v9;
	v9 =	vsel vm1, v5, v8;
	v5 =	vsel vm0, v8, v5  }
0x4a: {  	s10 =	sadd.s32 $0x80, s10;
	v8 =	vld [tilespmem:s19+$0xFFFFFFC0];
	[tilespmem:s18+$0x10] =	vst v9  }
0x4b: {  	p1 =	slt.u32 s10, $0x380;
	v9 =	vld [tilespmem:s11+$0xFFFFFFD0];
	[tilespmem:s8+$0x10] =	vst v5;
	v5 =	vsel vm1, v4, v6;
	v4 =	vsel vm0, v6, v4  }
0x4c: {  	v6 =	vld [tilespmem:s19+$0xFFFFFFD0];
	v12 =	vsel vm1, v7, v3;
	v3 =	vsel vm0, v3, v7;
	[tilespmem:s18+$0x20] =	vst v5  }
0x4d: {  	v5 =	vld [tilespmem:s11+$0xFFFFFFE0];
	[tilespmem:s18+$0xFFFFFFC0] =	vst v12  }
0x4e: {  	s18 =	sadd.s32 $0x400, s18;
	v7 =	vld [tilespmem:s19+$0xFFFFFFE0];
	v12 =	vsel vm1, v11, v10;
	[tilespmem:s8+$0xFFFFFFC0] =	vst v3  }
0x4f: {  	v10 =	vsel vm0, v10, v11;
	s8 =	sadd.s32 $0x400, s8;
	v13 =	vld [tilespmem:s11+$0xFFFFFFF0];
	[tilespmem:s18+$0x30] =	vst v12;
	v3 =	vmov v8  }
0x50: {  	v11 =	vld [tilespmem:s19+$0xFFFFFFF0];
	[tilespmem:s8+$0x30] =	vst v10  }
0x51: {  	v8 =	vsel vm1, v9, v6;
	v6 =	vsel vm0, v6, v9;
	v9 =	vld [tilespmem:s11+$0x0];
	[tilespmem:s9+$0x20] =	vst v4;
	s9 =	smov.u32 s8  }
0x52: {  	[tilespmem:s18+$0xFFFFFFD0] =	vst v8;
	v12 =	vld [tilespmem:s19+$0x0]  }
.Ltmp0:
0x53: {  	[tilespmem:s8+$0xFFFFFFD0] =	vst v6;
	v4 =	vsel vm1, v5, v7;
	v6 =	vsel vm0, v7, v5;
	v5 =	vld [tilespmem:s11+$0x10];
	(pc) =	sbr.rel @p1 .LBB2_3-.Ltmp0, $4  }
0x54: {  	[tilespmem:s18+$0xFFFFFFE0] =	vst v4;
	v8 =	vld [tilespmem:s19+$0x10]  }
0x55: {  	[tilespmem:s8+$0xFFFFFFE0] =	vst v6;
	v6 =	vsel vm1, v13, v11;
	v10 =	vsel vm0, v11, v13;
	v4 =	vld [tilespmem:s11+$0x20]  }
0x56: {  	[tilespmem:s18+$0xFFFFFFF0] =	vst v6;
	v6 =	vld [tilespmem:s19+$0x20]  }
0x57: {  	v7 =	vld [tilespmem:s11+$0xFFFFFFC0];
	[tilespmem:s8+$0xFFFFFFF0] =	vst v10;
	v10 =	vsel vm1, v9, v12;
	v9 =	vsel vm0, v12, v9;
	s11 =	sadd.s32 $0x400, s11  }
0x58: {  	[tilespmem:s18+$0x0] =	vst v10  }
0x59: {  	[tilespmem:s8+$0x0] =	vst v9;
	v9 =	vsel vm1, v5, v8  }
0x5a: {  	v5 =	vsel vm0, v8, v5;
	[tilespmem:s18+$0x10] =	vst v9  }
0x5b: {  	[tilespmem:s8+$0x10] =	vst v5;
	v5 =	vsel vm1, v4, v6  }
0x5c: {  	v8 =	vsel vm1, v7, v3;
	[tilespmem:s18+$0x20] =	vst v5  }
0x5d: {  	v4 =	vsel vm0, v6, v4;
	[tilespmem:s18+$0xFFFFFFC0] =	vst v8  }
0x5e: {  	v3 =	vsel vm0, v3, v7;
	[tilespmem:s9+$0x20] =	vst v4  }
0x5f: {  	s12 =	simm.s32 $0xF0;
	[tilespmem:s8+$0xFFFFFFC0] =	vst v3  }
0x60: {  	s19 =	simm.s32 $0x80F0;
	v4 =	vld [tilespmem:s12+$0x0]  }
0x61: {  	v5 =	vld [tilespmem:s19+$0x0]  }
0x62: {  	v3 =	vld [tilespmem:s19+$0xFFFFFF90]  }
0x63: {  	v6 =	vld [tilespmem:s12+$0xFFFFFFA0]  }
0x64: {  	v7 =	vbroadcast v1, $0x1;
	v8 =	vld [tilespmem:s19+$0xFFFFFFA0]  }
0x65: {  	v9 =	vbroadcast v2, $0x1;
	v10 =	vld [tilespmem:s12+$0xFFFFFFB0]  }
0x66: {  	vm1 =	vge.f32 v7, v0;
	v7 =	vld [tilespmem:s19+$0xFFFFFFB0]  }
0x67: {  	vm0 =	vge.f32 v9, v0;
	s18 =	simm.s32 $0x100F0;
	v11 =	vld [tilespmem:s12+$0xFFFFFFC0];
	v9 =	vsel vm1, v4, v5  }
0x68: {  	s8 =	simm.s32 $0x140F0;
	v4 =	vsel vm0, v5, v4;
	[tilespmem:s18+$0x0] =	vst v9;
	v9 =	vld [tilespmem:s19+$0xFFFFFFC0]  }
0x69: {  	v12 =	vld [tilespmem:s12+$0xFFFFFFD0];
	[tilespmem:s8+$0x0] =	vst v4;
	v4 =	vsel vm1, v6, v8  }
0x6a: {  	v13 =	vld [tilespmem:s19+$0xFFFFFFD0];
	v5 =	vsel vm0, v8, v6;
	[tilespmem:s18+$0xFFFFFFA0] =	vst v4  }
0x6b: {  	v8 =	vld [tilespmem:s19+$0xFFFFFFE0];
	v4 =	vsel vm1, v10, v7;
	[tilespmem:s8+$0xFFFFFFA0] =	vst v5  }
0x6c: {  	v6 =	vsel vm0, v7, v10;
	v5 =	vld [tilespmem:s12+$0xFFFFFFE0];
	[tilespmem:s18+$0xFFFFFFB0] =	vst v4  }
0x6d: {  	v4 =	vld [tilespmem:s12+$0xFFFFFFF0];
	[tilespmem:s8+$0xFFFFFFB0] =	vst v6;
	v6 =	vsel vm1, v11, v9  }
0x6e: {  	v9 =	vsel vm0, v9, v11;
	[tilespmem:s18+$0xFFFFFFC0] =	vst v6;
	v6 =	vld [tilespmem:s19+$0xFFFFFFF0]  }
0x6f: {  	s10 =	simm.s32 $0x0;
	s11 =	simm.s32 $0x4F0;
	s9 =	simm.s32 $0x140F0;
	v7 =	vld [tilespmem:s12+$0xFFFFFF90];
	v10 =	vsel vm1, v12, v13;
	[tilespmem:s8+$0xFFFFFFC0] =	vst v9;
	v9 =	vsel vm0, v13, v12  }
.LBB2_5:
0x70: {  	v11 =	vld [tilespmem:s11+$0x0];
	[tilespmem:s18+$0xFFFFFFD0] =	vst v10;
	s19 =	sadd.s32 $0x400, s19  }
0x71: {  	v10 =	vld [tilespmem:s19+$0x0];
	[tilespmem:s8+$0xFFFFFFD0] =	vst v9;
	v9 =	vsel vm1, v5, v8;
	v5 =	vsel vm0, v8, v5  }
0x72: {  	s10 =	sadd.s32 $0x80, s10;
	v8 =	vld [tilespmem:s19+$0xFFFFFF90];
	[tilespmem:s18+$0xFFFFFFE0] =	vst v9  }
0x73: {  	p1 =	slt.u32 s10, $0x380;
	v9 =	vld [tilespmem:s11+$0xFFFFFFA0];
	[tilespmem:s8+$0xFFFFFFE0] =	vst v5;
	v5 =	vsel vm1, v4, v6;
	v4 =	vsel vm0, v6, v4  }
0x74: {  	v6 =	vld [tilespmem:s19+$0xFFFFFFA0];
	v12 =	vsel vm1, v7, v3;
	v3 =	vsel vm0, v3, v7;
	[tilespmem:s18+$0xFFFFFFF0] =	vst v5  }
0x75: {  	v5 =	vld [tilespmem:s11+$0xFFFFFFB0];
	[tilespmem:s18+$0xFFFFFF90] =	vst v12  }
0x76: {  	s18 =	sadd.s32 $0x400, s18;
	v7 =	vld [tilespmem:s19+$0xFFFFFFB0];
	v12 =	vsel vm1, v11, v10;
	[tilespmem:s8+$0xFFFFFF90] =	vst v3  }
0x77: {  	v10 =	vsel vm0, v10, v11;
	s8 =	sadd.s32 $0x400, s8;
	v13 =	vld [tilespmem:s11+$0xFFFFFFC0];
	[tilespmem:s18+$0x0] =	vst v12;
	v3 =	vmov v8  }
0x78: {  	v11 =	vld [tilespmem:s19+$0xFFFFFFC0];
	[tilespmem:s8+$0x0] =	vst v10  }
0x79: {  	v8 =	vsel vm1, v9, v6;
	v6 =	vsel vm0, v6, v9;
	v9 =	vld [tilespmem:s11+$0xFFFFFFD0];
	[tilespmem:s9+$0xFFFFFFF0] =	vst v4;
	s9 =	smov.u32 s8  }
0x7a: {  	[tilespmem:s18+$0xFFFFFFA0] =	vst v8;
	v12 =	vld [tilespmem:s19+$0xFFFFFFD0]  }
.Ltmp1:
0x7b: {  	[tilespmem:s8+$0xFFFFFFA0] =	vst v6;
	v4 =	vsel vm1, v5, v7;
	v6 =	vsel vm0, v7, v5;
	v5 =	vld [tilespmem:s11+$0xFFFFFFE0];
	(pc) =	sbr.rel @p1 .LBB2_5-.Ltmp1, $4  }
0x7c: {  	[tilespmem:s18+$0xFFFFFFB0] =	vst v4;
	v8 =	vld [tilespmem:s19+$0xFFFFFFE0]  }
0x7d: {  	[tilespmem:s8+$0xFFFFFFB0] =	vst v6;
	v6 =	vsel vm1, v13, v11;
	v10 =	vsel vm0, v11, v13;
	v4 =	vld [tilespmem:s11+$0xFFFFFFF0]  }
0x7e: {  	[tilespmem:s18+$0xFFFFFFC0] =	vst v6;
	v6 =	vld [tilespmem:s19+$0xFFFFFFF0]  }
0x7f: {  	v7 =	vld [tilespmem:s11+$0xFFFFFF90];
	[tilespmem:s8+$0xFFFFFFC0] =	vst v10;
	v10 =	vsel vm1, v9, v12;
	v9 =	vsel vm0, v12, v9;
	s11 =	sadd.s32 $0x400, s11  }
0x80: {  	[tilespmem:s18+$0xFFFFFFD0] =	vst v10  }
0x81: {  	[tilespmem:s8+$0xFFFFFFD0] =	vst v9;
	v9 =	vsel vm1, v5, v8  }
0x82: {  	v5 =	vsel vm0, v8, v5;
	[tilespmem:s18+$0xFFFFFFE0] =	vst v9  }
0x83: {  	[tilespmem:s8+$0xFFFFFFE0] =	vst v5;
	v5 =	vsel vm1, v4, v6  }
0x84: {  	v8 =	vsel vm1, v7, v3;
	[tilespmem:s18+$0xFFFFFFF0] =	vst v5  }
0x85: {  	v4 =	vsel vm0, v6, v4;
	[tilespmem:s18+$0xFFFFFF90] =	vst v8  }
0x86: {  	v3 =	vsel vm0, v3, v7;
	[tilespmem:s9+$0xFFFFFFF0] =	vst v4  }
0x87: {  	s12 =	simm.s32 $0x170;
	[tilespmem:s8+$0xFFFFFF90] =	vst v3  }
0x88: {  	s19 =	simm.s32 $0x8170;
	v4 =	vld [tilespmem:s12+$0x0]  }
0x89: {  	v5 =	vld [tilespmem:s19+$0x0]  }
0x8a: {  	v3 =	vld [tilespmem:s19+$0xFFFFFF90]  }
0x8b: {  	v6 =	vld [tilespmem:s12+$0xFFFFFFA0]  }
0x8c: {  	v7 =	vbroadcast v1, $0x2;
	v8 =	vld [tilespmem:s19+$0xFFFFFFA0]  }
0x8d: {  	v9 =	vbroadcast v2, $0x2;
	v10 =	vld [tilespmem:s12+$0xFFFFFFB0]  }
0x8e: {  	vm1 =	vge.f32 v7, v0;
	v7 =	vld [tilespmem:s19+$0xFFFFFFB0]  }
0x8f: {  	vm0 =	vge.f32 v9, v0;
	s18 =	simm.s32 $0x10170;
	v11 =	vld [tilespmem:s12+$0xFFFFFFC0];
	v9 =	vsel vm1, v4, v5  }
0x90: {  	s8 =	simm.s32 $0x14170;
	v4 =	vsel vm0, v5, v4;
	[tilespmem:s18+$0x0] =	vst v9;
	v9 =	vld [tilespmem:s19+$0xFFFFFFC0]  }
0x91: {  	v12 =	vld [tilespmem:s12+$0xFFFFFFD0];
	[tilespmem:s8+$0x0] =	vst v4;
	v4 =	vsel vm1, v6, v8  }
0x92: {  	v13 =	vld [tilespmem:s19+$0xFFFFFFD0];
	v5 =	vsel vm0, v8, v6;
	[tilespmem:s18+$0xFFFFFFA0] =	vst v4  }
0x93: {  	v8 =	vld [tilespmem:s19+$0xFFFFFFE0];
	v4 =	vsel vm1, v10, v7;
	[tilespmem:s8+$0xFFFFFFA0] =	vst v5  }
0x94: {  	v6 =	vsel vm0, v7, v10;
	v5 =	vld [tilespmem:s12+$0xFFFFFFE0];
	[tilespmem:s18+$0xFFFFFFB0] =	vst v4  }
0x95: {  	v4 =	vld [tilespmem:s12+$0xFFFFFFF0];
	[tilespmem:s8+$0xFFFFFFB0] =	vst v6;
	v6 =	vsel vm1, v11, v9  }
0x96: {  	v9 =	vsel vm0, v9, v11;
	[tilespmem:s18+$0xFFFFFFC0] =	vst v6;
	v6 =	vld [tilespmem:s19+$0xFFFFFFF0]  }
0x97: {  	s10 =	simm.s32 $0x0;
	s11 =	simm.s32 $0x570;
	s9 =	simm.s32 $0x14170;
	v7 =	vld [tilespmem:s12+$0xFFFFFF90];
	v10 =	vsel vm1, v12, v13;
	[tilespmem:s8+$0xFFFFFFC0] =	vst v9;
	v9 =	vsel vm0, v13, v12  }
.LBB2_7:
0x98: {  	v11 =	vld [tilespmem:s11+$0x0];
	[tilespmem:s18+$0xFFFFFFD0] =	vst v10;
	s19 =	sadd.s32 $0x400, s19  }
0x99: {  	v10 =	vld [tilespmem:s19+$0x0];
	[tilespmem:s8+$0xFFFFFFD0] =	vst v9;
	v9 =	vsel vm1, v5, v8;
	v5 =	vsel vm0, v8, v5  }
0x9a: {  	s10 =	sadd.s32 $0x80, s10;
	v8 =	vld [tilespmem:s19+$0xFFFFFF90];
	[tilespmem:s18+$0xFFFFFFE0] =	vst v9  }
0x9b: {  	p1 =	slt.u32 s10, $0x380;
	v9 =	vld [tilespmem:s11+$0xFFFFFFA0];
	[tilespmem:s8+$0xFFFFFFE0] =	vst v5;
	v5 =	vsel vm1, v4, v6;
	v4 =	vsel vm0, v6, v4  }
0x9c: {  	v6 =	vld [tilespmem:s19+$0xFFFFFFA0];
	v12 =	vsel vm1, v7, v3;
	v3 =	vsel vm0, v3, v7;
	[tilespmem:s18+$0xFFFFFFF0] =	vst v5  }
0x9d: {  	v5 =	vld [tilespmem:s11+$0xFFFFFFB0];
	[tilespmem:s18+$0xFFFFFF90] =	vst v12  }
0x9e: {  	s18 =	sadd.s32 $0x400, s18;
	v7 =	vld [tilespmem:s19+$0xFFFFFFB0];
	v12 =	vsel vm1, v11, v10;
	[tilespmem:s8+$0xFFFFFF90] =	vst v3  }
0x9f: {  	v10 =	vsel vm0, v10, v11;
	s8 =	sadd.s32 $0x400, s8;
	v13 =	vld [tilespmem:s11+$0xFFFFFFC0];
	[tilespmem:s18+$0x0] =	vst v12;
	v3 =	vmov v8  }
0xa0: {  	v11 =	vld [tilespmem:s19+$0xFFFFFFC0];
	[tilespmem:s8+$0x0] =	vst v10  }
0xa1: {  	v8 =	vsel vm1, v9, v6;
	v6 =	vsel vm0, v6, v9;
	v9 =	vld [tilespmem:s11+$0xFFFFFFD0];
	[tilespmem:s9+$0xFFFFFFF0] =	vst v4;
	s9 =	smov.u32 s8  }
0xa2: {  	[tilespmem:s18+$0xFFFFFFA0] =	vst v8;
	v12 =	vld [tilespmem:s19+$0xFFFFFFD0]  }
.Ltmp2:
0xa3: {  	[tilespmem:s8+$0xFFFFFFA0] =	vst v6;
	v4 =	vsel vm1, v5, v7;
	v6 =	vsel vm0, v7, v5;
	v5 =	vld [tilespmem:s11+$0xFFFFFFE0];
	(pc) =	sbr.rel @p1 .LBB2_7-.Ltmp2, $4  }
0xa4: {  	[tilespmem:s18+$0xFFFFFFB0] =	vst v4;
	v8 =	vld [tilespmem:s19+$0xFFFFFFE0]  }
0xa5: {  	[tilespmem:s8+$0xFFFFFFB0] =	vst v6;
	v6 =	vsel vm1, v13, v11;
	v10 =	vsel vm0, v11, v13;
	v4 =	vld [tilespmem:s11+$0xFFFFFFF0]  }
0xa6: {  	[tilespmem:s18+$0xFFFFFFC0] =	vst v6;
	v6 =	vld [tilespmem:s19+$0xFFFFFFF0]  }
0xa7: {  	v7 =	vld [tilespmem:s11+$0xFFFFFF90];
	[tilespmem:s8+$0xFFFFFFC0] =	vst v10;
	v10 =	vsel vm1, v9, v12;
	v9 =	vsel vm0, v12, v9;
	s11 =	sadd.s32 $0x400, s11  }
0xa8: {  	[tilespmem:s18+$0xFFFFFFD0] =	vst v10  }
0xa9: {  	[tilespmem:s8+$0xFFFFFFD0] =	vst v9;
	v9 =	vsel vm1, v5, v8  }
0xaa: {  	v5 =	vsel vm0, v8, v5;
	[tilespmem:s18+$0xFFFFFFE0] =	vst v9  }
0xab: {  	[tilespmem:s8+$0xFFFFFFE0] =	vst v5;
	v5 =	vsel vm1, v4, v6  }
0xac: {  	v8 =	vsel vm1, v7, v3;
	[tilespmem:s18+$0xFFFFFFF0] =	vst v5  }
0xad: {  	v4 =	vsel vm0, v6, v4;
	[tilespmem:s18+$0xFFFFFF90] =	vst v8  }
0xae: {  	v3 =	vsel vm0, v3, v7;
	[tilespmem:s9+$0xFFFFFFF0] =	vst v4  }
0xaf: {  	s12 =	simm.s32 $0x1F0;
	[tilespmem:s8+$0xFFFFFF90] =	vst v3  }
0xb0: {  	s19 =	simm.s32 $0x81F0;
	v4 =	vld [tilespmem:s12+$0x0]  }
0xb1: {  	v5 =	vld [tilespmem:s19+$0x0]  }
0xb2: {  	v3 =	vld [tilespmem:s19+$0xFFFFFF90]  }
0xb3: {  	v6 =	vld [tilespmem:s12+$0xFFFFFFA0]  }
0xb4: {  	v7 =	vbroadcast v1, $0x3;
	v8 =	vld [tilespmem:s19+$0xFFFFFFA0]  }
0xb5: {  	v9 =	vbroadcast v2, $0x3;
	v10 =	vld [tilespmem:s12+$0xFFFFFFB0]  }
0xb6: {  	vm1 =	vge.f32 v7, v0;
	v7 =	vld [tilespmem:s19+$0xFFFFFFB0]  }
0xb7: {  	vm0 =	vge.f32 v9, v0;
	s18 =	simm.s32 $0x101F0;
	v11 =	vld [tilespmem:s12+$0xFFFFFFC0];
	v9 =	vsel vm1, v4, v5  }
0xb8: {  	s8 =	simm.s32 $0x141F0;
	v4 =	vsel vm0, v5, v4;
	[tilespmem:s18+$0x0] =	vst v9;
	v9 =	vld [tilespmem:s19+$0xFFFFFFC0]  }
0xb9: {  	v12 =	vld [tilespmem:s12+$0xFFFFFFD0];
	[tilespmem:s8+$0x0] =	vst v4;
	v4 =	vsel vm1, v6, v8  }
0xba: {  	v13 =	vld [tilespmem:s19+$0xFFFFFFD0];
	v5 =	vsel vm0, v8, v6;
	[tilespmem:s18+$0xFFFFFFA0] =	vst v4  }
0xbb: {  	v8 =	vld [tilespmem:s19+$0xFFFFFFE0];
	v4 =	vsel vm1, v10, v7;
	[tilespmem:s8+$0xFFFFFFA0] =	vst v5  }
0xbc: {  	v6 =	vsel vm0, v7, v10;
	v5 =	vld [tilespmem:s12+$0xFFFFFFE0];
	[tilespmem:s18+$0xFFFFFFB0] =	vst v4  }
0xbd: {  	v4 =	vld [tilespmem:s12+$0xFFFFFFF0];
	[tilespmem:s8+$0xFFFFFFB0] =	vst v6;
	v6 =	vsel vm1, v11, v9  }
0xbe: {  	v9 =	vsel vm0, v9, v11;
	[tilespmem:s18+$0xFFFFFFC0] =	vst v6;
	v6 =	vld [tilespmem:s19+$0xFFFFFFF0]  }
0xbf: {  	s10 =	simm.s32 $0x0;
	s11 =	simm.s32 $0x5F0;
	s9 =	simm.s32 $0x141F0;
	v7 =	vld [tilespmem:s12+$0xFFFFFF90];
	v10 =	vsel vm1, v12, v13;
	[tilespmem:s8+$0xFFFFFFC0] =	vst v9;
	v9 =	vsel vm0, v13, v12  }
.LBB2_9:
0xc0: {  	v11 =	vld [tilespmem:s11+$0x0];
	[tilespmem:s18+$0xFFFFFFD0] =	vst v10;
	s19 =	sadd.s32 $0x400, s19  }
0xc1: {  	v10 =	vld [tilespmem:s19+$0x0];
	[tilespmem:s8+$0xFFFFFFD0] =	vst v9;
	v9 =	vsel vm1, v5, v8;
	v5 =	vsel vm0, v8, v5  }
0xc2: {  	s10 =	sadd.s32 $0x80, s10;
	v8 =	vld [tilespmem:s19+$0xFFFFFF90];
	[tilespmem:s18+$0xFFFFFFE0] =	vst v9  }
0xc3: {  	p1 =	slt.u32 s10, $0x380;
	v9 =	vld [tilespmem:s11+$0xFFFFFFA0];
	[tilespmem:s8+$0xFFFFFFE0] =	vst v5;
	v5 =	vsel vm1, v4, v6;
	v4 =	vsel vm0, v6, v4  }
0xc4: {  	v6 =	vld [tilespmem:s19+$0xFFFFFFA0];
	v12 =	vsel vm1, v7, v3;
	v3 =	vsel vm0, v3, v7;
	[tilespmem:s18+$0xFFFFFFF0] =	vst v5  }
0xc5: {  	v5 =	vld [tilespmem:s11+$0xFFFFFFB0];
	[tilespmem:s18+$0xFFFFFF90] =	vst v12  }
0xc6: {  	s18 =	sadd.s32 $0x400, s18;
	v7 =	vld [tilespmem:s19+$0xFFFFFFB0];
	v12 =	vsel vm1, v11, v10;
	[tilespmem:s8+$0xFFFFFF90] =	vst v3  }
0xc7: {  	v10 =	vsel vm0, v10, v11;
	s8 =	sadd.s32 $0x400, s8;
	v13 =	vld [tilespmem:s11+$0xFFFFFFC0];
	[tilespmem:s18+$0x0] =	vst v12;
	v3 =	vmov v8  }
0xc8: {  	v11 =	vld [tilespmem:s19+$0xFFFFFFC0];
	[tilespmem:s8+$0x0] =	vst v10  }
0xc9: {  	v8 =	vsel vm1, v9, v6;
	v6 =	vsel vm0, v6, v9;
	v9 =	vld [tilespmem:s11+$0xFFFFFFD0];
	[tilespmem:s9+$0xFFFFFFF0] =	vst v4;
	s9 =	smov.u32 s8  }
0xca: {  	[tilespmem:s18+$0xFFFFFFA0] =	vst v8;
	v12 =	vld [tilespmem:s19+$0xFFFFFFD0]  }
.Ltmp3:
0xcb: {  	[tilespmem:s8+$0xFFFFFFA0] =	vst v6;
	v4 =	vsel vm1, v5, v7;
	v6 =	vsel vm0, v7, v5;
	v5 =	vld [tilespmem:s11+$0xFFFFFFE0];
	(pc) =	sbr.rel @p1 .LBB2_9-.Ltmp3, $4  }
0xcc: {  	[tilespmem:s18+$0xFFFFFFB0] =	vst v4;
	v8 =	vld [tilespmem:s19+$0xFFFFFFE0]  }
0xcd: {  	[tilespmem:s8+$0xFFFFFFB0] =	vst v6;
	v6 =	vsel vm1, v13, v11;
	v10 =	vsel vm0, v11, v13;
	v4 =	vld [tilespmem:s11+$0xFFFFFFF0]  }
0xce: {  	[tilespmem:s18+$0xFFFFFFC0] =	vst v6;
	v6 =	vld [tilespmem:s19+$0xFFFFFFF0]  }
0xcf: {  	v7 =	vld [tilespmem:s11+$0xFFFFFF90];
	[tilespmem:s8+$0xFFFFFFC0] =	vst v10;
	v10 =	vsel vm1, v9, v12;
	v9 =	vsel vm0, v12, v9;
	s11 =	sadd.s32 $0x400, s11  }
0xd0: {  	[tilespmem:s18+$0xFFFFFFD0] =	vst v10  }
0xd1: {  	[tilespmem:s8+$0xFFFFFFD0] =	vst v9;
	v9 =	vsel vm1, v5, v8  }
0xd2: {  	v5 =	vsel vm0, v8, v5;
	[tilespmem:s18+$0xFFFFFFE0] =	vst v9  }
0xd3: {  	[tilespmem:s8+$0xFFFFFFE0] =	vst v5;
	v5 =	vsel vm1, v4, v6  }
0xd4: {  	v8 =	vsel vm1, v7, v3;
	[tilespmem:s18+$0xFFFFFFF0] =	vst v5  }
0xd5: {  	v4 =	vsel vm0, v6, v4;
	[tilespmem:s18+$0xFFFFFF90] =	vst v8  }
0xd6: {  	v3 =	vsel vm0, v3, v7;
	[tilespmem:s9+$0xFFFFFFF0] =	vst v4  }
0xd7: {  	s12 =	simm.s32 $0x270;
	[tilespmem:s8+$0xFFFFFF90] =	vst v3  }
0xd8: {  	s19 =	simm.s32 $0x8270;
	v4 =	vld [tilespmem:s12+$0x0]  }
0xd9: {  	v5 =	vld [tilespmem:s19+$0x0]  }
0xda: {  	v3 =	vld [tilespmem:s19+$0xFFFFFF90]  }
0xdb: {  	v6 =	vld [tilespmem:s12+$0xFFFFFFA0]  }
0xdc: {  	v7 =	vbroadcast v1, $0x4;
	v8 =	vld [tilespmem:s19+$0xFFFFFFA0]  }
0xdd: {  	v9 =	vbroadcast v2, $0x4;
	v10 =	vld [tilespmem:s12+$0xFFFFFFB0]  }
0xde: {  	vm1 =	vge.f32 v7, v0;
	v7 =	vld [tilespmem:s19+$0xFFFFFFB0]  }
0xdf: {  	vm0 =	vge.f32 v9, v0;
	s18 =	simm.s32 $0x10270;
	v11 =	vld [tilespmem:s12+$0xFFFFFFC0];
	v9 =	vsel vm1, v4, v5  }
0xe0: {  	s8 =	simm.s32 $0x14270;
	v4 =	vsel vm0, v5, v4;
	[tilespmem:s18+$0x0] =	vst v9;
	v9 =	vld [tilespmem:s19+$0xFFFFFFC0]  }
0xe1: {  	v12 =	vld [tilespmem:s12+$0xFFFFFFD0];
	[tilespmem:s8+$0x0] =	vst v4;
	v4 =	vsel vm1, v6, v8  }
0xe2: {  	v13 =	vld [tilespmem:s19+$0xFFFFFFD0];
	v5 =	vsel vm0, v8, v6;
	[tilespmem:s18+$0xFFFFFFA0] =	vst v4  }
0xe3: {  	v8 =	vld [tilespmem:s19+$0xFFFFFFE0];
	v4 =	vsel vm1, v10, v7;
	[tilespmem:s8+$0xFFFFFFA0] =	vst v5  }
0xe4: {  	v6 =	vsel vm0, v7, v10;
	v5 =	vld [tilespmem:s12+$0xFFFFFFE0];
	[tilespmem:s18+$0xFFFFFFB0] =	vst v4  }
0xe5: {  	v4 =	vld [tilespmem:s12+$0xFFFFFFF0];
	[tilespmem:s8+$0xFFFFFFB0] =	vst v6;
	v6 =	vsel vm1, v11, v9  }
0xe6: {  	v9 =	vsel vm0, v9, v11;
	[tilespmem:s18+$0xFFFFFFC0] =	vst v6;
	v6 =	vld [tilespmem:s19+$0xFFFFFFF0]  }
0xe7: {  	s10 =	simm.s32 $0x0;
	s11 =	simm.s32 $0x670;
	s9 =	simm.s32 $0x14270;
	v7 =	vld [tilespmem:s12+$0xFFFFFF90];
	v10 =	vsel vm1, v12, v13;
	[tilespmem:s8+$0xFFFFFFC0] =	vst v9;
	v9 =	vsel vm0, v13, v12  }
.LBB2_11:
0xe8: {  	v11 =	vld [tilespmem:s11+$0x0];
	[tilespmem:s18+$0xFFFFFFD0] =	vst v10;
	s19 =	sadd.s32 $0x400, s19  }
0xe9: {  	v10 =	vld [tilespmem:s19+$0x0];
	[tilespmem:s8+$0xFFFFFFD0] =	vst v9;
	v9 =	vsel vm1, v5, v8;
	v5 =	vsel vm0, v8, v5  }
0xea: {  	s10 =	sadd.s32 $0x80, s10;
	v8 =	vld [tilespmem:s19+$0xFFFFFF90];
	[tilespmem:s18+$0xFFFFFFE0] =	vst v9  }
0xeb: {  	p1 =	slt.u32 s10, $0x380;
	v9 =	vld [tilespmem:s11+$0xFFFFFFA0];
	[tilespmem:s8+$0xFFFFFFE0] =	vst v5;
	v5 =	vsel vm1, v4, v6;
	v4 =	vsel vm0, v6, v4  }
0xec: {  	v6 =	vld [tilespmem:s19+$0xFFFFFFA0];
	v12 =	vsel vm1, v7, v3;
	v3 =	vsel vm0, v3, v7;
	[tilespmem:s18+$0xFFFFFFF0] =	vst v5  }
0xed: {  	v5 =	vld [tilespmem:s11+$0xFFFFFFB0];
	[tilespmem:s18+$0xFFFFFF90] =	vst v12  }
0xee: {  	s18 =	sadd.s32 $0x400, s18;
	v7 =	vld [tilespmem:s19+$0xFFFFFFB0];
	v12 =	vsel vm1, v11, v10;
	[tilespmem:s8+$0xFFFFFF90] =	vst v3  }
0xef: {  	v10 =	vsel vm0, v10, v11;
	s8 =	sadd.s32 $0x400, s8;
	v13 =	vld [tilespmem:s11+$0xFFFFFFC0];
	[tilespmem:s18+$0x0] =	vst v12;
	v3 =	vmov v8  }
0xf0: {  	v11 =	vld [tilespmem:s19+$0xFFFFFFC0];
	[tilespmem:s8+$0x0] =	vst v10  }
0xf1: {  	v8 =	vsel vm1, v9, v6;
	v6 =	vsel vm0, v6, v9;
	v9 =	vld [tilespmem:s11+$0xFFFFFFD0];
	[tilespmem:s9+$0xFFFFFFF0] =	vst v4;
	s9 =	smov.u32 s8  }
0xf2: {  	[tilespmem:s18+$0xFFFFFFA0] =	vst v8;
	v12 =	vld [tilespmem:s19+$0xFFFFFFD0]  }
.Ltmp4:
0xf3: {  	[tilespmem:s8+$0xFFFFFFA0] =	vst v6;
	v4 =	vsel vm1, v5, v7;
	v6 =	vsel vm0, v7, v5;
	v5 =	vld [tilespmem:s11+$0xFFFFFFE0];
	(pc) =	sbr.rel @p1 .LBB2_11-.Ltmp4, $4  }
0xf4: {  	[tilespmem:s18+$0xFFFFFFB0] =	vst v4;
	v8 =	vld [tilespmem:s19+$0xFFFFFFE0]  }
0xf5: {  	[tilespmem:s8+$0xFFFFFFB0] =	vst v6;
	v6 =	vsel vm1, v13, v11;
	v10 =	vsel vm0, v11, v13;
	v4 =	vld [tilespmem:s11+$0xFFFFFFF0]  }
0xf6: {  	[tilespmem:s18+$0xFFFFFFC0] =	vst v6;
	v6 =	vld [tilespmem:s19+$0xFFFFFFF0]  }
0xf7: {  	v7 =	vld [tilespmem:s11+$0xFFFFFF90];
	[tilespmem:s8+$0xFFFFFFC0] =	vst v10;
	v10 =	vsel vm1, v9, v12;
	v9 =	vsel vm0, v12, v9;
	s11 =	sadd.s32 $0x400, s11  }
0xf8: {  	[tilespmem:s18+$0xFFFFFFD0] =	vst v10  }
0xf9: {  	[tilespmem:s8+$0xFFFFFFD0] =	vst v9;
	v9 =	vsel vm1, v5, v8  }
0xfa: {  	v5 =	vsel vm0, v8, v5;
	[tilespmem:s18+$0xFFFFFFE0] =	vst v9  }
0xfb: {  	[tilespmem:s8+$0xFFFFFFE0] =	vst v5;
	v5 =	vsel vm1, v4, v6  }
0xfc: {  	v8 =	vsel vm1, v7, v3;
	[tilespmem:s18+$0xFFFFFFF0] =	vst v5  }
0xfd: {  	v4 =	vsel vm0, v6, v4;
	[tilespmem:s18+$0xFFFFFF90] =	vst v8  }
0xfe: {  	v3 =	vsel vm0, v3, v7;
	[tilespmem:s9+$0xFFFFFFF0] =	vst v4  }
0xff: {  	s12 =	simm.s32 $0x2F0;
	[tilespmem:s8+$0xFFFFFF90] =	vst v3  }
0x100: {  	s19 =	simm.s32 $0x82F0;
	v4 =	vld [tilespmem:s12+$0x0]  }
0x101: {  	v5 =	vld [tilespmem:s19+$0x0]  }
0x102: {  	v3 =	vld [tilespmem:s19+$0xFFFFFF90]  }
0x103: {  	v6 =	vld [tilespmem:s12+$0xFFFFFFA0]  }
0x104: {  	v7 =	vbroadcast v1, $0x5;
	v8 =	vld [tilespmem:s19+$0xFFFFFFA0]  }
0x105: {  	v9 =	vbroadcast v2, $0x5;
	v10 =	vld [tilespmem:s12+$0xFFFFFFB0]  }
0x106: {  	vm1 =	vge.f32 v7, v0;
	v7 =	vld [tilespmem:s19+$0xFFFFFFB0]  }
0x107: {  	vm0 =	vge.f32 v9, v0;
	s18 =	simm.s32 $0x102F0;
	v11 =	vld [tilespmem:s12+$0xFFFFFFC0];
	v9 =	vsel vm1, v4, v5  }
0x108: {  	s8 =	simm.s32 $0x142F0;
	v4 =	vsel vm0, v5, v4;
	[tilespmem:s18+$0x0] =	vst v9;
	v9 =	vld [tilespmem:s19+$0xFFFFFFC0]  }
0x109: {  	v12 =	vld [tilespmem:s12+$0xFFFFFFD0];
	[tilespmem:s8+$0x0] =	vst v4;
	v4 =	vsel vm1, v6, v8  }
0x10a: {  	v13 =	vld [tilespmem:s19+$0xFFFFFFD0];
	v5 =	vsel vm0, v8, v6;
	[tilespmem:s18+$0xFFFFFFA0] =	vst v4  }
0x10b: {  	v8 =	vld [tilespmem:s19+$0xFFFFFFE0];
	v4 =	vsel vm1, v10, v7;
	[tilespmem:s8+$0xFFFFFFA0] =	vst v5  }
0x10c: {  	v6 =	vsel vm0, v7, v10;
	v5 =	vld [tilespmem:s12+$0xFFFFFFE0];
	[tilespmem:s18+$0xFFFFFFB0] =	vst v4  }
0x10d: {  	v4 =	vld [tilespmem:s12+$0xFFFFFFF0];
	[tilespmem:s8+$0xFFFFFFB0] =	vst v6;
	v6 =	vsel vm1, v11, v9  }
0x10e: {  	v9 =	vsel vm0, v9, v11;
	[tilespmem:s18+$0xFFFFFFC0] =	vst v6;
	v6 =	vld [tilespmem:s19+$0xFFFFFFF0]  }
0x10f: {  	s10 =	simm.s32 $0x0;
	s11 =	simm.s32 $0x6F0;
	s9 =	simm.s32 $0x142F0;
	v7 =	vld [tilespmem:s12+$0xFFFFFF90];
	v10 =	vsel vm1, v12, v13;
	[tilespmem:s8+$0xFFFFFFC0] =	vst v9;
	v9 =	vsel vm0, v13, v12  }
.LBB2_13:
0x110: {  	v11 =	vld [tilespmem:s11+$0x0];
	[tilespmem:s18+$0xFFFFFFD0] =	vst v10;
	s19 =	sadd.s32 $0x400, s19  }
0x111: {  	v10 =	vld [tilespmem:s19+$0x0];
	[tilespmem:s8+$0xFFFFFFD0] =	vst v9;
	v9 =	vsel vm1, v5, v8;
	v5 =	vsel vm0, v8, v5  }
0x112: {  	s10 =	sadd.s32 $0x80, s10;
	v8 =	vld [tilespmem:s19+$0xFFFFFF90];
	[tilespmem:s18+$0xFFFFFFE0] =	vst v9  }
0x113: {  	p1 =	slt.u32 s10, $0x380;
	v9 =	vld [tilespmem:s11+$0xFFFFFFA0];
	[tilespmem:s8+$0xFFFFFFE0] =	vst v5;
	v5 =	vsel vm1, v4, v6;
	v4 =	vsel vm0, v6, v4  }
0x114: {  	v6 =	vld [tilespmem:s19+$0xFFFFFFA0];
	v12 =	vsel vm1, v7, v3;
	v3 =	vsel vm0, v3, v7;
	[tilespmem:s18+$0xFFFFFFF0] =	vst v5  }
0x115: {  	v5 =	vld [tilespmem:s11+$0xFFFFFFB0];
	[tilespmem:s18+$0xFFFFFF90] =	vst v12  }
0x116: {  	s18 =	sadd.s32 $0x400, s18;
	v7 =	vld [tilespmem:s19+$0xFFFFFFB0];
	v12 =	vsel vm1, v11, v10;
	[tilespmem:s8+$0xFFFFFF90] =	vst v3  }
0x117: {  	v10 =	vsel vm0, v10, v11;
	s8 =	sadd.s32 $0x400, s8;
	v13 =	vld [tilespmem:s11+$0xFFFFFFC0];
	[tilespmem:s18+$0x0] =	vst v12;
	v3 =	vmov v8  }
0x118: {  	v11 =	vld [tilespmem:s19+$0xFFFFFFC0];
	[tilespmem:s8+$0x0] =	vst v10  }
0x119: {  	v8 =	vsel vm1, v9, v6;
	v6 =	vsel vm0, v6, v9;
	v9 =	vld [tilespmem:s11+$0xFFFFFFD0];
	[tilespmem:s9+$0xFFFFFFF0] =	vst v4;
	s9 =	smov.u32 s8  }
0x11a: {  	[tilespmem:s18+$0xFFFFFFA0] =	vst v8;
	v12 =	vld [tilespmem:s19+$0xFFFFFFD0]  }
.Ltmp5:
0x11b: {  	[tilespmem:s8+$0xFFFFFFA0] =	vst v6;
	v4 =	vsel vm1, v5, v7;
	v6 =	vsel vm0, v7, v5;
	v5 =	vld [tilespmem:s11+$0xFFFFFFE0];
	(pc) =	sbr.rel @p1 .LBB2_13-.Ltmp5, $4  }
0x11c: {  	[tilespmem:s18+$0xFFFFFFB0] =	vst v4;
	v8 =	vld [tilespmem:s19+$0xFFFFFFE0]  }
0x11d: {  	[tilespmem:s8+$0xFFFFFFB0] =	vst v6;
	v6 =	vsel vm1, v13, v11;
	v10 =	vsel vm0, v11, v13;
	v4 =	vld [tilespmem:s11+$0xFFFFFFF0]  }
0x11e: {  	[tilespmem:s18+$0xFFFFFFC0] =	vst v6;
	v6 =	vld [tilespmem:s19+$0xFFFFFFF0]  }
0x11f: {  	v7 =	vld [tilespmem:s11+$0xFFFFFF90];
	[tilespmem:s8+$0xFFFFFFC0] =	vst v10;
	v10 =	vsel vm1, v9, v12;
	v9 =	vsel vm0, v12, v9;
	s11 =	sadd.s32 $0x400, s11  }
0x120: {  	[tilespmem:s18+$0xFFFFFFD0] =	vst v10  }
0x121: {  	[tilespmem:s8+$0xFFFFFFD0] =	vst v9;
	v9 =	vsel vm1, v5, v8  }
0x122: {  	v5 =	vsel vm0, v8, v5;
	[tilespmem:s18+$0xFFFFFFE0] =	vst v9  }
0x123: {  	[tilespmem:s8+$0xFFFFFFE0] =	vst v5;
	v5 =	vsel vm1, v4, v6  }
0x124: {  	v8 =	vsel vm1, v7, v3;
	[tilespmem:s18+$0xFFFFFFF0] =	vst v5  }
0x125: {  	v4 =	vsel vm0, v6, v4;
	[tilespmem:s18+$0xFFFFFF90] =	vst v8  }
0x126: {  	v3 =	vsel vm0, v3, v7;
	[tilespmem:s9+$0xFFFFFFF0] =	vst v4  }
0x127: {  	s12 =	simm.s32 $0x370;
	[tilespmem:s8+$0xFFFFFF90] =	vst v3  }
0x128: {  	s19 =	simm.s32 $0x8370;
	v4 =	vld [tilespmem:s12+$0x0]  }
0x129: {  	v5 =	vld [tilespmem:s19+$0x0]  }
0x12a: {  	v3 =	vld [tilespmem:s19+$0xFFFFFF90]  }
0x12b: {  	v6 =	vld [tilespmem:s12+$0xFFFFFFA0]  }
0x12c: {  	v7 =	vbroadcast v1, $0x6;
	v8 =	vld [tilespmem:s19+$0xFFFFFFA0]  }
0x12d: {  	v9 =	vbroadcast v2, $0x6;
	v10 =	vld [tilespmem:s12+$0xFFFFFFB0]  }
0x12e: {  	vm1 =	vge.f32 v7, v0;
	v7 =	vld [tilespmem:s19+$0xFFFFFFB0]  }
0x12f: {  	vm0 =	vge.f32 v9, v0;
	s18 =	simm.s32 $0x10370;
	v11 =	vld [tilespmem:s12+$0xFFFFFFC0];
	v9 =	vsel vm1, v4, v5  }
0x130: {  	s8 =	simm.s32 $0x14370;
	v4 =	vsel vm0, v5, v4;
	[tilespmem:s18+$0x0] =	vst v9;
	v9 =	vld [tilespmem:s19+$0xFFFFFFC0]  }
0x131: {  	v12 =	vld [tilespmem:s12+$0xFFFFFFD0];
	[tilespmem:s8+$0x0] =	vst v4;
	v4 =	vsel vm1, v6, v8  }
0x132: {  	v13 =	vld [tilespmem:s19+$0xFFFFFFD0];
	v5 =	vsel vm0, v8, v6;
	[tilespmem:s18+$0xFFFFFFA0] =	vst v4  }
0x133: {  	v8 =	vld [tilespmem:s19+$0xFFFFFFE0];
	v4 =	vsel vm1, v10, v7;
	[tilespmem:s8+$0xFFFFFFA0] =	vst v5  }
0x134: {  	v6 =	vsel vm0, v7, v10;
	v5 =	vld [tilespmem:s12+$0xFFFFFFE0];
	[tilespmem:s18+$0xFFFFFFB0] =	vst v4  }
0x135: {  	v4 =	vld [tilespmem:s12+$0xFFFFFFF0];
	[tilespmem:s8+$0xFFFFFFB0] =	vst v6;
	v6 =	vsel vm1, v11, v9  }
0x136: {  	v9 =	vsel vm0, v9, v11;
	[tilespmem:s18+$0xFFFFFFC0] =	vst v6;
	v6 =	vld [tilespmem:s19+$0xFFFFFFF0]  }
0x137: {  	s10 =	simm.s32 $0x0;
	s11 =	simm.s32 $0x770;
	s9 =	simm.s32 $0x14370;
	v7 =	vld [tilespmem:s12+$0xFFFFFF90];
	v10 =	vsel vm1, v12, v13;
	[tilespmem:s8+$0xFFFFFFC0] =	vst v9;
	v9 =	vsel vm0, v13, v12  }
.LBB2_15:
0x138: {  	v11 =	vld [tilespmem:s11+$0x0];
	[tilespmem:s18+$0xFFFFFFD0] =	vst v10;
	s19 =	sadd.s32 $0x400, s19  }
0x139: {  	v10 =	vld [tilespmem:s19+$0x0];
	[tilespmem:s8+$0xFFFFFFD0] =	vst v9;
	v9 =	vsel vm1, v5, v8;
	v5 =	vsel vm0, v8, v5  }
0x13a: {  	s10 =	sadd.s32 $0x80, s10;
	v8 =	vld [tilespmem:s19+$0xFFFFFF90];
	[tilespmem:s18+$0xFFFFFFE0] =	vst v9  }
0x13b: {  	p1 =	slt.u32 s10, $0x380;
	v9 =	vld [tilespmem:s11+$0xFFFFFFA0];
	[tilespmem:s8+$0xFFFFFFE0] =	vst v5;
	v5 =	vsel vm1, v4, v6;
	v4 =	vsel vm0, v6, v4  }
0x13c: {  	v6 =	vld [tilespmem:s19+$0xFFFFFFA0];
	v12 =	vsel vm1, v7, v3;
	v3 =	vsel vm0, v3, v7;
	[tilespmem:s18+$0xFFFFFFF0] =	vst v5  }
0x13d: {  	v5 =	vld [tilespmem:s11+$0xFFFFFFB0];
	[tilespmem:s18+$0xFFFFFF90] =	vst v12  }
0x13e: {  	s18 =	sadd.s32 $0x400, s18;
	v7 =	vld [tilespmem:s19+$0xFFFFFFB0];
	v12 =	vsel vm1, v11, v10;
	[tilespmem:s8+$0xFFFFFF90] =	vst v3  }
0x13f: {  	v10 =	vsel vm0, v10, v11;
	s8 =	sadd.s32 $0x400, s8;
	v13 =	vld [tilespmem:s11+$0xFFFFFFC0];
	[tilespmem:s18+$0x0] =	vst v12;
	v3 =	vmov v8  }
0x140: {  	v11 =	vld [tilespmem:s19+$0xFFFFFFC0];
	[tilespmem:s8+$0x0] =	vst v10  }
0x141: {  	v8 =	vsel vm1, v9, v6;
	v6 =	vsel vm0, v6, v9;
	v9 =	vld [tilespmem:s11+$0xFFFFFFD0];
	[tilespmem:s9+$0xFFFFFFF0] =	vst v4;
	s9 =	smov.u32 s8  }
0x142: {  	[tilespmem:s18+$0xFFFFFFA0] =	vst v8;
	v12 =	vld [tilespmem:s19+$0xFFFFFFD0]  }
.Ltmp6:
0x143: {  	[tilespmem:s8+$0xFFFFFFA0] =	vst v6;
	v4 =	vsel vm1, v5, v7;
	v6 =	vsel vm0, v7, v5;
	v5 =	vld [tilespmem:s11+$0xFFFFFFE0];
	(pc) =	sbr.rel @p1 .LBB2_15-.Ltmp6, $4  }
0x144: {  	[tilespmem:s18+$0xFFFFFFB0] =	vst v4;
	v8 =	vld [tilespmem:s19+$0xFFFFFFE0]  }
0x145: {  	[tilespmem:s8+$0xFFFFFFB0] =	vst v6;
	v6 =	vsel vm1, v13, v11;
	v10 =	vsel vm0, v11, v13;
	v4 =	vld [tilespmem:s11+$0xFFFFFFF0]  }
0x146: {  	[tilespmem:s18+$0xFFFFFFC0] =	vst v6;
	v6 =	vld [tilespmem:s19+$0xFFFFFFF0]  }
0x147: {  	v7 =	vld [tilespmem:s11+$0xFFFFFF90];
	[tilespmem:s8+$0xFFFFFFC0] =	vst v10;
	v10 =	vsel vm1, v9, v12;
	v9 =	vsel vm0, v12, v9;
	s11 =	sadd.s32 $0x400, s11  }
0x148: {  	[tilespmem:s18+$0xFFFFFFD0] =	vst v10  }
0x149: {  	[tilespmem:s8+$0xFFFFFFD0] =	vst v9;
	v9 =	vsel vm1, v5, v8  }
0x14a: {  	v5 =	vsel vm0, v8, v5;
	[tilespmem:s18+$0xFFFFFFE0] =	vst v9  }
0x14b: {  	[tilespmem:s8+$0xFFFFFFE0] =	vst v5;
	v5 =	vsel vm1, v4, v6  }
0x14c: {  	v8 =	vsel vm1, v7, v3;
	[tilespmem:s18+$0xFFFFFFF0] =	vst v5  }
0x14d: {  	v4 =	vsel vm0, v6, v4;
	[tilespmem:s18+$0xFFFFFF90] =	vst v8  }
0x14e: {  	v3 =	vsel vm0, v3, v7;
	[tilespmem:s9+$0xFFFFFFF0] =	vst v4  }
0x14f: {  	s12 =	simm.s32 $0x3F0;
	[tilespmem:s8+$0xFFFFFF90] =	vst v3  }
0x150: {  	s19 =	simm.s32 $0x83F0;
	v4 =	vld [tilespmem:s12+$0x0]  }
0x151: {  	v5 =	vld [tilespmem:s19+$0x0]  }
0x152: {  	v3 =	vld [tilespmem:s19+$0xFFFFFF90]  }
0x153: {  	v6 =	vld [tilespmem:s12+$0xFFFFFFA0]  }
0x154: {  	v7 =	vbroadcast v1, $0x7;
	v8 =	vld [tilespmem:s19+$0xFFFFFFA0]  }
0x155: {  	v9 =	vbroadcast v2, $0x7;
	v10 =	vld [tilespmem:s12+$0xFFFFFFB0]  }
0x156: {  	vm1 =	vge.f32 v7, v0;
	v7 =	vld [tilespmem:s19+$0xFFFFFFB0]  }
0x157: {  	vm0 =	vge.f32 v9, v0;
	s18 =	simm.s32 $0x103F0;
	v11 =	vld [tilespmem:s12+$0xFFFFFFC0];
	v9 =	vsel vm1, v4, v5  }
0x158: {  	s8 =	simm.s32 $0x143F0;
	v4 =	vsel vm0, v5, v4;
	[tilespmem:s18+$0x0] =	vst v9;
	v9 =	vld [tilespmem:s19+$0xFFFFFFC0]  }
0x159: {  	v12 =	vld [tilespmem:s12+$0xFFFFFFD0];
	[tilespmem:s8+$0x0] =	vst v4;
	v4 =	vsel vm1, v6, v8  }
0x15a: {  	v13 =	vld [tilespmem:s19+$0xFFFFFFD0];
	v5 =	vsel vm0, v8, v6;
	[tilespmem:s18+$0xFFFFFFA0] =	vst v4  }
0x15b: {  	v8 =	vld [tilespmem:s19+$0xFFFFFFE0];
	v4 =	vsel vm1, v10, v7;
	[tilespmem:s8+$0xFFFFFFA0] =	vst v5  }
0x15c: {  	v6 =	vsel vm0, v7, v10;
	v5 =	vld [tilespmem:s12+$0xFFFFFFE0];
	[tilespmem:s18+$0xFFFFFFB0] =	vst v4  }
0x15d: {  	v4 =	vld [tilespmem:s12+$0xFFFFFFF0];
	[tilespmem:s8+$0xFFFFFFB0] =	vst v6;
	v6 =	vsel vm1, v11, v9  }
0x15e: {  	v9 =	vsel vm0, v9, v11;
	[tilespmem:s18+$0xFFFFFFC0] =	vst v6;
	v6 =	vld [tilespmem:s19+$0xFFFFFFF0]  }
0x15f: {  	s10 =	simm.s32 $0x0;
	s11 =	simm.s32 $0x7F0;
	s9 =	simm.s32 $0x143F0;
	v7 =	vld [tilespmem:s12+$0xFFFFFF90];
	v10 =	vsel vm1, v12, v13;
	[tilespmem:s8+$0xFFFFFFC0] =	vst v9;
	v9 =	vsel vm0, v13, v12  }
.LBB2_17:
0x160: {  	v11 =	vld [tilespmem:s11+$0x0];
	[tilespmem:s18+$0xFFFFFFD0] =	vst v10;
	s19 =	sadd.s32 $0x400, s19  }
0x161: {  	v10 =	vld [tilespmem:s19+$0x0];
	[tilespmem:s8+$0xFFFFFFD0] =	vst v9;
	v9 =	vsel vm1, v5, v8;
	v5 =	vsel vm0, v8, v5  }
0x162: {  	s10 =	sadd.s32 $0x80, s10;
	v8 =	vld [tilespmem:s19+$0xFFFFFF90];
	[tilespmem:s18+$0xFFFFFFE0] =	vst v9  }
0x163: {  	p1 =	slt.u32 s10, $0x380;
	v9 =	vld [tilespmem:s11+$0xFFFFFFA0];
	[tilespmem:s8+$0xFFFFFFE0] =	vst v5;
	v5 =	vsel vm1, v4, v6;
	v4 =	vsel vm0, v6, v4  }
0x164: {  	v6 =	vld [tilespmem:s19+$0xFFFFFFA0];
	v12 =	vsel vm1, v7, v3;
	v3 =	vsel vm0, v3, v7;
	[tilespmem:s18+$0xFFFFFFF0] =	vst v5  }
0x165: {  	v5 =	vld [tilespmem:s11+$0xFFFFFFB0];
	[tilespmem:s18+$0xFFFFFF90] =	vst v12  }
0x166: {  	s18 =	sadd.s32 $0x400, s18;
	v7 =	vld [tilespmem:s19+$0xFFFFFFB0];
	v12 =	vsel vm1, v11, v10;
	[tilespmem:s8+$0xFFFFFF90] =	vst v3  }
0x167: {  	v10 =	vsel vm0, v10, v11;
	s8 =	sadd.s32 $0x400, s8;
	v13 =	vld [tilespmem:s11+$0xFFFFFFC0];
	[tilespmem:s18+$0x0] =	vst v12;
	v3 =	vmov v8  }
0x168: {  	v11 =	vld [tilespmem:s19+$0xFFFFFFC0];
	[tilespmem:s8+$0x0] =	vst v10  }
0x169: {  	v8 =	vsel vm1, v9, v6;
	v6 =	vsel vm0, v6, v9;
	v9 =	vld [tilespmem:s11+$0xFFFFFFD0];
	[tilespmem:s9+$0xFFFFFFF0] =	vst v4;
	s9 =	smov.u32 s8  }
0x16a: {  	[tilespmem:s18+$0xFFFFFFA0] =	vst v8;
	v12 =	vld [tilespmem:s19+$0xFFFFFFD0]  }
.Ltmp7:
0x16b: {  	[tilespmem:s8+$0xFFFFFFA0] =	vst v6;
	v4 =	vsel vm1, v5, v7;
	v6 =	vsel vm0, v7, v5;
	v5 =	vld [tilespmem:s11+$0xFFFFFFE0];
	(pc) =	sbr.rel @p1 .LBB2_17-.Ltmp7, $4  }
0x16c: {  	[tilespmem:s18+$0xFFFFFFB0] =	vst v4;
	v8 =	vld [tilespmem:s19+$0xFFFFFFE0]  }
0x16d: {  	[tilespmem:s8+$0xFFFFFFB0] =	vst v6;
	v6 =	vsel vm1, v13, v11;
	v10 =	vsel vm0, v11, v13;
	v4 =	vld [tilespmem:s11+$0xFFFFFFF0]  }
0x16e: {  	[tilespmem:s18+$0xFFFFFFC0] =	vst v6;
	v6 =	vld [tilespmem:s19+$0xFFFFFFF0]  }
0x16f: {  	v7 =	vld [tilespmem:s11+$0xFFFFFF90];
	[tilespmem:s8+$0xFFFFFFC0] =	vst v10;
	v10 =	vsel vm1, v9, v12;
	v9 =	vsel vm0, v12, v9;
	s11 =	sadd.s32 $0x400, s11  }
0x170: {  	[tilespmem:s18+$0xFFFFFFD0] =	vst v10  }
0x171: {  	[tilespmem:s8+$0xFFFFFFD0] =	vst v9;
	v9 =	vsel vm1, v5, v8  }
0x172: {  	v5 =	vsel vm0, v8, v5;
	[tilespmem:s18+$0xFFFFFFE0] =	vst v9  }
0x173: {  	[tilespmem:s8+$0xFFFFFFE0] =	vst v5;
	v5 =	vsel vm1, v4, v6  }
0x174: {  	v8 =	vsel vm1, v7, v3;
	[tilespmem:s18+$0xFFFFFFF0] =	vst v5  }
0x175: {  	s10 =	sor.u32 s7, s17;
	v4 =	vsel vm0, v6, v4;
	[tilespmem:s18+$0xFFFFFF90] =	vst v8  }
0x176: {  	v3 =	vsel vm0, v3, v7;
	s18 =	sshll.u32 s10, $0x7;
	[tilespmem:s9+$0xFFFFFFF0] =	vst v4  }
0x177: {  	[tilespmem:s8+$0xFFFFFF90] =	vst v3;
	s10 =	sadd.s32 s4, s18  }
0x178: {  	[hbm4b:s10+s6] =	stream.linear.scatter [tilespmem:s23], [sflag:$0x3], $0x2000, $0x38;
	[tilespmem:$0x18880] =	vst v63  }
0x179: {  	s11 =	sadd.s32 s5, s18;
	s8 =	simm.s32 @!p0 $0x4  }
0x17a: {  	[hbm4b:s11+s6] =	stream.linear.scatter [tilespmem:s24], [sflag:$0x3], $0x2000, $0x38;
	[tilespmem:$0x18880] =	vst v63  }
0x17b: {  	_ =	swait.ge @!p0 [sflag:s8], $0x2000  }
0x17c: {  	[sflag:s8] =	ssyncset.done @!p0 $0x0  }
0x17d: {  	[sflag:s8] =	ssyncadd.s32 @!p0 $0xFFFFE000  }
0x17e: {  	_ =	swait.ge @!p0 [sflag:s8], $0x2000  }
0x17f: {  	[sflag:s8] =	ssyncset.done @!p0 $0x0  }
0x180: {  	s12 =	simm.s32 $0x2070;
	[sflag:s8] =	ssyncadd.s32 @!p0 $0xFFFFE000  }
0x181: {  	s8 =	simm.s32 $0xA070;
	v4 =	vld [tilespmem:s12+$0x0]  }
0x182: {  	v5 =	vld [tilespmem:s8+$0x0]  }
0x183: {  	v3 =	vld [tilespmem:s8+$0xFFFFFF90]  }
0x184: {  	v6 =	vld [tilespmem:s12+$0xFFFFFFA0]  }
0x185: {  	v7 =	vbroadcast v1, $0x8;
	v8 =	vld [tilespmem:s8+$0xFFFFFFA0]  }
0x186: {  	v9 =	vbroadcast v2, $0x8;
	v10 =	vld [tilespmem:s12+$0xFFFFFFB0]  }
0x187: {  	vm1 =	vge.f32 v7, v0;
	v7 =	vld [tilespmem:s8+$0xFFFFFFB0]  }
0x188: {  	s19 =	simm.s32 $0x12070;
	vm0 =	vge.f32 v9, v0;
	v11 =	vld [tilespmem:s12+$0xFFFFFFC0];
	v9 =	vsel vm1, v4, v5  }
0x189: {  	s9 =	simm.s32 $0x16070;
	v4 =	vsel vm0, v5, v4;
	[tilespmem:s19+$0x0] =	vst v9;
	v9 =	vld [tilespmem:s8+$0xFFFFFFC0]  }
0x18a: {  	v12 =	vld [tilespmem:s12+$0xFFFFFFD0];
	[tilespmem:s9+$0x0] =	vst v4;
	v4 =	vsel vm1, v6, v8  }
0x18b: {  	v13 =	vld [tilespmem:s8+$0xFFFFFFD0];
	v5 =	vsel vm0, v8, v6;
	[tilespmem:s19+$0xFFFFFFA0] =	vst v4  }
0x18c: {  	v8 =	vld [tilespmem:s8+$0xFFFFFFE0];
	v4 =	vsel vm1, v10, v7;
	[tilespmem:s9+$0xFFFFFFA0] =	vst v5  }
0x18d: {  	v6 =	vsel vm0, v7, v10;
	v5 =	vld [tilespmem:s12+$0xFFFFFFE0];
	[tilespmem:s19+$0xFFFFFFB0] =	vst v4  }
0x18e: {  	v4 =	vld [tilespmem:s12+$0xFFFFFFF0];
	[tilespmem:s9+$0xFFFFFFB0] =	vst v6;
	v6 =	vsel vm1, v11, v9  }
0x18f: {  	v9 =	vsel vm0, v9, v11;
	[tilespmem:s19+$0xFFFFFFC0] =	vst v6;
	v6 =	vld [tilespmem:s8+$0xFFFFFFF0]  }
0x190: {  	s10 =	simm.s32 $0x16070;
	s11 =	simm.s32 $0x0;
	v7 =	vld [tilespmem:s12+$0xFFFFFF90];
	v10 =	vsel vm1, v12, v13;
	s12 =	simm.s32 $0x2470;
	[tilespmem:s9+$0xFFFFFFC0] =	vst v9;
	v9 =	vsel vm0, v13, v12  }
.LBB2_19:
0x191: {  	v11 =	vld [tilespmem:s12+$0x0];
	[tilespmem:s19+$0xFFFFFFD0] =	vst v10;
	s8 =	sadd.s32 $0x400, s8  }
0x192: {  	v10 =	vld [tilespmem:s8+$0x0];
	[tilespmem:s9+$0xFFFFFFD0] =	vst v9;
	v9 =	vsel vm1, v5, v8;
	v5 =	vsel vm0, v8, v5  }
0x193: {  	s11 =	sadd.s32 $0x80, s11;
	v8 =	vld [tilespmem:s8+$0xFFFFFF90];
	[tilespmem:s19+$0xFFFFFFE0] =	vst v9  }
0x194: {  	p0 =	slt.u32 s11, $0x380;
	v9 =	vld [tilespmem:s12+$0xFFFFFFA0];
	[tilespmem:s9+$0xFFFFFFE0] =	vst v5;
	v5 =	vsel vm1, v4, v6;
	v4 =	vsel vm0, v6, v4  }
0x195: {  	v6 =	vld [tilespmem:s8+$0xFFFFFFA0];
	v12 =	vsel vm1, v7, v3;
	v3 =	vsel vm0, v3, v7;
	[tilespmem:s19+$0xFFFFFFF0] =	vst v5  }
0x196: {  	v5 =	vld [tilespmem:s12+$0xFFFFFFB0];
	[tilespmem:s19+$0xFFFFFF90] =	vst v12  }
0x197: {  	s19 =	sadd.s32 $0x400, s19;
	v7 =	vld [tilespmem:s8+$0xFFFFFFB0];
	v12 =	vsel vm1, v11, v10;
	[tilespmem:s9+$0xFFFFFF90] =	vst v3  }
0x198: {  	v10 =	vsel vm0, v10, v11;
	s9 =	sadd.s32 $0x400, s9;
	v13 =	vld [tilespmem:s12+$0xFFFFFFC0];
	[tilespmem:s19+$0x0] =	vst v12;
	v3 =	vmov v8  }
0x199: {  	v11 =	vld [tilespmem:s8+$0xFFFFFFC0];
	[tilespmem:s9+$0x0] =	vst v10  }
0x19a: {  	v8 =	vsel vm1, v9, v6;
	v6 =	vsel vm0, v6, v9;
	v9 =	vld [tilespmem:s12+$0xFFFFFFD0];
	[tilespmem:s10+$0xFFFFFFF0] =	vst v4;
	s10 =	smov.u32 s9  }
0x19b: {  	[tilespmem:s19+$0xFFFFFFA0] =	vst v8;
	v12 =	vld [tilespmem:s8+$0xFFFFFFD0]  }
.Ltmp8:
0x19c: {  	[tilespmem:s9+$0xFFFFFFA0] =	vst v6;
	v4 =	vsel vm1, v5, v7;
	v6 =	vsel vm0, v7, v5;
	v5 =	vld [tilespmem:s12+$0xFFFFFFE0];
	(pc) =	sbr.rel @p0 .LBB2_19-.Ltmp8, $4  }
0x19d: {  	[tilespmem:s19+$0xFFFFFFB0] =	vst v4;
	v8 =	vld [tilespmem:s8+$0xFFFFFFE0]  }
0x19e: {  	[tilespmem:s9+$0xFFFFFFB0] =	vst v6;
	v6 =	vsel vm1, v13, v11;
	v10 =	vsel vm0, v11, v13;
	v4 =	vld [tilespmem:s12+$0xFFFFFFF0]  }
0x19f: {  	[tilespmem:s19+$0xFFFFFFC0] =	vst v6;
	v6 =	vld [tilespmem:s8+$0xFFFFFFF0]  }
0x1a0: {  	v7 =	vld [tilespmem:s12+$0xFFFFFF90];
	[tilespmem:s9+$0xFFFFFFC0] =	vst v10;
	v10 =	vsel vm1, v9, v12;
	v9 =	vsel vm0, v12, v9;
	s12 =	sadd.s32 $0x400, s12  }
0x1a1: {  	[tilespmem:s19+$0xFFFFFFD0] =	vst v10  }
0x1a2: {  	[tilespmem:s9+$0xFFFFFFD0] =	vst v9;
	v9 =	vsel vm1, v5, v8  }
0x1a3: {  	v5 =	vsel vm0, v8, v5;
	[tilespmem:s19+$0xFFFFFFE0] =	vst v9  }
0x1a4: {  	[tilespmem:s9+$0xFFFFFFE0] =	vst v5;
	v5 =	vsel vm1, v4, v6  }
0x1a5: {  	v8 =	vsel vm1, v7, v3;
	[tilespmem:s19+$0xFFFFFFF0] =	vst v5  }
0x1a6: {  	v4 =	vsel vm0, v6, v4;
	[tilespmem:s19+$0xFFFFFF90] =	vst v8  }
0x1a7: {  	v3 =	vsel vm0, v3, v7;
	[tilespmem:s10+$0xFFFFFFF0] =	vst v4  }
0x1a8: {  	s12 =	simm.s32 $0x20F0;
	[tilespmem:s9+$0xFFFFFF90] =	vst v3  }
0x1a9: {  	s8 =	simm.s32 $0xA0F0;
	v4 =	vld [tilespmem:s12+$0x0]  }
0x1aa: {  	v5 =	vld [tilespmem:s8+$0x0]  }
0x1ab: {  	v3 =	vld [tilespmem:s8+$0xFFFFFF90]  }
0x1ac: {  	v6 =	vld [tilespmem:s12+$0xFFFFFFA0]  }
0x1ad: {  	v7 =	vbroadcast v1, $0x9;
	v8 =	vld [tilespmem:s8+$0xFFFFFFA0]  }
0x1ae: {  	v9 =	vbroadcast v2, $0x9;
	v10 =	vld [tilespmem:s12+$0xFFFFFFB0]  }
0x1af: {  	vm1 =	vge.f32 v7, v0;
	v7 =	vld [tilespmem:s8+$0xFFFFFFB0]  }
0x1b0: {  	vm0 =	vge.f32 v9, v0;
	s19 =	simm.s32 $0x120F0;
	v11 =	vld [tilespmem:s12+$0xFFFFFFC0];
	v9 =	vsel vm1, v4, v5  }
0x1b1: {  	s9 =	simm.s32 $0x160F0;
	v4 =	vsel vm0, v5, v4;
	[tilespmem:s19+$0x0] =	vst v9;
	v9 =	vld [tilespmem:s8+$0xFFFFFFC0]  }
0x1b2: {  	v12 =	vld [tilespmem:s12+$0xFFFFFFD0];
	[tilespmem:s9+$0x0] =	vst v4;
	v4 =	vsel vm1, v6, v8  }
0x1b3: {  	v13 =	vld [tilespmem:s8+$0xFFFFFFD0];
	v5 =	vsel vm0, v8, v6;
	[tilespmem:s19+$0xFFFFFFA0] =	vst v4  }
0x1b4: {  	v8 =	vld [tilespmem:s8+$0xFFFFFFE0];
	v4 =	vsel vm1, v10, v7;
	[tilespmem:s9+$0xFFFFFFA0] =	vst v5  }
0x1b5: {  	v6 =	vsel vm0, v7, v10;
	v5 =	vld [tilespmem:s12+$0xFFFFFFE0];
	[tilespmem:s19+$0xFFFFFFB0] =	vst v4  }
0x1b6: {  	v4 =	vld [tilespmem:s12+$0xFFFFFFF0];
	[tilespmem:s9+$0xFFFFFFB0] =	vst v6;
	v6 =	vsel vm1, v11, v9  }
0x1b7: {  	v9 =	vsel vm0, v9, v11;
	[tilespmem:s19+$0xFFFFFFC0] =	vst v6;
	v6 =	vld [tilespmem:s8+$0xFFFFFFF0]  }
0x1b8: {  	s11 =	simm.s32 $0x0;
	s10 =	simm.s32 $0x160F0;
	v7 =	vld [tilespmem:s12+$0xFFFFFF90];
	v10 =	vsel vm1, v12, v13;
	s12 =	simm.s32 $0x24F0;
	[tilespmem:s9+$0xFFFFFFC0] =	vst v9;
	v9 =	vsel vm0, v13, v12  }
.LBB2_21:
0x1b9: {  	v11 =	vld [tilespmem:s12+$0x0];
	[tilespmem:s19+$0xFFFFFFD0] =	vst v10;
	s8 =	sadd.s32 $0x400, s8  }
0x1ba: {  	v10 =	vld [tilespmem:s8+$0x0];
	[tilespmem:s9+$0xFFFFFFD0] =	vst v9;
	v9 =	vsel vm1, v5, v8;
	v5 =	vsel vm0, v8, v5  }
0x1bb: {  	s11 =	sadd.s32 $0x80, s11;
	v8 =	vld [tilespmem:s8+$0xFFFFFF90];
	[tilespmem:s19+$0xFFFFFFE0] =	vst v9  }
0x1bc: {  	p0 =	slt.u32 s11, $0x380;
	v9 =	vld [tilespmem:s12+$0xFFFFFFA0];
	[tilespmem:s9+$0xFFFFFFE0] =	vst v5;
	v5 =	vsel vm1, v4, v6;
	v4 =	vsel vm0, v6, v4  }
0x1bd: {  	v6 =	vld [tilespmem:s8+$0xFFFFFFA0];
	v12 =	vsel vm1, v7, v3;
	v3 =	vsel vm0, v3, v7;
	[tilespmem:s19+$0xFFFFFFF0] =	vst v5  }
0x1be: {  	v5 =	vld [tilespmem:s12+$0xFFFFFFB0];
	[tilespmem:s19+$0xFFFFFF90] =	vst v12  }
0x1bf: {  	s19 =	sadd.s32 $0x400, s19;
	v7 =	vld [tilespmem:s8+$0xFFFFFFB0];
	v12 =	vsel vm1, v11, v10;
	[tilespmem:s9+$0xFFFFFF90] =	vst v3  }
0x1c0: {  	v10 =	vsel vm0, v10, v11;
	s9 =	sadd.s32 $0x400, s9;
	v13 =	vld [tilespmem:s12+$0xFFFFFFC0];
	[tilespmem:s19+$0x0] =	vst v12;
	v3 =	vmov v8  }
0x1c1: {  	v11 =	vld [tilespmem:s8+$0xFFFFFFC0];
	[tilespmem:s9+$0x0] =	vst v10  }
0x1c2: {  	v8 =	vsel vm1, v9, v6;
	v6 =	vsel vm0, v6, v9;
	v9 =	vld [tilespmem:s12+$0xFFFFFFD0];
	[tilespmem:s10+$0xFFFFFFF0] =	vst v4;
	s10 =	smov.u32 s9  }
0x1c3: {  	[tilespmem:s19+$0xFFFFFFA0] =	vst v8;
	v12 =	vld [tilespmem:s8+$0xFFFFFFD0]  }
.Ltmp9:
0x1c4: {  	[tilespmem:s9+$0xFFFFFFA0] =	vst v6;
	v4 =	vsel vm1, v5, v7;
	v6 =	vsel vm0, v7, v5;
	v5 =	vld [tilespmem:s12+$0xFFFFFFE0];
	(pc) =	sbr.rel @p0 .LBB2_21-.Ltmp9, $4  }
0x1c5: {  	[tilespmem:s19+$0xFFFFFFB0] =	vst v4;
	v8 =	vld [tilespmem:s8+$0xFFFFFFE0]  }
0x1c6: {  	[tilespmem:s9+$0xFFFFFFB0] =	vst v6;
	v6 =	vsel vm1, v13, v11;
	v10 =	vsel vm0, v11, v13;
	v4 =	vld [tilespmem:s12+$0xFFFFFFF0]  }
0x1c7: {  	[tilespmem:s19+$0xFFFFFFC0] =	vst v6;
	v6 =	vld [tilespmem:s8+$0xFFFFFFF0]  }
0x1c8: {  	v7 =	vld [tilespmem:s12+$0xFFFFFF90];
	[tilespmem:s9+$0xFFFFFFC0] =	vst v10;
	v10 =	vsel vm1, v9, v12;
	v9 =	vsel vm0, v12, v9;
	s12 =	sadd.s32 $0x400, s12  }
0x1c9: {  	[tilespmem:s19+$0xFFFFFFD0] =	vst v10  }
0x1ca: {  	[tilespmem:s9+$0xFFFFFFD0] =	vst v9;
	v9 =	vsel vm1, v5, v8  }
0x1cb: {  	v5 =	vsel vm0, v8, v5;
	[tilespmem:s19+$0xFFFFFFE0] =	vst v9  }
0x1cc: {  	[tilespmem:s9+$0xFFFFFFE0] =	vst v5;
	v5 =	vsel vm1, v4, v6  }
0x1cd: {  	v8 =	vsel vm1, v7, v3;
	[tilespmem:s19+$0xFFFFFFF0] =	vst v5  }
0x1ce: {  	v4 =	vsel vm0, v6, v4;
	[tilespmem:s19+$0xFFFFFF90] =	vst v8  }
0x1cf: {  	v3 =	vsel vm0, v3, v7;
	[tilespmem:s10+$0xFFFFFFF0] =	vst v4  }
0x1d0: {  	s12 =	simm.s32 $0x2170;
	[tilespmem:s9+$0xFFFFFF90] =	vst v3  }
0x1d1: {  	s8 =	simm.s32 $0xA170;
	v4 =	vld [tilespmem:s12+$0x0]  }
0x1d2: {  	v5 =	vld [tilespmem:s8+$0x0]  }
0x1d3: {  	v3 =	vld [tilespmem:s8+$0xFFFFFF90]  }
0x1d4: {  	v6 =	vld [tilespmem:s12+$0xFFFFFFA0]  }
0x1d5: {  	v7 =	vbroadcast v1, $0xA;
	v8 =	vld [tilespmem:s8+$0xFFFFFFA0]  }
0x1d6: {  	v9 =	vbroadcast v2, $0xA;
	v10 =	vld [tilespmem:s12+$0xFFFFFFB0]  }
0x1d7: {  	vm1 =	vge.f32 v7, v0;
	v7 =	vld [tilespmem:s8+$0xFFFFFFB0]  }
0x1d8: {  	vm0 =	vge.f32 v9, v0;
	s19 =	simm.s32 $0x12170;
	v11 =	vld [tilespmem:s12+$0xFFFFFFC0];
	v9 =	vsel vm1, v4, v5  }
0x1d9: {  	s9 =	simm.s32 $0x16170;
	v4 =	vsel vm0, v5, v4;
	[tilespmem:s19+$0x0] =	vst v9;
	v9 =	vld [tilespmem:s8+$0xFFFFFFC0]  }
0x1da: {  	v12 =	vld [tilespmem:s12+$0xFFFFFFD0];
	[tilespmem:s9+$0x0] =	vst v4;
	v4 =	vsel vm1, v6, v8  }
0x1db: {  	v13 =	vld [tilespmem:s8+$0xFFFFFFD0];
	v5 =	vsel vm0, v8, v6;
	[tilespmem:s19+$0xFFFFFFA0] =	vst v4  }
0x1dc: {  	v8 =	vld [tilespmem:s8+$0xFFFFFFE0];
	v4 =	vsel vm1, v10, v7;
	[tilespmem:s9+$0xFFFFFFA0] =	vst v5  }
0x1dd: {  	v6 =	vsel vm0, v7, v10;
	v5 =	vld [tilespmem:s12+$0xFFFFFFE0];
	[tilespmem:s19+$0xFFFFFFB0] =	vst v4  }
0x1de: {  	v4 =	vld [tilespmem:s12+$0xFFFFFFF0];
	[tilespmem:s9+$0xFFFFFFB0] =	vst v6;
	v6 =	vsel vm1, v11, v9  }
0x1df: {  	v9 =	vsel vm0, v9, v11;
	[tilespmem:s19+$0xFFFFFFC0] =	vst v6;
	v6 =	vld [tilespmem:s8+$0xFFFFFFF0]  }
0x1e0: {  	s11 =	simm.s32 $0x0;
	s10 =	simm.s32 $0x16170;
	v7 =	vld [tilespmem:s12+$0xFFFFFF90];
	v10 =	vsel vm1, v12, v13;
	s12 =	simm.s32 $0x2570;
	[tilespmem:s9+$0xFFFFFFC0] =	vst v9;
	v9 =	vsel vm0, v13, v12  }
.LBB2_23:
0x1e1: {  	v11 =	vld [tilespmem:s12+$0x0];
	[tilespmem:s19+$0xFFFFFFD0] =	vst v10;
	s8 =	sadd.s32 $0x400, s8  }
0x1e2: {  	v10 =	vld [tilespmem:s8+$0x0];
	[tilespmem:s9+$0xFFFFFFD0] =	vst v9;
	v9 =	vsel vm1, v5, v8;
	v5 =	vsel vm0, v8, v5  }
0x1e3: {  	s11 =	sadd.s32 $0x80, s11;
	v8 =	vld [tilespmem:s8+$0xFFFFFF90];
	[tilespmem:s19+$0xFFFFFFE0] =	vst v9  }
0x1e4: {  	p0 =	slt.u32 s11, $0x380;
	v9 =	vld [tilespmem:s12+$0xFFFFFFA0];
	[tilespmem:s9+$0xFFFFFFE0] =	vst v5;
	v5 =	vsel vm1, v4, v6;
	v4 =	vsel vm0, v6, v4  }
0x1e5: {  	v6 =	vld [tilespmem:s8+$0xFFFFFFA0];
	v12 =	vsel vm1, v7, v3;
	v3 =	vsel vm0, v3, v7;
	[tilespmem:s19+$0xFFFFFFF0] =	vst v5  }
0x1e6: {  	v5 =	vld [tilespmem:s12+$0xFFFFFFB0];
	[tilespmem:s19+$0xFFFFFF90] =	vst v12  }
0x1e7: {  	s19 =	sadd.s32 $0x400, s19;
	v7 =	vld [tilespmem:s8+$0xFFFFFFB0];
	v12 =	vsel vm1, v11, v10;
	[tilespmem:s9+$0xFFFFFF90] =	vst v3  }
0x1e8: {  	v10 =	vsel vm0, v10, v11;
	s9 =	sadd.s32 $0x400, s9;
	v13 =	vld [tilespmem:s12+$0xFFFFFFC0];
	[tilespmem:s19+$0x0] =	vst v12;
	v3 =	vmov v8  }
0x1e9: {  	v11 =	vld [tilespmem:s8+$0xFFFFFFC0];
	[tilespmem:s9+$0x0] =	vst v10  }
0x1ea: {  	v8 =	vsel vm1, v9, v6;
	v6 =	vsel vm0, v6, v9;
	v9 =	vld [tilespmem:s12+$0xFFFFFFD0];
	[tilespmem:s10+$0xFFFFFFF0] =	vst v4;
	s10 =	smov.u32 s9  }
0x1eb: {  	[tilespmem:s19+$0xFFFFFFA0] =	vst v8;
	v12 =	vld [tilespmem:s8+$0xFFFFFFD0]  }
.Ltmp10:
0x1ec: {  	[tilespmem:s9+$0xFFFFFFA0] =	vst v6;
	v4 =	vsel vm1, v5, v7;
	v6 =	vsel vm0, v7, v5;
	v5 =	vld [tilespmem:s12+$0xFFFFFFE0];
	(pc) =	sbr.rel @p0 .LBB2_23-.Ltmp10, $4  }
0x1ed: {  	[tilespmem:s19+$0xFFFFFFB0] =	vst v4;
	v8 =	vld [tilespmem:s8+$0xFFFFFFE0]  }
0x1ee: {  	[tilespmem:s9+$0xFFFFFFB0] =	vst v6;
	v6 =	vsel vm1, v13, v11;
	v10 =	vsel vm0, v11, v13;
	v4 =	vld [tilespmem:s12+$0xFFFFFFF0]  }
0x1ef: {  	[tilespmem:s19+$0xFFFFFFC0] =	vst v6;
	v6 =	vld [tilespmem:s8+$0xFFFFFFF0]  }
0x1f0: {  	v7 =	vld [tilespmem:s12+$0xFFFFFF90];
	[tilespmem:s9+$0xFFFFFFC0] =	vst v10;
	v10 =	vsel vm1, v9, v12;
	v9 =	vsel vm0, v12, v9;
	s12 =	sadd.s32 $0x400, s12  }
0x1f1: {  	[tilespmem:s19+$0xFFFFFFD0] =	vst v10  }
0x1f2: {  	[tilespmem:s9+$0xFFFFFFD0] =	vst v9;
	v9 =	vsel vm1, v5, v8  }
0x1f3: {  	v5 =	vsel vm0, v8, v5;
	[tilespmem:s19+$0xFFFFFFE0] =	vst v9  }
0x1f4: {  	[tilespmem:s9+$0xFFFFFFE0] =	vst v5;
	v5 =	vsel vm1, v4, v6  }
0x1f5: {  	v8 =	vsel vm1, v7, v3;
	[tilespmem:s19+$0xFFFFFFF0] =	vst v5  }
0x1f6: {  	v4 =	vsel vm0, v6, v4;
	[tilespmem:s19+$0xFFFFFF90] =	vst v8  }
0x1f7: {  	v3 =	vsel vm0, v3, v7;
	[tilespmem:s10+$0xFFFFFFF0] =	vst v4  }
0x1f8: {  	s12 =	simm.s32 $0x21F0;
	[tilespmem:s9+$0xFFFFFF90] =	vst v3  }
0x1f9: {  	s8 =	simm.s32 $0xA1F0;
	v4 =	vld [tilespmem:s12+$0x0]  }
0x1fa: {  	v5 =	vld [tilespmem:s8+$0x0]  }
0x1fb: {  	v3 =	vld [tilespmem:s8+$0xFFFFFF90]  }
0x1fc: {  	v6 =	vld [tilespmem:s12+$0xFFFFFFA0]  }
0x1fd: {  	v7 =	vbroadcast v1, $0xB;
	v8 =	vld [tilespmem:s8+$0xFFFFFFA0]  }
0x1fe: {  	v9 =	vbroadcast v2, $0xB;
	v10 =	vld [tilespmem:s12+$0xFFFFFFB0]  }
0x1ff: {  	vm1 =	vge.f32 v7, v0;
	v7 =	vld [tilespmem:s8+$0xFFFFFFB0]  }
0x200: {  	vm0 =	vge.f32 v9, v0;
	s19 =	simm.s32 $0x121F0;
	v11 =	vld [tilespmem:s12+$0xFFFFFFC0];
	v9 =	vsel vm1, v4, v5  }
0x201: {  	s9 =	simm.s32 $0x161F0;
	v4 =	vsel vm0, v5, v4;
	[tilespmem:s19+$0x0] =	vst v9;
	v9 =	vld [tilespmem:s8+$0xFFFFFFC0]  }
0x202: {  	v12 =	vld [tilespmem:s12+$0xFFFFFFD0];
	[tilespmem:s9+$0x0] =	vst v4;
	v4 =	vsel vm1, v6, v8  }
0x203: {  	v13 =	vld [tilespmem:s8+$0xFFFFFFD0];
	v5 =	vsel vm0, v8, v6;
	[tilespmem:s19+$0xFFFFFFA0] =	vst v4  }
0x204: {  	v8 =	vld [tilespmem:s8+$0xFFFFFFE0];
	v4 =	vsel vm1, v10, v7;
	[tilespmem:s9+$0xFFFFFFA0] =	vst v5  }
0x205: {  	v6 =	vsel vm0, v7, v10;
	v5 =	vld [tilespmem:s12+$0xFFFFFFE0];
	[tilespmem:s19+$0xFFFFFFB0] =	vst v4  }
0x206: {  	v4 =	vld [tilespmem:s12+$0xFFFFFFF0];
	[tilespmem:s9+$0xFFFFFFB0] =	vst v6;
	v6 =	vsel vm1, v11, v9  }
0x207: {  	v9 =	vsel vm0, v9, v11;
	[tilespmem:s19+$0xFFFFFFC0] =	vst v6;
	v6 =	vld [tilespmem:s8+$0xFFFFFFF0]  }
0x208: {  	s11 =	simm.s32 $0x0;
	s10 =	simm.s32 $0x161F0;
	v7 =	vld [tilespmem:s12+$0xFFFFFF90];
	v10 =	vsel vm1, v12, v13;
	s12 =	simm.s32 $0x25F0;
	[tilespmem:s9+$0xFFFFFFC0] =	vst v9;
	v9 =	vsel vm0, v13, v12  }
.LBB2_25:
0x209: {  	v11 =	vld [tilespmem:s12+$0x0];
	[tilespmem:s19+$0xFFFFFFD0] =	vst v10;
	s8 =	sadd.s32 $0x400, s8  }
0x20a: {  	v10 =	vld [tilespmem:s8+$0x0];
	[tilespmem:s9+$0xFFFFFFD0] =	vst v9;
	v9 =	vsel vm1, v5, v8;
	v5 =	vsel vm0, v8, v5  }
0x20b: {  	s11 =	sadd.s32 $0x80, s11;
	v8 =	vld [tilespmem:s8+$0xFFFFFF90];
	[tilespmem:s19+$0xFFFFFFE0] =	vst v9  }
0x20c: {  	p0 =	slt.u32 s11, $0x380;
	v9 =	vld [tilespmem:s12+$0xFFFFFFA0];
	[tilespmem:s9+$0xFFFFFFE0] =	vst v5;
	v5 =	vsel vm1, v4, v6;
	v4 =	vsel vm0, v6, v4  }
0x20d: {  	v6 =	vld [tilespmem:s8+$0xFFFFFFA0];
	v12 =	vsel vm1, v7, v3;
	v3 =	vsel vm0, v3, v7;
	[tilespmem:s19+$0xFFFFFFF0] =	vst v5  }
0x20e: {  	v5 =	vld [tilespmem:s12+$0xFFFFFFB0];
	[tilespmem:s19+$0xFFFFFF90] =	vst v12  }
0x20f: {  	s19 =	sadd.s32 $0x400, s19;
	v7 =	vld [tilespmem:s8+$0xFFFFFFB0];
	v12 =	vsel vm1, v11, v10;
	[tilespmem:s9+$0xFFFFFF90] =	vst v3  }
0x210: {  	v10 =	vsel vm0, v10, v11;
	s9 =	sadd.s32 $0x400, s9;
	v13 =	vld [tilespmem:s12+$0xFFFFFFC0];
	[tilespmem:s19+$0x0] =	vst v12;
	v3 =	vmov v8  }
0x211: {  	v11 =	vld [tilespmem:s8+$0xFFFFFFC0];
	[tilespmem:s9+$0x0] =	vst v10  }
0x212: {  	v8 =	vsel vm1, v9, v6;
	v6 =	vsel vm0, v6, v9;
	v9 =	vld [tilespmem:s12+$0xFFFFFFD0];
	[tilespmem:s10+$0xFFFFFFF0] =	vst v4;
	s10 =	smov.u32 s9  }
0x213: {  	[tilespmem:s19+$0xFFFFFFA0] =	vst v8;
	v12 =	vld [tilespmem:s8+$0xFFFFFFD0]  }
.Ltmp11:
0x214: {  	[tilespmem:s9+$0xFFFFFFA0] =	vst v6;
	v4 =	vsel vm1, v5, v7;
	v6 =	vsel vm0, v7, v5;
	v5 =	vld [tilespmem:s12+$0xFFFFFFE0];
	(pc) =	sbr.rel @p0 .LBB2_25-.Ltmp11, $4  }
0x215: {  	[tilespmem:s19+$0xFFFFFFB0] =	vst v4;
	v8 =	vld [tilespmem:s8+$0xFFFFFFE0]  }
0x216: {  	[tilespmem:s9+$0xFFFFFFB0] =	vst v6;
	v6 =	vsel vm1, v13, v11;
	v10 =	vsel vm0, v11, v13;
	v4 =	vld [tilespmem:s12+$0xFFFFFFF0]  }
0x217: {  	[tilespmem:s19+$0xFFFFFFC0] =	vst v6;
	v6 =	vld [tilespmem:s8+$0xFFFFFFF0]  }
0x218: {  	v7 =	vld [tilespmem:s12+$0xFFFFFF90];
	[tilespmem:s9+$0xFFFFFFC0] =	vst v10;
	v10 =	vsel vm1, v9, v12;
	v9 =	vsel vm0, v12, v9;
	s12 =	sadd.s32 $0x400, s12  }
0x219: {  	[tilespmem:s19+$0xFFFFFFD0] =	vst v10  }
0x21a: {  	[tilespmem:s9+$0xFFFFFFD0] =	vst v9;
	v9 =	vsel vm1, v5, v8  }
0x21b: {  	v5 =	vsel vm0, v8, v5;
	[tilespmem:s19+$0xFFFFFFE0] =	vst v9  }
0x21c: {  	[tilespmem:s9+$0xFFFFFFE0] =	vst v5;
	v5 =	vsel vm1, v4, v6  }
0x21d: {  	v8 =	vsel vm1, v7, v3;
	[tilespmem:s19+$0xFFFFFFF0] =	vst v5  }
0x21e: {  	v4 =	vsel vm0, v6, v4;
	[tilespmem:s19+$0xFFFFFF90] =	vst v8  }
0x21f: {  	v3 =	vsel vm0, v3, v7;
	[tilespmem:s10+$0xFFFFFFF0] =	vst v4  }
0x220: {  	s12 =	simm.s32 $0x2270;
	[tilespmem:s9+$0xFFFFFF90] =	vst v3  }
0x221: {  	s8 =	simm.s32 $0xA270;
	v4 =	vld [tilespmem:s12+$0x0]  }
0x222: {  	v5 =	vld [tilespmem:s8+$0x0]  }
0x223: {  	v3 =	vld [tilespmem:s8+$0xFFFFFF90]  }
0x224: {  	v6 =	vld [tilespmem:s12+$0xFFFFFFA0]  }
0x225: {  	v7 =	vbroadcast v1, $0xC;
	v8 =	vld [tilespmem:s8+$0xFFFFFFA0]  }
0x226: {  	v9 =	vbroadcast v2, $0xC;
	v10 =	vld [tilespmem:s12+$0xFFFFFFB0]  }
0x227: {  	vm1 =	vge.f32 v7, v0;
	v7 =	vld [tilespmem:s8+$0xFFFFFFB0]  }
0x228: {  	vm0 =	vge.f32 v9, v0;
	s19 =	simm.s32 $0x12270;
	v11 =	vld [tilespmem:s12+$0xFFFFFFC0];
	v9 =	vsel vm1, v4, v5  }
0x229: {  	s9 =	simm.s32 $0x16270;
	v4 =	vsel vm0, v5, v4;
	[tilespmem:s19+$0x0] =	vst v9;
	v9 =	vld [tilespmem:s8+$0xFFFFFFC0]  }
0x22a: {  	v12 =	vld [tilespmem:s12+$0xFFFFFFD0];
	[tilespmem:s9+$0x0] =	vst v4;
	v4 =	vsel vm1, v6, v8  }
0x22b: {  	v13 =	vld [tilespmem:s8+$0xFFFFFFD0];
	v5 =	vsel vm0, v8, v6;
	[tilespmem:s19+$0xFFFFFFA0] =	vst v4  }
0x22c: {  	v8 =	vld [tilespmem:s8+$0xFFFFFFE0];
	v4 =	vsel vm1, v10, v7;
	[tilespmem:s9+$0xFFFFFFA0] =	vst v5  }
0x22d: {  	v6 =	vsel vm0, v7, v10;
	v5 =	vld [tilespmem:s12+$0xFFFFFFE0];
	[tilespmem:s19+$0xFFFFFFB0] =	vst v4  }
0x22e: {  	v4 =	vld [tilespmem:s12+$0xFFFFFFF0];
	[tilespmem:s9+$0xFFFFFFB0] =	vst v6;
	v6 =	vsel vm1, v11, v9  }
0x22f: {  	v9 =	vsel vm0, v9, v11;
	[tilespmem:s19+$0xFFFFFFC0] =	vst v6;
	v6 =	vld [tilespmem:s8+$0xFFFFFFF0]  }
0x230: {  	s11 =	simm.s32 $0x0;
	s10 =	simm.s32 $0x16270;
	v7 =	vld [tilespmem:s12+$0xFFFFFF90];
	v10 =	vsel vm1, v12, v13;
	s12 =	simm.s32 $0x2670;
	[tilespmem:s9+$0xFFFFFFC0] =	vst v9;
	v9 =	vsel vm0, v13, v12  }
.LBB2_27:
0x231: {  	v11 =	vld [tilespmem:s12+$0x0];
	[tilespmem:s19+$0xFFFFFFD0] =	vst v10;
	s8 =	sadd.s32 $0x400, s8  }
0x232: {  	v10 =	vld [tilespmem:s8+$0x0];
	[tilespmem:s9+$0xFFFFFFD0] =	vst v9;
	v9 =	vsel vm1, v5, v8;
	v5 =	vsel vm0, v8, v5  }
0x233: {  	s11 =	sadd.s32 $0x80, s11;
	v8 =	vld [tilespmem:s8+$0xFFFFFF90];
	[tilespmem:s19+$0xFFFFFFE0] =	vst v9  }
0x234: {  	p0 =	slt.u32 s11, $0x380;
	v9 =	vld [tilespmem:s12+$0xFFFFFFA0];
	[tilespmem:s9+$0xFFFFFFE0] =	vst v5;
	v5 =	vsel vm1, v4, v6;
	v4 =	vsel vm0, v6, v4  }
0x235: {  	v6 =	vld [tilespmem:s8+$0xFFFFFFA0];
	v12 =	vsel vm1, v7, v3;
	v3 =	vsel vm0, v3, v7;
	[tilespmem:s19+$0xFFFFFFF0] =	vst v5  }
0x236: {  	v5 =	vld [tilespmem:s12+$0xFFFFFFB0];
	[tilespmem:s19+$0xFFFFFF90] =	vst v12  }
0x237: {  	s19 =	sadd.s32 $0x400, s19;
	v7 =	vld [tilespmem:s8+$0xFFFFFFB0];
	v12 =	vsel vm1, v11, v10;
	[tilespmem:s9+$0xFFFFFF90] =	vst v3  }
0x238: {  	v10 =	vsel vm0, v10, v11;
	s9 =	sadd.s32 $0x400, s9;
	v13 =	vld [tilespmem:s12+$0xFFFFFFC0];
	[tilespmem:s19+$0x0] =	vst v12;
	v3 =	vmov v8  }
0x239: {  	v11 =	vld [tilespmem:s8+$0xFFFFFFC0];
	[tilespmem:s9+$0x0] =	vst v10  }
0x23a: {  	v8 =	vsel vm1, v9, v6;
	v6 =	vsel vm0, v6, v9;
	v9 =	vld [tilespmem:s12+$0xFFFFFFD0];
	[tilespmem:s10+$0xFFFFFFF0] =	vst v4;
	s10 =	smov.u32 s9  }
0x23b: {  	[tilespmem:s19+$0xFFFFFFA0] =	vst v8;
	v12 =	vld [tilespmem:s8+$0xFFFFFFD0]  }
.Ltmp12:
0x23c: {  	[tilespmem:s9+$0xFFFFFFA0] =	vst v6;
	v4 =	vsel vm1, v5, v7;
	v6 =	vsel vm0, v7, v5;
	v5 =	vld [tilespmem:s12+$0xFFFFFFE0];
	(pc) =	sbr.rel @p0 .LBB2_27-.Ltmp12, $4  }
0x23d: {  	[tilespmem:s19+$0xFFFFFFB0] =	vst v4;
	v8 =	vld [tilespmem:s8+$0xFFFFFFE0]  }
0x23e: {  	[tilespmem:s9+$0xFFFFFFB0] =	vst v6;
	v6 =	vsel vm1, v13, v11;
	v10 =	vsel vm0, v11, v13;
	v4 =	vld [tilespmem:s12+$0xFFFFFFF0]  }
0x23f: {  	[tilespmem:s19+$0xFFFFFFC0] =	vst v6;
	v6 =	vld [tilespmem:s8+$0xFFFFFFF0]  }
0x240: {  	v7 =	vld [tilespmem:s12+$0xFFFFFF90];
	[tilespmem:s9+$0xFFFFFFC0] =	vst v10;
	v10 =	vsel vm1, v9, v12;
	v9 =	vsel vm0, v12, v9;
	s12 =	sadd.s32 $0x400, s12  }
0x241: {  	[tilespmem:s19+$0xFFFFFFD0] =	vst v10  }
0x242: {  	[tilespmem:s9+$0xFFFFFFD0] =	vst v9;
	v9 =	vsel vm1, v5, v8  }
0x243: {  	v5 =	vsel vm0, v8, v5;
	[tilespmem:s19+$0xFFFFFFE0] =	vst v9  }
0x244: {  	[tilespmem:s9+$0xFFFFFFE0] =	vst v5;
	v5 =	vsel vm1, v4, v6  }
0x245: {  	v8 =	vsel vm1, v7, v3;
	[tilespmem:s19+$0xFFFFFFF0] =	vst v5  }
0x246: {  	v4 =	vsel vm0, v6, v4;
	[tilespmem:s19+$0xFFFFFF90] =	vst v8  }
0x247: {  	v3 =	vsel vm0, v3, v7;
	[tilespmem:s10+$0xFFFFFFF0] =	vst v4  }
0x248: {  	s12 =	simm.s32 $0x22F0;
	[tilespmem:s9+$0xFFFFFF90] =	vst v3  }
0x249: {  	s8 =	simm.s32 $0xA2F0;
	v4 =	vld [tilespmem:s12+$0x0]  }
0x24a: {  	v5 =	vld [tilespmem:s8+$0x0]  }
0x24b: {  	v3 =	vld [tilespmem:s8+$0xFFFFFF90]  }
0x24c: {  	v6 =	vld [tilespmem:s12+$0xFFFFFFA0]  }
0x24d: {  	v7 =	vbroadcast v1, $0xD;
	v8 =	vld [tilespmem:s8+$0xFFFFFFA0]  }
0x24e: {  	v9 =	vbroadcast v2, $0xD;
	v10 =	vld [tilespmem:s12+$0xFFFFFFB0]  }
0x24f: {  	vm1 =	vge.f32 v7, v0;
	v7 =	vld [tilespmem:s8+$0xFFFFFFB0]  }
0x250: {  	vm0 =	vge.f32 v9, v0;
	s19 =	simm.s32 $0x122F0;
	v11 =	vld [tilespmem:s12+$0xFFFFFFC0];
	v9 =	vsel vm1, v4, v5  }
0x251: {  	s9 =	simm.s32 $0x162F0;
	v4 =	vsel vm0, v5, v4;
	[tilespmem:s19+$0x0] =	vst v9;
	v9 =	vld [tilespmem:s8+$0xFFFFFFC0]  }
0x252: {  	v12 =	vld [tilespmem:s12+$0xFFFFFFD0];
	[tilespmem:s9+$0x0] =	vst v4;
	v4 =	vsel vm1, v6, v8  }
0x253: {  	v13 =	vld [tilespmem:s8+$0xFFFFFFD0];
	v5 =	vsel vm0, v8, v6;
	[tilespmem:s19+$0xFFFFFFA0] =	vst v4  }
0x254: {  	v8 =	vld [tilespmem:s8+$0xFFFFFFE0];
	v4 =	vsel vm1, v10, v7;
	[tilespmem:s9+$0xFFFFFFA0] =	vst v5  }
0x255: {  	v6 =	vsel vm0, v7, v10;
	v5 =	vld [tilespmem:s12+$0xFFFFFFE0];
	[tilespmem:s19+$0xFFFFFFB0] =	vst v4  }
0x256: {  	v4 =	vld [tilespmem:s12+$0xFFFFFFF0];
	[tilespmem:s9+$0xFFFFFFB0] =	vst v6;
	v6 =	vsel vm1, v11, v9  }
0x257: {  	v9 =	vsel vm0, v9, v11;
	[tilespmem:s19+$0xFFFFFFC0] =	vst v6;
	v6 =	vld [tilespmem:s8+$0xFFFFFFF0]  }
0x258: {  	s11 =	simm.s32 $0x0;
	s10 =	simm.s32 $0x162F0;
	v7 =	vld [tilespmem:s12+$0xFFFFFF90];
	v10 =	vsel vm1, v12, v13;
	s12 =	simm.s32 $0x26F0;
	[tilespmem:s9+$0xFFFFFFC0] =	vst v9;
	v9 =	vsel vm0, v13, v12  }
.LBB2_29:
0x259: {  	v11 =	vld [tilespmem:s12+$0x0];
	[tilespmem:s19+$0xFFFFFFD0] =	vst v10;
	s8 =	sadd.s32 $0x400, s8  }
0x25a: {  	v10 =	vld [tilespmem:s8+$0x0];
	[tilespmem:s9+$0xFFFFFFD0] =	vst v9;
	v9 =	vsel vm1, v5, v8;
	v5 =	vsel vm0, v8, v5  }
0x25b: {  	s11 =	sadd.s32 $0x80, s11;
	v8 =	vld [tilespmem:s8+$0xFFFFFF90];
	[tilespmem:s19+$0xFFFFFFE0] =	vst v9  }
0x25c: {  	p0 =	slt.u32 s11, $0x380;
	v9 =	vld [tilespmem:s12+$0xFFFFFFA0];
	[tilespmem:s9+$0xFFFFFFE0] =	vst v5;
	v5 =	vsel vm1, v4, v6;
	v4 =	vsel vm0, v6, v4  }
0x25d: {  	v6 =	vld [tilespmem:s8+$0xFFFFFFA0];
	v12 =	vsel vm1, v7, v3;
	v3 =	vsel vm0, v3, v7;
	[tilespmem:s19+$0xFFFFFFF0] =	vst v5  }
0x25e: {  	v5 =	vld [tilespmem:s12+$0xFFFFFFB0];
	[tilespmem:s19+$0xFFFFFF90] =	vst v12  }
0x25f: {  	s19 =	sadd.s32 $0x400, s19;
	v7 =	vld [tilespmem:s8+$0xFFFFFFB0];
	v12 =	vsel vm1, v11, v10;
	[tilespmem:s9+$0xFFFFFF90] =	vst v3  }
0x260: {  	v10 =	vsel vm0, v10, v11;
	s9 =	sadd.s32 $0x400, s9;
	v13 =	vld [tilespmem:s12+$0xFFFFFFC0];
	[tilespmem:s19+$0x0] =	vst v12;
	v3 =	vmov v8  }
0x261: {  	v11 =	vld [tilespmem:s8+$0xFFFFFFC0];
	[tilespmem:s9+$0x0] =	vst v10  }
0x262: {  	v8 =	vsel vm1, v9, v6;
	v6 =	vsel vm0, v6, v9;
	v9 =	vld [tilespmem:s12+$0xFFFFFFD0];
	[tilespmem:s10+$0xFFFFFFF0] =	vst v4;
	s10 =	smov.u32 s9  }
0x263: {  	[tilespmem:s19+$0xFFFFFFA0] =	vst v8;
	v12 =	vld [tilespmem:s8+$0xFFFFFFD0]  }
.Ltmp13:
0x264: {  	[tilespmem:s9+$0xFFFFFFA0] =	vst v6;
	v4 =	vsel vm1, v5, v7;
	v6 =	vsel vm0, v7, v5;
	v5 =	vld [tilespmem:s12+$0xFFFFFFE0];
	(pc) =	sbr.rel @p0 .LBB2_29-.Ltmp13, $4  }
0x265: {  	[tilespmem:s19+$0xFFFFFFB0] =	vst v4;
	v8 =	vld [tilespmem:s8+$0xFFFFFFE0]  }
0x266: {  	[tilespmem:s9+$0xFFFFFFB0] =	vst v6;
	v6 =	vsel vm1, v13, v11;
	v10 =	vsel vm0, v11, v13;
	v4 =	vld [tilespmem:s12+$0xFFFFFFF0]  }
0x267: {  	[tilespmem:s19+$0xFFFFFFC0] =	vst v6;
	v6 =	vld [tilespmem:s8+$0xFFFFFFF0]  }
0x268: {  	v7 =	vld [tilespmem:s12+$0xFFFFFF90];
	[tilespmem:s9+$0xFFFFFFC0] =	vst v10;
	v10 =	vsel vm1, v9, v12;
	v9 =	vsel vm0, v12, v9;
	s12 =	sadd.s32 $0x400, s12  }
0x269: {  	[tilespmem:s19+$0xFFFFFFD0] =	vst v10  }
0x26a: {  	[tilespmem:s9+$0xFFFFFFD0] =	vst v9;
	v9 =	vsel vm1, v5, v8  }
0x26b: {  	v5 =	vsel vm0, v8, v5;
	[tilespmem:s19+$0xFFFFFFE0] =	vst v9  }
0x26c: {  	[tilespmem:s9+$0xFFFFFFE0] =	vst v5;
	v5 =	vsel vm1, v4, v6  }
0x26d: {  	v8 =	vsel vm1, v7, v3;
	[tilespmem:s19+$0xFFFFFFF0] =	vst v5  }
0x26e: {  	v4 =	vsel vm0, v6, v4;
	[tilespmem:s19+$0xFFFFFF90] =	vst v8  }
0x26f: {  	v3 =	vsel vm0, v3, v7;
	[tilespmem:s10+$0xFFFFFFF0] =	vst v4  }
0x270: {  	s12 =	simm.s32 $0x2370;
	[tilespmem:s9+$0xFFFFFF90] =	vst v3  }
0x271: {  	s8 =	simm.s32 $0xA370;
	v4 =	vld [tilespmem:s12+$0x0]  }
0x272: {  	v5 =	vld [tilespmem:s8+$0x0]  }
0x273: {  	v3 =	vld [tilespmem:s8+$0xFFFFFF90]  }
0x274: {  	v6 =	vld [tilespmem:s12+$0xFFFFFFA0]  }
0x275: {  	v7 =	vbroadcast v1, $0xE;
	v8 =	vld [tilespmem:s8+$0xFFFFFFA0]  }
0x276: {  	v9 =	vbroadcast v2, $0xE;
	v10 =	vld [tilespmem:s12+$0xFFFFFFB0]  }
0x277: {  	vm1 =	vge.f32 v7, v0;
	v7 =	vld [tilespmem:s8+$0xFFFFFFB0]  }
0x278: {  	vm0 =	vge.f32 v9, v0;
	s19 =	simm.s32 $0x12370;
	v11 =	vld [tilespmem:s12+$0xFFFFFFC0];
	v9 =	vsel vm1, v4, v5  }
0x279: {  	s9 =	simm.s32 $0x16370;
	v4 =	vsel vm0, v5, v4;
	[tilespmem:s19+$0x0] =	vst v9;
	v9 =	vld [tilespmem:s8+$0xFFFFFFC0]  }
0x27a: {  	v12 =	vld [tilespmem:s12+$0xFFFFFFD0];
	[tilespmem:s9+$0x0] =	vst v4;
	v4 =	vsel vm1, v6, v8  }
0x27b: {  	v13 =	vld [tilespmem:s8+$0xFFFFFFD0];
	v5 =	vsel vm0, v8, v6;
	[tilespmem:s19+$0xFFFFFFA0] =	vst v4  }
0x27c: {  	v8 =	vld [tilespmem:s8+$0xFFFFFFE0];
	v4 =	vsel vm1, v10, v7;
	[tilespmem:s9+$0xFFFFFFA0] =	vst v5  }
0x27d: {  	v6 =	vsel vm0, v7, v10;
	v5 =	vld [tilespmem:s12+$0xFFFFFFE0];
	[tilespmem:s19+$0xFFFFFFB0] =	vst v4  }
0x27e: {  	v4 =	vld [tilespmem:s12+$0xFFFFFFF0];
	[tilespmem:s9+$0xFFFFFFB0] =	vst v6;
	v6 =	vsel vm1, v11, v9  }
0x27f: {  	v9 =	vsel vm0, v9, v11;
	[tilespmem:s19+$0xFFFFFFC0] =	vst v6;
	v6 =	vld [tilespmem:s8+$0xFFFFFFF0]  }
0x280: {  	s11 =	simm.s32 $0x0;
	s10 =	simm.s32 $0x16370;
	v7 =	vld [tilespmem:s12+$0xFFFFFF90];
	v10 =	vsel vm1, v12, v13;
	s12 =	simm.s32 $0x2770;
	[tilespmem:s9+$0xFFFFFFC0] =	vst v9;
	v9 =	vsel vm0, v13, v12  }
.LBB2_31:
0x281: {  	v11 =	vld [tilespmem:s12+$0x0];
	[tilespmem:s19+$0xFFFFFFD0] =	vst v10;
	s8 =	sadd.s32 $0x400, s8  }
0x282: {  	v10 =	vld [tilespmem:s8+$0x0];
	[tilespmem:s9+$0xFFFFFFD0] =	vst v9;
	v9 =	vsel vm1, v5, v8;
	v5 =	vsel vm0, v8, v5  }
0x283: {  	s11 =	sadd.s32 $0x80, s11;
	v8 =	vld [tilespmem:s8+$0xFFFFFF90];
	[tilespmem:s19+$0xFFFFFFE0] =	vst v9  }
0x284: {  	p0 =	slt.u32 s11, $0x380;
	v9 =	vld [tilespmem:s12+$0xFFFFFFA0];
	[tilespmem:s9+$0xFFFFFFE0] =	vst v5;
	v5 =	vsel vm1, v4, v6;
	v4 =	vsel vm0, v6, v4  }
0x285: {  	v6 =	vld [tilespmem:s8+$0xFFFFFFA0];
	v12 =	vsel vm1, v7, v3;
	v3 =	vsel vm0, v3, v7;
	[tilespmem:s19+$0xFFFFFFF0] =	vst v5  }
0x286: {  	v5 =	vld [tilespmem:s12+$0xFFFFFFB0];
	[tilespmem:s19+$0xFFFFFF90] =	vst v12  }
0x287: {  	s19 =	sadd.s32 $0x400, s19;
	v7 =	vld [tilespmem:s8+$0xFFFFFFB0];
	v12 =	vsel vm1, v11, v10;
	[tilespmem:s9+$0xFFFFFF90] =	vst v3  }
0x288: {  	v10 =	vsel vm0, v10, v11;
	s9 =	sadd.s32 $0x400, s9;
	v13 =	vld [tilespmem:s12+$0xFFFFFFC0];
	[tilespmem:s19+$0x0] =	vst v12;
	v3 =	vmov v8  }
0x289: {  	v11 =	vld [tilespmem:s8+$0xFFFFFFC0];
	[tilespmem:s9+$0x0] =	vst v10  }
0x28a: {  	v8 =	vsel vm1, v9, v6;
	v6 =	vsel vm0, v6, v9;
	v9 =	vld [tilespmem:s12+$0xFFFFFFD0];
	[tilespmem:s10+$0xFFFFFFF0] =	vst v4;
	s10 =	smov.u32 s9  }
0x28b: {  	[tilespmem:s19+$0xFFFFFFA0] =	vst v8;
	v12 =	vld [tilespmem:s8+$0xFFFFFFD0]  }
.Ltmp14:
0x28c: {  	[tilespmem:s9+$0xFFFFFFA0] =	vst v6;
	v4 =	vsel vm1, v5, v7;
	v6 =	vsel vm0, v7, v5;
	v5 =	vld [tilespmem:s12+$0xFFFFFFE0];
	(pc) =	sbr.rel @p0 .LBB2_31-.Ltmp14, $4  }
0x28d: {  	[tilespmem:s19+$0xFFFFFFB0] =	vst v4;
	v8 =	vld [tilespmem:s8+$0xFFFFFFE0]  }
0x28e: {  	[tilespmem:s9+$0xFFFFFFB0] =	vst v6;
	v6 =	vsel vm1, v13, v11;
	v10 =	vsel vm0, v11, v13;
	v4 =	vld [tilespmem:s12+$0xFFFFFFF0]  }
0x28f: {  	[tilespmem:s19+$0xFFFFFFC0] =	vst v6;
	v6 =	vld [tilespmem:s8+$0xFFFFFFF0]  }
0x290: {  	v7 =	vld [tilespmem:s12+$0xFFFFFF90];
	[tilespmem:s9+$0xFFFFFFC0] =	vst v10;
	v10 =	vsel vm1, v9, v12;
	v9 =	vsel vm0, v12, v9;
	s12 =	sadd.s32 $0x400, s12  }
0x291: {  	[tilespmem:s19+$0xFFFFFFD0] =	vst v10  }
0x292: {  	[tilespmem:s9+$0xFFFFFFD0] =	vst v9;
	v9 =	vsel vm1, v5, v8  }
0x293: {  	v5 =	vsel vm0, v8, v5;
	[tilespmem:s19+$0xFFFFFFE0] =	vst v9  }
0x294: {  	[tilespmem:s9+$0xFFFFFFE0] =	vst v5;
	v5 =	vsel vm1, v4, v6  }
0x295: {  	v8 =	vsel vm1, v7, v3;
	[tilespmem:s19+$0xFFFFFFF0] =	vst v5  }
0x296: {  	v4 =	vsel vm0, v6, v4;
	[tilespmem:s19+$0xFFFFFF90] =	vst v8  }
0x297: {  	v3 =	vsel vm0, v3, v7;
	[tilespmem:s10+$0xFFFFFFF0] =	vst v4  }
0x298: {  	s12 =	simm.s32 $0x23F0;
	[tilespmem:s9+$0xFFFFFF90] =	vst v3  }
0x299: {  	s8 =	simm.s32 $0xA3F0;
	v4 =	vld [tilespmem:s12+$0x0]  }
0x29a: {  	v5 =	vld [tilespmem:s8+$0x0]  }
0x29b: {  	v3 =	vld [tilespmem:s8+$0xFFFFFF90]  }
0x29c: {  	v6 =	vld [tilespmem:s12+$0xFFFFFFA0]  }
0x29d: {  	v1 =	vbroadcast v1, $0xF;
	v7 =	vld [tilespmem:s8+$0xFFFFFFA0]  }
0x29e: {  	v2 =	vbroadcast v2, $0xF;
	v8 =	vld [tilespmem:s12+$0xFFFFFFB0]  }
0x29f: {  	vm1 =	vge.f32 v1, v0;
	v1 =	vld [tilespmem:s8+$0xFFFFFFB0]  }
0x2a0: {  	vm0 =	vge.f32 v2, v0;
	s19 =	simm.s32 $0x123F0;
	v9 =	vld [tilespmem:s12+$0xFFFFFFC0];
	v2 =	vsel vm1, v4, v5  }
0x2a1: {  	s9 =	simm.s32 $0x163F0;
	[tilespmem:s19+$0x0] =	vst v2;
	v2 =	vsel vm0, v5, v4;
	v4 =	vld [tilespmem:s8+$0xFFFFFFC0]  }
0x2a2: {  	v10 =	vld [tilespmem:s12+$0xFFFFFFD0];
	[tilespmem:s9+$0x0] =	vst v2;
	v2 =	vsel vm1, v6, v7  }
0x2a3: {  	v5 =	vsel vm0, v7, v6;
	v7 =	vld [tilespmem:s8+$0xFFFFFFD0];
	[tilespmem:s19+$0xFFFFFFA0] =	vst v2  }
0x2a4: {  	v6 =	vld [tilespmem:s8+$0xFFFFFFE0];
	[tilespmem:s9+$0xFFFFFFA0] =	vst v5;
	v5 =	vsel vm1, v8, v1  }
0x2a5: {  	v2 =	vld [tilespmem:s12+$0xFFFFFFE0];
	v1 =	vsel vm0, v1, v8;
	[tilespmem:s19+$0xFFFFFFB0] =	vst v5  }
0x2a6: {  	[tilespmem:s9+$0xFFFFFFB0] =	vst v1;
	v5 =	vsel vm1, v9, v4;
	v1 =	vld [tilespmem:s12+$0xFFFFFFF0]  }
0x2a7: {  	v8 =	vsel vm0, v4, v9;
	v4 =	vld [tilespmem:s8+$0xFFFFFFF0];
	[tilespmem:s19+$0xFFFFFFC0] =	vst v5  }
0x2a8: {  	s11 =	simm.s32 $0x0;
	s10 =	simm.s32 $0x163F0;
	v5 =	vld [tilespmem:s12+$0xFFFFFF90];
	s12 =	simm.s32 $0x27F0;
	[tilespmem:s9+$0xFFFFFFC0] =	vst v8;
	v8 =	vsel vm1, v10, v7;
	v7 =	vsel vm0, v7, v10  }
.LBB2_33:
0x2a9: {  	v9 =	vld [tilespmem:s12+$0x0];
	[tilespmem:s19+$0xFFFFFFD0] =	vst v8;
	s8 =	sadd.s32 $0x400, s8  }
0x2aa: {  	v8 =	vld [tilespmem:s8+$0x0];
	[tilespmem:s9+$0xFFFFFFD0] =	vst v7;
	v7 =	vsel vm1, v2, v6;
	v2 =	vsel vm0, v6, v2  }
0x2ab: {  	s11 =	sadd.s32 $0x80, s11;
	v6 =	vld [tilespmem:s8+$0xFFFFFF90];
	[tilespmem:s19+$0xFFFFFFE0] =	vst v7  }
0x2ac: {  	p0 =	slt.u32 s11, $0x380;
	v7 =	vld [tilespmem:s12+$0xFFFFFFA0];
	[tilespmem:s9+$0xFFFFFFE0] =	vst v2;
	v2 =	vsel vm1, v1, v4;
	v1 =	vsel vm0, v4, v1  }
0x2ad: {  	v4 =	vld [tilespmem:s8+$0xFFFFFFA0];
	v10 =	vsel vm1, v5, v3;
	v3 =	vsel vm0, v3, v5;
	[tilespmem:s19+$0xFFFFFFF0] =	vst v2  }
0x2ae: {  	v2 =	vld [tilespmem:s12+$0xFFFFFFB0];
	[tilespmem:s19+$0xFFFFFF90] =	vst v10  }
0x2af: {  	s19 =	sadd.s32 $0x400, s19;
	v5 =	vld [tilespmem:s8+$0xFFFFFFB0];
	v10 =	vsel vm1, v9, v8;
	[tilespmem:s9+$0xFFFFFF90] =	vst v3  }
0x2b0: {  	v8 =	vsel vm0, v8, v9;
	s9 =	sadd.s32 $0x400, s9;
	v11 =	vld [tilespmem:s12+$0xFFFFFFC0];
	[tilespmem:s19+$0x0] =	vst v10;
	v3 =	vmov v6  }
0x2b1: {  	v9 =	vld [tilespmem:s8+$0xFFFFFFC0];
	[tilespmem:s9+$0x0] =	vst v8  }
0x2b2: {  	v6 =	vsel vm1, v7, v4;
	v4 =	vsel vm0, v4, v7;
	v7 =	vld [tilespmem:s12+$0xFFFFFFD0];
	[tilespmem:s10+$0xFFFFFFF0] =	vst v1;
	s10 =	smov.u32 s9  }
0x2b3: {  	[tilespmem:s19+$0xFFFFFFA0] =	vst v6;
	v10 =	vld [tilespmem:s8+$0xFFFFFFD0]  }
.Ltmp15:
0x2b4: {  	[tilespmem:s9+$0xFFFFFFA0] =	vst v4;
	v1 =	vsel vm1, v2, v5;
	v4 =	vsel vm0, v5, v2;
	v2 =	vld [tilespmem:s12+$0xFFFFFFE0];
	(pc) =	sbr.rel @p0 .LBB2_33-.Ltmp15, $4  }
0x2b5: {  	[tilespmem:s19+$0xFFFFFFB0] =	vst v1;
	v6 =	vld [tilespmem:s8+$0xFFFFFFE0]  }
0x2b6: {  	[tilespmem:s9+$0xFFFFFFB0] =	vst v4;
	v4 =	vsel vm1, v11, v9;
	v8 =	vsel vm0, v9, v11;
	v1 =	vld [tilespmem:s12+$0xFFFFFFF0]  }
0x2b7: {  	[tilespmem:s19+$0xFFFFFFC0] =	vst v4;
	v4 =	vld [tilespmem:s8+$0xFFFFFFF0]  }
0x2b8: {  	v5 =	vld [tilespmem:s12+$0xFFFFFF90];
	[tilespmem:s9+$0xFFFFFFC0] =	vst v8;
	v8 =	vsel vm1, v7, v10;
	v7 =	vsel vm0, v10, v7;
	s12 =	sadd.s32 $0x400, s12  }
0x2b9: {  	[tilespmem:s19+$0xFFFFFFD0] =	vst v8  }
0x2ba: {  	[tilespmem:s9+$0xFFFFFFD0] =	vst v7;
	v7 =	vsel vm1, v2, v6  }
0x2bb: {  	v2 =	vsel vm0, v6, v2;
	[tilespmem:s19+$0xFFFFFFE0] =	vst v7  }
0x2bc: {  	[tilespmem:s9+$0xFFFFFFE0] =	vst v2;
	v2 =	vsel vm1, v1, v4  }
0x2bd: {  	v6 =	vsel vm1, v5, v3;
	[tilespmem:s19+$0xFFFFFFF0] =	vst v2  }
0x2be: {  	v1 =	vsel vm0, v4, v1;
	[tilespmem:s19+$0xFFFFFF90] =	vst v6  }
0x2bf: {  	s8 =	sor.u32 $0x400, s18;
	v2 =	vsel vm0, v3, v5;
	[tilespmem:s10+$0xFFFFFFF0] =	vst v1  }
0x2c0: {  	s19 =	sadd.s32 s4, s8;
	[tilespmem:s9+$0xFFFFFF90] =	vst v2  }
0x2c1: {  	[hbm4b:s19+s6] =	stream.linear.scatter [tilespmem:s25], [sflag:$0x4], $0x2000, $0x38;
	[tilespmem:$0x18880] =	vst v63  }
0x2c2: {  	p0 =	seq.s32 s0, $0x1F;
	s8 =	sadd.s32 s5, s8  }
0x2c3: {  	[hbm4b:s8+s6] =	stream.linear.scatter [tilespmem:s26], [sflag:$0x4], $0x2000, $0x38;
	[tilespmem:$0x18880] =	vst v63  }
0x2c4: {  	s8 =	sadd.s32 @!p0 s17, s13  }
0x2c5: {  	s8 =	sshll.u32 @!p0 s8, $0x7  }
0x2c6: {  	s10 =	simm.s32 @!p0 $0x0;
	s9 =	sadd.s32 @!p0 s1, s8  }
0x2c7: {  	[tilespmem:s10], [sflag:$0x1] =	stream.linear.gather @!p0 [hbm4b:s9+s10], $0x4000, $0x38;
	[tilespmem:$0x18880] =	vst v63  }
0x2c8: {  	s8 =	sadd.s32 @!p0 s2, s8;
	s9 =	simm.s32 @!p0 $0x8000  }
0x2c9: {  	[tilespmem:s9], [sflag:$0x1] =	stream.linear.gather @!p0 [hbm4b:s8+s10], $0x4000, $0x38;
	[tilespmem:$0x18880] =	vst v63  }
0x2ca: {  	_ =	swait.ge [sflag:s28], $0x4000  }
0x2cb: {  	[sflag:s28] =	ssyncset.done $0x0  }
0x2cc: {  	[sflag:s28] =	ssyncadd.s32 $0xFFFFC000  }
0x2cd: {  	_ =	swait.ge [sflag:s28], $0x4000  }
0x2ce: {  	[sflag:s28] =	ssyncset.done $0x0  }
0x2cf: {  	[sflag:s28] =	ssyncadd.s32 $0xFFFFC000  }
0x2d0: {  	v1 =	vld [tilespmem:s15+$0x18000]  }
0x2d1: {  	v2 =	vld [tilespmem:s15+$0x18400];
	_ =	swait.ge [sflag:s29], $0x2000  }
0x2d2: {  	[sflag:s29] =	ssyncset.done $0x0  }
0x2d3: {  	[sflag:s29] =	ssyncadd.s32 $0xFFFFE000  }
0x2d4: {  	_ =	swait.ge [sflag:s29], $0x2000  }
0x2d5: {  	[sflag:s29] =	ssyncset.done $0x0  }
0x2d6: {  	s15 =	simm.s32 $0x0;
	[sflag:s29] =	ssyncadd.s32 $0xFFFFE000  }
0x2d7: {  	v3 =	vld [tilespmem:s15+$0x4070]  }
0x2d8: {  	v4 =	vld [tilespmem:s15+$0xC070]  }
0x2d9: {  	v5 =	vld [tilespmem:s15+$0x4000]  }
0x2da: {  	v6 =	vbroadcast v2, $0x0;
	v7 =	vld [tilespmem:s15+$0xC000]  }
0x2db: {  	v8 =	vbroadcast v1, $0x0;
	v9 =	vld [tilespmem:s15+$0x4010]  }
0x2dc: {  	vm0 =	vge.f32 v6, v0;
	v6 =	vld [tilespmem:s15+$0xC010]  }
0x2dd: {  	v11 =	vld [tilespmem:s15+$0xC020];
	vm1 =	vge.f32 v8, v0;
	v10 =	vsel vm0, v4, v3  }
0x2de: {  	v8 =	vld [tilespmem:s15+$0x4020];
	v3 =	vsel vm1, v3, v4;
	[tilespmem:s15+$0x14070] =	vst v10  }
0x2df: {  	v4 =	vsel vm1, v5, v7;
	[tilespmem:s15+$0x10070] =	vst v3;
	v10 =	vld [tilespmem:s15+$0x4030]  }
0x2e0: {  	v3 =	vsel vm0, v7, v5;
	[tilespmem:s15+$0x10000] =	vst v4;
	v5 =	vld [tilespmem:s15+$0xC030]  }
0x2e1: {  	v4 =	vsel vm1, v9, v6;
	v7 =	vsel vm0, v6, v9;
	v6 =	vld [tilespmem:s15+$0xC040];
	[tilespmem:s15+$0x14000] =	vst v3  }
0x2e2: {  	v3 =	vld [tilespmem:s15+$0x4040];
	[tilespmem:s15+$0x10010] =	vst v4  }
0x2e3: {  	[tilespmem:s15+$0x14010] =	vst v7;
	v7 =	vsel vm1, v8, v11;
	v4 =	vld [tilespmem:s15+$0x4050]  }
0x2e4: {  	v8 =	vsel vm0, v11, v8;
	[tilespmem:s15+$0x10020] =	vst v7;
	v7 =	vld [tilespmem:s15+$0xC050]  }
0x2e5: {  	s8 =	simm.s32 $0x0;
	s9 =	simm.s32 $0x1000;
	[tilespmem:s15+$0x14020] =	vst v8;
	v9 =	vsel vm1, v10, v5;
	v8 =	vsel vm0, v5, v10;
	v5 =	vld [tilespmem:s15+$0x4060]  }
.LBB2_35:
0x2e6: {  	s10 =	sshra.s32 s9, $0x2;
	[tilespmem:s15+$0x10030] =	vst v9;
	v9 =	vld [tilespmem:s15+$0xC060]  }
0x2e7: {  	s8 =	sadd.s32 $0x80, s8;
	v10 =	vld [tilespmem:s10+$0x4070];
	[tilespmem:s15+$0x14030] =	vst v8;
	v8 =	vsel vm1, v3, v6;
	v3 =	vsel vm0, v6, v3  }
0x2e8: {  	p0 =	slt.u32 s8, $0x380;
	v6 =	vld [tilespmem:s10+$0xC070];
	[tilespmem:s15+$0x10040] =	vst v8  }
0x2e9: {  	v8 =	vld [tilespmem:s10+$0x4000];
	[tilespmem:s15+$0x14040] =	vst v3;
	v3 =	vsel vm1, v4, v7;
	v4 =	vsel vm0, v7, v4  }
0x2ea: {  	v7 =	vld [tilespmem:s10+$0xC000];
	[tilespmem:s15+$0x10050] =	vst v3  }
0x2eb: {  	v3 =	vld [tilespmem:s10+$0x4010];
	[tilespmem:s15+$0x14050] =	vst v4;
	v4 =	vsel vm1, v5, v9;
	v5 =	vsel vm0, v9, v5  }
0x2ec: {  	v9 =	vld [tilespmem:s10+$0xC010];
	[tilespmem:s15+$0x10060] =	vst v4  }
0x2ed: {  	v4 =	vld [tilespmem:s10+$0x4020];
	v11 =	vsel vm1, v10, v6;
	v6 =	vsel vm0, v6, v10;
	[tilespmem:s15+$0x14060] =	vst v5;
	s15 =	smov.u32 s10  }
0x2ee: {  	v5 =	vld [tilespmem:s15+$0xC020];
	[tilespmem:s15+$0x14070] =	vst v6  }
0x2ef: {  	v6 =	vsel vm1, v8, v7;
	v7 =	vsel vm0, v7, v8;
	v8 =	vld [tilespmem:s15+$0x4030];
	[tilespmem:s15+$0x10070] =	vst v11  }
0x2f0: {  	[tilespmem:s15+$0x10000] =	vst v6;
	v10 =	vld [tilespmem:s15+$0xC030]  }
.Ltmp16:
0x2f1: {  	[tilespmem:s15+$0x14000] =	vst v7;
	v6 =	vsel vm1, v3, v9;
	v7 =	vsel vm0, v9, v3;
	v3 =	vld [tilespmem:s15+$0x4040];
	(pc) =	sbr.rel @p0 .LBB2_35-.Ltmp16, $4  }
0x2f2: {  	[tilespmem:s15+$0x10010] =	vst v6;
	v6 =	vld [tilespmem:s15+$0xC040]  }
0x2f3: {  	[tilespmem:s15+$0x14010] =	vst v7;
	v7 =	vsel vm1, v4, v5;
	v5 =	vsel vm0, v5, v4;
	v4 =	vld [tilespmem:s15+$0x4050]  }
0x2f4: {  	[tilespmem:s15+$0x10020] =	vst v7;
	v7 =	vld [tilespmem:s15+$0xC050]  }
0x2f5: {  	s9 =	sadd.s32 $0x1000, s9;
	[tilespmem:s15+$0x14020] =	vst v5;
	v9 =	vsel vm1, v8, v10;
	v8 =	vsel vm0, v10, v8;
	v5 =	vld [tilespmem:s15+$0x4060]  }
0x2f6: {  	[tilespmem:s15+$0x10030] =	vst v9;
	v9 =	vld [tilespmem:s15+$0xC060]  }
0x2f7: {  	[tilespmem:s15+$0x14030] =	vst v8;
	v8 =	vsel vm1, v3, v6  }
0x2f8: {  	v3 =	vsel vm0, v6, v3;
	[tilespmem:s15+$0x10040] =	vst v8  }
0x2f9: {  	[tilespmem:s15+$0x14040] =	vst v3;
	v3 =	vsel vm1, v4, v7  }
0x2fa: {  	v4 =	vsel vm0, v7, v4;
	[tilespmem:s15+$0x10050] =	vst v3  }
0x2fb: {  	[tilespmem:s15+$0x14050] =	vst v4;
	v3 =	vsel vm1, v5, v9  }
0x2fc: {  	v4 =	vsel vm0, v9, v5;
	[tilespmem:s15+$0x10060] =	vst v3  }
0x2fd: {  	[tilespmem:s15+$0x14060] =	vst v4;
	s15 =	simm.s32 $0x0  }
0x2fe: {  	v3 =	vld [tilespmem:s15+$0x40F0]  }
0x2ff: {  	v4 =	vld [tilespmem:s15+$0xC0F0]  }
0x300: {  	v5 =	vld [tilespmem:s15+$0x4080]  }
0x301: {  	v6 =	vbroadcast v2, $0x1;
	v7 =	vld [tilespmem:s15+$0xC080]  }
0x302: {  	v8 =	vbroadcast v1, $0x1;
	v9 =	vld [tilespmem:s15+$0x4090]  }
0x303: {  	vm0 =	vge.f32 v6, v0;
	v6 =	vld [tilespmem:s15+$0xC090]  }
0x304: {  	vm1 =	vge.f32 v8, v0;
	v8 =	vld [tilespmem:s15+$0x40A0];
	v10 =	vsel vm0, v4, v3  }
0x305: {  	v11 =	vld [tilespmem:s15+$0xC0A0];
	v3 =	vsel vm1, v3, v4;
	[tilespmem:s15+$0x140F0] =	vst v10  }
0x306: {  	v4 =	vsel vm1, v5, v7;
	[tilespmem:s15+$0x100F0] =	vst v3;
	v10 =	vld [tilespmem:s15+$0x40B0]  }
0x307: {  	v3 =	vsel vm0, v7, v5;
	[tilespmem:s15+$0x10080] =	vst v4;
	v5 =	vld [tilespmem:s15+$0xC0B0]  }
0x308: {  	v4 =	vsel vm1, v9, v6;
	v7 =	vsel vm0, v6, v9;
	v6 =	vld [tilespmem:s15+$0xC0C0];
	[tilespmem:s15+$0x14080] =	vst v3  }
0x309: {  	v3 =	vld [tilespmem:s15+$0x40C0];
	[tilespmem:s15+$0x10090] =	vst v4  }
0x30a: {  	[tilespmem:s15+$0x14090] =	vst v7;
	v7 =	vsel vm1, v8, v11;
	v4 =	vld [tilespmem:s15+$0x40D0]  }
0x30b: {  	v8 =	vsel vm0, v11, v8;
	[tilespmem:s15+$0x100A0] =	vst v7;
	v7 =	vld [tilespmem:s15+$0xC0D0]  }
0x30c: {  	s8 =	simm.s32 $0x0;
	s9 =	simm.s32 $0x1000;
	[tilespmem:s15+$0x140A0] =	vst v8;
	v9 =	vsel vm1, v10, v5;
	v8 =	vsel vm0, v5, v10;
	v5 =	vld [tilespmem:s15+$0x40E0]  }
.LBB2_37:
0x30d: {  	s10 =	sshra.s32 s9, $0x2;
	[tilespmem:s15+$0x100B0] =	vst v9;
	v9 =	vld [tilespmem:s15+$0xC0E0]  }
0x30e: {  	s8 =	sadd.s32 $0x80, s8;
	v10 =	vld [tilespmem:s10+$0x40F0];
	[tilespmem:s15+$0x140B0] =	vst v8;
	v8 =	vsel vm1, v3, v6;
	v3 =	vsel vm0, v6, v3  }
0x30f: {  	p0 =	slt.u32 s8, $0x380;
	v6 =	vld [tilespmem:s10+$0xC0F0];
	[tilespmem:s15+$0x100C0] =	vst v8  }
0x310: {  	v8 =	vld [tilespmem:s10+$0x4080];
	[tilespmem:s15+$0x140C0] =	vst v3;
	v3 =	vsel vm1, v4, v7;
	v4 =	vsel vm0, v7, v4  }
0x311: {  	v7 =	vld [tilespmem:s10+$0xC080];
	[tilespmem:s15+$0x100D0] =	vst v3  }
0x312: {  	v3 =	vld [tilespmem:s10+$0x4090];
	[tilespmem:s15+$0x140D0] =	vst v4;
	v4 =	vsel vm1, v5, v9;
	v5 =	vsel vm0, v9, v5  }
0x313: {  	v9 =	vld [tilespmem:s10+$0xC090];
	[tilespmem:s15+$0x100E0] =	vst v4  }
0x314: {  	v4 =	vld [tilespmem:s10+$0x40A0];
	v11 =	vsel vm1, v10, v6;
	v6 =	vsel vm0, v6, v10;
	[tilespmem:s15+$0x140E0] =	vst v5;
	s15 =	smov.u32 s10  }
0x315: {  	v5 =	vld [tilespmem:s15+$0xC0A0];
	[tilespmem:s15+$0x140F0] =	vst v6  }
0x316: {  	v6 =	vsel vm1, v8, v7;
	v7 =	vsel vm0, v7, v8;
	v8 =	vld [tilespmem:s15+$0x40B0];
	[tilespmem:s15+$0x100F0] =	vst v11  }
0x317: {  	[tilespmem:s15+$0x10080] =	vst v6;
	v10 =	vld [tilespmem:s15+$0xC0B0]  }
.Ltmp17:
0x318: {  	[tilespmem:s15+$0x14080] =	vst v7;
	v6 =	vsel vm1, v3, v9;
	v7 =	vsel vm0, v9, v3;
	v3 =	vld [tilespmem:s15+$0x40C0];
	(pc) =	sbr.rel @p0 .LBB2_37-.Ltmp17, $4  }
0x319: {  	[tilespmem:s15+$0x10090] =	vst v6;
	v6 =	vld [tilespmem:s15+$0xC0C0]  }
0x31a: {  	[tilespmem:s15+$0x14090] =	vst v7;
	v7 =	vsel vm1, v4, v5;
	v5 =	vsel vm0, v5, v4;
	v4 =	vld [tilespmem:s15+$0x40D0]  }
0x31b: {  	[tilespmem:s15+$0x100A0] =	vst v7;
	v7 =	vld [tilespmem:s15+$0xC0D0]  }
0x31c: {  	s9 =	sadd.s32 $0x1000, s9;
	[tilespmem:s15+$0x140A0] =	vst v5;
	v9 =	vsel vm1, v8, v10;
	v8 =	vsel vm0, v10, v8;
	v5 =	vld [tilespmem:s15+$0x40E0]  }
0x31d: {  	[tilespmem:s15+$0x100B0] =	vst v9;
	v9 =	vld [tilespmem:s15+$0xC0E0]  }
0x31e: {  	[tilespmem:s15+$0x140B0] =	vst v8;
	v8 =	vsel vm1, v3, v6  }
0x31f: {  	v3 =	vsel vm0, v6, v3;
	[tilespmem:s15+$0x100C0] =	vst v8  }
0x320: {  	[tilespmem:s15+$0x140C0] =	vst v3;
	v3 =	vsel vm1, v4, v7  }
0x321: {  	v4 =	vsel vm0, v7, v4;
	[tilespmem:s15+$0x100D0] =	vst v3  }
0x322: {  	[tilespmem:s15+$0x140D0] =	vst v4;
	v3 =	vsel vm1, v5, v9  }
0x323: {  	v4 =	vsel vm0, v9, v5;
	[tilespmem:s15+$0x100E0] =	vst v3  }
0x324: {  	[tilespmem:s15+$0x140E0] =	vst v4;
	s15 =	simm.s32 $0x0  }
0x325: {  	v3 =	vld [tilespmem:s15+$0x4170]  }
0x326: {  	v4 =	vld [tilespmem:s15+$0xC170]  }
0x327: {  	v5 =	vld [tilespmem:s15+$0x4100]  }
0x328: {  	v6 =	vbroadcast v2, $0x2;
	v7 =	vld [tilespmem:s15+$0xC100]  }
0x329: {  	v8 =	vbroadcast v1, $0x2;
	v9 =	vld [tilespmem:s15+$0x4110]  }
0x32a: {  	vm0 =	vge.f32 v6, v0;
	v6 =	vld [tilespmem:s15+$0xC110]  }
0x32b: {  	vm1 =	vge.f32 v8, v0;
	v8 =	vld [tilespmem:s15+$0x4120];
	v10 =	vsel vm0, v4, v3  }
0x32c: {  	v11 =	vld [tilespmem:s15+$0xC120];
	v3 =	vsel vm1, v3, v4;
	[tilespmem:s15+$0x14170] =	vst v10  }
0x32d: {  	v4 =	vsel vm1, v5, v7;
	[tilespmem:s15+$0x10170] =	vst v3;
	v10 =	vld [tilespmem:s15+$0x4130]  }
0x32e: {  	v3 =	vsel vm0, v7, v5;
	[tilespmem:s15+$0x10100] =	vst v4;
	v5 =	vld [tilespmem:s15+$0xC130]  }
0x32f: {  	v4 =	vsel vm1, v9, v6;
	v7 =	vsel vm0, v6, v9;
	v6 =	vld [tilespmem:s15+$0xC140];
	[tilespmem:s15+$0x14100] =	vst v3  }
0x330: {  	v3 =	vld [tilespmem:s15+$0x4140];
	[tilespmem:s15+$0x10110] =	vst v4  }
0x331: {  	[tilespmem:s15+$0x14110] =	vst v7;
	v7 =	vsel vm1, v8, v11;
	v4 =	vld [tilespmem:s15+$0x4150]  }
0x332: {  	v8 =	vsel vm0, v11, v8;
	[tilespmem:s15+$0x10120] =	vst v7;
	v7 =	vld [tilespmem:s15+$0xC150]  }
0x333: {  	s8 =	simm.s32 $0x0;
	s9 =	simm.s32 $0x1000;
	[tilespmem:s15+$0x14120] =	vst v8;
	v9 =	vsel vm1, v10, v5;
	v8 =	vsel vm0, v5, v10;
	v5 =	vld [tilespmem:s15+$0x4160]  }
.LBB2_39:
0x334: {  	s10 =	sshra.s32 s9, $0x2;
	[tilespmem:s15+$0x10130] =	vst v9;
	v9 =	vld [tilespmem:s15+$0xC160]  }
0x335: {  	s8 =	sadd.s32 $0x80, s8;
	v10 =	vld [tilespmem:s10+$0x4170];
	[tilespmem:s15+$0x14130] =	vst v8;
	v8 =	vsel vm1, v3, v6;
	v3 =	vsel vm0, v6, v3  }
0x336: {  	p0 =	slt.u32 s8, $0x380;
	v6 =	vld [tilespmem:s10+$0xC170];
	[tilespmem:s15+$0x10140] =	vst v8  }
0x337: {  	v8 =	vld [tilespmem:s10+$0x4100];
	[tilespmem:s15+$0x14140] =	vst v3;
	v3 =	vsel vm1, v4, v7;
	v4 =	vsel vm0, v7, v4  }
0x338: {  	v7 =	vld [tilespmem:s10+$0xC100];
	[tilespmem:s15+$0x10150] =	vst v3  }
0x339: {  	v3 =	vld [tilespmem:s10+$0x4110];
	[tilespmem:s15+$0x14150] =	vst v4;
	v4 =	vsel vm1, v5, v9;
	v5 =	vsel vm0, v9, v5  }
0x33a: {  	v9 =	vld [tilespmem:s10+$0xC110];
	[tilespmem:s15+$0x10160] =	vst v4  }
0x33b: {  	v4 =	vld [tilespmem:s10+$0x4120];
	v11 =	vsel vm1, v10, v6;
	v6 =	vsel vm0, v6, v10;
	[tilespmem:s15+$0x14160] =	vst v5;
	s15 =	smov.u32 s10  }
0x33c: {  	v5 =	vld [tilespmem:s15+$0xC120];
	[tilespmem:s15+$0x14170] =	vst v6  }
0x33d: {  	v6 =	vsel vm1, v8, v7;
	v7 =	vsel vm0, v7, v8;
	v8 =	vld [tilespmem:s15+$0x4130];
	[tilespmem:s15+$0x10170] =	vst v11  }
0x33e: {  	[tilespmem:s15+$0x10100] =	vst v6;
	v10 =	vld [tilespmem:s15+$0xC130]  }
.Ltmp18:
0x33f: {  	[tilespmem:s15+$0x14100] =	vst v7;
	v6 =	vsel vm1, v3, v9;
	v7 =	vsel vm0, v9, v3;
	v3 =	vld [tilespmem:s15+$0x4140];
	(pc) =	sbr.rel @p0 .LBB2_39-.Ltmp18, $4  }
0x340: {  	[tilespmem:s15+$0x10110] =	vst v6;
	v6 =	vld [tilespmem:s15+$0xC140]  }
0x341: {  	[tilespmem:s15+$0x14110] =	vst v7;
	v7 =	vsel vm1, v4, v5;
	v5 =	vsel vm0, v5, v4;
	v4 =	vld [tilespmem:s15+$0x4150]  }
0x342: {  	[tilespmem:s15+$0x10120] =	vst v7;
	v7 =	vld [tilespmem:s15+$0xC150]  }
0x343: {  	s9 =	sadd.s32 $0x1000, s9;
	[tilespmem:s15+$0x14120] =	vst v5;
	v9 =	vsel vm1, v8, v10;
	v8 =	vsel vm0, v10, v8;
	v5 =	vld [tilespmem:s15+$0x4160]  }
0x344: {  	[tilespmem:s15+$0x10130] =	vst v9;
	v9 =	vld [tilespmem:s15+$0xC160]  }
0x345: {  	[tilespmem:s15+$0x14130] =	vst v8;
	v8 =	vsel vm1, v3, v6  }
0x346: {  	v3 =	vsel vm0, v6, v3;
	[tilespmem:s15+$0x10140] =	vst v8  }
0x347: {  	[tilespmem:s15+$0x14140] =	vst v3;
	v3 =	vsel vm1, v4, v7  }
0x348: {  	v4 =	vsel vm0, v7, v4;
	[tilespmem:s15+$0x10150] =	vst v3  }
0x349: {  	[tilespmem:s15+$0x14150] =	vst v4;
	v3 =	vsel vm1, v5, v9  }
0x34a: {  	v4 =	vsel vm0, v9, v5;
	[tilespmem:s15+$0x10160] =	vst v3  }
0x34b: {  	[tilespmem:s15+$0x14160] =	vst v4;
	s15 =	simm.s32 $0x0  }
0x34c: {  	v3 =	vld [tilespmem:s15+$0x41F0]  }
0x34d: {  	v4 =	vld [tilespmem:s15+$0xC1F0]  }
0x34e: {  	v5 =	vld [tilespmem:s15+$0x4180]  }
0x34f: {  	v6 =	vbroadcast v2, $0x3;
	v7 =	vld [tilespmem:s15+$0xC180]  }
0x350: {  	v8 =	vbroadcast v1, $0x3;
	v9 =	vld [tilespmem:s15+$0x4190]  }
0x351: {  	vm0 =	vge.f32 v6, v0;
	v6 =	vld [tilespmem:s15+$0xC190]  }
0x352: {  	vm1 =	vge.f32 v8, v0;
	v8 =	vld [tilespmem:s15+$0x41A0];
	v10 =	vsel vm0, v4, v3  }
0x353: {  	v11 =	vld [tilespmem:s15+$0xC1A0];
	v3 =	vsel vm1, v3, v4;
	[tilespmem:s15+$0x141F0] =	vst v10  }
0x354: {  	v4 =	vsel vm1, v5, v7;
	[tilespmem:s15+$0x101F0] =	vst v3;
	v10 =	vld [tilespmem:s15+$0x41B0]  }
0x355: {  	v3 =	vsel vm0, v7, v5;
	[tilespmem:s15+$0x10180] =	vst v4;
	v5 =	vld [tilespmem:s15+$0xC1B0]  }
0x356: {  	v4 =	vsel vm1, v9, v6;
	v7 =	vsel vm0, v6, v9;
	v6 =	vld [tilespmem:s15+$0xC1C0];
	[tilespmem:s15+$0x14180] =	vst v3  }
0x357: {  	v3 =	vld [tilespmem:s15+$0x41C0];
	[tilespmem:s15+$0x10190] =	vst v4  }
0x358: {  	[tilespmem:s15+$0x14190] =	vst v7;
	v7 =	vsel vm1, v8, v11;
	v4 =	vld [tilespmem:s15+$0x41D0]  }
0x359: {  	v8 =	vsel vm0, v11, v8;
	[tilespmem:s15+$0x101A0] =	vst v7;
	v7 =	vld [tilespmem:s15+$0xC1D0]  }
0x35a: {  	s8 =	simm.s32 $0x0;
	s9 =	simm.s32 $0x1000;
	[tilespmem:s15+$0x141A0] =	vst v8;
	v9 =	vsel vm1, v10, v5;
	v8 =	vsel vm0, v5, v10;
	v5 =	vld [tilespmem:s15+$0x41E0]  }
.LBB2_41:
0x35b: {  	s10 =	sshra.s32 s9, $0x2;
	[tilespmem:s15+$0x101B0] =	vst v9;
	v9 =	vld [tilespmem:s15+$0xC1E0]  }
0x35c: {  	s8 =	sadd.s32 $0x80, s8;
	v10 =	vld [tilespmem:s10+$0x41F0];
	[tilespmem:s15+$0x141B0] =	vst v8;
	v8 =	vsel vm1, v3, v6;
	v3 =	vsel vm0, v6, v3  }
0x35d: {  	p0 =	slt.u32 s8, $0x380;
	v6 =	vld [tilespmem:s10+$0xC1F0];
	[tilespmem:s15+$0x101C0] =	vst v8  }
0x35e: {  	v8 =	vld [tilespmem:s10+$0x4180];
	[tilespmem:s15+$0x141C0] =	vst v3;
	v3 =	vsel vm1, v4, v7;
	v4 =	vsel vm0, v7, v4  }
0x35f: {  	v7 =	vld [tilespmem:s10+$0xC180];
	[tilespmem:s15+$0x101D0] =	vst v3  }
0x360: {  	v3 =	vld [tilespmem:s10+$0x4190];
	[tilespmem:s15+$0x141D0] =	vst v4;
	v4 =	vsel vm1, v5, v9;
	v5 =	vsel vm0, v9, v5  }
0x361: {  	v9 =	vld [tilespmem:s10+$0xC190];
	[tilespmem:s15+$0x101E0] =	vst v4  }
0x362: {  	v4 =	vld [tilespmem:s10+$0x41A0];
	v11 =	vsel vm1, v10, v6;
	v6 =	vsel vm0, v6, v10;
	[tilespmem:s15+$0x141E0] =	vst v5;
	s15 =	smov.u32 s10  }
0x363: {  	v5 =	vld [tilespmem:s15+$0xC1A0];
	[tilespmem:s15+$0x141F0] =	vst v6  }
0x364: {  	v6 =	vsel vm1, v8, v7;
	v7 =	vsel vm0, v7, v8;
	v8 =	vld [tilespmem:s15+$0x41B0];
	[tilespmem:s15+$0x101F0] =	vst v11  }
0x365: {  	[tilespmem:s15+$0x10180] =	vst v6;
	v10 =	vld [tilespmem:s15+$0xC1B0]  }
.Ltmp19:
0x366: {  	[tilespmem:s15+$0x14180] =	vst v7;
	v6 =	vsel vm1, v3, v9;
	v7 =	vsel vm0, v9, v3;
	v3 =	vld [tilespmem:s15+$0x41C0];
	(pc) =	sbr.rel @p0 .LBB2_41-.Ltmp19, $4  }
0x367: {  	[tilespmem:s15+$0x10190] =	vst v6;
	v6 =	vld [tilespmem:s15+$0xC1C0]  }
0x368: {  	[tilespmem:s15+$0x14190] =	vst v7;
	v7 =	vsel vm1, v4, v5;
	v5 =	vsel vm0, v5, v4;
	v4 =	vld [tilespmem:s15+$0x41D0]  }
0x369: {  	[tilespmem:s15+$0x101A0] =	vst v7;
	v7 =	vld [tilespmem:s15+$0xC1D0]  }
0x36a: {  	s9 =	sadd.s32 $0x1000, s9;
	[tilespmem:s15+$0x141A0] =	vst v5;
	v9 =	vsel vm1, v8, v10;
	v8 =	vsel vm0, v10, v8;
	v5 =	vld [tilespmem:s15+$0x41E0]  }
0x36b: {  	[tilespmem:s15+$0x101B0] =	vst v9;
	v9 =	vld [tilespmem:s15+$0xC1E0]  }
0x36c: {  	[tilespmem:s15+$0x141B0] =	vst v8;
	v8 =	vsel vm1, v3, v6  }
0x36d: {  	v3 =	vsel vm0, v6, v3;
	[tilespmem:s15+$0x101C0] =	vst v8  }
0x36e: {  	[tilespmem:s15+$0x141C0] =	vst v3;
	v3 =	vsel vm1, v4, v7  }
0x36f: {  	v4 =	vsel vm0, v7, v4;
	[tilespmem:s15+$0x101D0] =	vst v3  }
0x370: {  	[tilespmem:s15+$0x141D0] =	vst v4;
	v3 =	vsel vm1, v5, v9  }
0x371: {  	v4 =	vsel vm0, v9, v5;
	[tilespmem:s15+$0x101E0] =	vst v3  }
0x372: {  	[tilespmem:s15+$0x141E0] =	vst v4;
	s15 =	simm.s32 $0x0  }
0x373: {  	v3 =	vld [tilespmem:s15+$0x4270]  }
0x374: {  	v4 =	vld [tilespmem:s15+$0xC270]  }
0x375: {  	v5 =	vld [tilespmem:s15+$0x4200]  }
0x376: {  	v6 =	vbroadcast v2, $0x4;
	v7 =	vld [tilespmem:s15+$0xC200]  }
0x377: {  	v8 =	vbroadcast v1, $0x4;
	v9 =	vld [tilespmem:s15+$0x4210]  }
0x378: {  	vm0 =	vge.f32 v6, v0;
	v6 =	vld [tilespmem:s15+$0xC210]  }
0x379: {  	vm1 =	vge.f32 v8, v0;
	v8 =	vld [tilespmem:s15+$0x4220];
	v10 =	vsel vm0, v4, v3  }
0x37a: {  	v11 =	vld [tilespmem:s15+$0xC220];
	v3 =	vsel vm1, v3, v4;
	[tilespmem:s15+$0x14270] =	vst v10  }
0x37b: {  	v4 =	vsel vm1, v5, v7;
	[tilespmem:s15+$0x10270] =	vst v3;
	v10 =	vld [tilespmem:s15+$0x4230]  }
0x37c: {  	v3 =	vsel vm0, v7, v5;
	[tilespmem:s15+$0x10200] =	vst v4;
	v5 =	vld [tilespmem:s15+$0xC230]  }
0x37d: {  	v4 =	vsel vm1, v9, v6;
	v7 =	vsel vm0, v6, v9;
	v6 =	vld [tilespmem:s15+$0xC240];
	[tilespmem:s15+$0x14200] =	vst v3  }
0x37e: {  	v3 =	vld [tilespmem:s15+$0x4240];
	[tilespmem:s15+$0x10210] =	vst v4  }
0x37f: {  	[tilespmem:s15+$0x14210] =	vst v7;
	v7 =	vsel vm1, v8, v11;
	v4 =	vld [tilespmem:s15+$0x4250]  }
0x380: {  	v8 =	vsel vm0, v11, v8;
	[tilespmem:s15+$0x10220] =	vst v7;
	v7 =	vld [tilespmem:s15+$0xC250]  }
0x381: {  	s8 =	simm.s32 $0x0;
	s9 =	simm.s32 $0x1000;
	[tilespmem:s15+$0x14220] =	vst v8;
	v9 =	vsel vm1, v10, v5;
	v8 =	vsel vm0, v5, v10;
	v5 =	vld [tilespmem:s15+$0x4260]  }
.LBB2_43:
0x382: {  	s10 =	sshra.s32 s9, $0x2;
	[tilespmem:s15+$0x10230] =	vst v9;
	v9 =	vld [tilespmem:s15+$0xC260]  }
0x383: {  	s8 =	sadd.s32 $0x80, s8;
	v10 =	vld [tilespmem:s10+$0x4270];
	[tilespmem:s15+$0x14230] =	vst v8;
	v8 =	vsel vm1, v3, v6;
	v3 =	vsel vm0, v6, v3  }
0x384: {  	p0 =	slt.u32 s8, $0x380;
	v6 =	vld [tilespmem:s10+$0xC270];
	[tilespmem:s15+$0x10240] =	vst v8  }
0x385: {  	v8 =	vld [tilespmem:s10+$0x4200];
	[tilespmem:s15+$0x14240] =	vst v3;
	v3 =	vsel vm1, v4, v7;
	v4 =	vsel vm0, v7, v4  }
0x386: {  	v7 =	vld [tilespmem:s10+$0xC200];
	[tilespmem:s15+$0x10250] =	vst v3  }
0x387: {  	v3 =	vld [tilespmem:s10+$0x4210];
	[tilespmem:s15+$0x14250] =	vst v4;
	v4 =	vsel vm1, v5, v9;
	v5 =	vsel vm0, v9, v5  }
0x388: {  	v9 =	vld [tilespmem:s10+$0xC210];
	[tilespmem:s15+$0x10260] =	vst v4  }
0x389: {  	v4 =	vld [tilespmem:s10+$0x4220];
	v11 =	vsel vm1, v10, v6;
	v6 =	vsel vm0, v6, v10;
	[tilespmem:s15+$0x14260] =	vst v5;
	s15 =	smov.u32 s10  }
0x38a: {  	v5 =	vld [tilespmem:s15+$0xC220];
	[tilespmem:s15+$0x14270] =	vst v6  }
0x38b: {  	v6 =	vsel vm1, v8, v7;
	v7 =	vsel vm0, v7, v8;
	v8 =	vld [tilespmem:s15+$0x4230];
	[tilespmem:s15+$0x10270] =	vst v11  }
0x38c: {  	[tilespmem:s15+$0x10200] =	vst v6;
	v10 =	vld [tilespmem:s15+$0xC230]  }
.Ltmp20:
0x38d: {  	[tilespmem:s15+$0x14200] =	vst v7;
	v6 =	vsel vm1, v3, v9;
	v7 =	vsel vm0, v9, v3;
	v3 =	vld [tilespmem:s15+$0x4240];
	(pc) =	sbr.rel @p0 .LBB2_43-.Ltmp20, $4  }
0x38e: {  	[tilespmem:s15+$0x10210] =	vst v6;
	v6 =	vld [tilespmem:s15+$0xC240]  }
0x38f: {  	[tilespmem:s15+$0x14210] =	vst v7;
	v7 =	vsel vm1, v4, v5;
	v5 =	vsel vm0, v5, v4;
	v4 =	vld [tilespmem:s15+$0x4250]  }
0x390: {  	[tilespmem:s15+$0x10220] =	vst v7;
	v7 =	vld [tilespmem:s15+$0xC250]  }
0x391: {  	s9 =	sadd.s32 $0x1000, s9;
	[tilespmem:s15+$0x14220] =	vst v5;
	v9 =	vsel vm1, v8, v10;
	v8 =	vsel vm0, v10, v8;
	v5 =	vld [tilespmem:s15+$0x4260]  }
0x392: {  	[tilespmem:s15+$0x10230] =	vst v9;
	v9 =	vld [tilespmem:s15+$0xC260]  }
0x393: {  	[tilespmem:s15+$0x14230] =	vst v8;
	v8 =	vsel vm1, v3, v6  }
0x394: {  	v3 =	vsel vm0, v6, v3;
	[tilespmem:s15+$0x10240] =	vst v8  }
0x395: {  	[tilespmem:s15+$0x14240] =	vst v3;
	v3 =	vsel vm1, v4, v7  }
0x396: {  	v4 =	vsel vm0, v7, v4;
	[tilespmem:s15+$0x10250] =	vst v3  }
0x397: {  	[tilespmem:s15+$0x14250] =	vst v4;
	v3 =	vsel vm1, v5, v9  }
0x398: {  	v4 =	vsel vm0, v9, v5;
	[tilespmem:s15+$0x10260] =	vst v3  }
0x399: {  	[tilespmem:s15+$0x14260] =	vst v4;
	s15 =	simm.s32 $0x0  }
0x39a: {  	v3 =	vld [tilespmem:s15+$0x42F0]  }
0x39b: {  	v4 =	vld [tilespmem:s15+$0xC2F0]  }
0x39c: {  	v5 =	vld [tilespmem:s15+$0x4280]  }
0x39d: {  	v6 =	vbroadcast v2, $0x5;
	v7 =	vld [tilespmem:s15+$0xC280]  }
0x39e: {  	v8 =	vbroadcast v1, $0x5;
	v9 =	vld [tilespmem:s15+$0x4290]  }
0x39f: {  	vm0 =	vge.f32 v6, v0;
	v6 =	vld [tilespmem:s15+$0xC290]  }
0x3a0: {  	vm1 =	vge.f32 v8, v0;
	v8 =	vld [tilespmem:s15+$0x42A0];
	v10 =	vsel vm0, v4, v3  }
0x3a1: {  	v11 =	vld [tilespmem:s15+$0xC2A0];
	v3 =	vsel vm1, v3, v4;
	[tilespmem:s15+$0x142F0] =	vst v10  }
0x3a2: {  	v4 =	vsel vm1, v5, v7;
	[tilespmem:s15+$0x102F0] =	vst v3;
	v10 =	vld [tilespmem:s15+$0x42B0]  }
0x3a3: {  	v3 =	vsel vm0, v7, v5;
	[tilespmem:s15+$0x10280] =	vst v4;
	v5 =	vld [tilespmem:s15+$0xC2B0]  }
0x3a4: {  	v4 =	vsel vm1, v9, v6;
	v7 =	vsel vm0, v6, v9;
	v6 =	vld [tilespmem:s15+$0xC2C0];
	[tilespmem:s15+$0x14280] =	vst v3  }
0x3a5: {  	v3 =	vld [tilespmem:s15+$0x42C0];
	[tilespmem:s15+$0x10290] =	vst v4  }
0x3a6: {  	[tilespmem:s15+$0x14290] =	vst v7;
	v7 =	vsel vm1, v8, v11;
	v4 =	vld [tilespmem:s15+$0x42D0]  }
0x3a7: {  	v8 =	vsel vm0, v11, v8;
	[tilespmem:s15+$0x102A0] =	vst v7;
	v7 =	vld [tilespmem:s15+$0xC2D0]  }
0x3a8: {  	s8 =	simm.s32 $0x0;
	s9 =	simm.s32 $0x1000;
	[tilespmem:s15+$0x142A0] =	vst v8;
	v9 =	vsel vm1, v10, v5;
	v8 =	vsel vm0, v5, v10;
	v5 =	vld [tilespmem:s15+$0x42E0]  }
.LBB2_45:
0x3a9: {  	s10 =	sshra.s32 s9, $0x2;
	[tilespmem:s15+$0x102B0] =	vst v9;
	v9 =	vld [tilespmem:s15+$0xC2E0]  }
0x3aa: {  	s8 =	sadd.s32 $0x80, s8;
	v10 =	vld [tilespmem:s10+$0x42F0];
	[tilespmem:s15+$0x142B0] =	vst v8;
	v8 =	vsel vm1, v3, v6;
	v3 =	vsel vm0, v6, v3  }
0x3ab: {  	p0 =	slt.u32 s8, $0x380;
	v6 =	vld [tilespmem:s10+$0xC2F0];
	[tilespmem:s15+$0x102C0] =	vst v8  }
0x3ac: {  	v8 =	vld [tilespmem:s10+$0x4280];
	[tilespmem:s15+$0x142C0] =	vst v3;
	v3 =	vsel vm1, v4, v7;
	v4 =	vsel vm0, v7, v4  }
0x3ad: {  	v7 =	vld [tilespmem:s10+$0xC280];
	[tilespmem:s15+$0x102D0] =	vst v3  }
0x3ae: {  	v3 =	vld [tilespmem:s10+$0x4290];
	[tilespmem:s15+$0x142D0] =	vst v4;
	v4 =	vsel vm1, v5, v9;
	v5 =	vsel vm0, v9, v5  }
0x3af: {  	v9 =	vld [tilespmem:s10+$0xC290];
	[tilespmem:s15+$0x102E0] =	vst v4  }
0x3b0: {  	v4 =	vld [tilespmem:s10+$0x42A0];
	v11 =	vsel vm1, v10, v6;
	v6 =	vsel vm0, v6, v10;
	[tilespmem:s15+$0x142E0] =	vst v5;
	s15 =	smov.u32 s10  }
0x3b1: {  	v5 =	vld [tilespmem:s15+$0xC2A0];
	[tilespmem:s15+$0x142F0] =	vst v6  }
0x3b2: {  	v6 =	vsel vm1, v8, v7;
	v7 =	vsel vm0, v7, v8;
	v8 =	vld [tilespmem:s15+$0x42B0];
	[tilespmem:s15+$0x102F0] =	vst v11  }
0x3b3: {  	[tilespmem:s15+$0x10280] =	vst v6;
	v10 =	vld [tilespmem:s15+$0xC2B0]  }
.Ltmp21:
0x3b4: {  	[tilespmem:s15+$0x14280] =	vst v7;
	v6 =	vsel vm1, v3, v9;
	v7 =	vsel vm0, v9, v3;
	v3 =	vld [tilespmem:s15+$0x42C0];
	(pc) =	sbr.rel @p0 .LBB2_45-.Ltmp21, $4  }
0x3b5: {  	[tilespmem:s15+$0x10290] =	vst v6;
	v6 =	vld [tilespmem:s15+$0xC2C0]  }
0x3b6: {  	[tilespmem:s15+$0x14290] =	vst v7;
	v7 =	vsel vm1, v4, v5;
	v5 =	vsel vm0, v5, v4;
	v4 =	vld [tilespmem:s15+$0x42D0]  }
0x3b7: {  	[tilespmem:s15+$0x102A0] =	vst v7;
	v7 =	vld [tilespmem:s15+$0xC2D0]  }
0x3b8: {  	s9 =	sadd.s32 $0x1000, s9;
	[tilespmem:s15+$0x142A0] =	vst v5;
	v9 =	vsel vm1, v8, v10;
	v8 =	vsel vm0, v10, v8;
	v5 =	vld [tilespmem:s15+$0x42E0]  }
0x3b9: {  	[tilespmem:s15+$0x102B0] =	vst v9;
	v9 =	vld [tilespmem:s15+$0xC2E0]  }
0x3ba: {  	[tilespmem:s15+$0x142B0] =	vst v8;
	v8 =	vsel vm1, v3, v6  }
0x3bb: {  	v3 =	vsel vm0, v6, v3;
	[tilespmem:s15+$0x102C0] =	vst v8  }
0x3bc: {  	[tilespmem:s15+$0x142C0] =	vst v3;
	v3 =	vsel vm1, v4, v7  }
0x3bd: {  	v4 =	vsel vm0, v7, v4;
	[tilespmem:s15+$0x102D0] =	vst v3  }
0x3be: {  	[tilespmem:s15+$0x142D0] =	vst v4;
	v3 =	vsel vm1, v5, v9  }
0x3bf: {  	v4 =	vsel vm0, v9, v5;
	[tilespmem:s15+$0x102E0] =	vst v3  }
0x3c0: {  	[tilespmem:s15+$0x142E0] =	vst v4;
	s15 =	simm.s32 $0x0  }
0x3c1: {  	v3 =	vld [tilespmem:s15+$0x4370]  }
0x3c2: {  	v4 =	vld [tilespmem:s15+$0xC370]  }
0x3c3: {  	v5 =	vld [tilespmem:s15+$0x4300]  }
0x3c4: {  	v6 =	vbroadcast v2, $0x6;
	v7 =	vld [tilespmem:s15+$0xC300]  }
0x3c5: {  	v8 =	vbroadcast v1, $0x6;
	v9 =	vld [tilespmem:s15+$0x4310]  }
0x3c6: {  	vm0 =	vge.f32 v6, v0;
	v6 =	vld [tilespmem:s15+$0xC310]  }
0x3c7: {  	vm1 =	vge.f32 v8, v0;
	v8 =	vld [tilespmem:s15+$0x4320];
	v10 =	vsel vm0, v4, v3  }
0x3c8: {  	v11 =	vld [tilespmem:s15+$0xC320];
	v3 =	vsel vm1, v3, v4;
	[tilespmem:s15+$0x14370] =	vst v10  }
0x3c9: {  	v4 =	vsel vm1, v5, v7;
	[tilespmem:s15+$0x10370] =	vst v3;
	v10 =	vld [tilespmem:s15+$0x4330]  }
0x3ca: {  	v3 =	vsel vm0, v7, v5;
	[tilespmem:s15+$0x10300] =	vst v4;
	v5 =	vld [tilespmem:s15+$0xC330]  }
0x3cb: {  	v4 =	vsel vm1, v9, v6;
	v7 =	vsel vm0, v6, v9;
	v6 =	vld [tilespmem:s15+$0xC340];
	[tilespmem:s15+$0x14300] =	vst v3  }
0x3cc: {  	v3 =	vld [tilespmem:s15+$0x4340];
	[tilespmem:s15+$0x10310] =	vst v4  }
0x3cd: {  	[tilespmem:s15+$0x14310] =	vst v7;
	v7 =	vsel vm1, v8, v11;
	v4 =	vld [tilespmem:s15+$0x4350]  }
0x3ce: {  	v8 =	vsel vm0, v11, v8;
	[tilespmem:s15+$0x10320] =	vst v7;
	v7 =	vld [tilespmem:s15+$0xC350]  }
0x3cf: {  	s8 =	simm.s32 $0x0;
	s9 =	simm.s32 $0x1000;
	[tilespmem:s15+$0x14320] =	vst v8;
	v9 =	vsel vm1, v10, v5;
	v8 =	vsel vm0, v5, v10;
	v5 =	vld [tilespmem:s15+$0x4360]  }
.LBB2_47:
0x3d0: {  	s10 =	sshra.s32 s9, $0x2;
	[tilespmem:s15+$0x10330] =	vst v9;
	v9 =	vld [tilespmem:s15+$0xC360]  }
0x3d1: {  	s8 =	sadd.s32 $0x80, s8;
	v10 =	vld [tilespmem:s10+$0x4370];
	[tilespmem:s15+$0x14330] =	vst v8;
	v8 =	vsel vm1, v3, v6;
	v3 =	vsel vm0, v6, v3  }
0x3d2: {  	p0 =	slt.u32 s8, $0x380;
	v6 =	vld [tilespmem:s10+$0xC370];
	[tilespmem:s15+$0x10340] =	vst v8  }
0x3d3: {  	v8 =	vld [tilespmem:s10+$0x4300];
	[tilespmem:s15+$0x14340] =	vst v3;
	v3 =	vsel vm1, v4, v7;
	v4 =	vsel vm0, v7, v4  }
0x3d4: {  	v7 =	vld [tilespmem:s10+$0xC300];
	[tilespmem:s15+$0x10350] =	vst v3  }
0x3d5: {  	v3 =	vld [tilespmem:s10+$0x4310];
	[tilespmem:s15+$0x14350] =	vst v4;
	v4 =	vsel vm1, v5, v9;
	v5 =	vsel vm0, v9, v5  }
0x3d6: {  	v9 =	vld [tilespmem:s10+$0xC310];
	[tilespmem:s15+$0x10360] =	vst v4  }
0x3d7: {  	v4 =	vld [tilespmem:s10+$0x4320];
	v11 =	vsel vm1, v10, v6;
	v6 =	vsel vm0, v6, v10;
	[tilespmem:s15+$0x14360] =	vst v5;
	s15 =	smov.u32 s10  }
0x3d8: {  	v5 =	vld [tilespmem:s15+$0xC320];
	[tilespmem:s15+$0x14370] =	vst v6  }
0x3d9: {  	v6 =	vsel vm1, v8, v7;
	v7 =	vsel vm0, v7, v8;
	v8 =	vld [tilespmem:s15+$0x4330];
	[tilespmem:s15+$0x10370] =	vst v11  }
0x3da: {  	[tilespmem:s15+$0x10300] =	vst v6;
	v10 =	vld [tilespmem:s15+$0xC330]  }
.Ltmp22:
0x3db: {  	[tilespmem:s15+$0x14300] =	vst v7;
	v6 =	vsel vm1, v3, v9;
	v7 =	vsel vm0, v9, v3;
	v3 =	vld [tilespmem:s15+$0x4340];
	(pc) =	sbr.rel @p0 .LBB2_47-.Ltmp22, $4  }
0x3dc: {  	[tilespmem:s15+$0x10310] =	vst v6;
	v6 =	vld [tilespmem:s15+$0xC340]  }
0x3dd: {  	[tilespmem:s15+$0x14310] =	vst v7;
	v7 =	vsel vm1, v4, v5;
	v5 =	vsel vm0, v5, v4;
	v4 =	vld [tilespmem:s15+$0x4350]  }
0x3de: {  	[tilespmem:s15+$0x10320] =	vst v7;
	v7 =	vld [tilespmem:s15+$0xC350]  }
0x3df: {  	s9 =	sadd.s32 $0x1000, s9;
	[tilespmem:s15+$0x14320] =	vst v5;
	v9 =	vsel vm1, v8, v10;
	v8 =	vsel vm0, v10, v8;
	v5 =	vld [tilespmem:s15+$0x4360]  }
0x3e0: {  	[tilespmem:s15+$0x10330] =	vst v9;
	v9 =	vld [tilespmem:s15+$0xC360]  }
0x3e1: {  	[tilespmem:s15+$0x14330] =	vst v8;
	v8 =	vsel vm1, v3, v6  }
0x3e2: {  	v3 =	vsel vm0, v6, v3;
	[tilespmem:s15+$0x10340] =	vst v8  }
0x3e3: {  	[tilespmem:s15+$0x14340] =	vst v3;
	v3 =	vsel vm1, v4, v7  }
0x3e4: {  	v4 =	vsel vm0, v7, v4;
	[tilespmem:s15+$0x10350] =	vst v3  }
0x3e5: {  	[tilespmem:s15+$0x14350] =	vst v4;
	v3 =	vsel vm1, v5, v9  }
0x3e6: {  	v4 =	vsel vm0, v9, v5;
	[tilespmem:s15+$0x10360] =	vst v3  }
0x3e7: {  	[tilespmem:s15+$0x14360] =	vst v4;
	s15 =	simm.s32 $0x0  }
0x3e8: {  	v3 =	vld [tilespmem:s15+$0x43F0]  }
0x3e9: {  	v4 =	vld [tilespmem:s15+$0xC3F0]  }
0x3ea: {  	v5 =	vld [tilespmem:s15+$0x4380]  }
0x3eb: {  	v6 =	vbroadcast v2, $0x7;
	v7 =	vld [tilespmem:s15+$0xC380]  }
0x3ec: {  	v8 =	vbroadcast v1, $0x7;
	v9 =	vld [tilespmem:s15+$0x4390]  }
0x3ed: {  	vm0 =	vge.f32 v6, v0;
	v6 =	vld [tilespmem:s15+$0xC390]  }
0x3ee: {  	vm1 =	vge.f32 v8, v0;
	v8 =	vld [tilespmem:s15+$0x43A0];
	v10 =	vsel vm0, v4, v3  }
0x3ef: {  	v11 =	vld [tilespmem:s15+$0xC3A0];
	v3 =	vsel vm1, v3, v4;
	[tilespmem:s15+$0x143F0] =	vst v10  }
0x3f0: {  	v4 =	vsel vm1, v5, v7;
	[tilespmem:s15+$0x103F0] =	vst v3;
	v10 =	vld [tilespmem:s15+$0x43B0]  }
0x3f1: {  	v3 =	vsel vm0, v7, v5;
	[tilespmem:s15+$0x10380] =	vst v4;
	v5 =	vld [tilespmem:s15+$0xC3B0]  }
0x3f2: {  	v4 =	vsel vm1, v9, v6;
	v7 =	vsel vm0, v6, v9;
	v6 =	vld [tilespmem:s15+$0xC3C0];
	[tilespmem:s15+$0x14380] =	vst v3  }
0x3f3: {  	v3 =	vld [tilespmem:s15+$0x43C0];
	[tilespmem:s15+$0x10390] =	vst v4  }
0x3f4: {  	[tilespmem:s15+$0x14390] =	vst v7;
	v7 =	vsel vm1, v8, v11;
	v4 =	vld [tilespmem:s15+$0x43D0]  }
0x3f5: {  	v8 =	vsel vm0, v11, v8;
	[tilespmem:s15+$0x103A0] =	vst v7;
	v7 =	vld [tilespmem:s15+$0xC3D0]  }
0x3f6: {  	s8 =	simm.s32 $0x0;
	s9 =	simm.s32 $0x1000;
	[tilespmem:s15+$0x143A0] =	vst v8;
	v9 =	vsel vm1, v10, v5;
	v8 =	vsel vm0, v5, v10;
	v5 =	vld [tilespmem:s15+$0x43E0]  }
.LBB2_49:
0x3f7: {  	s10 =	sshra.s32 s9, $0x2;
	[tilespmem:s15+$0x103B0] =	vst v9;
	v9 =	vld [tilespmem:s15+$0xC3E0]  }
0x3f8: {  	s8 =	sadd.s32 $0x80, s8;
	v10 =	vld [tilespmem:s10+$0x43F0];
	[tilespmem:s15+$0x143B0] =	vst v8;
	v8 =	vsel vm1, v3, v6;
	v3 =	vsel vm0, v6, v3  }
0x3f9: {  	p0 =	slt.u32 s8, $0x380;
	v6 =	vld [tilespmem:s10+$0xC3F0];
	[tilespmem:s15+$0x103C0] =	vst v8  }
0x3fa: {  	v8 =	vld [tilespmem:s10+$0x4380];
	[tilespmem:s15+$0x143C0] =	vst v3;
	v3 =	vsel vm1, v4, v7;
	v4 =	vsel vm0, v7, v4  }
0x3fb: {  	v7 =	vld [tilespmem:s10+$0xC380];
	[tilespmem:s15+$0x103D0] =	vst v3  }
0x3fc: {  	v3 =	vld [tilespmem:s10+$0x4390];
	[tilespmem:s15+$0x143D0] =	vst v4;
	v4 =	vsel vm1, v5, v9;
	v5 =	vsel vm0, v9, v5  }
0x3fd: {  	v9 =	vld [tilespmem:s10+$0xC390];
	[tilespmem:s15+$0x103E0] =	vst v4  }
0x3fe: {  	v4 =	vld [tilespmem:s10+$0x43A0];
	v11 =	vsel vm1, v10, v6;
	v6 =	vsel vm0, v6, v10;
	[tilespmem:s15+$0x143E0] =	vst v5;
	s15 =	smov.u32 s10  }
0x3ff: {  	v5 =	vld [tilespmem:s15+$0xC3A0];
	[tilespmem:s15+$0x143F0] =	vst v6  }
0x400: {  	v6 =	vsel vm1, v8, v7;
	v7 =	vsel vm0, v7, v8;
	v8 =	vld [tilespmem:s15+$0x43B0];
	[tilespmem:s15+$0x103F0] =	vst v11  }
0x401: {  	[tilespmem:s15+$0x10380] =	vst v6;
	v10 =	vld [tilespmem:s15+$0xC3B0]  }
.Ltmp23:
0x402: {  	[tilespmem:s15+$0x14380] =	vst v7;
	v6 =	vsel vm1, v3, v9;
	v7 =	vsel vm0, v9, v3;
	v3 =	vld [tilespmem:s15+$0x43C0];
	(pc) =	sbr.rel @p0 .LBB2_49-.Ltmp23, $4  }
0x403: {  	[tilespmem:s15+$0x10390] =	vst v6;
	v6 =	vld [tilespmem:s15+$0xC3C0]  }
0x404: {  	[tilespmem:s15+$0x14390] =	vst v7;
	v7 =	vsel vm1, v4, v5;
	v5 =	vsel vm0, v5, v4;
	v4 =	vld [tilespmem:s15+$0x43D0]  }
0x405: {  	[tilespmem:s15+$0x103A0] =	vst v7;
	v7 =	vld [tilespmem:s15+$0xC3D0]  }
0x406: {  	s9 =	sadd.s32 $0x1000, s9;
	[tilespmem:s15+$0x143A0] =	vst v5;
	v9 =	vsel vm1, v8, v10;
	v8 =	vsel vm0, v10, v8;
	v5 =	vld [tilespmem:s15+$0x43E0]  }
0x407: {  	[tilespmem:s15+$0x103B0] =	vst v9;
	v9 =	vld [tilespmem:s15+$0xC3E0]  }
0x408: {  	[tilespmem:s15+$0x143B0] =	vst v8;
	v8 =	vsel vm1, v3, v6  }
0x409: {  	v3 =	vsel vm0, v6, v3;
	[tilespmem:s15+$0x103C0] =	vst v8  }
0x40a: {  	[tilespmem:s15+$0x143C0] =	vst v3;
	v3 =	vsel vm1, v4, v7  }
0x40b: {  	v4 =	vsel vm0, v7, v4;
	[tilespmem:s15+$0x103D0] =	vst v3  }
0x40c: {  	[tilespmem:s15+$0x143D0] =	vst v4;
	v3 =	vsel vm1, v5, v9  }
0x40d: {  	v4 =	vsel vm0, v9, v5;
	[tilespmem:s15+$0x103E0] =	vst v3  }
0x40e: {  	s8 =	sadd.s32 s4, s3;
	s9 =	simm.s32 $0x0;
	[tilespmem:s15+$0x143E0] =	vst v4  }
0x40f: {  	[hbm4b:s8+s9] =	stream.linear.scatter [tilespmem:s23], [sflag:$0x3], $0x2000, $0x38;
	[tilespmem:$0x18880] =	vst v63  }
0x410: {  	s19 =	sadd.s32 s5, s3  }
0x411: {  	[hbm4b:s19+s9] =	stream.linear.scatter [tilespmem:s24], [sflag:$0x3], $0x2000, $0x38;
	[tilespmem:$0x18880] =	vst v63  }
0x412: {  	_ =	swait.ge [sflag:s30], $0x2000  }
0x413: {  	[sflag:s30] =	ssyncset.done $0x0  }
0x414: {  	[sflag:s30] =	ssyncadd.s32 $0xFFFFE000  }
0x415: {  	_ =	swait.ge [sflag:s30], $0x2000  }
0x416: {  	[sflag:s30] =	ssyncset.done $0x0  }
0x417: {  	s15 =	simm.s32 $0x0;
	[sflag:s30] =	ssyncadd.s32 $0xFFFFE000  }
0x418: {  	v3 =	vld [tilespmem:s15+$0x6070]  }
0x419: {  	v4 =	vld [tilespmem:s15+$0xE070]  }
0x41a: {  	v5 =	vld [tilespmem:s15+$0x6000]  }
0x41b: {  	v6 =	vbroadcast v2, $0x8;
	v7 =	vld [tilespmem:s15+$0xE000]  }
0x41c: {  	v8 =	vbroadcast v1, $0x8;
	v9 =	vld [tilespmem:s15+$0x6010]  }
0x41d: {  	vm0 =	vge.f32 v6, v0;
	v6 =	vld [tilespmem:s15+$0xE010]  }
0x41e: {  	vm1 =	vge.f32 v8, v0;
	v8 =	vld [tilespmem:s15+$0x6020];
	v10 =	vsel vm0, v4, v3  }
0x41f: {  	v11 =	vld [tilespmem:s15+$0xE020];
	v3 =	vsel vm1, v3, v4;
	[tilespmem:s15+$0x16070] =	vst v10  }
0x420: {  	v4 =	vsel vm1, v5, v7;
	[tilespmem:s15+$0x12070] =	vst v3;
	v10 =	vld [tilespmem:s15+$0x6030]  }
0x421: {  	v3 =	vsel vm0, v7, v5;
	[tilespmem:s15+$0x12000] =	vst v4;
	v5 =	vld [tilespmem:s15+$0xE030]  }
0x422: {  	v4 =	vsel vm1, v9, v6;
	v7 =	vsel vm0, v6, v9;
	v6 =	vld [tilespmem:s15+$0xE040];
	[tilespmem:s15+$0x16000] =	vst v3  }
0x423: {  	v3 =	vld [tilespmem:s15+$0x6040];
	[tilespmem:s15+$0x12010] =	vst v4  }
0x424: {  	[tilespmem:s15+$0x16010] =	vst v7;
	v7 =	vsel vm1, v8, v11;
	v4 =	vld [tilespmem:s15+$0x6050]  }
0x425: {  	v8 =	vsel vm0, v11, v8;
	[tilespmem:s15+$0x12020] =	vst v7;
	v7 =	vld [tilespmem:s15+$0xE050]  }
0x426: {  	s8 =	simm.s32 $0x0;
	s9 =	simm.s32 $0x1000;
	[tilespmem:s15+$0x16020] =	vst v8;
	v9 =	vsel vm1, v10, v5;
	v8 =	vsel vm0, v5, v10;
	v5 =	vld [tilespmem:s15+$0x6060]  }
.LBB2_51:
0x427: {  	s10 =	sshra.s32 s9, $0x2;
	[tilespmem:s15+$0x12030] =	vst v9;
	v9 =	vld [tilespmem:s15+$0xE060]  }
0x428: {  	s8 =	sadd.s32 $0x80, s8;
	v10 =	vld [tilespmem:s10+$0x6070];
	[tilespmem:s15+$0x16030] =	vst v8;
	v8 =	vsel vm1, v3, v6;
	v3 =	vsel vm0, v6, v3  }
0x429: {  	p0 =	slt.u32 s8, $0x380;
	v6 =	vld [tilespmem:s10+$0xE070];
	[tilespmem:s15+$0x12040] =	vst v8  }
0x42a: {  	v8 =	vld [tilespmem:s10+$0x6000];
	[tilespmem:s15+$0x16040] =	vst v3;
	v3 =	vsel vm1, v4, v7;
	v4 =	vsel vm0, v7, v4  }
0x42b: {  	v7 =	vld [tilespmem:s10+$0xE000];
	[tilespmem:s15+$0x12050] =	vst v3  }
0x42c: {  	v3 =	vld [tilespmem:s10+$0x6010];
	[tilespmem:s15+$0x16050] =	vst v4;
	v4 =	vsel vm1, v5, v9;
	v5 =	vsel vm0, v9, v5  }
0x42d: {  	v9 =	vld [tilespmem:s10+$0xE010];
	[tilespmem:s15+$0x12060] =	vst v4  }
0x42e: {  	v4 =	vld [tilespmem:s10+$0x6020];
	v11 =	vsel vm1, v10, v6;
	v6 =	vsel vm0, v6, v10;
	[tilespmem:s15+$0x16060] =	vst v5;
	s15 =	smov.u32 s10  }
0x42f: {  	v5 =	vld [tilespmem:s15+$0xE020];
	[tilespmem:s15+$0x16070] =	vst v6  }
0x430: {  	v6 =	vsel vm1, v8, v7;
	v7 =	vsel vm0, v7, v8;
	v8 =	vld [tilespmem:s15+$0x6030];
	[tilespmem:s15+$0x12070] =	vst v11  }
0x431: {  	[tilespmem:s15+$0x12000] =	vst v6;
	v10 =	vld [tilespmem:s15+$0xE030]  }
.Ltmp24:
0x432: {  	[tilespmem:s15+$0x16000] =	vst v7;
	v6 =	vsel vm1, v3, v9;
	v7 =	vsel vm0, v9, v3;
	v3 =	vld [tilespmem:s15+$0x6040];
	(pc) =	sbr.rel @p0 .LBB2_51-.Ltmp24, $4  }
0x433: {  	[tilespmem:s15+$0x12010] =	vst v6;
	v6 =	vld [tilespmem:s15+$0xE040]  }
0x434: {  	[tilespmem:s15+$0x16010] =	vst v7;
	v7 =	vsel vm1, v4, v5;
	v5 =	vsel vm0, v5, v4;
	v4 =	vld [tilespmem:s15+$0x6050]  }
0x435: {  	[tilespmem:s15+$0x12020] =	vst v7;
	v7 =	vld [tilespmem:s15+$0xE050]  }
0x436: {  	s9 =	sadd.s32 $0x1000, s9;
	[tilespmem:s15+$0x16020] =	vst v5;
	v9 =	vsel vm1, v8, v10;
	v8 =	vsel vm0, v10, v8;
	v5 =	vld [tilespmem:s15+$0x6060]  }
0x437: {  	[tilespmem:s15+$0x12030] =	vst v9;
	v9 =	vld [tilespmem:s15+$0xE060]  }
0x438: {  	[tilespmem:s15+$0x16030] =	vst v8;
	v8 =	vsel vm1, v3, v6  }
0x439: {  	v3 =	vsel vm0, v6, v3;
	[tilespmem:s15+$0x12040] =	vst v8  }
0x43a: {  	[tilespmem:s15+$0x16040] =	vst v3;
	v3 =	vsel vm1, v4, v7  }
0x43b: {  	v4 =	vsel vm0, v7, v4;
	[tilespmem:s15+$0x12050] =	vst v3  }
0x43c: {  	[tilespmem:s15+$0x16050] =	vst v4;
	v3 =	vsel vm1, v5, v9  }
0x43d: {  	v4 =	vsel vm0, v9, v5;
	[tilespmem:s15+$0x12060] =	vst v3  }
0x43e: {  	[tilespmem:s15+$0x16060] =	vst v4;
	s15 =	simm.s32 $0x0  }
0x43f: {  	v3 =	vld [tilespmem:s15+$0x60F0]  }
0x440: {  	v4 =	vld [tilespmem:s15+$0xE0F0]  }
0x441: {  	v5 =	vld [tilespmem:s15+$0x6080]  }
0x442: {  	v6 =	vbroadcast v2, $0x9;
	v7 =	vld [tilespmem:s15+$0xE080]  }
0x443: {  	v8 =	vbroadcast v1, $0x9;
	v9 =	vld [tilespmem:s15+$0x6090]  }
0x444: {  	vm0 =	vge.f32 v6, v0;
	v6 =	vld [tilespmem:s15+$0xE090]  }
0x445: {  	vm1 =	vge.f32 v8, v0;
	v8 =	vld [tilespmem:s15+$0x60A0];
	v10 =	vsel vm0, v4, v3  }
0x446: {  	v11 =	vld [tilespmem:s15+$0xE0A0];
	v3 =	vsel vm1, v3, v4;
	[tilespmem:s15+$0x160F0] =	vst v10  }
0x447: {  	v4 =	vsel vm1, v5, v7;
	[tilespmem:s15+$0x120F0] =	vst v3;
	v10 =	vld [tilespmem:s15+$0x60B0]  }
0x448: {  	v3 =	vsel vm0, v7, v5;
	[tilespmem:s15+$0x12080] =	vst v4;
	v5 =	vld [tilespmem:s15+$0xE0B0]  }
0x449: {  	v4 =	vsel vm1, v9, v6;
	v7 =	vsel vm0, v6, v9;
	v6 =	vld [tilespmem:s15+$0xE0C0];
	[tilespmem:s15+$0x16080] =	vst v3  }
0x44a: {  	v3 =	vld [tilespmem:s15+$0x60C0];
	[tilespmem:s15+$0x12090] =	vst v4  }
0x44b: {  	[tilespmem:s15+$0x16090] =	vst v7;
	v7 =	vsel vm1, v8, v11;
	v4 =	vld [tilespmem:s15+$0x60D0]  }
0x44c: {  	v8 =	vsel vm0, v11, v8;
	[tilespmem:s15+$0x120A0] =	vst v7;
	v7 =	vld [tilespmem:s15+$0xE0D0]  }
0x44d: {  	s8 =	simm.s32 $0x0;
	s9 =	simm.s32 $0x1000;
	[tilespmem:s15+$0x160A0] =	vst v8;
	v9 =	vsel vm1, v10, v5;
	v8 =	vsel vm0, v5, v10;
	v5 =	vld [tilespmem:s15+$0x60E0]  }
.LBB2_53:
0x44e: {  	s10 =	sshra.s32 s9, $0x2;
	[tilespmem:s15+$0x120B0] =	vst v9;
	v9 =	vld [tilespmem:s15+$0xE0E0]  }
0x44f: {  	s8 =	sadd.s32 $0x80, s8;
	v10 =	vld [tilespmem:s10+$0x60F0];
	[tilespmem:s15+$0x160B0] =	vst v8;
	v8 =	vsel vm1, v3, v6;
	v3 =	vsel vm0, v6, v3  }
0x450: {  	p0 =	slt.u32 s8, $0x380;
	v6 =	vld [tilespmem:s10+$0xE0F0];
	[tilespmem:s15+$0x120C0] =	vst v8  }
0x451: {  	v8 =	vld [tilespmem:s10+$0x6080];
	[tilespmem:s15+$0x160C0] =	vst v3;
	v3 =	vsel vm1, v4, v7;
	v4 =	vsel vm0, v7, v4  }
0x452: {  	v7 =	vld [tilespmem:s10+$0xE080];
	[tilespmem:s15+$0x120D0] =	vst v3  }
0x453: {  	v3 =	vld [tilespmem:s10+$0x6090];
	[tilespmem:s15+$0x160D0] =	vst v4;
	v4 =	vsel vm1, v5, v9;
	v5 =	vsel vm0, v9, v5  }
0x454: {  	v9 =	vld [tilespmem:s10+$0xE090];
	[tilespmem:s15+$0x120E0] =	vst v4  }
0x455: {  	v4 =	vld [tilespmem:s10+$0x60A0];
	v11 =	vsel vm1, v10, v6;
	v6 =	vsel vm0, v6, v10;
	[tilespmem:s15+$0x160E0] =	vst v5;
	s15 =	smov.u32 s10  }
0x456: {  	v5 =	vld [tilespmem:s15+$0xE0A0];
	[tilespmem:s15+$0x160F0] =	vst v6  }
0x457: {  	v6 =	vsel vm1, v8, v7;
	v7 =	vsel vm0, v7, v8;
	v8 =	vld [tilespmem:s15+$0x60B0];
	[tilespmem:s15+$0x120F0] =	vst v11  }
0x458: {  	[tilespmem:s15+$0x12080] =	vst v6;
	v10 =	vld [tilespmem:s15+$0xE0B0]  }
.Ltmp25:
0x459: {  	[tilespmem:s15+$0x16080] =	vst v7;
	v6 =	vsel vm1, v3, v9;
	v7 =	vsel vm0, v9, v3;
	v3 =	vld [tilespmem:s15+$0x60C0];
	(pc) =	sbr.rel @p0 .LBB2_53-.Ltmp25, $4  }
0x45a: {  	[tilespmem:s15+$0x12090] =	vst v6;
	v6 =	vld [tilespmem:s15+$0xE0C0]  }
0x45b: {  	[tilespmem:s15+$0x16090] =	vst v7;
	v7 =	vsel vm1, v4, v5;
	v5 =	vsel vm0, v5, v4;
	v4 =	vld [tilespmem:s15+$0x60D0]  }
0x45c: {  	[tilespmem:s15+$0x120A0] =	vst v7;
	v7 =	vld [tilespmem:s15+$0xE0D0]  }
0x45d: {  	s9 =	sadd.s32 $0x1000, s9;
	[tilespmem:s15+$0x160A0] =	vst v5;
	v9 =	vsel vm1, v8, v10;
	v8 =	vsel vm0, v10, v8;
	v5 =	vld [tilespmem:s15+$0x60E0]  }
0x45e: {  	[tilespmem:s15+$0x120B0] =	vst v9;
	v9 =	vld [tilespmem:s15+$0xE0E0]  }
0x45f: {  	[tilespmem:s15+$0x160B0] =	vst v8;
	v8 =	vsel vm1, v3, v6  }
0x460: {  	v3 =	vsel vm0, v6, v3;
	[tilespmem:s15+$0x120C0] =	vst v8  }
0x461: {  	[tilespmem:s15+$0x160C0] =	vst v3;
	v3 =	vsel vm1, v4, v7  }
0x462: {  	v4 =	vsel vm0, v7, v4;
	[tilespmem:s15+$0x120D0] =	vst v3  }
0x463: {  	[tilespmem:s15+$0x160D0] =	vst v4;
	v3 =	vsel vm1, v5, v9  }
0x464: {  	v4 =	vsel vm0, v9, v5;
	[tilespmem:s15+$0x120E0] =	vst v3  }
0x465: {  	[tilespmem:s15+$0x160E0] =	vst v4;
	s15 =	simm.s32 $0x0  }
0x466: {  	v3 =	vld [tilespmem:s15+$0x6170]  }
0x467: {  	v4 =	vld [tilespmem:s15+$0xE170]  }
0x468: {  	v5 =	vld [tilespmem:s15+$0x6100]  }
0x469: {  	v6 =	vbroadcast v2, $0xA;
	v7 =	vld [tilespmem:s15+$0xE100]  }
0x46a: {  	v8 =	vbroadcast v1, $0xA;
	v9 =	vld [tilespmem:s15+$0x6110]  }
0x46b: {  	vm0 =	vge.f32 v6, v0;
	v6 =	vld [tilespmem:s15+$0xE110]  }
0x46c: {  	vm1 =	vge.f32 v8, v0;
	v8 =	vld [tilespmem:s15+$0x6120];
	v10 =	vsel vm0, v4, v3  }
0x46d: {  	v11 =	vld [tilespmem:s15+$0xE120];
	v3 =	vsel vm1, v3, v4;
	[tilespmem:s15+$0x16170] =	vst v10  }
0x46e: {  	v4 =	vsel vm1, v5, v7;
	[tilespmem:s15+$0x12170] =	vst v3;
	v10 =	vld [tilespmem:s15+$0x6130]  }
0x46f: {  	v3 =	vsel vm0, v7, v5;
	[tilespmem:s15+$0x12100] =	vst v4;
	v5 =	vld [tilespmem:s15+$0xE130]  }
0x470: {  	v4 =	vsel vm1, v9, v6;
	v7 =	vsel vm0, v6, v9;
	v6 =	vld [tilespmem:s15+$0xE140];
	[tilespmem:s15+$0x16100] =	vst v3  }
0x471: {  	v3 =	vld [tilespmem:s15+$0x6140];
	[tilespmem:s15+$0x12110] =	vst v4  }
0x472: {  	[tilespmem:s15+$0x16110] =	vst v7;
	v7 =	vsel vm1, v8, v11;
	v4 =	vld [tilespmem:s15+$0x6150]  }
0x473: {  	v8 =	vsel vm0, v11, v8;
	[tilespmem:s15+$0x12120] =	vst v7;
	v7 =	vld [tilespmem:s15+$0xE150]  }
0x474: {  	s8 =	simm.s32 $0x0;
	s9 =	simm.s32 $0x1000;
	[tilespmem:s15+$0x16120] =	vst v8;
	v9 =	vsel vm1, v10, v5;
	v8 =	vsel vm0, v5, v10;
	v5 =	vld [tilespmem:s15+$0x6160]  }
.LBB2_55:
0x475: {  	s10 =	sshra.s32 s9, $0x2;
	[tilespmem:s15+$0x12130] =	vst v9;
	v9 =	vld [tilespmem:s15+$0xE160]  }
0x476: {  	s8 =	sadd.s32 $0x80, s8;
	v10 =	vld [tilespmem:s10+$0x6170];
	[tilespmem:s15+$0x16130] =	vst v8;
	v8 =	vsel vm1, v3, v6;
	v3 =	vsel vm0, v6, v3  }
0x477: {  	p0 =	slt.u32 s8, $0x380;
	v6 =	vld [tilespmem:s10+$0xE170];
	[tilespmem:s15+$0x12140] =	vst v8  }
0x478: {  	v8 =	vld [tilespmem:s10+$0x6100];
	[tilespmem:s15+$0x16140] =	vst v3;
	v3 =	vsel vm1, v4, v7;
	v4 =	vsel vm0, v7, v4  }
0x479: {  	v7 =	vld [tilespmem:s10+$0xE100];
	[tilespmem:s15+$0x12150] =	vst v3  }
0x47a: {  	v3 =	vld [tilespmem:s10+$0x6110];
	[tilespmem:s15+$0x16150] =	vst v4;
	v4 =	vsel vm1, v5, v9;
	v5 =	vsel vm0, v9, v5  }
0x47b: {  	v9 =	vld [tilespmem:s10+$0xE110];
	[tilespmem:s15+$0x12160] =	vst v4  }
0x47c: {  	v4 =	vld [tilespmem:s10+$0x6120];
	v11 =	vsel vm1, v10, v6;
	v6 =	vsel vm0, v6, v10;
	[tilespmem:s15+$0x16160] =	vst v5;
	s15 =	smov.u32 s10  }
0x47d: {  	v5 =	vld [tilespmem:s15+$0xE120];
	[tilespmem:s15+$0x16170] =	vst v6  }
0x47e: {  	v6 =	vsel vm1, v8, v7;
	v7 =	vsel vm0, v7, v8;
	v8 =	vld [tilespmem:s15+$0x6130];
	[tilespmem:s15+$0x12170] =	vst v11  }
0x47f: {  	[tilespmem:s15+$0x12100] =	vst v6;
	v10 =	vld [tilespmem:s15+$0xE130]  }
.Ltmp26:
0x480: {  	[tilespmem:s15+$0x16100] =	vst v7;
	v6 =	vsel vm1, v3, v9;
	v7 =	vsel vm0, v9, v3;
	v3 =	vld [tilespmem:s15+$0x6140];
	(pc) =	sbr.rel @p0 .LBB2_55-.Ltmp26, $4  }
0x481: {  	[tilespmem:s15+$0x12110] =	vst v6;
	v6 =	vld [tilespmem:s15+$0xE140]  }
0x482: {  	[tilespmem:s15+$0x16110] =	vst v7;
	v7 =	vsel vm1, v4, v5;
	v5 =	vsel vm0, v5, v4;
	v4 =	vld [tilespmem:s15+$0x6150]  }
0x483: {  	[tilespmem:s15+$0x12120] =	vst v7;
	v7 =	vld [tilespmem:s15+$0xE150]  }
0x484: {  	s9 =	sadd.s32 $0x1000, s9;
	[tilespmem:s15+$0x16120] =	vst v5;
	v9 =	vsel vm1, v8, v10;
	v8 =	vsel vm0, v10, v8;
	v5 =	vld [tilespmem:s15+$0x6160]  }
0x485: {  	[tilespmem:s15+$0x12130] =	vst v9;
	v9 =	vld [tilespmem:s15+$0xE160]  }
0x486: {  	[tilespmem:s15+$0x16130] =	vst v8;
	v8 =	vsel vm1, v3, v6  }
0x487: {  	v3 =	vsel vm0, v6, v3;
	[tilespmem:s15+$0x12140] =	vst v8  }
0x488: {  	[tilespmem:s15+$0x16140] =	vst v3;
	v3 =	vsel vm1, v4, v7  }
0x489: {  	v4 =	vsel vm0, v7, v4;
	[tilespmem:s15+$0x12150] =	vst v3  }
0x48a: {  	[tilespmem:s15+$0x16150] =	vst v4;
	v3 =	vsel vm1, v5, v9  }
0x48b: {  	v4 =	vsel vm0, v9, v5;
	[tilespmem:s15+$0x12160] =	vst v3  }
0x48c: {  	[tilespmem:s15+$0x16160] =	vst v4;
	s15 =	simm.s32 $0x0  }
0x48d: {  	v3 =	vld [tilespmem:s15+$0x61F0]  }
0x48e: {  	v4 =	vld [tilespmem:s15+$0xE1F0]  }
0x48f: {  	v5 =	vld [tilespmem:s15+$0x6180]  }
0x490: {  	v6 =	vbroadcast v2, $0xB;
	v7 =	vld [tilespmem:s15+$0xE180]  }
0x491: {  	v8 =	vbroadcast v1, $0xB;
	v9 =	vld [tilespmem:s15+$0x6190]  }
0x492: {  	vm0 =	vge.f32 v6, v0;
	v6 =	vld [tilespmem:s15+$0xE190]  }
0x493: {  	vm1 =	vge.f32 v8, v0;
	v8 =	vld [tilespmem:s15+$0x61A0];
	v10 =	vsel vm0, v4, v3  }
0x494: {  	v11 =	vld [tilespmem:s15+$0xE1A0];
	v3 =	vsel vm1, v3, v4;
	[tilespmem:s15+$0x161F0] =	vst v10  }
0x495: {  	v4 =	vsel vm1, v5, v7;
	[tilespmem:s15+$0x121F0] =	vst v3;
	v10 =	vld [tilespmem:s15+$0x61B0]  }
0x496: {  	v3 =	vsel vm0, v7, v5;
	[tilespmem:s15+$0x12180] =	vst v4;
	v5 =	vld [tilespmem:s15+$0xE1B0]  }
0x497: {  	v4 =	vsel vm1, v9, v6;
	v7 =	vsel vm0, v6, v9;
	v6 =	vld [tilespmem:s15+$0xE1C0];
	[tilespmem:s15+$0x16180] =	vst v3  }
0x498: {  	v3 =	vld [tilespmem:s15+$0x61C0];
	[tilespmem:s15+$0x12190] =	vst v4  }
0x499: {  	[tilespmem:s15+$0x16190] =	vst v7;
	v7 =	vsel vm1, v8, v11;
	v4 =	vld [tilespmem:s15+$0x61D0]  }
0x49a: {  	v8 =	vsel vm0, v11, v8;
	[tilespmem:s15+$0x121A0] =	vst v7;
	v7 =	vld [tilespmem:s15+$0xE1D0]  }
0x49b: {  	s8 =	simm.s32 $0x0;
	s9 =	simm.s32 $0x1000;
	[tilespmem:s15+$0x161A0] =	vst v8;
	v9 =	vsel vm1, v10, v5;
	v8 =	vsel vm0, v5, v10;
	v5 =	vld [tilespmem:s15+$0x61E0]  }
.LBB2_57:
0x49c: {  	s10 =	sshra.s32 s9, $0x2;
	[tilespmem:s15+$0x121B0] =	vst v9;
	v9 =	vld [tilespmem:s15+$0xE1E0]  }
0x49d: {  	s8 =	sadd.s32 $0x80, s8;
	v10 =	vld [tilespmem:s10+$0x61F0];
	[tilespmem:s15+$0x161B0] =	vst v8;
	v8 =	vsel vm1, v3, v6;
	v3 =	vsel vm0, v6, v3  }
0x49e: {  	p0 =	slt.u32 s8, $0x380;
	v6 =	vld [tilespmem:s10+$0xE1F0];
	[tilespmem:s15+$0x121C0] =	vst v8  }
0x49f: {  	v8 =	vld [tilespmem:s10+$0x6180];
	[tilespmem:s15+$0x161C0] =	vst v3;
	v3 =	vsel vm1, v4, v7;
	v4 =	vsel vm0, v7, v4  }
0x4a0: {  	v7 =	vld [tilespmem:s10+$0xE180];
	[tilespmem:s15+$0x121D0] =	vst v3  }
0x4a1: {  	v3 =	vld [tilespmem:s10+$0x6190];
	[tilespmem:s15+$0x161D0] =	vst v4;
	v4 =	vsel vm1, v5, v9;
	v5 =	vsel vm0, v9, v5  }
0x4a2: {  	v9 =	vld [tilespmem:s10+$0xE190];
	[tilespmem:s15+$0x121E0] =	vst v4  }
0x4a3: {  	v4 =	vld [tilespmem:s10+$0x61A0];
	v11 =	vsel vm1, v10, v6;
	v6 =	vsel vm0, v6, v10;
	[tilespmem:s15+$0x161E0] =	vst v5;
	s15 =	smov.u32 s10  }
0x4a4: {  	v5 =	vld [tilespmem:s15+$0xE1A0];
	[tilespmem:s15+$0x161F0] =	vst v6  }
0x4a5: {  	v6 =	vsel vm1, v8, v7;
	v7 =	vsel vm0, v7, v8;
	v8 =	vld [tilespmem:s15+$0x61B0];
	[tilespmem:s15+$0x121F0] =	vst v11  }
0x4a6: {  	[tilespmem:s15+$0x12180] =	vst v6;
	v10 =	vld [tilespmem:s15+$0xE1B0]  }
.Ltmp27:
0x4a7: {  	[tilespmem:s15+$0x16180] =	vst v7;
	v6 =	vsel vm1, v3, v9;
	v7 =	vsel vm0, v9, v3;
	v3 =	vld [tilespmem:s15+$0x61C0];
	(pc) =	sbr.rel @p0 .LBB2_57-.Ltmp27, $4  }
0x4a8: {  	[tilespmem:s15+$0x12190] =	vst v6;
	v6 =	vld [tilespmem:s15+$0xE1C0]  }
0x4a9: {  	[tilespmem:s15+$0x16190] =	vst v7;
	v7 =	vsel vm1, v4, v5;
	v5 =	vsel vm0, v5, v4;
	v4 =	vld [tilespmem:s15+$0x61D0]  }
0x4aa: {  	[tilespmem:s15+$0x121A0] =	vst v7;
	v7 =	vld [tilespmem:s15+$0xE1D0]  }
0x4ab: {  	s9 =	sadd.s32 $0x1000, s9;
	[tilespmem:s15+$0x161A0] =	vst v5;
	v9 =	vsel vm1, v8, v10;
	v8 =	vsel vm0, v10, v8;
	v5 =	vld [tilespmem:s15+$0x61E0]  }
0x4ac: {  	[tilespmem:s15+$0x121B0] =	vst v9;
	v9 =	vld [tilespmem:s15+$0xE1E0]  }
0x4ad: {  	[tilespmem:s15+$0x161B0] =	vst v8;
	v8 =	vsel vm1, v3, v6  }
0x4ae: {  	v3 =	vsel vm0, v6, v3;
	[tilespmem:s15+$0x121C0] =	vst v8  }
0x4af: {  	[tilespmem:s15+$0x161C0] =	vst v3;
	v3 =	vsel vm1, v4, v7  }
0x4b0: {  	v4 =	vsel vm0, v7, v4;
	[tilespmem:s15+$0x121D0] =	vst v3  }
0x4b1: {  	[tilespmem:s15+$0x161D0] =	vst v4;
	v3 =	vsel vm1, v5, v9  }
0x4b2: {  	v4 =	vsel vm0, v9, v5;
	[tilespmem:s15+$0x121E0] =	vst v3  }
0x4b3: {  	[tilespmem:s15+$0x161E0] =	vst v4;
	s15 =	simm.s32 $0x0  }
0x4b4: {  	v3 =	vld [tilespmem:s15+$0x6270]  }
0x4b5: {  	v4 =	vld [tilespmem:s15+$0xE270]  }
0x4b6: {  	v5 =	vld [tilespmem:s15+$0x6200]  }
0x4b7: {  	v6 =	vbroadcast v2, $0xC;
	v7 =	vld [tilespmem:s15+$0xE200]  }
0x4b8: {  	v8 =	vbroadcast v1, $0xC;
	v9 =	vld [tilespmem:s15+$0x6210]  }
0x4b9: {  	vm0 =	vge.f32 v6, v0;
	v6 =	vld [tilespmem:s15+$0xE210]  }
0x4ba: {  	vm1 =	vge.f32 v8, v0;
	v8 =	vld [tilespmem:s15+$0x6220];
	v10 =	vsel vm0, v4, v3  }
0x4bb: {  	v11 =	vld [tilespmem:s15+$0xE220];
	v3 =	vsel vm1, v3, v4;
	[tilespmem:s15+$0x16270] =	vst v10  }
0x4bc: {  	v4 =	vsel vm1, v5, v7;
	[tilespmem:s15+$0x12270] =	vst v3;
	v10 =	vld [tilespmem:s15+$0x6230]  }
0x4bd: {  	v3 =	vsel vm0, v7, v5;
	[tilespmem:s15+$0x12200] =	vst v4;
	v5 =	vld [tilespmem:s15+$0xE230]  }
0x4be: {  	v4 =	vsel vm1, v9, v6;
	v7 =	vsel vm0, v6, v9;
	v6 =	vld [tilespmem:s15+$0xE240];
	[tilespmem:s15+$0x16200] =	vst v3  }
0x4bf: {  	v3 =	vld [tilespmem:s15+$0x6240];
	[tilespmem:s15+$0x12210] =	vst v4  }
0x4c0: {  	[tilespmem:s15+$0x16210] =	vst v7;
	v7 =	vsel vm1, v8, v11;
	v4 =	vld [tilespmem:s15+$0x6250]  }
0x4c1: {  	v8 =	vsel vm0, v11, v8;
	[tilespmem:s15+$0x12220] =	vst v7;
	v7 =	vld [tilespmem:s15+$0xE250]  }
0x4c2: {  	s8 =	simm.s32 $0x0;
	s9 =	simm.s32 $0x1000;
	[tilespmem:s15+$0x16220] =	vst v8;
	v9 =	vsel vm1, v10, v5;
	v8 =	vsel vm0, v5, v10;
	v5 =	vld [tilespmem:s15+$0x6260]  }
.LBB2_59:
0x4c3: {  	s10 =	sshra.s32 s9, $0x2;
	[tilespmem:s15+$0x12230] =	vst v9;
	v9 =	vld [tilespmem:s15+$0xE260]  }
0x4c4: {  	s8 =	sadd.s32 $0x80, s8;
	v10 =	vld [tilespmem:s10+$0x6270];
	[tilespmem:s15+$0x16230] =	vst v8;
	v8 =	vsel vm1, v3, v6;
	v3 =	vsel vm0, v6, v3  }
0x4c5: {  	p0 =	slt.u32 s8, $0x380;
	v6 =	vld [tilespmem:s10+$0xE270];
	[tilespmem:s15+$0x12240] =	vst v8  }
0x4c6: {  	v8 =	vld [tilespmem:s10+$0x6200];
	[tilespmem:s15+$0x16240] =	vst v3;
	v3 =	vsel vm1, v4, v7;
	v4 =	vsel vm0, v7, v4  }
0x4c7: {  	v7 =	vld [tilespmem:s10+$0xE200];
	[tilespmem:s15+$0x12250] =	vst v3  }
0x4c8: {  	v3 =	vld [tilespmem:s10+$0x6210];
	[tilespmem:s15+$0x16250] =	vst v4;
	v4 =	vsel vm1, v5, v9;
	v5 =	vsel vm0, v9, v5  }
0x4c9: {  	v9 =	vld [tilespmem:s10+$0xE210];
	[tilespmem:s15+$0x12260] =	vst v4  }
0x4ca: {  	v4 =	vld [tilespmem:s10+$0x6220];
	v11 =	vsel vm1, v10, v6;
	v6 =	vsel vm0, v6, v10;
	[tilespmem:s15+$0x16260] =	vst v5;
	s15 =	smov.u32 s10  }
0x4cb: {  	v5 =	vld [tilespmem:s15+$0xE220];
	[tilespmem:s15+$0x16270] =	vst v6  }
0x4cc: {  	v6 =	vsel vm1, v8, v7;
	v7 =	vsel vm0, v7, v8;
	v8 =	vld [tilespmem:s15+$0x6230];
	[tilespmem:s15+$0x12270] =	vst v11  }
0x4cd: {  	[tilespmem:s15+$0x12200] =	vst v6;
	v10 =	vld [tilespmem:s15+$0xE230]  }
.Ltmp28:
0x4ce: {  	[tilespmem:s15+$0x16200] =	vst v7;
	v6 =	vsel vm1, v3, v9;
	v7 =	vsel vm0, v9, v3;
	v3 =	vld [tilespmem:s15+$0x6240];
	(pc) =	sbr.rel @p0 .LBB2_59-.Ltmp28, $4  }
0x4cf: {  	[tilespmem:s15+$0x12210] =	vst v6;
	v6 =	vld [tilespmem:s15+$0xE240]  }
0x4d0: {  	[tilespmem:s15+$0x16210] =	vst v7;
	v7 =	vsel vm1, v4, v5;
	v5 =	vsel vm0, v5, v4;
	v4 =	vld [tilespmem:s15+$0x6250]  }
0x4d1: {  	[tilespmem:s15+$0x12220] =	vst v7;
	v7 =	vld [tilespmem:s15+$0xE250]  }
0x4d2: {  	s9 =	sadd.s32 $0x1000, s9;
	[tilespmem:s15+$0x16220] =	vst v5;
	v9 =	vsel vm1, v8, v10;
	v8 =	vsel vm0, v10, v8;
	v5 =	vld [tilespmem:s15+$0x6260]  }
0x4d3: {  	[tilespmem:s15+$0x12230] =	vst v9;
	v9 =	vld [tilespmem:s15+$0xE260]  }
0x4d4: {  	[tilespmem:s15+$0x16230] =	vst v8;
	v8 =	vsel vm1, v3, v6  }
0x4d5: {  	v3 =	vsel vm0, v6, v3;
	[tilespmem:s15+$0x12240] =	vst v8  }
0x4d6: {  	[tilespmem:s15+$0x16240] =	vst v3;
	v3 =	vsel vm1, v4, v7  }
0x4d7: {  	v4 =	vsel vm0, v7, v4;
	[tilespmem:s15+$0x12250] =	vst v3  }
0x4d8: {  	[tilespmem:s15+$0x16250] =	vst v4;
	v3 =	vsel vm1, v5, v9  }
0x4d9: {  	v4 =	vsel vm0, v9, v5;
	[tilespmem:s15+$0x12260] =	vst v3  }
0x4da: {  	[tilespmem:s15+$0x16260] =	vst v4;
	s15 =	simm.s32 $0x0  }
0x4db: {  	v3 =	vld [tilespmem:s15+$0x62F0]  }
0x4dc: {  	v4 =	vld [tilespmem:s15+$0xE2F0]  }
0x4dd: {  	v5 =	vld [tilespmem:s15+$0x6280]  }
0x4de: {  	v6 =	vbroadcast v2, $0xD;
	v7 =	vld [tilespmem:s15+$0xE280]  }
0x4df: {  	v8 =	vbroadcast v1, $0xD;
	v9 =	vld [tilespmem:s15+$0x6290]  }
0x4e0: {  	vm0 =	vge.f32 v6, v0;
	v6 =	vld [tilespmem:s15+$0xE290]  }
0x4e1: {  	vm1 =	vge.f32 v8, v0;
	v8 =	vld [tilespmem:s15+$0x62A0];
	v10 =	vsel vm0, v4, v3  }
0x4e2: {  	v11 =	vld [tilespmem:s15+$0xE2A0];
	v3 =	vsel vm1, v3, v4;
	[tilespmem:s15+$0x162F0] =	vst v10  }
0x4e3: {  	v4 =	vsel vm1, v5, v7;
	[tilespmem:s15+$0x122F0] =	vst v3;
	v10 =	vld [tilespmem:s15+$0x62B0]  }
0x4e4: {  	v3 =	vsel vm0, v7, v5;
	[tilespmem:s15+$0x12280] =	vst v4;
	v5 =	vld [tilespmem:s15+$0xE2B0]  }
0x4e5: {  	v4 =	vsel vm1, v9, v6;
	v7 =	vsel vm0, v6, v9;
	v6 =	vld [tilespmem:s15+$0xE2C0];
	[tilespmem:s15+$0x16280] =	vst v3  }
0x4e6: {  	v3 =	vld [tilespmem:s15+$0x62C0];
	[tilespmem:s15+$0x12290] =	vst v4  }
0x4e7: {  	[tilespmem:s15+$0x16290] =	vst v7;
	v7 =	vsel vm1, v8, v11;
	v4 =	vld [tilespmem:s15+$0x62D0]  }
0x4e8: {  	v8 =	vsel vm0, v11, v8;
	[tilespmem:s15+$0x122A0] =	vst v7;
	v7 =	vld [tilespmem:s15+$0xE2D0]  }
0x4e9: {  	s8 =	simm.s32 $0x0;
	s9 =	simm.s32 $0x1000;
	[tilespmem:s15+$0x162A0] =	vst v8;
	v9 =	vsel vm1, v10, v5;
	v8 =	vsel vm0, v5, v10;
	v5 =	vld [tilespmem:s15+$0x62E0]  }
.LBB2_61:
0x4ea: {  	s10 =	sshra.s32 s9, $0x2;
	[tilespmem:s15+$0x122B0] =	vst v9;
	v9 =	vld [tilespmem:s15+$0xE2E0]  }
0x4eb: {  	s8 =	sadd.s32 $0x80, s8;
	v10 =	vld [tilespmem:s10+$0x62F0];
	[tilespmem:s15+$0x162B0] =	vst v8;
	v8 =	vsel vm1, v3, v6;
	v3 =	vsel vm0, v6, v3  }
0x4ec: {  	p0 =	slt.u32 s8, $0x380;
	v6 =	vld [tilespmem:s10+$0xE2F0];
	[tilespmem:s15+$0x122C0] =	vst v8  }
0x4ed: {  	v8 =	vld [tilespmem:s10+$0x6280];
	[tilespmem:s15+$0x162C0] =	vst v3;
	v3 =	vsel vm1, v4, v7;
	v4 =	vsel vm0, v7, v4  }
0x4ee: {  	v7 =	vld [tilespmem:s10+$0xE280];
	[tilespmem:s15+$0x122D0] =	vst v3  }
0x4ef: {  	v3 =	vld [tilespmem:s10+$0x6290];
	[tilespmem:s15+$0x162D0] =	vst v4;
	v4 =	vsel vm1, v5, v9;
	v5 =	vsel vm0, v9, v5  }
0x4f0: {  	v9 =	vld [tilespmem:s10+$0xE290];
	[tilespmem:s15+$0x122E0] =	vst v4  }
0x4f1: {  	v4 =	vld [tilespmem:s10+$0x62A0];
	v11 =	vsel vm1, v10, v6;
	v6 =	vsel vm0, v6, v10;
	[tilespmem:s15+$0x162E0] =	vst v5;
	s15 =	smov.u32 s10  }
0x4f2: {  	v5 =	vld [tilespmem:s15+$0xE2A0];
	[tilespmem:s15+$0x162F0] =	vst v6  }
0x4f3: {  	v6 =	vsel vm1, v8, v7;
	v7 =	vsel vm0, v7, v8;
	v8 =	vld [tilespmem:s15+$0x62B0];
	[tilespmem:s15+$0x122F0] =	vst v11  }
0x4f4: {  	[tilespmem:s15+$0x12280] =	vst v6;
	v10 =	vld [tilespmem:s15+$0xE2B0]  }
.Ltmp29:
0x4f5: {  	[tilespmem:s15+$0x16280] =	vst v7;
	v6 =	vsel vm1, v3, v9;
	v7 =	vsel vm0, v9, v3;
	v3 =	vld [tilespmem:s15+$0x62C0];
	(pc) =	sbr.rel @p0 .LBB2_61-.Ltmp29, $4  }
0x4f6: {  	[tilespmem:s15+$0x12290] =	vst v6;
	v6 =	vld [tilespmem:s15+$0xE2C0]  }
0x4f7: {  	[tilespmem:s15+$0x16290] =	vst v7;
	v7 =	vsel vm1, v4, v5;
	v5 =	vsel vm0, v5, v4;
	v4 =	vld [tilespmem:s15+$0x62D0]  }
0x4f8: {  	[tilespmem:s15+$0x122A0] =	vst v7;
	v7 =	vld [tilespmem:s15+$0xE2D0]  }
0x4f9: {  	s9 =	sadd.s32 $0x1000, s9;
	[tilespmem:s15+$0x162A0] =	vst v5;
	v9 =	vsel vm1, v8, v10;
	v8 =	vsel vm0, v10, v8;
	v5 =	vld [tilespmem:s15+$0x62E0]  }
0x4fa: {  	[tilespmem:s15+$0x122B0] =	vst v9;
	v9 =	vld [tilespmem:s15+$0xE2E0]  }
0x4fb: {  	[tilespmem:s15+$0x162B0] =	vst v8;
	v8 =	vsel vm1, v3, v6  }
0x4fc: {  	v3 =	vsel vm0, v6, v3;
	[tilespmem:s15+$0x122C0] =	vst v8  }
0x4fd: {  	[tilespmem:s15+$0x162C0] =	vst v3;
	v3 =	vsel vm1, v4, v7  }
0x4fe: {  	v4 =	vsel vm0, v7, v4;
	[tilespmem:s15+$0x122D0] =	vst v3  }
0x4ff: {  	[tilespmem:s15+$0x162D0] =	vst v4;
	v3 =	vsel vm1, v5, v9  }
0x500: {  	v4 =	vsel vm0, v9, v5;
	[tilespmem:s15+$0x122E0] =	vst v3  }
0x501: {  	[tilespmem:s15+$0x162E0] =	vst v4;
	s15 =	simm.s32 $0x0  }
0x502: {  	v3 =	vld [tilespmem:s15+$0x6370]  }
0x503: {  	v4 =	vld [tilespmem:s15+$0xE370]  }
0x504: {  	v5 =	vld [tilespmem:s15+$0x6300]  }
0x505: {  	v6 =	vbroadcast v2, $0xE;
	v7 =	vld [tilespmem:s15+$0xE300]  }
0x506: {  	v8 =	vbroadcast v1, $0xE;
	v9 =	vld [tilespmem:s15+$0x6310]  }
0x507: {  	vm0 =	vge.f32 v6, v0;
	v6 =	vld [tilespmem:s15+$0xE310]  }
0x508: {  	vm1 =	vge.f32 v8, v0;
	v8 =	vld [tilespmem:s15+$0x6320];
	v10 =	vsel vm0, v4, v3  }
0x509: {  	v11 =	vld [tilespmem:s15+$0xE320];
	v3 =	vsel vm1, v3, v4;
	[tilespmem:s15+$0x16370] =	vst v10  }
0x50a: {  	v4 =	vsel vm1, v5, v7;
	[tilespmem:s15+$0x12370] =	vst v3;
	v10 =	vld [tilespmem:s15+$0x6330]  }
0x50b: {  	v3 =	vsel vm0, v7, v5;
	[tilespmem:s15+$0x12300] =	vst v4;
	v5 =	vld [tilespmem:s15+$0xE330]  }
0x50c: {  	v4 =	vsel vm1, v9, v6;
	v7 =	vsel vm0, v6, v9;
	v6 =	vld [tilespmem:s15+$0xE340];
	[tilespmem:s15+$0x16300] =	vst v3  }
0x50d: {  	v3 =	vld [tilespmem:s15+$0x6340];
	[tilespmem:s15+$0x12310] =	vst v4  }
0x50e: {  	[tilespmem:s15+$0x16310] =	vst v7;
	v7 =	vsel vm1, v8, v11;
	v4 =	vld [tilespmem:s15+$0x6350]  }
0x50f: {  	v8 =	vsel vm0, v11, v8;
	[tilespmem:s15+$0x12320] =	vst v7;
	v7 =	vld [tilespmem:s15+$0xE350]  }
0x510: {  	s8 =	simm.s32 $0x0;
	s9 =	simm.s32 $0x1000;
	[tilespmem:s15+$0x16320] =	vst v8;
	v9 =	vsel vm1, v10, v5;
	v8 =	vsel vm0, v5, v10;
	v5 =	vld [tilespmem:s15+$0x6360]  }
.LBB2_63:
0x511: {  	s10 =	sshra.s32 s9, $0x2;
	[tilespmem:s15+$0x12330] =	vst v9;
	v9 =	vld [tilespmem:s15+$0xE360]  }
0x512: {  	s8 =	sadd.s32 $0x80, s8;
	v10 =	vld [tilespmem:s10+$0x6370];
	[tilespmem:s15+$0x16330] =	vst v8;
	v8 =	vsel vm1, v3, v6;
	v3 =	vsel vm0, v6, v3  }
0x513: {  	p0 =	slt.u32 s8, $0x380;
	v6 =	vld [tilespmem:s10+$0xE370];
	[tilespmem:s15+$0x12340] =	vst v8  }
0x514: {  	v8 =	vld [tilespmem:s10+$0x6300];
	[tilespmem:s15+$0x16340] =	vst v3;
	v3 =	vsel vm1, v4, v7;
	v4 =	vsel vm0, v7, v4  }
0x515: {  	v7 =	vld [tilespmem:s10+$0xE300];
	[tilespmem:s15+$0x12350] =	vst v3  }
0x516: {  	v3 =	vld [tilespmem:s10+$0x6310];
	[tilespmem:s15+$0x16350] =	vst v4;
	v4 =	vsel vm1, v5, v9;
	v5 =	vsel vm0, v9, v5  }
0x517: {  	v9 =	vld [tilespmem:s10+$0xE310];
	[tilespmem:s15+$0x12360] =	vst v4  }
0x518: {  	v4 =	vld [tilespmem:s10+$0x6320];
	v11 =	vsel vm1, v10, v6;
	v6 =	vsel vm0, v6, v10;
	[tilespmem:s15+$0x16360] =	vst v5;
	s15 =	smov.u32 s10  }
0x519: {  	v5 =	vld [tilespmem:s15+$0xE320];
	[tilespmem:s15+$0x16370] =	vst v6  }
0x51a: {  	v6 =	vsel vm1, v8, v7;
	v7 =	vsel vm0, v7, v8;
	v8 =	vld [tilespmem:s15+$0x6330];
	[tilespmem:s15+$0x12370] =	vst v11  }
0x51b: {  	[tilespmem:s15+$0x12300] =	vst v6;
	v10 =	vld [tilespmem:s15+$0xE330]  }
.Ltmp30:
0x51c: {  	[tilespmem:s15+$0x16300] =	vst v7;
	v6 =	vsel vm1, v3, v9;
	v7 =	vsel vm0, v9, v3;
	v3 =	vld [tilespmem:s15+$0x6340];
	(pc) =	sbr.rel @p0 .LBB2_63-.Ltmp30, $4  }
0x51d: {  	[tilespmem:s15+$0x12310] =	vst v6;
	v6 =	vld [tilespmem:s15+$0xE340]  }
0x51e: {  	[tilespmem:s15+$0x16310] =	vst v7;
	v7 =	vsel vm1, v4, v5;
	v5 =	vsel vm0, v5, v4;
	v4 =	vld [tilespmem:s15+$0x6350]  }
0x51f: {  	[tilespmem:s15+$0x12320] =	vst v7;
	v7 =	vld [tilespmem:s15+$0xE350]  }
0x520: {  	s9 =	sadd.s32 $0x1000, s9;
	[tilespmem:s15+$0x16320] =	vst v5;
	v9 =	vsel vm1, v8, v10;
	v8 =	vsel vm0, v10, v8;
	v5 =	vld [tilespmem:s15+$0x6360]  }
0x521: {  	[tilespmem:s15+$0x12330] =	vst v9;
	v62 =	vld [tilespmem:s15+$0xE360]  }
0x522: {  	[tilespmem:s15+$0x16330] =	vst v8;
	v8 =	vsel vm1, v3, v6  }
0x523: {  	v3 =	vsel vm0, v6, v3;
	[tilespmem:s15+$0x12340] =	vst v8  }
0x524: {  	[tilespmem:s15+$0x16340] =	vst v3;
	v3 =	vsel vm1, v4, v7  }
0x525: {  	v4 =	vsel vm0, v7, v4;
	[tilespmem:s15+$0x12350] =	vst v3  }
0x526: {  	[tilespmem:s15+$0x16350] =	vst v4;
	v3 =	vsel vm1, v5, v62  }
0x527: {  	v4 =	vsel vm0, v62, v5;
	[tilespmem:s15+$0x12360] =	vst v3  }
0x528: {  	[tilespmem:s15+$0x16360] =	vst v4;
	s15 =	simm.s32 $0x0  }
0x529: {  	v3 =	vld [tilespmem:s15+$0x63F0]  }
0x52a: {  	v4 =	vld [tilespmem:s15+$0xE3F0]  }
0x52b: {  	v5 =	vld [tilespmem:s15+$0x6380]  }
0x52c: {  	v2 =	vbroadcast v2, $0xF;
	v6 =	vld [tilespmem:s15+$0xE380]  }
0x52d: {  	v1 =	vbroadcast v1, $0xF;
	v7 =	vld [tilespmem:s15+$0x6390]  }
0x52e: {  	vm0 =	vge.f32 v2, v0;
	v2 =	vld [tilespmem:s15+$0xE390]  }
0x52f: {  	vm1 =	vge.f32 v1, v0;
	v8 =	vld [tilespmem:s15+$0x63A0];
	v1 =	vsel vm0, v4, v3  }
0x530: {  	v63 =	vld [tilespmem:s15+$0xE3A0];
	v3 =	vsel vm1, v3, v4;
	[tilespmem:s15+$0x163F0] =	vst v1  }
0x531: {  	v10 =	vld [tilespmem:s15+$0x63B0];
	v1 =	vsel vm1, v5, v6;
	[tilespmem:s15+$0x123F0] =	vst v3  }
0x532: {  	v3 =	vsel vm0, v6, v5;
	v6 =	vld [tilespmem:s15+$0xE3B0];
	[tilespmem:s15+$0x12380] =	vst v1  }
0x533: {  	v4 =	vld [tilespmem:s15+$0xE3C0];
	[tilespmem:s15+$0x16380] =	vst v3;
	v3 =	vsel vm1, v7, v2  }
0x534: {  	v1 =	vld [tilespmem:s15+$0x63C0];
	v2 =	vsel vm0, v2, v7;
	[tilespmem:s15+$0x12390] =	vst v3  }
0x535: {  	v5 =	vld [tilespmem:s15+$0xE3D0];
	v7 =	vsel vm0, v63, v8;
	[tilespmem:s15+$0x16390] =	vst v2  }
0x536: {  	v3 =	vsel vm1, v8, v63;
	v2 =	vld [tilespmem:s15+$0x63D0];
	[tilespmem:s15+$0x163A0] =	vst v7  }
0x537: {  	s8 =	simm.s32 $0x0;
	s9 =	simm.s32 $0x1000;
	[tilespmem:s15+$0x123A0] =	vst v3;
	v3 =	vld [tilespmem:s15+$0x63E0];
	v7 =	vsel vm1, v10, v6;
	v6 =	vsel vm0, v6, v10  }
.LBB2_65:
0x538: {  	s10 =	sshra.s32 s9, $0x2;
	[tilespmem:s15+$0x123B0] =	vst v7;
	v7 =	vld [tilespmem:s15+$0xE3E0]  }
0x539: {  	s8 =	sadd.s32 $0x80, s8;
	v8 =	vld [tilespmem:s10+$0x63F0];
	[tilespmem:s15+$0x163B0] =	vst v6;
	v6 =	vsel vm1, v1, v4;
	v1 =	vsel vm0, v4, v1  }
0x53a: {  	p0 =	slt.u32 s8, $0x380;
	v4 =	vld [tilespmem:s10+$0xE3F0];
	[tilespmem:s15+$0x123C0] =	vst v6  }
0x53b: {  	v6 =	vld [tilespmem:s10+$0x6380];
	[tilespmem:s15+$0x163C0] =	vst v1;
	v1 =	vsel vm1, v2, v5;
	v2 =	vsel vm0, v5, v2  }
0x53c: {  	v5 =	vld [tilespmem:s10+$0xE380];
	[tilespmem:s15+$0x123D0] =	vst v1  }
0x53d: {  	v1 =	vld [tilespmem:s10+$0x6390];
	[tilespmem:s15+$0x163D0] =	vst v2;
	v2 =	vsel vm1, v3, v7;
	v3 =	vsel vm0, v7, v3  }
0x53e: {  	v7 =	vld [tilespmem:s10+$0xE390];
	[tilespmem:s15+$0x123E0] =	vst v2  }
0x53f: {  	v2 =	vld [tilespmem:s10+$0x63A0];
	v9 =	vsel vm1, v8, v4;
	v4 =	vsel vm0, v4, v8;
	[tilespmem:s15+$0x163E0] =	vst v3;
	s15 =	smov.u32 s10  }
0x540: {  	v3 =	vld [tilespmem:s15+$0xE3A0];
	[tilespmem:s15+$0x163F0] =	vst v4  }
0x541: {  	v4 =	vsel vm1, v6, v5;
	v5 =	vsel vm0, v5, v6;
	v6 =	vld [tilespmem:s15+$0x63B0];
	[tilespmem:s15+$0x123F0] =	vst v9  }
0x542: {  	[tilespmem:s15+$0x12380] =	vst v4;
	v8 =	vld [tilespmem:s15+$0xE3B0]  }
.Ltmp31:
0x543: {  	[tilespmem:s15+$0x16380] =	vst v5;
	v4 =	vsel vm1, v1, v7;
	v5 =	vsel vm0, v7, v1;
	v1 =	vld [tilespmem:s15+$0x63C0];
	(pc) =	sbr.rel @p0 .LBB2_65-.Ltmp31, $4  }
0x544: {  	[tilespmem:s15+$0x12390] =	vst v4;
	v4 =	vld [tilespmem:s15+$0xE3C0]  }
0x545: {  	[tilespmem:s15+$0x16390] =	vst v5;
	v5 =	vsel vm1, v2, v3;
	v3 =	vsel vm0, v3, v2;
	v2 =	vld [tilespmem:s15+$0x63D0]  }
0x546: {  	[tilespmem:s15+$0x123A0] =	vst v5;
	v5 =	vld [tilespmem:s15+$0xE3D0]  }
0x547: {  	s9 =	sadd.s32 $0x1000, s9;
	[tilespmem:s15+$0x163A0] =	vst v3;
	v7 =	vsel vm1, v6, v8;
	v6 =	vsel vm0, v8, v6;
	v3 =	vld [tilespmem:s15+$0x63E0]  }
0x548: {  	[tilespmem:s15+$0x123B0] =	vst v7;
	v62 =	vld [tilespmem:s15+$0xE3E0]  }
0x549: {  	[tilespmem:s15+$0x163B0] =	vst v6;
	v63 =	vsel vm1, v1, v4  }
0x54a: {  	v1 =	vsel vm0, v4, v1;
	[tilespmem:s15+$0x123C0] =	vst v63  }
0x54b: {  	[tilespmem:s15+$0x163C0] =	vst v1;
	v1 =	vsel vm1, v2, v5  }
0x54c: {  	s0 =	sadd.s32 $0x1, s0;
	v2 =	vsel vm0, v5, v2;
	[tilespmem:s15+$0x123D0] =	vst v1  }
0x54d: {  	p0 =	sne.s32 s0, $0x20;
	[tilespmem:s15+$0x163D0] =	vst v2;
	v1 =	vsel vm1, v3, v62  }
.Ltmp32:
0x54e: {  	s3 =	sor.u32 $0x400, s3;
	v2 =	vsel vm0, v62, v3;
	[tilespmem:s15+$0x123E0] =	vst v1;
	(pc) =	sbr.rel @p0 .LBB2_2-.Ltmp32, $4  }
0x54f: {  	s8 =	sadd.s32 s4, s3;
	[tilespmem:s15+$0x163E0] =	vst v2  }
0x550: {  	[hbm4b:s8+s6] =	stream.linear.scatter [tilespmem:s25], [sflag:$0x4], $0x2000, $0x38;
	[tilespmem:$0x18880] =	vst v63  }
0x551: {  	s3 =	sadd.s32 s5, s3  }
0x552: {  	[hbm4b:s3+s6] =	stream.linear.scatter [tilespmem:s26], [sflag:$0x4], $0x2000, $0x38;
	[tilespmem:$0x18880] =	vst v63  }
0x553: {  	_ =	swait.ge [sflag:s29], $0x2000  }
0x554: {  	[sflag:s29] =	ssyncset.done $0x0  }
0x555: {  	[sflag:s29] =	ssyncadd.s32 $0xFFFFE000  }
0x556: {  	_ =	swait.ge [sflag:s29], $0x2000  }
0x557: {  	[sflag:s29] =	ssyncset.done $0x0  }
0x558: {  	s31 =	sadd.s32 $0x1, s31;
	[sflag:s29] =	ssyncadd.s32 $0xFFFFE000  }
0x559: {  	p0 =	sne.s32 s31, s14;
	_ =	swait.ge [sflag:s30], $0x2000  }
.Ltmp33:
0x55a: {  	[sflag:s30] =	ssyncset.done $0x0;
	(pc) =	sbr.rel @p0 .LBB2_1-.Ltmp33, $4  }
0x55b: {  	[sflag:s30] =	ssyncadd.s32 $0xFFFFE000  }
0x55c: {  	_ =	swait.ge [sflag:s30], $0x2000  }
0x55d: {  	[sflag:s30] =	ssyncset.done $0x0  }
0x55e: {  	[sflag:s30] =	ssyncadd.s32 $0xFFFFE000  }
0x55f: {  	_ =	sfence.sel $0x180000  }
0x560: {  	[bflag:$0x0] =	sbarrier.arrive $0xFFFF  }
0x561: {  	_ =	strace $0x90000047  }
0x562: {  	s0 =	stileid.u32;
	[bflag:$0x2] =	sbarrier.arrive $0xFFFF  }
0x563: {  	p0 =	sne.s32 s0, $0x0;
	s0 =	rddreg [dreg:$0x5]  }
0x564: {  	s0 =	sadd.s32 @!p0 $0x100000, s0  }
0x565: {  	[sflag:s0] =	ssyncadd.tile.s32 @!p0 $0x1;
	_ =	shalt  }
.Lfunc_end2:
_tile_overlayer_lowered:
.L_overlay_start_2:
0x566: {  	(tag) =	ssettag $0x2  }
0x567: {  	s0 =	rddreg [dreg:$0x0];
	s2 =	stileid.u32  }
0x568: {  	s1 =	rddreg [dreg:$0x1];
	p0 =	sne.s32 s2, $0x0  }
0x569: {  	s3 =	rddreg [dreg:$0x2];
	[bflag:$0x3] =	sbarrier.arrive $0xFFFF;
	s2 =	simm.s32 @!p0 $0x1C05  }
0x56a: {  	[timem:s3], [sflag:s2] =	dma.local @!p0 [hbm:s0], s1  }
0x56b: {  	s0 =	simm.s32 @!p0 $0x5  }
0x56c: {  	_ =	swait.ge @!p0 [sflag:s0], s1  }
0x56d: {  	s1 =	ssub.s32 @!p0 $0x0, s1;
	[sflag:s0] =	ssyncset.done @!p0 $0x0  }
0x56e: {  	[sflag:s0] =	ssyncadd.s32 @!p0 s1  }
0x56f: {  	[bflag:$0x3] =	sbarrier.arrive $0xFFFF  }
0x570: {  	_ =	shalt  }

</sc_bundles>
